<compile_context>
chip_gen: v7x
topology: tpu7x:2x2x1
jax: 0.10.2.dev20260603
libtpu: 0.0.44.dev20260713+nightly
codegen_flags: <defaults>
</compile_context>

<pallas_src>
import functools

import jax
import jax.numpy as jnp
from jax import lax
from jax.experimental import pallas as pl
from jax.experimental.pallas import tpu as pltpu
from jax.experimental.pallas import tpu_sc as plsc

N = 10000
E = 320000
D = 128
NC = 2
NS = 16
K = 80
STRIDE = 624
WPT = 640
NCH = WPT // K

_mesh = plsc.VectorSubcoreMesh(core_axis_name="c", subcore_axis_name="s")

_f32 = jnp.float32


def _zero_spmem(zrow_hbm, buf, s_sh, rbase, sem):
    pltpu.sync_copy(zrow_hbm, buf)
    for t in range(NCH):
        pltpu.async_copy(buf, s_sh.at[pl.ds(rbase + t * K, K)], sem)
    for t in range(NCH):
        pltpu.make_async_copy(buf, s_sh.at[pl.ds(rbase, K)], sem).wait()


def _writeout(s_sh, out_ref, obase, rbase, bufs3, semA3, semB3):
    def ld(i, t):
        pltpu.async_copy(s_sh.at[pl.ds(rbase + t * K, K)], bufs3[i],
                         semA3[i])

    def ld_wait(i):
        pltpu.make_async_copy(s_sh.at[pl.ds(rbase, K)], bufs3[i],
                              semA3[i]).wait()

    def st(i, t):
        pltpu.async_copy(bufs3[i], out_ref.at[pl.ds(obase + t * K, K)],
                         semB3[i])

    def st_wait(i):
        pltpu.make_async_copy(bufs3[i], out_ref.at[pl.ds(obase, K)],
                              semB3[i]).wait()

    for t in range(NCH):
        if t >= 3:
            st_wait(t % 3)
        ld(t % 3, t)
        if t >= 1:
            ld_wait((t - 1) % 3)
            st((t - 1) % 3, t - 1)
    ld_wait((NCH - 1) % 3)
    st((NCH - 1) % 3, NCH - 1)
    for c in (NCH - 3, NCH - 2, NCH - 1):
        st_wait(c % 3)


def _gather_scatter_loop(nchunks, ebase, src_off, xref, src_hbm, dst_hbm,
                         s_sh, bufs, semI, semG, semS):
    G = nchunks

    def idx_start(i, g):
        e0 = ebase + g * K
        pltpu.async_copy(src_hbm.at[pl.ds(src_off + e0, K)], bufs[i][0],
                         semI[i][0])
        pltpu.async_copy(dst_hbm.at[pl.ds(e0, K)], bufs[i][1], semI[i][1])

    def idx_wait(i):
        pltpu.make_async_copy(src_hbm.at[pl.ds(0, K)], bufs[i][0],
                              semI[i][0]).wait()
        pltpu.make_async_copy(dst_hbm.at[pl.ds(0, K)], bufs[i][1],
                              semI[i][1]).wait()

    def g_start(i):
        pltpu.async_copy(xref.at[bufs[i][0]], bufs[i][2], semG[i])

    def g_wait(i):
        pltpu.make_async_copy(xref.at[bufs[i][0]], bufs[i][2], semG[i]).wait()

    def s_start(i):
        pltpu.async_copy(bufs[i][2], s_sh.at[bufs[i][1]], semS[i], add=True)

    def s_wait(i):
        pltpu.make_async_copy(bufs[i][2], s_sh.at[bufs[i][1]], semS[i]).wait()

    def sub(i0, t):
        s_wait(i0)
        idx_start(i0, t)
        idx_wait((i0 + 2) % 3)
        g_start((i0 + 2) % 3)
        g_wait((i0 + 1) % 3)
        s_start((i0 + 1) % 3)

    idx_start(0, 0)
    idx_start(1, 1)
    idx_wait(0)
    g_start(0)
    idx_start(2, 2)
    idx_wait(1)
    g_start(1)
    g_wait(0)
    s_start(0)

    nloop = (G - 3) // 3

    def body(g2, carry):
        t = 3 + 3 * g2
        sub(0, t)
        sub(1, t + 1)
        sub(2, t + 2)
        return carry
    lax.fori_loop(0, nloop, body, 0)

    for t in range(3 + 3 * nloop, G):
        sub(t % 3, t)
    i = G % 3
    s_wait(i)
    idx_wait((i + 2) % 3)
    g_start((i + 2) % 3)
    g_wait((i + 1) % 3)
    s_start((i + 1) % 3)
    i = (G + 1) % 3
    s_wait(i)
    g_wait((i + 1) % 3)
    s_start((i + 1) % 3)
    s_wait((G - 1) % 3)


@functools.partial(
    pl.kernel,
    out_type=jax.ShapeDtypeStruct((2 * N, D), _f32),
    mesh=_mesh,
    scratch_types=(
        pltpu.VMEM((K,), jnp.int32),
        pltpu.VMEM((K,), jnp.int32),
        pltpu.VMEM((K, D), _f32),
        pltpu.VMEM((K,), jnp.int32),
        pltpu.VMEM((K,), jnp.int32),
        pltpu.VMEM((K, D), _f32),
        pltpu.VMEM((K,), jnp.int32),
        pltpu.VMEM((K,), jnp.int32),
        pltpu.VMEM((K, D), _f32),
        pltpu.VMEM_SHARED((N, D), _f32),
        pltpu.SemaphoreType.DMA, pltpu.SemaphoreType.DMA,
        pltpu.SemaphoreType.DMA, pltpu.SemaphoreType.DMA,
        pltpu.SemaphoreType.DMA, pltpu.SemaphoreType.DMA,
        pltpu.SemaphoreType.DMA, pltpu.SemaphoreType.DMA,
        pltpu.SemaphoreType.DMA,
        pltpu.SemaphoreType.DMA, pltpu.SemaphoreType.DMA,
        pltpu.SemaphoreType.DMA,
    ),
)
def _agg1(xh2_hbm, src2_hbm, dst_hbm, zrow_hbm,
          s01_out,
          s0, d0, r0_, s1, d1, r1, s2, d2, r2, s_sh,
          i0a, i0b, i1a, i1b, i2a, i2b, g0, g1, g2, t0, t1, t2):
    cid = lax.axis_index("c")
    sid = lax.axis_index("s")
    ept = E // NS
    rbase = sid * STRIDE

    _zero_spmem(zrow_hbm, r0_, s_sh, rbase, g0)
    plsc.subcore_barrier()

    _gather_scatter_loop(ept // K, sid * ept, cid * E, xh2_hbm,
                         src2_hbm, dst_hbm, s_sh,
                         ((s0, d0, r0_), (s1, d1, r1), (s2, d2, r2)),
                         ((i0a, i0b), (i1a, i1b), (i2a, i2b)),
                         (g0, g1, g2), (t0, t1, t2))

    plsc.subcore_barrier()

    _writeout(s_sh, s01_out, cid * N + rbase, rbase,
              (r0_, r1, r2), (g0, g1, g2), (t0, t1, t2))


@functools.partial(
    pl.kernel,
    out_type=jax.ShapeDtypeStruct((2 * N, D), _f32),
    mesh=_mesh,
    scratch_types=(
        pltpu.VMEM((K,), jnp.int32),
        pltpu.VMEM((K,), jnp.int32),
        pltpu.VMEM((K, D), _f32),
        pltpu.VMEM((K, D), _f32),
        pltpu.VMEM((K, D), _f32),
        pltpu.VMEM_SHARED((N, D), _f32),
        pltpu.SemaphoreType.DMA, pltpu.SemaphoreType.DMA,
        pltpu.SemaphoreType.DMA, pltpu.SemaphoreType.DMA,
        pltpu.SemaphoreType.DMA, pltpu.SemaphoreType.DMA,
        pltpu.SemaphoreType.DMA, pltpu.SemaphoreType.DMA,
    ),
)
def _degk(dst_hbm, zrow_hbm, ones_hbm,
          dg_out,
          dstA, dstB, ones_v, r1, r2, d_sh,
          semA, semB, g0, g1, g2, t0, t1, t2):
    cid = lax.axis_index("c")
    sid = lax.axis_index("s")
    epw = E // (NC * NS)
    rbase = sid * STRIDE
    ebase = (cid * NS + sid) * epw
    nchunks = epw // K

    _zero_spmem(zrow_hbm, ones_v, d_sh, rbase, g0)
    pltpu.sync_copy(ones_hbm, ones_v)
    plsc.subcore_barrier()

    def issue(buf_dst, sem, g):
        pltpu.sync_copy(dst_hbm.at[pl.ds(ebase + g * K, K)], buf_dst)
        pltpu.async_copy(ones_v, d_sh.at[buf_dst], sem, add=True)

    def drain(buf_dst, sem):
        pltpu.make_async_copy(ones_v, d_sh.at[buf_dst], sem).wait()

    issue(dstA, semA, 0)
    nloop = (nchunks - 2) // 2

    def body(g2, carry):
        issue(dstB, semB, 2 * g2 + 1)
        drain(dstA, semA)
        issue(dstA, semA, 2 * g2 + 2)
        drain(dstB, semB)
        return carry
    lax.fori_loop(0, nloop, body, 0)

    c0 = 2 * nloop
    if nchunks % 2 == 0:
        issue(dstB, semB, c0 + 1)
        drain(dstA, semA)
        drain(dstB, semB)
    else:
        issue(dstB, semB, c0 + 1)
        drain(dstA, semA)
        issue(dstA, semA, c0 + 2)
        drain(dstB, semB)
        drain(dstA, semA)

    plsc.subcore_barrier()

    _writeout(d_sh, dg_out, cid * N + rbase, rbase,
              (ones_v, r1, r2), (g0, g1, g2), (t0, t1, t2))


@functools.partial(
    pl.kernel,
    out_type=jax.ShapeDtypeStruct((2 * N, D), _f32),
    mesh=_mesh,
    scratch_types=(
        pltpu.VMEM((K,), jnp.int32),
        pltpu.VMEM((K,), jnp.int32),
        pltpu.VMEM((K, D), _f32),
        pltpu.VMEM((K,), jnp.int32),
        pltpu.VMEM((K,), jnp.int32),
        pltpu.VMEM((K, D), _f32),
        pltpu.VMEM((K,), jnp.int32),
        pltpu.VMEM((K,), jnp.int32),
        pltpu.VMEM((K, D), _f32),
        pltpu.VMEM_SHARED((N, D), _f32),
        pltpu.SemaphoreType.DMA, pltpu.SemaphoreType.DMA,
        pltpu.SemaphoreType.DMA, pltpu.SemaphoreType.DMA,
        pltpu.SemaphoreType.DMA, pltpu.SemaphoreType.DMA,
        pltpu.SemaphoreType.DMA, pltpu.SemaphoreType.DMA,
        pltpu.SemaphoreType.DMA,
        pltpu.SemaphoreType.DMA, pltpu.SemaphoreType.DMA,
        pltpu.SemaphoreType.DMA,
    ),
)
def _agg2(rh_hbm, src_hbm, dst_hbm, zrow_hbm,
          s2_out,
          s0, d0, r0_, s1, d1, r1, s2, d2, r2, s_sh,
          i0a, i0b, i1a, i1b, i2a, i2b, g0, g1, g2, t0, t1, t2):
    cid = lax.axis_index("c")
    sid = lax.axis_index("s")
    epw = E // (NC * NS)
    rbase = sid * STRIDE

    _zero_spmem(zrow_hbm, r0_, s_sh, rbase, g0)
    plsc.subcore_barrier()

    wid = cid * NS + sid
    _gather_scatter_loop(epw // K, wid * epw, 0, rh_hbm,
                         src_hbm, dst_hbm, s_sh,
                         ((s0, d0, r0_), (s1, d1, r1), (s2, d2, r2)),
                         ((i0a, i0b), (i1a, i1b), (i2a, i2b)),
                         (g0, g1, g2), (t0, t1, t2))

    plsc.subcore_barrier()

    _writeout(s_sh, s2_out, cid * N + rbase, rbase,
              (r0_, r1, r2), (g0, g1, g2), (t0, t1, t2))


BLK = 2000
NBLK = N // BLK


def _gates_body(s0a, s1a, dga, dgb, hp, wz, bz, wr, br, z_out, rh_out):
    d = dga[...][:, 0:1] + dgb[...][:, 0:1]
    inv = 1.0 / jnp.maximum(d, 1.0)
    g = d * inv
    sc = jnp.concatenate([s0a[...], s1a[...]], axis=1)
    z = jax.nn.sigmoid(
        jnp.dot(sc, wz[...], preferred_element_type=_f32) * inv + bz[...] * g)
    r = jax.nn.sigmoid(
        jnp.dot(sc, wr[...], preferred_element_type=_f32) * inv + br[...] * g)
    z_out[...] = z
    rh_out[...] = r * hp[...]


_gates = pl.pallas_call(
    _gates_body,
    grid=(NBLK,),
    in_specs=[
        pl.BlockSpec((BLK, D), lambda i: (i, 0)),
        pl.BlockSpec((BLK, D), lambda i: (i + NBLK, 0)),
        pl.BlockSpec((BLK, D), lambda i: (i, 0)),
        pl.BlockSpec((BLK, D), lambda i: (i + NBLK, 0)),
        pl.BlockSpec((BLK, D), lambda i: (i, 0)),
        pl.BlockSpec((2 * D, D), lambda i: (0, 0)),
        pl.BlockSpec((1, D), lambda i: (0, 0)),
        pl.BlockSpec((2 * D, D), lambda i: (0, 0)),
        pl.BlockSpec((1, D), lambda i: (0, 0)),
    ],
    out_specs=[
        pl.BlockSpec((BLK, D), lambda i: (i, 0)),
        pl.BlockSpec((BLK, D), lambda i: (i, 0)),
    ],
    out_shape=[
        jax.ShapeDtypeStruct((N, D), _f32),
        jax.ShapeDtypeStruct((N, D), _f32),
    ],
)


def _out_body(s0a, s2a, s2b, dga, dgb, z, hp, wh, bh, h_out):
    d = dga[...][:, 0:1] + dgb[...][:, 0:1]
    inv = 1.0 / jnp.maximum(d, 1.0)
    g = d * inv
    agg = jnp.concatenate([s0a[...], s2a[...] + s2b[...]], axis=1)
    ht = jnp.tanh(
        jnp.dot(agg, wh[...], preferred_element_type=_f32) * inv + bh[...] * g)
    zz = z[...]
    h_out[...] = zz * hp[...] + (1.0 - zz) * ht


_gru_out = pl.pallas_call(
    _out_body,
    grid=(NBLK,),
    in_specs=[
        pl.BlockSpec((BLK, D), lambda i: (i, 0)),
        pl.BlockSpec((BLK, D), lambda i: (i, 0)),
        pl.BlockSpec((BLK, D), lambda i: (i + NBLK, 0)),
        pl.BlockSpec((BLK, D), lambda i: (i, 0)),
        pl.BlockSpec((BLK, D), lambda i: (i + NBLK, 0)),
        pl.BlockSpec((BLK, D), lambda i: (i, 0)),
        pl.BlockSpec((BLK, D), lambda i: (i, 0)),
        pl.BlockSpec((2 * D, D), lambda i: (0, 0)),
        pl.BlockSpec((1, D), lambda i: (0, 0)),
    ],
    out_specs=pl.BlockSpec((BLK, D), lambda i: (i, 0)),
    out_shape=jax.ShapeDtypeStruct((N, D), _f32),
)


def kernel(X, H_prev, edge_index, Wz, bz, Wr, br, Wh, bh):
    src = edge_index[0]
    dst = edge_index[1]
    xh2 = jnp.concatenate([X, H_prev], axis=0)
    src2 = jnp.concatenate([src, src + N], axis=0)
    zrow = jnp.zeros((K, D), _f32)
    ones = jnp.ones((K, D), _f32)

    dg = _degk(dst, zrow, ones)
    s01 = _agg1(xh2, src2, dst, zrow)
    z, rh = _gates(s01, s01, dg, dg, H_prev,
                   Wz, bz.reshape(1, D), Wr, br.reshape(1, D))
    s2 = _agg2(rh, src, dst, zrow)
    return _gru_out(s01, s2, s2, dg, dg, z, H_prev, Wh, bh.reshape(1, D))

# --- scband reference (transcript-rebuilt; emitter-appended) ---
"""Pipeline reference for scband-graph-conv-gruupdater-43903155699850 (READ-ONLY COPY).

The authoritative reference and input builder live on the scoring server;
editing this copy changes nothing except your own understanding.
"""

import jax, jax.numpy as jnp
import numpy as np

N = 10000
E = 320000
DIM_IN = 128
DIM_OUT = 128
DIM_CAT = DIM_IN + DIM_OUT


def setup_inputs(seed: int = 0) -> dict:
    key = jax.random.key(seed)
    ks = jax.random.split(key, 9)
    X = jax.random.normal(ks[0], (N, DIM_IN), dtype=jnp.float32)
    H_prev = jax.random.normal(ks[1], (N, DIM_OUT), dtype=jnp.float32)
    edge_index = jax.random.randint(ks[2], (2, E), 0, N, dtype=jnp.int32)
    scale = 1.0 / np.sqrt(DIM_CAT)
    Wz = jax.random.normal(ks[3], (DIM_CAT, DIM_OUT), dtype=jnp.float32) * scale
    bz = jnp.zeros((DIM_OUT,), dtype=jnp.float32)
    Wr = jax.random.normal(ks[4], (DIM_CAT, DIM_OUT), dtype=jnp.float32) * scale
    br = jnp.zeros((DIM_OUT,), dtype=jnp.float32)
    Wh = jax.random.normal(ks[5], (DIM_CAT, DIM_OUT), dtype=jnp.float32) * scale
    bh = jnp.zeros((DIM_OUT,), dtype=jnp.float32)
    return {"X": X, "H_prev": H_prev, "edge_index": edge_index,
            "Wz": Wz, "bz": bz, "Wr": Wr, "br": br, "Wh": Wh, "bh": bh}


def _conv(x, edge_index, W, b):
    # Simple GCN-style conv: node-wise linear transform, gather messages along
    # edges, scatter-add (segment_sum) into destination nodes, mean-normalize.
    src = edge_index[0]
    dst = edge_index[1]
    h = x @ W + b                      # [N, dim_out] node transform
    msg = jnp.take(h, src, axis=0)     # [E, dim_out] gather (SparseCore)
    agg = jax.ops.segment_sum(msg, dst, num_segments=N)  # scatter-add
    deg = jax.ops.segment_sum(jnp.ones((msg.shape[0],), jnp.float32), dst,
                              num_segments=N)
    return agg / jnp.clip(deg, 1.0, None)[:, None]


def reference(X, H_prev, edge_index, Wz, bz, Wr, br, Wh, bh):
    # GRU update over node states with graph-conv gates (embed_update_method='gru')
    XH = jnp.concatenate([X, H_prev], axis=1)              # [N, dim_in+dim_out]
    Z = jax.nn.sigmoid(_conv(XH, edge_index, Wz, bz))      # update gate
    R = jax.nn.sigmoid(_conv(XH, edge_index, Wr, br))      # reset gate
    XRH = jnp.concatenate([X, R * H_prev], axis=1)
    H_tilde = jnp.tanh(_conv(XRH, edge_index, Wh, bh))     # candidate state
    H_out = Z * H_prev + (1.0 - Z) * H_tilde
    return H_out

if __name__ == "__main__":
    import jax
    _d = setup_inputs()
    print(jax.jit(kernel)(*tuple(_d.values())))

</pallas_src>

<mosaic_0001>
#map = affine_map<(d0, d1) -> (0, 0)>
#map1 = affine_map<(d0, d1) -> (0)>
module attributes {stable_mosaic.version = 14 : i64} {
  func.func @_agg2(%arg0: i32, %arg1: i32, %arg2: memref<10000x128xf32, #tpu.memory_space<hbm>>, %arg3: memref<320000xi32, #tpu.memory_space<hbm>>, %arg4: memref<320000xi32, #tpu.memory_space<hbm>>, %arg5: memref<80x128xf32, #tpu.memory_space<hbm>>, %arg6: memref<20000x128xf32, #tpu.memory_space<hbm>>, %arg7: memref<80xi32, #tpu.memory_space<vmem>>, %arg8: memref<80xi32, #tpu.memory_space<vmem>>, %arg9: memref<80x128xf32, #tpu.memory_space<vmem>>, %arg10: memref<80xi32, #tpu.memory_space<vmem>>, %arg11: memref<80xi32, #tpu.memory_space<vmem>>, %arg12: memref<80x128xf32, #tpu.memory_space<vmem>>, %arg13: memref<80xi32, #tpu.memory_space<vmem>>, %arg14: memref<80xi32, #tpu.memory_space<vmem>>, %arg15: memref<80x128xf32, #tpu.memory_space<vmem>>, %arg16: memref<10000x128xf32, #tpu.memory_space<vmem_shared>>, %arg17: memref<!tpu.dma_semaphore, #tpu.memory_space<semaphore_mem>>, %arg18: memref<!tpu.dma_semaphore, #tpu.memory_space<semaphore_mem>>, %arg19: memref<!tpu.dma_semaphore, #tpu.memory_space<semaphore_mem>>, %arg20: memref<!tpu.dma_semaphore, #tpu.memory_space<semaphore_mem>>, %arg21: memref<!tpu.dma_semaphore, #tpu.memory_space<semaphore_mem>>, %arg22: memref<!tpu.dma_semaphore, #tpu.memory_space<semaphore_mem>>, %arg23: memref<!tpu.dma_semaphore, #tpu.memory_space<semaphore_mem>>, %arg24: memref<!tpu.dma_semaphore, #tpu.memory_space<semaphore_mem>>, %arg25: memref<!tpu.dma_semaphore, #tpu.memory_space<semaphore_mem>>, %arg26: memref<!tpu.dma_semaphore, #tpu.memory_space<semaphore_mem>>, %arg27: memref<!tpu.dma_semaphore, #tpu.memory_space<semaphore_mem>>, %arg28: memref<!tpu.dma_semaphore, #tpu.memory_space<semaphore_mem>>) attributes {dimension_semantics = [#tpu.dimension_semantics<core_parallel>, #tpu.dimension_semantics<subcore_parallel>], iteration_bounds = array<i64: 2, 16>, scalar_prefetch = 0 : i64, scratch_operands = 22 : i64, tpu.core_type = #tpu.core_type<sc_vector_subcore>, window_params = [{transform_indices = #map}, {transform_indices = #map1}, {transform_indices = #map1}, {transform_indices = #map}, {transform_indices = #map}]} {
    %mul3A = arith.constant 624 : i32
    %mul3A_0 = arith.muli %arg1, %mul3A : i32
    "tpu.region"() ({
      %run_scoped3A = tpu.sem_alloc : memref<!tpu.dma_semaphore, #tpu.memory_space<semaphore_mem>>
      tpu.enqueue_dma source(%arg5 : memref<80x128xf32, #tpu.memory_space<hbm>>) target(%arg9 : memref<80x128xf32, #tpu.memory_space<vmem>>) target_semaphore(%run_scoped3A : memref<!tpu.dma_semaphore, #tpu.memory_space<semaphore_mem>>)
      tpu.wait_dma2 semaphore(%run_scoped3A : memref<!tpu.dma_semaphore, #tpu.memory_space<semaphore_mem>>) src(%arg5 : memref<80x128xf32, #tpu.memory_space<hbm>>) dst(%arg9 : memref<80x128xf32, #tpu.memory_space<vmem>>)
      tpu.yield
    }) : () -> ()
    %add3A = arith.constant 0 : i32
    %add3A_1 = arith.addi %mul3A_0, %add3A : i32
    %dma_start3A = arith.constant 0 : i32
    %dma_start3A_2 = tpu.memref_slice %arg16[%add3A_1, %dma_start3A] : memref<10000x128xf32, #tpu.memory_space<vmem_shared>> -> memref<80x128xf32, #tpu.memory_space<vmem_shared>>
    %dma_start3A_3 = arith.constant 0 : i32
    %dma_start3A_4 = tpu.memref_slice %arg16[%add3A_1, %dma_start3A_3] : memref<10000x128xf32, #tpu.memory_space<vmem_shared>> -> memref<80x128xf32, #tpu.memory_space<vmem_shared>>
    tpu.enqueue_dma source(%arg9 : memref<80x128xf32, #tpu.memory_space<vmem>>) target(%dma_start3A_4 : memref<80x128xf32, #tpu.memory_space<vmem_shared>>) target_semaphore(%arg23 : memref<!tpu.dma_semaphore, #tpu.memory_space<semaphore_mem>>)
    %add3A_5 = arith.constant 80 : i32
    %add3A_6 = arith.addi %mul3A_0, %add3A_5 : i32
    %dma_start3A_7 = arith.constant 0 : i32
    %dma_start3A_8 = tpu.memref_slice %arg16[%add3A_6, %dma_start3A_7] : memref<10000x128xf32, #tpu.memory_space<vmem_shared>> -> memref<80x128xf32, #tpu.memory_space<vmem_shared>>
    %dma_start3A_9 = arith.constant 0 : i32
    %dma_start3A_10 = tpu.memref_slice %arg16[%add3A_6, %dma_start3A_9] : memref<10000x128xf32, #tpu.memory_space<vmem_shared>> -> memref<80x128xf32, #tpu.memory_space<vmem_shared>>
    tpu.enqueue_dma source(%arg9 : memref<80x128xf32, #tpu.memory_space<vmem>>) target(%dma_start3A_10 : memref<80x128xf32, #tpu.memory_space<vmem_shared>>) target_semaphore(%arg23 : memref<!tpu.dma_semaphore, #tpu.memory_space<semaphore_mem>>)
    %add3A_11 = arith.constant 160 : i32
    %add3A_12 = arith.addi %mul3A_0, %add3A_11 : i32
    %dma_start3A_13 = arith.constant 0 : i32
    %dma_start3A_14 = tpu.memref_slice %arg16[%add3A_12, %dma_start3A_13] : memref<10000x128xf32, #tpu.memory_space<vmem_shared>> -> memref<80x128xf32, #tpu.memory_space<vmem_shared>>
    %dma_start3A_15 = arith.constant 0 : i32
    %dma_start3A_16 = tpu.memref_slice %arg16[%add3A_12, %dma_start3A_15] : memref<10000x128xf32, #tpu.memory_space<vmem_shared>> -> memref<80x128xf32, #tpu.memory_space<vmem_shared>>
    tpu.enqueue_dma source(%arg9 : memref<80x128xf32, #tpu.memory_space<vmem>>) target(%dma_start3A_16 : memref<80x128xf32, #tpu.memory_space<vmem_shared>>) target_semaphore(%arg23 : memref<!tpu.dma_semaphore, #tpu.memory_space<semaphore_mem>>)
    %add3A_17 = arith.constant 240 : i32
    %add3A_18 = arith.addi %mul3A_0, %add3A_17 : i32
    %dma_start3A_19 = arith.constant 0 : i32
    %dma_start3A_20 = tpu.memref_slice %arg16[%add3A_18, %dma_start3A_19] : memref<10000x128xf32, #tpu.memory_space<vmem_shared>> -> memref<80x128xf32, #tpu.memory_space<vmem_shared>>
    %dma_start3A_21 = arith.constant 0 : i32
    %dma_start3A_22 = tpu.memref_slice %arg16[%add3A_18, %dma_start3A_21] : memref<10000x128xf32, #tpu.memory_space<vmem_shared>> -> memref<80x128xf32, #tpu.memory_space<vmem_shared>>
    tpu.enqueue_dma source(%arg9 : memref<80x128xf32, #tpu.memory_space<vmem>>) target(%dma_start3A_22 : memref<80x128xf32, #tpu.memory_space<vmem_shared>>) target_semaphore(%arg23 : memref<!tpu.dma_semaphore, #tpu.memory_space<semaphore_mem>>)
    %add3A_23 = arith.constant 320 : i32
    %add3A_24 = arith.addi %mul3A_0, %add3A_23 : i32
    %dma_start3A_25 = arith.constant 0 : i32
    %dma_start3A_26 = tpu.memref_slice %arg16[%add3A_24, %dma_start3A_25] : memref<10000x128xf32, #tpu.memory_space<vmem_shared>> -> memref<80x128xf32, #tpu.memory_space<vmem_shared>>
    %dma_start3A_27 = arith.constant 0 : i32
    %dma_start3A_28 = tpu.memref_slice %arg16[%add3A_24, %dma_start3A_27] : memref<10000x128xf32, #tpu.memory_space<vmem_shared>> -> memref<80x128xf32, #tpu.memory_space<vmem_shared>>
    tpu.enqueue_dma source(%arg9 : memref<80x128xf32, #tpu.memory_space<vmem>>) target(%dma_start3A_28 : memref<80x128xf32, #tpu.memory_space<vmem_shared>>) target_semaphore(%arg23 : memref<!tpu.dma_semaphore, #tpu.memory_space<semaphore_mem>>)
    %add3A_29 = arith.constant 400 : i32
    %add3A_30 = arith.addi %mul3A_0, %add3A_29 : i32
    %dma_start3A_31 = arith.constant 0 : i32
    %dma_start3A_32 = tpu.memref_slice %arg16[%add3A_30, %dma_start3A_31] : memref<10000x128xf32, #tpu.memory_space<vmem_shared>> -> memref<80x128xf32, #tpu.memory_space<vmem_shared>>
    %dma_start3A_33 = arith.constant 0 : i32
    %dma_start3A_34 = tpu.memref_slice %arg16[%add3A_30, %dma_start3A_33] : memref<10000x128xf32, #tpu.memory_space<vmem_shared>> -> memref<80x128xf32, #tpu.memory_space<vmem_shared>>
    tpu.enqueue_dma source(%arg9 : memref<80x128xf32, #tpu.memory_space<vmem>>) target(%dma_start3A_34 : memref<80x128xf32, #tpu.memory_space<vmem_shared>>) target_semaphore(%arg23 : memref<!tpu.dma_semaphore, #tpu.memory_space<semaphore_mem>>)
    %add3A_35 = arith.constant 480 : i32
    %add3A_36 = arith.addi %mul3A_0, %add3A_35 : i32
    %dma_start3A_37 = arith.constant 0 : i32
    %dma_start3A_38 = tpu.memref_slice %arg16[%add3A_36, %dma_start3A_37] : memref<10000x128xf32, #tpu.memory_space<vmem_shared>> -> memref<80x128xf32, #tpu.memory_space<vmem_shared>>
    %dma_start3A_39 = arith.constant 0 : i32
    %dma_start3A_40 = tpu.memref_slice %arg16[%add3A_36, %dma_start3A_39] : memref<10000x128xf32, #tpu.memory_space<vmem_shared>> -> memref<80x128xf32, #tpu.memory_space<vmem_shared>>
    tpu.enqueue_dma source(%arg9 : memref<80x128xf32, #tpu.memory_space<vmem>>) target(%dma_start3A_40 : memref<80x128xf32, #tpu.memory_space<vmem_shared>>) target_semaphore(%arg23 : memref<!tpu.dma_semaphore, #tpu.memory_space<semaphore_mem>>)
    %add3A_41 = arith.constant 560 : i32
    %add3A_42 = arith.addi %mul3A_0, %add3A_41 : i32
    %dma_start3A_43 = arith.constant 0 : i32
    %dma_start3A_44 = tpu.memref_slice %arg16[%add3A_42, %dma_start3A_43] : memref<10000x128xf32, #tpu.memory_space<vmem_shared>> -> memref<80x128xf32, #tpu.memory_space<vmem_shared>>
    %dma_start3A_45 = arith.constant 0 : i32
    %dma_start3A_46 = tpu.memref_slice %arg16[%add3A_42, %dma_start3A_45] : memref<10000x128xf32, #tpu.memory_space<vmem_shared>> -> memref<80x128xf32, #tpu.memory_space<vmem_shared>>
    tpu.enqueue_dma source(%arg9 : memref<80x128xf32, #tpu.memory_space<vmem>>) target(%dma_start3A_46 : memref<80x128xf32, #tpu.memory_space<vmem_shared>>) target_semaphore(%arg23 : memref<!tpu.dma_semaphore, #tpu.memory_space<semaphore_mem>>)
    %dma_wait3A = arith.constant 0 : i32
    %dma_wait3A_47 = tpu.memref_slice %arg16[%mul3A_0, %dma_wait3A] : memref<10000x128xf32, #tpu.memory_space<vmem_shared>> -> memref<80x128xf32, #tpu.memory_space<vmem_shared>>
    %dma_wait3A_48 = arith.constant 0 : i32
    %dma_wait3A_49 = tpu.memref_slice %arg16[%mul3A_0, %dma_wait3A_48] : memref<10000x128xf32, #tpu.memory_space<vmem_shared>> -> memref<80x128xf32, #tpu.memory_space<vmem_shared>>
    tpu.wait_dma2 semaphore(%arg23 : memref<!tpu.dma_semaphore, #tpu.memory_space<semaphore_mem>>) src(%arg9 : memref<80x128xf32, #tpu.memory_space<vmem>>) dst(%dma_wait3A_49 : memref<80x128xf32, #tpu.memory_space<vmem_shared>>)
    %dma_wait3A_50 = arith.constant 0 : i32
    %dma_wait3A_51 = tpu.memref_slice %arg16[%mul3A_0, %dma_wait3A_50] : memref<10000x128xf32, #tpu.memory_space<vmem_shared>> -> memref<80x128xf32, #tpu.memory_space<vmem_shared>>
    %dma_wait3A_52 = arith.constant 0 : i32
    %dma_wait3A_53 = tpu.memref_slice %arg16[%mul3A_0, %dma_wait3A_52] : memref<10000x128xf32, #tpu.memory_space<vmem_shared>> -> memref<80x128xf32, #tpu.memory_space<vmem_shared>>
    tpu.wait_dma2 semaphore(%arg23 : memref<!tpu.dma_semaphore, #tpu.memory_space<semaphore_mem>>) src(%arg9 : memref<80x128xf32, #tpu.memory_space<vmem>>) dst(%dma_wait3A_53 : memref<80x128xf32, #tpu.memory_space<vmem_shared>>)
    %dma_wait3A_54 = arith.constant 0 : i32
    %dma_wait3A_55 = tpu.memref_slice %arg16[%mul3A_0, %dma_wait3A_54] : memref<10000x128xf32, #tpu.memory_space<vmem_shared>> -> memref<80x128xf32, #tpu.memory_space<vmem_shared>>
    %dma_wait3A_56 = arith.constant 0 : i32
    %dma_wait3A_57 = tpu.memref_slice %arg16[%mul3A_0, %dma_wait3A_56] : memref<10000x128xf32, #tpu.memory_space<vmem_shared>> -> memref<80x128xf32, #tpu.memory_space<vmem_shared>>
    tpu.wait_dma2 semaphore(%arg23 : memref<!tpu.dma_semaphore, #tpu.memory_space<semaphore_mem>>) src(%arg9 : memref<80x128xf32, #tpu.memory_space<vmem>>) dst(%dma_wait3A_57 : memref<80x128xf32, #tpu.memory_space<vmem_shared>>)
    %dma_wait3A_58 = arith.constant 0 : i32
    %dma_wait3A_59 = tpu.memref_slice %arg16[%mul3A_0, %dma_wait3A_58] : memref<10000x128xf32, #tpu.memory_space<vmem_shared>> -> memref<80x128xf32, #tpu.memory_space<vmem_shared>>
    %dma_wait3A_60 = arith.constant 0 : i32
    %dma_wait3A_61 = tpu.memref_slice %arg16[%mul3A_0, %dma_wait3A_60] : memref<10000x128xf32, #tpu.memory_space<vmem_shared>> -> memref<80x128xf32, #tpu.memory_space<vmem_shared>>
    tpu.wait_dma2 semaphore(%arg23 : memref<!tpu.dma_semaphore, #tpu.memory_space<semaphore_mem>>) src(%arg9 : memref<80x128xf32, #tpu.memory_space<vmem>>) dst(%dma_wait3A_61 : memref<80x128xf32, #tpu.memory_space<vmem_shared>>)
    %dma_wait3A_62 = arith.constant 0 : i32
    %dma_wait3A_63 = tpu.memref_slice %arg16[%mul3A_0, %dma_wait3A_62] : memref<10000x128xf32, #tpu.memory_space<vmem_shared>> -> memref<80x128xf32, #tpu.memory_space<vmem_shared>>
    %dma_wait3A_64 = arith.constant 0 : i32
    %dma_wait3A_65 = tpu.memref_slice %arg16[%mul3A_0, %dma_wait3A_64] : memref<10000x128xf32, #tpu.memory_space<vmem_shared>> -> memref<80x128xf32, #tpu.memory_space<vmem_shared>>
    tpu.wait_dma2 semaphore(%arg23 : memref<!tpu.dma_semaphore, #tpu.memory_space<semaphore_mem>>) src(%arg9 : memref<80x128xf32, #tpu.memory_space<vmem>>) dst(%dma_wait3A_65 : memref<80x128xf32, #tpu.memory_space<vmem_shared>>)
    %dma_wait3A_66 = arith.constant 0 : i32
    %dma_wait3A_67 = tpu.memref_slice %arg16[%mul3A_0, %dma_wait3A_66] : memref<10000x128xf32, #tpu.memory_space<vmem_shared>> -> memref<80x128xf32, #tpu.memory_space<vmem_shared>>
    %dma_wait3A_68 = arith.constant 0 : i32
    %dma_wait3A_69 = tpu.memref_slice %arg16[%mul3A_0, %dma_wait3A_68] : memref<10000x128xf32, #tpu.memory_space<vmem_shared>> -> memref<80x128xf32, #tpu.memory_space<vmem_shared>>
    tpu.wait_dma2 semaphore(%arg23 : memref<!tpu.dma_semaphore, #tpu.memory_space<semaphore_mem>>) src(%arg9 : memref<80x128xf32, #tpu.memory_space<vmem>>) dst(%dma_wait3A_69 : memref<80x128xf32, #tpu.memory_space<vmem_shared>>)
    %dma_wait3A_70 = arith.constant 0 : i32
    %dma_wait3A_71 = tpu.memref_slice %arg16[%mul3A_0, %dma_wait3A_70] : memref<10000x128xf32, #tpu.memory_space<vmem_shared>> -> memref<80x128xf32, #tpu.memory_space<vmem_shared>>
    %dma_wait3A_72 = arith.constant 0 : i32
    %dma_wait3A_73 = tpu.memref_slice %arg16[%mul3A_0, %dma_wait3A_72] : memref<10000x128xf32, #tpu.memory_space<vmem_shared>> -> memref<80x128xf32, #tpu.memory_space<vmem_shared>>
    tpu.wait_dma2 semaphore(%arg23 : memref<!tpu.dma_semaphore, #tpu.memory_space<semaphore_mem>>) src(%arg9 : memref<80x128xf32, #tpu.memory_space<vmem>>) dst(%dma_wait3A_73 : memref<80x128xf32, #tpu.memory_space<vmem_shared>>)
    %dma_wait3A_74 = arith.constant 0 : i32
    %dma_wait3A_75 = tpu.memref_slice %arg16[%mul3A_0, %dma_wait3A_74] : memref<10000x128xf32, #tpu.memory_space<vmem_shared>> -> memref<80x128xf32, #tpu.memory_space<vmem_shared>>
    %dma_wait3A_76 = arith.constant 0 : i32
    %dma_wait3A_77 = tpu.memref_slice %arg16[%mul3A_0, %dma_wait3A_76] : memref<10000x128xf32, #tpu.memory_space<vmem_shared>> -> memref<80x128xf32, #tpu.memory_space<vmem_shared>>
    tpu.wait_dma2 semaphore(%arg23 : memref<!tpu.dma_semaphore, #tpu.memory_space<semaphore_mem>>) src(%arg9 : memref<80x128xf32, #tpu.memory_space<vmem>>) dst(%dma_wait3A_77 : memref<80x128xf32, #tpu.memory_space<vmem_shared>>)
    %barrier3A = arith.constant 0 : index
    tpu.barrier barrier_id(%barrier3A)
    %mul3A_78 = arith.constant 16 : i32
    %mul3A_79 = arith.muli %arg0, %mul3A_78 : i32
    %add3A_80 = arith.addi %mul3A_79, %arg1 : i32
    %mul3A_81 = arith.constant 10000 : i32
    %mul3A_82 = arith.muli %add3A_80, %mul3A_81 : i32
    %add3A_83 = arith.constant 0 : i32
    %add3A_84 = arith.addi %mul3A_82, %add3A_83 : i32
    %add3A_85 = arith.constant 0 : i32
    %add3A_86 = arith.addi %add3A_85, %add3A_84 : i32
    %dma_start3A_87 = tpu.memref_slice %arg3[%add3A_86] : memref<320000xi32, #tpu.memory_space<hbm>> -> memref<80xi32, #tpu.memory_space<hbm>>
    %dma_start3A_88 = tpu.memref_slice %arg3[%add3A_86] : memref<320000xi32, #tpu.memory_space<hbm>> -> memref<80xi32, #tpu.memory_space<hbm>>
    tpu.enqueue_dma source(%dma_start3A_88 : memref<80xi32, #tpu.memory_space<hbm>>) target(%arg7 : memref<80xi32, #tpu.memory_space<vmem>>) target_semaphore(%arg17 : memref<!tpu.dma_semaphore, #tpu.memory_space<semaphore_mem>>)
    %dma_start3A_89 = tpu.memref_slice %arg4[%add3A_84] : memref<320000xi32, #tpu.memory_space<hbm>> -> memref<80xi32, #tpu.memory_space<hbm>>
    %dma_start3A_90 = tpu.memref_slice %arg4[%add3A_84] : memref<320000xi32, #tpu.memory_space<hbm>> -> memref<80xi32, #tpu.memory_space<hbm>>
    tpu.enqueue_dma source(%dma_start3A_90 : memref<80xi32, #tpu.memory_space<hbm>>) target(%arg8 : memref<80xi32, #tpu.memory_space<vmem>>) target_semaphore(%arg18 : memref<!tpu.dma_semaphore, #tpu.memory_space<semaphore_mem>>)
    %add3A_91 = arith.constant 80 : i32
    %add3A_92 = arith.addi %mul3A_82, %add3A_91 : i32
    %add3A_93 = arith.constant 0 : i32
    %add3A_94 = arith.addi %add3A_93, %add3A_92 : i32
    %dma_start3A_95 = tpu.memref_slice %arg3[%add3A_94] : memref<320000xi32, #tpu.memory_space<hbm>> -> memref<80xi32, #tpu.memory_space<hbm>>
    %dma_start3A_96 = tpu.memref_slice %arg3[%add3A_94] : memref<320000xi32, #tpu.memory_space<hbm>> -> memref<80xi32, #tpu.memory_space<hbm>>
    tpu.enqueue_dma source(%dma_start3A_96 : memref<80xi32, #tpu.memory_space<hbm>>) target(%arg10 : memref<80xi32, #tpu.memory_space<vmem>>) target_semaphore(%arg19 : memref<!tpu.dma_semaphore, #tpu.memory_space<semaphore_mem>>)
    %dma_start3A_97 = tpu.memref_slice %arg4[%add3A_92] : memref<320000xi32, #tpu.memory_space<hbm>> -> memref<80xi32, #tpu.memory_space<hbm>>
    %dma_start3A_98 = tpu.memref_slice %arg4[%add3A_92] : memref<320000xi32, #tpu.memory_space<hbm>> -> memref<80xi32, #tpu.memory_space<hbm>>
    tpu.enqueue_dma source(%dma_start3A_98 : memref<80xi32, #tpu.memory_space<hbm>>) target(%arg11 : memref<80xi32, #tpu.memory_space<vmem>>) target_semaphore(%arg20 : memref<!tpu.dma_semaphore, #tpu.memory_space<semaphore_mem>>)
    %dma_wait3A_99 = arith.constant 0 : i32
    %dma_wait3A_100 = tpu.memref_slice %arg3[%dma_wait3A_99] : memref<320000xi32, #tpu.memory_space<hbm>> -> memref<80xi32, #tpu.memory_space<hbm>>
    %dma_wait3A_101 = arith.constant 0 : i32
    %dma_wait3A_102 = tpu.memref_slice %arg3[%dma_wait3A_101] : memref<320000xi32, #tpu.memory_space<hbm>> -> memref<80xi32, #tpu.memory_space<hbm>>
    tpu.wait_dma2 semaphore(%arg17 : memref<!tpu.dma_semaphore, #tpu.memory_space<semaphore_mem>>) src(%dma_wait3A_102 : memref<80xi32, #tpu.memory_space<hbm>>) dst(%arg7 : memref<80xi32, #tpu.memory_space<vmem>>)
    %dma_wait3A_103 = arith.constant 0 : i32
    %dma_wait3A_104 = tpu.memref_slice %arg4[%dma_wait3A_103] : memref<320000xi32, #tpu.memory_space<hbm>> -> memref<80xi32, #tpu.memory_space<hbm>>
    %dma_wait3A_105 = arith.constant 0 : i32
    %dma_wait3A_106 = tpu.memref_slice %arg4[%dma_wait3A_105] : memref<320000xi32, #tpu.memory_space<hbm>> -> memref<80xi32, #tpu.memory_space<hbm>>
    tpu.wait_dma2 semaphore(%arg18 : memref<!tpu.dma_semaphore, #tpu.memory_space<semaphore_mem>>) src(%dma_wait3A_106 : memref<80xi32, #tpu.memory_space<hbm>>) dst(%arg8 : memref<80xi32, #tpu.memory_space<vmem>>)
    %dma_start3A_107 = arith.constant 0 : i32
    %dma_start3A_108 = arith.constant 0 : i32
    %dma_start3A_109 = tpu.memref_slice %arg2[%dma_start3A_107, %dma_start3A_108] : memref<10000x128xf32, #tpu.memory_space<hbm>> -> memref<10000x128xf32, #tpu.memory_space<hbm>>
    tpu.enqueue_indirect_dma source(%dma_start3A_109 : memref<10000x128xf32, #tpu.memory_space<hbm>>) target(%arg9 : memref<80x128xf32, #tpu.memory_space<vmem>>) offsets(%arg7 : memref<80xi32, #tpu.memory_space<vmem>>) semaphore(%arg23 : memref<!tpu.dma_semaphore, #tpu.memory_space<semaphore_mem>>)
    %add3A_110 = arith.constant 160 : i32
    %add3A_111 = arith.addi %mul3A_82, %add3A_110 : i32
    %add3A_112 = arith.constant 0 : i32
    %add3A_113 = arith.addi %add3A_112, %add3A_111 : i32
    %dma_start3A_114 = tpu.memref_slice %arg3[%add3A_113] : memref<320000xi32, #tpu.memory_space<hbm>> -> memref<80xi32, #tpu.memory_space<hbm>>
    %dma_start3A_115 = tpu.memref_slice %arg3[%add3A_113] : memref<320000xi32, #tpu.memory_space<hbm>> -> memref<80xi32, #tpu.memory_space<hbm>>
    tpu.enqueue_dma source(%dma_start3A_115 : memref<80xi32, #tpu.memory_space<hbm>>) target(%arg13 : memref<80xi32, #tpu.memory_space<vmem>>) target_semaphore(%arg21 : memref<!tpu.dma_semaphore, #tpu.memory_space<semaphore_mem>>)
    %dma_start3A_116 = tpu.memref_slice %arg4[%add3A_111] : memref<320000xi32, #tpu.memory_space<hbm>> -> memref<80xi32, #tpu.memory_space<hbm>>
    %dma_start3A_117 = tpu.memref_slice %arg4[%add3A_111] : memref<320000xi32, #tpu.memory_space<hbm>> -> memref<80xi32, #tpu.memory_space<hbm>>
    tpu.enqueue_dma source(%dma_start3A_117 : memref<80xi32, #tpu.memory_space<hbm>>) target(%arg14 : memref<80xi32, #tpu.memory_space<vmem>>) target_semaphore(%arg22 : memref<!tpu.dma_semaphore, #tpu.memory_space<semaphore_mem>>)
    %dma_wait3A_118 = arith.constant 0 : i32
    %dma_wait3A_119 = tpu.memref_slice %arg3[%dma_wait3A_118] : memref<320000xi32, #tpu.memory_space<hbm>> -> memref<80xi32, #tpu.memory_space<hbm>>
    %dma_wait3A_120 = arith.constant 0 : i32
    %dma_wait3A_121 = tpu.memref_slice %arg3[%dma_wait3A_120] : memref<320000xi32, #tpu.memory_space<hbm>> -> memref<80xi32, #tpu.memory_space<hbm>>
    tpu.wait_dma2 semaphore(%arg19 : memref<!tpu.dma_semaphore, #tpu.memory_space<semaphore_mem>>) src(%dma_wait3A_121 : memref<80xi32, #tpu.memory_space<hbm>>) dst(%arg10 : memref<80xi32, #tpu.memory_space<vmem>>)
    %dma_wait3A_122 = arith.constant 0 : i32
    %dma_wait3A_123 = tpu.memref_slice %arg4[%dma_wait3A_122] : memref<320000xi32, #tpu.memory_space<hbm>> -> memref<80xi32, #tpu.memory_space<hbm>>
    %dma_wait3A_124 = arith.constant 0 : i32
    %dma_wait3A_125 = tpu.memref_slice %arg4[%dma_wait3A_124] : memref<320000xi32, #tpu.memory_space<hbm>> -> memref<80xi32, #tpu.memory_space<hbm>>
    tpu.wait_dma2 semaphore(%arg20 : memref<!tpu.dma_semaphore, #tpu.memory_space<semaphore_mem>>) src(%dma_wait3A_125 : memref<80xi32, #tpu.memory_space<hbm>>) dst(%arg11 : memref<80xi32, #tpu.memory_space<vmem>>)
    %dma_start3A_126 = arith.constant 0 : i32
    %dma_start3A_127 = arith.constant 0 : i32
    %dma_start3A_128 = tpu.memref_slice %arg2[%dma_start3A_126, %dma_start3A_127] : memref<10000x128xf32, #tpu.memory_space<hbm>> -> memref<10000x128xf32, #tpu.memory_space<hbm>>
    tpu.enqueue_indirect_dma source(%dma_start3A_128 : memref<10000x128xf32, #tpu.memory_space<hbm>>) target(%arg12 : memref<80x128xf32, #tpu.memory_space<vmem>>) offsets(%arg10 : memref<80xi32, #tpu.memory_space<vmem>>) semaphore(%arg24 : memref<!tpu.dma_semaphore, #tpu.memory_space<semaphore_mem>>)
    %dma_wait3A_129 = arith.constant 0 : i32
    %dma_wait3A_130 = arith.constant 0 : i32
    %dma_wait3A_131 = tpu.memref_slice %arg2[%dma_wait3A_129, %dma_wait3A_130] : memref<10000x128xf32, #tpu.memory_space<hbm>> -> memref<10000x128xf32, #tpu.memory_space<hbm>>
    tpu.wait_indirect_dma semaphore(%arg23 : memref<!tpu.dma_semaphore, #tpu.memory_space<semaphore_mem>>) src(%dma_wait3A_131 : memref<10000x128xf32, #tpu.memory_space<hbm>>) dst(%arg9 : memref<80x128xf32, #tpu.memory_space<vmem>>)
    %dma_start3A_132 = arith.constant 0 : i32
    %dma_start3A_133 = arith.constant 0 : i32
    %dma_start3A_134 = tpu.memref_slice %arg16[%dma_start3A_132, %dma_start3A_133] : memref<10000x128xf32, #tpu.memory_space<vmem_shared>> -> memref<10000x128xf32, #tpu.memory_space<vmem_shared>>
    tpu.enqueue_indirect_dma source(%arg9 : memref<80x128xf32, #tpu.memory_space<vmem>>) target(%dma_start3A_134 : memref<10000x128xf32, #tpu.memory_space<vmem_shared>>) offsets(%arg8 : memref<80xi32, #tpu.memory_space<vmem>>) semaphore(%arg26 : memref<!tpu.dma_semaphore, #tpu.memory_space<semaphore_mem>>) {add = true}
    %scan3A = arith.constant 0 : i32
    %scan3A_135 = arith.constant 0 : i32
    %scan3A_136 = arith.constant 40 : i32
    %scan3A_137 = arith.addi %scan3A_135, %scan3A_136 : i32
    %scan3A_138 = arith.constant 1 : i32
    scf.for %scan3A_392 = %scan3A_135 to %scan3A_137 step %scan3A_138  : i32 {
      %mul3A_393 = arith.constant 3 : i32
      %mul3A_394 = arith.muli %mul3A_393, %scan3A_392 : i32
      %add3A_395 = arith.constant 3 : i32
      %add3A_396 = arith.addi %add3A_395, %mul3A_394 : i32
      %dma_wait3A_397 = arith.constant 0 : i32
      %dma_wait3A_398 = arith.constant 0 : i32
      %dma_wait3A_399 = tpu.memref_slice %arg16[%dma_wait3A_397, %dma_wait3A_398] : memref<10000x128xf32, #tpu.memory_space<vmem_shared>> -> memref<10000x128xf32, #tpu.memory_space<vmem_shared>>
      tpu.wait_indirect_dma semaphore(%arg26 : memref<!tpu.dma_semaphore, #tpu.memory_space<semaphore_mem>>) src(%arg9 : memref<80x128xf32, #tpu.memory_space<vmem>>) dst(%dma_wait3A_399 : memref<10000x128xf32, #tpu.memory_space<vmem_shared>>)
      %mul3A_400 = arith.constant 80 : i32
      %mul3A_401 = arith.muli %add3A_396, %mul3A_400 : i32
      %add3A_402 = arith.addi %mul3A_82, %mul3A_401 : i32
      %add3A_403 = arith.constant 0 : i32
      %add3A_404 = arith.addi %add3A_403, %add3A_402 : i32
      %dma_start3A_405 = tpu.memref_slice %arg3[%add3A_404] : memref<320000xi32, #tpu.memory_space<hbm>> -> memref<80xi32, #tpu.memory_space<hbm>>
      %dma_start3A_406 = tpu.memref_slice %arg3[%add3A_404] : memref<320000xi32, #tpu.memory_space<hbm>> -> memref<80xi32, #tpu.memory_space<hbm>>
      tpu.enqueue_dma source(%dma_start3A_406 : memref<80xi32, #tpu.memory_space<hbm>>) target(%arg7 : memref<80xi32, #tpu.memory_space<vmem>>) target_semaphore(%arg17 : memref<!tpu.dma_semaphore, #tpu.memory_space<semaphore_mem>>)
      %dma_start3A_407 = tpu.memref_slice %arg4[%add3A_402] : memref<320000xi32, #tpu.memory_space<hbm>> -> memref<80xi32, #tpu.memory_space<hbm>>
      %dma_start3A_408 = tpu.memref_slice %arg4[%add3A_402] : memref<320000xi32, #tpu.memory_space<hbm>> -> memref<80xi32, #tpu.memory_space<hbm>>
      tpu.enqueue_dma source(%dma_start3A_408 : memref<80xi32, #tpu.memory_space<hbm>>) target(%arg8 : memref<80xi32, #tpu.memory_space<vmem>>) target_semaphore(%arg18 : memref<!tpu.dma_semaphore, #tpu.memory_space<semaphore_mem>>)
      %dma_wait3A_409 = arith.constant 0 : i32
      %dma_wait3A_410 = tpu.memref_slice %arg3[%dma_wait3A_409] : memref<320000xi32, #tpu.memory_space<hbm>> -> memref<80xi32, #tpu.memory_space<hbm>>
      %dma_wait3A_411 = arith.constant 0 : i32
      %dma_wait3A_412 = tpu.memref_slice %arg3[%dma_wait3A_411] : memref<320000xi32, #tpu.memory_space<hbm>> -> memref<80xi32, #tpu.memory_space<hbm>>
      tpu.wait_dma2 semaphore(%arg21 : memref<!tpu.dma_semaphore, #tpu.memory_space<semaphore_mem>>) src(%dma_wait3A_412 : memref<80xi32, #tpu.memory_space<hbm>>) dst(%arg13 : memref<80xi32, #tpu.memory_space<vmem>>)
      %dma_wait3A_413 = arith.constant 0 : i32
      %dma_wait3A_414 = tpu.memref_slice %arg4[%dma_wait3A_413] : memref<320000xi32, #tpu.memory_space<hbm>> -> memref<80xi32, #tpu.memory_space<hbm>>
      %dma_wait3A_415 = arith.constant 0 : i32
      %dma_wait3A_416 = tpu.memref_slice %arg4[%dma_wait3A_415] : memref<320000xi32, #tpu.memory_space<hbm>> -> memref<80xi32, #tpu.memory_space<hbm>>
      tpu.wait_dma2 semaphore(%arg22 : memref<!tpu.dma_semaphore, #tpu.memory_space<semaphore_mem>>) src(%dma_wait3A_416 : memref<80xi32, #tpu.memory_space<hbm>>) dst(%arg14 : memref<80xi32, #tpu.memory_space<vmem>>)
      %dma_start3A_417 = arith.constant 0 : i32
      %dma_start3A_418 = arith.constant 0 : i32
      %dma_start3A_419 = tpu.memref_slice %arg2[%dma_start3A_417, %dma_start3A_418] : memref<10000x128xf32, #tpu.memory_space<hbm>> -> memref<10000x128xf32, #tpu.memory_space<hbm>>
      tpu.enqueue_indirect_dma source(%dma_start3A_419 : memref<10000x128xf32, #tpu.memory_space<hbm>>) target(%arg15 : memref<80x128xf32, #tpu.memory_space<vmem>>) offsets(%arg13 : memref<80xi32, #tpu.memory_space<vmem>>) semaphore(%arg25 : memref<!tpu.dma_semaphore, #tpu.memory_space<semaphore_mem>>)
      %dma_wait3A_420 = arith.constant 0 : i32
      %dma_wait3A_421 = arith.constant 0 : i32
      %dma_wait3A_422 = tpu.memref_slice %arg2[%dma_wait3A_420, %dma_wait3A_421] : memref<10000x128xf32, #tpu.memory_space<hbm>> -> memref<10000x128xf32, #tpu.memory_space<hbm>>
      tpu.wait_indirect_dma semaphore(%arg24 : memref<!tpu.dma_semaphore, #tpu.memory_space<semaphore_mem>>) src(%dma_wait3A_422 : memref<10000x128xf32, #tpu.memory_space<hbm>>) dst(%arg12 : memref<80x128xf32, #tpu.memory_space<vmem>>)
      %dma_start3A_423 = arith.constant 0 : i32
      %dma_start3A_424 = arith.constant 0 : i32
      %dma_start3A_425 = tpu.memref_slice %arg16[%dma_start3A_423, %dma_start3A_424] : memref<10000x128xf32, #tpu.memory_space<vmem_shared>> -> memref<10000x128xf32, #tpu.memory_space<vmem_shared>>
      tpu.enqueue_indirect_dma source(%arg12 : memref<80x128xf32, #tpu.memory_space<vmem>>) target(%dma_start3A_425 : memref<10000x128xf32, #tpu.memory_space<vmem_shared>>) offsets(%arg11 : memref<80xi32, #tpu.memory_space<vmem>>) semaphore(%arg27 : memref<!tpu.dma_semaphore, #tpu.memory_space<semaphore_mem>>) {add = true}
      %add3A_426 = arith.constant 1 : i32
      %add3A_427 = arith.addi %add3A_396, %add3A_426 : i32
      %dma_wait3A_428 = arith.constant 0 : i32
      %dma_wait3A_429 = arith.constant 0 : i32
      %dma_wait3A_430 = tpu.memref_slice %arg16[%dma_wait3A_428, %dma_wait3A_429] : memref<10000x128xf32, #tpu.memory_space<vmem_shared>> -> memref<10000x128xf32, #tpu.memory_space<vmem_shared>>
      tpu.wait_indirect_dma semaphore(%arg27 : memref<!tpu.dma_semaphore, #tpu.memory_space<semaphore_mem>>) src(%arg12 : memref<80x128xf32, #tpu.memory_space<vmem>>) dst(%dma_wait3A_430 : memref<10000x128xf32, #tpu.memory_space<vmem_shared>>)
      %mul3A_431 = arith.constant 80 : i32
      %mul3A_432 = arith.muli %add3A_427, %mul3A_431 : i32
      %add3A_433 = arith.addi %mul3A_82, %mul3A_432 : i32
      %add3A_434 = arith.constant 0 : i32
      %add3A_435 = arith.addi %add3A_434, %add3A_433 : i32
      %dma_start3A_436 = tpu.memref_slice %arg3[%add3A_435] : memref<320000xi32, #tpu.memory_space<hbm>> -> memref<80xi32, #tpu.memory_space<hbm>>
      %dma_start3A_437 = tpu.memref_slice %arg3[%add3A_435] : memref<320000xi32, #tpu.memory_space<hbm>> -> memref<80xi32, #tpu.memory_space<hbm>>
      tpu.enqueue_dma source(%dma_start3A_437 : memref<80xi32, #tpu.memory_space<hbm>>) target(%arg10 : memref<80xi32, #tpu.memory_space<vmem>>) target_semaphore(%arg19 : memref<!tpu.dma_semaphore, #tpu.memory_space<semaphore_mem>>)
      %dma_start3A_438 = tpu.memref_slice %arg4[%add3A_433] : memref<320000xi32, #tpu.memory_space<hbm>> -> memref<80xi32, #tpu.memory_space<hbm>>
      %dma_start3A_439 = tpu.memref_slice %arg4[%add3A_433] : memref<320000xi32, #tpu.memory_space<hbm>> -> memref<80xi32, #tpu.memory_space<hbm>>
      tpu.enqueue_dma source(%dma_start3A_439 : memref<80xi32, #tpu.memory_space<hbm>>) target(%arg11 : memref<80xi32, #tpu.memory_space<vmem>>) target_semaphore(%arg20 : memref<!tpu.dma_semaphore, #tpu.memory_space<semaphore_mem>>)
      %dma_wait3A_440 = arith.constant 0 : i32
      %dma_wait3A_441 = tpu.memref_slice %arg3[%dma_wait3A_440] : memref<320000xi32, #tpu.memory_space<hbm>> -> memref<80xi32, #tpu.memory_space<hbm>>
      %dma_wait3A_442 = arith.constant 0 : i32
      %dma_wait3A_443 = tpu.memref_slice %arg3[%dma_wait3A_442] : memref<320000xi32, #tpu.memory_space<hbm>> -> memref<80xi32, #tpu.memory_space<hbm>>
      tpu.wait_dma2 semaphore(%arg17 : memref<!tpu.dma_semaphore, #tpu.memory_space<semaphore_mem>>) src(%dma_wait3A_443 : memref<80xi32, #tpu.memory_space<hbm>>) dst(%arg7 : memref<80xi32, #tpu.memory_space<vmem>>)
      %dma_wait3A_444 = arith.constant 0 : i32
      %dma_wait3A_445 = tpu.memref_slice %arg4[%dma_wait3A_444] : memref<320000xi32, #tpu.memory_space<hbm>> -> memref<80xi32, #tpu.memory_space<hbm>>
      %dma_wait3A_446 = arith.constant 0 : i32
      %dma_wait3A_447 = tpu.memref_slice %arg4[%dma_wait3A_446] : memref<320000xi32, #tpu.memory_space<hbm>> -> memref<80xi32, #tpu.memory_space<hbm>>
      tpu.wait_dma2 semaphore(%arg18 : memref<!tpu.dma_semaphore, #tpu.memory_space<semaphore_mem>>) src(%dma_wait3A_447 : memref<80xi32, #tpu.memory_space<hbm>>) dst(%arg8 : memref<80xi32, #tpu.memory_space<vmem>>)
      %dma_start3A_448 = arith.constant 0 : i32
      %dma_start3A_449 = arith.constant 0 : i32
      %dma_start3A_450 = tpu.memref_slice %arg2[%dma_start3A_448, %dma_start3A_449] : memref<10000x128xf32, #tpu.memory_space<hbm>> -> memref<10000x128xf32, #tpu.memory_space<hbm>>
      tpu.enqueue_indirect_dma source(%dma_start3A_450 : memref<10000x128xf32, #tpu.memory_space<hbm>>) target(%arg9 : memref<80x128xf32, #tpu.memory_space<vmem>>) offsets(%arg7 : memref<80xi32, #tpu.memory_space<vmem>>) semaphore(%arg23 : memref<!tpu.dma_semaphore, #tpu.memory_space<semaphore_mem>>)
      %dma_wait3A_451 = arith.constant 0 : i32
      %dma_wait3A_452 = arith.constant 0 : i32
      %dma_wait3A_453 = tpu.memref_slice %arg2[%dma_wait3A_451, %dma_wait3A_452] : memref<10000x128xf32, #tpu.memory_space<hbm>> -> memref<10000x128xf32, #tpu.memory_space<hbm>>
      tpu.wait_indirect_dma semaphore(%arg25 : memref<!tpu.dma_semaphore, #tpu.memory_space<semaphore_mem>>) src(%dma_wait3A_453 : memref<10000x128xf32, #tpu.memory_space<hbm>>) dst(%arg15 : memref<80x128xf32, #tpu.memory_space<vmem>>)
      %dma_start3A_454 = arith.constant 0 : i32
      %dma_start3A_455 = arith.constant 0 : i32
      %dma_start3A_456 = tpu.memref_slice %arg16[%dma_start3A_454, %dma_start3A_455] : memref<10000x128xf32, #tpu.memory_space<vmem_shared>> -> memref<10000x128xf32, #tpu.memory_space<vmem_shared>>
      tpu.enqueue_indirect_dma source(%arg15 : memref<80x128xf32, #tpu.memory_space<vmem>>) target(%dma_start3A_456 : memref<10000x128xf32, #tpu.memory_space<vmem_shared>>) offsets(%arg14 : memref<80xi32, #tpu.memory_space<vmem>>) semaphore(%arg28 : memref<!tpu.dma_semaphore, #tpu.memory_space<semaphore_mem>>) {add = true}
      %add3A_457 = arith.constant 2 : i32
      %add3A_458 = arith.addi %add3A_396, %add3A_457 : i32
      %dma_wait3A_459 = arith.constant 0 : i32
      %dma_wait3A_460 = arith.constant 0 : i32
      %dma_wait3A_461 = tpu.memref_slice %arg16[%dma_wait3A_459, %dma_wait3A_460] : memref<10000x128xf32, #tpu.memory_space<vmem_shared>> -> memref<10000x128xf32, #tpu.memory_space<vmem_shared>>
      tpu.wait_indirect_dma semaphore(%arg28 : memref<!tpu.dma_semaphore, #tpu.memory_space<semaphore_mem>>) src(%arg15 : memref<80x128xf32, #tpu.memory_space<vmem>>) dst(%dma_wait3A_461 : memref<10000x128xf32, #tpu.memory_space<vmem_shared>>)
      %mul3A_462 = arith.constant 80 : i32
      %mul3A_463 = arith.muli %add3A_458, %mul3A_462 : i32
      %add3A_464 = arith.addi %mul3A_82, %mul3A_463 : i32
      %add3A_465 = arith.constant 0 : i32
      %add3A_466 = arith.addi %add3A_465, %add3A_464 : i32
      %dma_start3A_467 = tpu.memref_slice %arg3[%add3A_466] : memref<320000xi32, #tpu.memory_space<hbm>> -> memref<80xi32, #tpu.memory_space<hbm>>
      %dma_start3A_468 = tpu.memref_slice %arg3[%add3A_466] : memref<320000xi32, #tpu.memory_space<hbm>> -> memref<80xi32, #tpu.memory_space<hbm>>
      tpu.enqueue_dma source(%dma_start3A_468 : memref<80xi32, #tpu.memory_space<hbm>>) target(%arg13 : memref<80xi32, #tpu.memory_space<vmem>>) target_semaphore(%arg21 : memref<!tpu.dma_semaphore, #tpu.memory_space<semaphore_mem>>)
      %dma_start3A_469 = tpu.memref_slice %arg4[%add3A_464] : memref<320000xi32, #tpu.memory_space<hbm>> -> memref<80xi32, #tpu.memory_space<hbm>>
      %dma_start3A_470 = tpu.memref_slice %arg4[%add3A_464] : memref<320000xi32, #tpu.memory_space<hbm>> -> memref<80xi32, #tpu.memory_space<hbm>>
      tpu.enqueue_dma source(%dma_start3A_470 : memref<80xi32, #tpu.memory_space<hbm>>) target(%arg14 : memref<80xi32, #tpu.memory_space<vmem>>) target_semaphore(%arg22 : memref<!tpu.dma_semaphore, #tpu.memory_space<semaphore_mem>>)
      %dma_wait3A_471 = arith.constant 0 : i32
      %dma_wait3A_472 = tpu.memref_slice %arg3[%dma_wait3A_471] : memref<320000xi32, #tpu.memory_space<hbm>> -> memref<80xi32, #tpu.memory_space<hbm>>
      %dma_wait3A_473 = arith.constant 0 : i32
      %dma_wait3A_474 = tpu.memref_slice %arg3[%dma_wait3A_473] : memref<320000xi32, #tpu.memory_space<hbm>> -> memref<80xi32, #tpu.memory_space<hbm>>
      tpu.wait_dma2 semaphore(%arg19 : memref<!tpu.dma_semaphore, #tpu.memory_space<semaphore_mem>>) src(%dma_wait3A_474 : memref<80xi32, #tpu.memory_space<hbm>>) dst(%arg10 : memref<80xi32, #tpu.memory_space<vmem>>)
      %dma_wait3A_475 = arith.constant 0 : i32
      %dma_wait3A_476 = tpu.memref_slice %arg4[%dma_wait3A_475] : memref<320000xi32, #tpu.memory_space<hbm>> -> memref<80xi32, #tpu.memory_space<hbm>>
      %dma_wait3A_477 = arith.constant 0 : i32
      %dma_wait3A_478 = tpu.memref_slice %arg4[%dma_wait3A_477] : memref<320000xi32, #tpu.memory_space<hbm>> -> memref<80xi32, #tpu.memory_space<hbm>>
      tpu.wait_dma2 semaphore(%arg20 : memref<!tpu.dma_semaphore, #tpu.memory_space<semaphore_mem>>) src(%dma_wait3A_478 : memref<80xi32, #tpu.memory_space<hbm>>) dst(%arg11 : memref<80xi32, #tpu.memory_space<vmem>>)
      %dma_start3A_479 = arith.constant 0 : i32
      %dma_start3A_480 = arith.constant 0 : i32
      %dma_start3A_481 = tpu.memref_slice %arg2[%dma_start3A_479, %dma_start3A_480] : memref<10000x128xf32, #tpu.memory_space<hbm>> -> memref<10000x128xf32, #tpu.memory_space<hbm>>
      tpu.enqueue_indirect_dma source(%dma_start3A_481 : memref<10000x128xf32, #tpu.memory_space<hbm>>) target(%arg12 : memref<80x128xf32, #tpu.memory_space<vmem>>) offsets(%arg10 : memref<80xi32, #tpu.memory_space<vmem>>) semaphore(%arg24 : memref<!tpu.dma_semaphore, #tpu.memory_space<semaphore_mem>>)
      %dma_wait3A_482 = arith.constant 0 : i32
      %dma_wait3A_483 = arith.constant 0 : i32
      %dma_wait3A_484 = tpu.memref_slice %arg2[%dma_wait3A_482, %dma_wait3A_483] : memref<10000x128xf32, #tpu.memory_space<hbm>> -> memref<10000x128xf32, #tpu.memory_space<hbm>>
      tpu.wait_indirect_dma semaphore(%arg23 : memref<!tpu.dma_semaphore, #tpu.memory_space<semaphore_mem>>) src(%dma_wait3A_484 : memref<10000x128xf32, #tpu.memory_space<hbm>>) dst(%arg9 : memref<80x128xf32, #tpu.memory_space<vmem>>)
      %dma_start3A_485 = arith.constant 0 : i32
      %dma_start3A_486 = arith.constant 0 : i32
      %dma_start3A_487 = tpu.memref_slice %arg16[%dma_start3A_485, %dma_start3A_486] : memref<10000x128xf32, #tpu.memory_space<vmem_shared>> -> memref<10000x128xf32, #tpu.memory_space<vmem_shared>>
      tpu.enqueue_indirect_dma source(%arg9 : memref<80x128xf32, #tpu.memory_space<vmem>>) target(%dma_start3A_487 : memref<10000x128xf32, #tpu.memory_space<vmem_shared>>) offsets(%arg8 : memref<80xi32, #tpu.memory_space<vmem>>) semaphore(%arg26 : memref<!tpu.dma_semaphore, #tpu.memory_space<semaphore_mem>>) {add = true}
    }
    %scan3A_139 = arith.constant 40 : i32
    %dma_wait3A_140 = arith.constant 0 : i32
    %dma_wait3A_141 = arith.constant 0 : i32
    %dma_wait3A_142 = tpu.memref_slice %arg16[%dma_wait3A_140, %dma_wait3A_141] : memref<10000x128xf32, #tpu.memory_space<vmem_shared>> -> memref<10000x128xf32, #tpu.memory_space<vmem_shared>>
    tpu.wait_indirect_dma semaphore(%arg26 : memref<!tpu.dma_semaphore, #tpu.memory_space<semaphore_mem>>) src(%arg9 : memref<80x128xf32, #tpu.memory_space<vmem>>) dst(%dma_wait3A_142 : memref<10000x128xf32, #tpu.memory_space<vmem_shared>>)
    %add3A_143 = arith.constant 9840 : i32
    %add3A_144 = arith.addi %mul3A_82, %add3A_143 : i32
    %add3A_145 = arith.constant 0 : i32
    %add3A_146 = arith.addi %add3A_145, %add3A_144 : i32
    %dma_start3A_147 = tpu.memref_slice %arg3[%add3A_146] : memref<320000xi32, #tpu.memory_space<hbm>> -> memref<80xi32, #tpu.memory_space<hbm>>
    %dma_start3A_148 = tpu.memref_slice %arg3[%add3A_146] : memref<320000xi32, #tpu.memory_space<hbm>> -> memref<80xi32, #tpu.memory_space<hbm>>
    tpu.enqueue_dma source(%dma_start3A_148 : memref<80xi32, #tpu.memory_space<hbm>>) target(%arg7 : memref<80xi32, #tpu.memory_space<vmem>>) target_semaphore(%arg17 : memref<!tpu.dma_semaphore, #tpu.memory_space<semaphore_mem>>)
    %dma_start3A_149 = tpu.memref_slice %arg4[%add3A_144] : memref<320000xi32, #tpu.memory_space<hbm>> -> memref<80xi32, #tpu.memory_space<hbm>>
    %dma_start3A_150 = tpu.memref_slice %arg4[%add3A_144] : memref<320000xi32, #tpu.memory_space<hbm>> -> memref<80xi32, #tpu.memory_space<hbm>>
    tpu.enqueue_dma source(%dma_start3A_150 : memref<80xi32, #tpu.memory_space<hbm>>) target(%arg8 : memref<80xi32, #tpu.memory_space<vmem>>) target_semaphore(%arg18 : memref<!tpu.dma_semaphore, #tpu.memory_space<semaphore_mem>>)
    %dma_wait3A_151 = arith.constant 0 : i32
    %dma_wait3A_152 = tpu.memref_slice %arg3[%dma_wait3A_151] : memref<320000xi32, #tpu.memory_space<hbm>> -> memref<80xi32, #tpu.memory_space<hbm>>
    %dma_wait3A_153 = arith.constant 0 : i32
    %dma_wait3A_154 = tpu.memref_slice %arg3[%dma_wait3A_153] : memref<320000xi32, #tpu.memory_space<hbm>> -> memref<80xi32, #tpu.memory_space<hbm>>
    tpu.wait_dma2 semaphore(%arg21 : memref<!tpu.dma_semaphore, #tpu.memory_space<semaphore_mem>>) src(%dma_wait3A_154 : memref<80xi32, #tpu.memory_space<hbm>>) dst(%arg13 : memref<80xi32, #tpu.memory_space<vmem>>)
    %dma_wait3A_155 = arith.constant 0 : i32
    %dma_wait3A_156 = tpu.memref_slice %arg4[%dma_wait3A_155] : memref<320000xi32, #tpu.memory_space<hbm>> -> memref<80xi32, #tpu.memory_space<hbm>>
    %dma_wait3A_157 = arith.constant 0 : i32
    %dma_wait3A_158 = tpu.memref_slice %arg4[%dma_wait3A_157] : memref<320000xi32, #tpu.memory_space<hbm>> -> memref<80xi32, #tpu.memory_space<hbm>>
    tpu.wait_dma2 semaphore(%arg22 : memref<!tpu.dma_semaphore, #tpu.memory_space<semaphore_mem>>) src(%dma_wait3A_158 : memref<80xi32, #tpu.memory_space<hbm>>) dst(%arg14 : memref<80xi32, #tpu.memory_space<vmem>>)
    %dma_start3A_159 = arith.constant 0 : i32
    %dma_start3A_160 = arith.constant 0 : i32
    %dma_start3A_161 = tpu.memref_slice %arg2[%dma_start3A_159, %dma_start3A_160] : memref<10000x128xf32, #tpu.memory_space<hbm>> -> memref<10000x128xf32, #tpu.memory_space<hbm>>
    tpu.enqueue_indirect_dma source(%dma_start3A_161 : memref<10000x128xf32, #tpu.memory_space<hbm>>) target(%arg15 : memref<80x128xf32, #tpu.memory_space<vmem>>) offsets(%arg13 : memref<80xi32, #tpu.memory_space<vmem>>) semaphore(%arg25 : memref<!tpu.dma_semaphore, #tpu.memory_space<semaphore_mem>>)
    %dma_wait3A_162 = arith.constant 0 : i32
    %dma_wait3A_163 = arith.constant 0 : i32
    %dma_wait3A_164 = tpu.memref_slice %arg2[%dma_wait3A_162, %dma_wait3A_163] : memref<10000x128xf32, #tpu.memory_space<hbm>> -> memref<10000x128xf32, #tpu.memory_space<hbm>>
    tpu.wait_indirect_dma semaphore(%arg24 : memref<!tpu.dma_semaphore, #tpu.memory_space<semaphore_mem>>) src(%dma_wait3A_164 : memref<10000x128xf32, #tpu.memory_space<hbm>>) dst(%arg12 : memref<80x128xf32, #tpu.memory_space<vmem>>)
    %dma_start3A_165 = arith.constant 0 : i32
    %dma_start3A_166 = arith.constant 0 : i32
    %dma_start3A_167 = tpu.memref_slice %arg16[%dma_start3A_165, %dma_start3A_166] : memref<10000x128xf32, #tpu.memory_space<vmem_shared>> -> memref<10000x128xf32, #tpu.memory_space<vmem_shared>>
    tpu.enqueue_indirect_dma source(%arg12 : memref<80x128xf32, #tpu.memory_space<vmem>>) target(%dma_start3A_167 : memref<10000x128xf32, #tpu.memory_space<vmem_shared>>) offsets(%arg11 : memref<80xi32, #tpu.memory_space<vmem>>) semaphore(%arg27 : memref<!tpu.dma_semaphore, #tpu.memory_space<semaphore_mem>>) {add = true}
    %dma_wait3A_168 = arith.constant 0 : i32
    %dma_wait3A_169 = arith.constant 0 : i32
    %dma_wait3A_170 = tpu.memref_slice %arg16[%dma_wait3A_168, %dma_wait3A_169] : memref<10000x128xf32, #tpu.memory_space<vmem_shared>> -> memref<10000x128xf32, #tpu.memory_space<vmem_shared>>
    tpu.wait_indirect_dma semaphore(%arg27 : memref<!tpu.dma_semaphore, #tpu.memory_space<semaphore_mem>>) src(%arg12 : memref<80x128xf32, #tpu.memory_space<vmem>>) dst(%dma_wait3A_170 : memref<10000x128xf32, #tpu.memory_space<vmem_shared>>)
    %add3A_171 = arith.constant 9920 : i32
    %add3A_172 = arith.addi %mul3A_82, %add3A_171 : i32
    %add3A_173 = arith.constant 0 : i32
    %add3A_174 = arith.addi %add3A_173, %add3A_172 : i32
    %dma_start3A_175 = tpu.memref_slice %arg3[%add3A_174] : memref<320000xi32, #tpu.memory_space<hbm>> -> memref<80xi32, #tpu.memory_space<hbm>>
    %dma_start3A_176 = tpu.memref_slice %arg3[%add3A_174] : memref<320000xi32, #tpu.memory_space<hbm>> -> memref<80xi32, #tpu.memory_space<hbm>>
    tpu.enqueue_dma source(%dma_start3A_176 : memref<80xi32, #tpu.memory_space<hbm>>) target(%arg10 : memref<80xi32, #tpu.memory_space<vmem>>) target_semaphore(%arg19 : memref<!tpu.dma_semaphore, #tpu.memory_space<semaphore_mem>>)
    %dma_start3A_177 = tpu.memref_slice %arg4[%add3A_172] : memref<320000xi32, #tpu.memory_space<hbm>> -> memref<80xi32, #tpu.memory_space<hbm>>
    %dma_start3A_178 = tpu.memref_slice %arg4[%add3A_172] : memref<320000xi32, #tpu.memory_space<hbm>> -> memref<80xi32, #tpu.memory_space<hbm>>
    tpu.enqueue_dma source(%dma_start3A_178 : memref<80xi32, #tpu.memory_space<hbm>>) target(%arg11 : memref<80xi32, #tpu.memory_space<vmem>>) target_semaphore(%arg20 : memref<!tpu.dma_semaphore, #tpu.memory_space<semaphore_mem>>)
    %dma_wait3A_179 = arith.constant 0 : i32
    %dma_wait3A_180 = tpu.memref_slice %arg3[%dma_wait3A_179] : memref<320000xi32, #tpu.memory_space<hbm>> -> memref<80xi32, #tpu.memory_space<hbm>>
    %dma_wait3A_181 = arith.constant 0 : i32
    %dma_wait3A_182 = tpu.memref_slice %arg3[%dma_wait3A_181] : memref<320000xi32, #tpu.memory_space<hbm>> -> memref<80xi32, #tpu.memory_space<hbm>>
    tpu.wait_dma2 semaphore(%arg17 : memref<!tpu.dma_semaphore, #tpu.memory_space<semaphore_mem>>) src(%dma_wait3A_182 : memref<80xi32, #tpu.memory_space<hbm>>) dst(%arg7 : memref<80xi32, #tpu.memory_space<vmem>>)
    %dma_wait3A_183 = arith.constant 0 : i32
    %dma_wait3A_184 = tpu.memref_slice %arg4[%dma_wait3A_183] : memref<320000xi32, #tpu.memory_space<hbm>> -> memref<80xi32, #tpu.memory_space<hbm>>
    %dma_wait3A_185 = arith.constant 0 : i32
    %dma_wait3A_186 = tpu.memref_slice %arg4[%dma_wait3A_185] : memref<320000xi32, #tpu.memory_space<hbm>> -> memref<80xi32, #tpu.memory_space<hbm>>
    tpu.wait_dma2 semaphore(%arg18 : memref<!tpu.dma_semaphore, #tpu.memory_space<semaphore_mem>>) src(%dma_wait3A_186 : memref<80xi32, #tpu.memory_space<hbm>>) dst(%arg8 : memref<80xi32, #tpu.memory_space<vmem>>)
    %dma_start3A_187 = arith.constant 0 : i32
    %dma_start3A_188 = arith.constant 0 : i32
    %dma_start3A_189 = tpu.memref_slice %arg2[%dma_start3A_187, %dma_start3A_188] : memref<10000x128xf32, #tpu.memory_space<hbm>> -> memref<10000x128xf32, #tpu.memory_space<hbm>>
    tpu.enqueue_indirect_dma source(%dma_start3A_189 : memref<10000x128xf32, #tpu.memory_space<hbm>>) target(%arg9 : memref<80x128xf32, #tpu.memory_space<vmem>>) offsets(%arg7 : memref<80xi32, #tpu.memory_space<vmem>>) semaphore(%arg23 : memref<!tpu.dma_semaphore, #tpu.memory_space<semaphore_mem>>)
    %dma_wait3A_190 = arith.constant 0 : i32
    %dma_wait3A_191 = arith.constant 0 : i32
    %dma_wait3A_192 = tpu.memref_slice %arg2[%dma_wait3A_190, %dma_wait3A_191] : memref<10000x128xf32, #tpu.memory_space<hbm>> -> memref<10000x128xf32, #tpu.memory_space<hbm>>
    tpu.wait_indirect_dma semaphore(%arg25 : memref<!tpu.dma_semaphore, #tpu.memory_space<semaphore_mem>>) src(%dma_wait3A_192 : memref<10000x128xf32, #tpu.memory_space<hbm>>) dst(%arg15 : memref<80x128xf32, #tpu.memory_space<vmem>>)
    %dma_start3A_193 = arith.constant 0 : i32
    %dma_start3A_194 = arith.constant 0 : i32
    %dma_start3A_195 = tpu.memref_slice %arg16[%dma_start3A_193, %dma_start3A_194] : memref<10000x128xf32, #tpu.memory_space<vmem_shared>> -> memref<10000x128xf32, #tpu.memory_space<vmem_shared>>
    tpu.enqueue_indirect_dma source(%arg15 : memref<80x128xf32, #tpu.memory_space<vmem>>) target(%dma_start3A_195 : memref<10000x128xf32, #tpu.memory_space<vmem_shared>>) offsets(%arg14 : memref<80xi32, #tpu.memory_space<vmem>>) semaphore(%arg28 : memref<!tpu.dma_semaphore, #tpu.memory_space<semaphore_mem>>) {add = true}
    %dma_wait3A_196 = arith.constant 0 : i32
    %dma_wait3A_197 = arith.constant 0 : i32
    %dma_wait3A_198 = tpu.memref_slice %arg16[%dma_wait3A_196, %dma_wait3A_197] : memref<10000x128xf32, #tpu.memory_space<vmem_shared>> -> memref<10000x128xf32, #tpu.memory_space<vmem_shared>>
    tpu.wait_indirect_dma semaphore(%arg28 : memref<!tpu.dma_semaphore, #tpu.memory_space<semaphore_mem>>) src(%arg15 : memref<80x128xf32, #tpu.memory_space<vmem>>) dst(%dma_wait3A_198 : memref<10000x128xf32, #tpu.memory_space<vmem_shared>>)
    %dma_wait3A_199 = arith.constant 0 : i32
    %dma_wait3A_200 = tpu.memref_slice %arg3[%dma_wait3A_199] : memref<320000xi32, #tpu.memory_space<hbm>> -> memref<80xi32, #tpu.memory_space<hbm>>
    %dma_wait3A_201 = arith.constant 0 : i32
    %dma_wait3A_202 = tpu.memref_slice %arg3[%dma_wait3A_201] : memref<320000xi32, #tpu.memory_space<hbm>> -> memref<80xi32, #tpu.memory_space<hbm>>
    tpu.wait_dma2 semaphore(%arg19 : memref<!tpu.dma_semaphore, #tpu.memory_space<semaphore_mem>>) src(%dma_wait3A_202 : memref<80xi32, #tpu.memory_space<hbm>>) dst(%arg10 : memref<80xi32, #tpu.memory_space<vmem>>)
    %dma_wait3A_203 = arith.constant 0 : i32
    %dma_wait3A_204 = tpu.memref_slice %arg4[%dma_wait3A_203] : memref<320000xi32, #tpu.memory_space<hbm>> -> memref<80xi32, #tpu.memory_space<hbm>>
    %dma_wait3A_205 = arith.constant 0 : i32
    %dma_wait3A_206 = tpu.memref_slice %arg4[%dma_wait3A_205] : memref<320000xi32, #tpu.memory_space<hbm>> -> memref<80xi32, #tpu.memory_space<hbm>>
    tpu.wait_dma2 semaphore(%arg20 : memref<!tpu.dma_semaphore, #tpu.memory_space<semaphore_mem>>) src(%dma_wait3A_206 : memref<80xi32, #tpu.memory_space<hbm>>) dst(%arg11 : memref<80xi32, #tpu.memory_space<vmem>>)
    %dma_start3A_207 = arith.constant 0 : i32
    %dma_start3A_208 = arith.constant 0 : i32
    %dma_start3A_209 = tpu.memref_slice %arg2[%dma_start3A_207, %dma_start3A_208] : memref<10000x128xf32, #tpu.memory_space<hbm>> -> memref<10000x128xf32, #tpu.memory_space<hbm>>
    tpu.enqueue_indirect_dma source(%dma_start3A_209 : memref<10000x128xf32, #tpu.memory_space<hbm>>) target(%arg12 : memref<80x128xf32, #tpu.memory_space<vmem>>) offsets(%arg10 : memref<80xi32, #tpu.memory_space<vmem>>) semaphore(%arg24 : memref<!tpu.dma_semaphore, #tpu.memory_space<semaphore_mem>>)
    %dma_wait3A_210 = arith.constant 0 : i32
    %dma_wait3A_211 = arith.constant 0 : i32
    %dma_wait3A_212 = tpu.memref_slice %arg2[%dma_wait3A_210, %dma_wait3A_211] : memref<10000x128xf32, #tpu.memory_space<hbm>> -> memref<10000x128xf32, #tpu.memory_space<hbm>>
    tpu.wait_indirect_dma semaphore(%arg23 : memref<!tpu.dma_semaphore, #tpu.memory_space<semaphore_mem>>) src(%dma_wait3A_212 : memref<10000x128xf32, #tpu.memory_space<hbm>>) dst(%arg9 : memref<80x128xf32, #tpu.memory_space<vmem>>)
    %dma_start3A_213 = arith.constant 0 : i32
    %dma_start3A_214 = arith.constant 0 : i32
    %dma_start3A_215 = tpu.memref_slice %arg16[%dma_start3A_213, %dma_start3A_214] : memref<10000x128xf32, #tpu.memory_space<vmem_shared>> -> memref<10000x128xf32, #tpu.memory_space<vmem_shared>>
    tpu.enqueue_indirect_dma source(%arg9 : memref<80x128xf32, #tpu.memory_space<vmem>>) target(%dma_start3A_215 : memref<10000x128xf32, #tpu.memory_space<vmem_shared>>) offsets(%arg8 : memref<80xi32, #tpu.memory_space<vmem>>) semaphore(%arg26 : memref<!tpu.dma_semaphore, #tpu.memory_space<semaphore_mem>>) {add = true}
    %dma_wait3A_216 = arith.constant 0 : i32
    %dma_wait3A_217 = arith.constant 0 : i32
    %dma_wait3A_218 = tpu.memref_slice %arg16[%dma_wait3A_216, %dma_wait3A_217] : memref<10000x128xf32, #tpu.memory_space<vmem_shared>> -> memref<10000x128xf32, #tpu.memory_space<vmem_shared>>
    tpu.wait_indirect_dma semaphore(%arg26 : memref<!tpu.dma_semaphore, #tpu.memory_space<semaphore_mem>>) src(%arg9 : memref<80x128xf32, #tpu.memory_space<vmem>>) dst(%dma_wait3A_218 : memref<10000x128xf32, #tpu.memory_space<vmem_shared>>)
    %dma_wait3A_219 = arith.constant 0 : i32
    %dma_wait3A_220 = arith.constant 0 : i32
    %dma_wait3A_221 = tpu.memref_slice %arg2[%dma_wait3A_219, %dma_wait3A_220] : memref<10000x128xf32, #tpu.memory_space<hbm>> -> memref<10000x128xf32, #tpu.memory_space<hbm>>
    tpu.wait_indirect_dma semaphore(%arg24 : memref<!tpu.dma_semaphore, #tpu.memory_space<semaphore_mem>>) src(%dma_wait3A_221 : memref<10000x128xf32, #tpu.memory_space<hbm>>) dst(%arg12 : memref<80x128xf32, #tpu.memory_space<vmem>>)
    %dma_start3A_222 = arith.constant 0 : i32
    %dma_start3A_223 = arith.constant 0 : i32
    %dma_start3A_224 = tpu.memref_slice %arg16[%dma_start3A_222, %dma_start3A_223] : memref<10000x128xf32, #tpu.memory_space<vmem_shared>> -> memref<10000x128xf32, #tpu.memory_space<vmem_shared>>
    tpu.enqueue_indirect_dma source(%arg12 : memref<80x128xf32, #tpu.memory_space<vmem>>) target(%dma_start3A_224 : memref<10000x128xf32, #tpu.memory_space<vmem_shared>>) offsets(%arg11 : memref<80xi32, #tpu.memory_space<vmem>>) semaphore(%arg27 : memref<!tpu.dma_semaphore, #tpu.memory_space<semaphore_mem>>) {add = true}
    %dma_wait3A_225 = arith.constant 0 : i32
    %dma_wait3A_226 = arith.constant 0 : i32
    %dma_wait3A_227 = tpu.memref_slice %arg16[%dma_wait3A_225, %dma_wait3A_226] : memref<10000x128xf32, #tpu.memory_space<vmem_shared>> -> memref<10000x128xf32, #tpu.memory_space<vmem_shared>>
    tpu.wait_indirect_dma semaphore(%arg27 : memref<!tpu.dma_semaphore, #tpu.memory_space<semaphore_mem>>) src(%arg12 : memref<80x128xf32, #tpu.memory_space<vmem>>) dst(%dma_wait3A_227 : memref<10000x128xf32, #tpu.memory_space<vmem_shared>>)
    %barrier3A_228 = arith.constant 0 : index
    tpu.barrier barrier_id(%barrier3A_228)
    %mul3A_229 = arith.constant 10000 : i32
    %mul3A_230 = arith.muli %arg0, %mul3A_229 : i32
    %add3A_231 = arith.addi %mul3A_230, %mul3A_0 : i32
    %add3A_232 = arith.constant 0 : i32
    %add3A_233 = arith.addi %mul3A_0, %add3A_232 : i32
    %dma_start3A_234 = arith.constant 0 : i32
    %dma_start3A_235 = tpu.memref_slice %arg16[%add3A_233, %dma_start3A_234] : memref<10000x128xf32, #tpu.memory_space<vmem_shared>> -> memref<80x128xf32, #tpu.memory_space<vmem_shared>>
    %dma_start3A_236 = arith.constant 0 : i32
    %dma_start3A_237 = tpu.memref_slice %arg16[%add3A_233, %dma_start3A_236] : memref<10000x128xf32, #tpu.memory_space<vmem_shared>> -> memref<80x128xf32, #tpu.memory_space<vmem_shared>>
    tpu.enqueue_dma source(%dma_start3A_237 : memref<80x128xf32, #tpu.memory_space<vmem_shared>>) target(%arg9 : memref<80x128xf32, #tpu.memory_space<vmem>>) target_semaphore(%arg23 : memref<!tpu.dma_semaphore, #tpu.memory_space<semaphore_mem>>)
    %add3A_238 = arith.constant 80 : i32
    %add3A_239 = arith.addi %mul3A_0, %add3A_238 : i32
    %dma_start3A_240 = arith.constant 0 : i32
    %dma_start3A_241 = tpu.memref_slice %arg16[%add3A_239, %dma_start3A_240] : memref<10000x128xf32, #tpu.memory_space<vmem_shared>> -> memref<80x128xf32, #tpu.memory_space<vmem_shared>>
    %dma_start3A_242 = arith.constant 0 : i32
    %dma_start3A_243 = tpu.memref_slice %arg16[%add3A_239, %dma_start3A_242] : memref<10000x128xf32, #tpu.memory_space<vmem_shared>> -> memref<80x128xf32, #tpu.memory_space<vmem_shared>>
    tpu.enqueue_dma source(%dma_start3A_243 : memref<80x128xf32, #tpu.memory_space<vmem_shared>>) target(%arg12 : memref<80x128xf32, #tpu.memory_space<vmem>>) target_semaphore(%arg24 : memref<!tpu.dma_semaphore, #tpu.memory_space<semaphore_mem>>)
    %dma_wait3A_244 = arith.constant 0 : i32
    %dma_wait3A_245 = tpu.memref_slice %arg16[%mul3A_0, %dma_wait3A_244] : memref<10000x128xf32, #tpu.memory_space<vmem_shared>> -> memref<80x128xf32, #tpu.memory_space<vmem_shared>>
    %dma_wait3A_246 = arith.constant 0 : i32
    %dma_wait3A_247 = tpu.memref_slice %arg16[%mul3A_0, %dma_wait3A_246] : memref<10000x128xf32, #tpu.memory_space<vmem_shared>> -> memref<80x128xf32, #tpu.memory_space<vmem_shared>>
    tpu.wait_dma2 semaphore(%arg23 : memref<!tpu.dma_semaphore, #tpu.memory_space<semaphore_mem>>) src(%dma_wait3A_247 : memref<80x128xf32, #tpu.memory_space<vmem_shared>>) dst(%arg9 : memref<80x128xf32, #tpu.memory_space<vmem>>)
    %add3A_248 = arith.constant 0 : i32
    %add3A_249 = arith.addi %add3A_231, %add3A_248 : i32
    %dma_start3A_250 = arith.constant 0 : i32
    %dma_start3A_251 = tpu.memref_slice %arg6[%add3A_249, %dma_start3A_250] : memref<20000x128xf32, #tpu.memory_space<hbm>> -> memref<80x128xf32, #tpu.memory_space<hbm>>
    %dma_start3A_252 = arith.constant 0 : i32
    %dma_start3A_253 = tpu.memref_slice %arg6[%add3A_249, %dma_start3A_252] : memref<20000x128xf32, #tpu.memory_space<hbm>> -> memref<80x128xf32, #tpu.memory_space<hbm>>
    tpu.enqueue_dma source(%arg9 : memref<80x128xf32, #tpu.memory_space<vmem>>) target(%dma_start3A_253 : memref<80x128xf32, #tpu.memory_space<hbm>>) target_semaphore(%arg26 : memref<!tpu.dma_semaphore, #tpu.memory_space<semaphore_mem>>)
    %add3A_254 = arith.constant 160 : i32
    %add3A_255 = arith.addi %mul3A_0, %add3A_254 : i32
    %dma_start3A_256 = arith.constant 0 : i32
    %dma_start3A_257 = tpu.memref_slice %arg16[%add3A_255, %dma_start3A_256] : memref<10000x128xf32, #tpu.memory_space<vmem_shared>> -> memref<80x128xf32, #tpu.memory_space<vmem_shared>>
    %dma_start3A_258 = arith.constant 0 : i32
    %dma_start3A_259 = tpu.memref_slice %arg16[%add3A_255, %dma_start3A_258] : memref<10000x128xf32, #tpu.memory_space<vmem_shared>> -> memref<80x128xf32, #tpu.memory_space<vmem_shared>>
    tpu.enqueue_dma source(%dma_start3A_259 : memref<80x128xf32, #tpu.memory_space<vmem_shared>>) target(%arg15 : memref<80x128xf32, #tpu.memory_space<vmem>>) target_semaphore(%arg25 : memref<!tpu.dma_semaphore, #tpu.memory_space<semaphore_mem>>)
    %dma_wait3A_260 = arith.constant 0 : i32
    %dma_wait3A_261 = tpu.memref_slice %arg16[%mul3A_0, %dma_wait3A_260] : memref<10000x128xf32, #tpu.memory_space<vmem_shared>> -> memref<80x128xf32, #tpu.memory_space<vmem_shared>>
    %dma_wait3A_262 = arith.constant 0 : i32
    %dma_wait3A_263 = tpu.memref_slice %arg16[%mul3A_0, %dma_wait3A_262] : memref<10000x128xf32, #tpu.memory_space<vmem_shared>> -> memref<80x128xf32, #tpu.memory_space<vmem_shared>>
    tpu.wait_dma2 semaphore(%arg24 : memref<!tpu.dma_semaphore, #tpu.memory_space<semaphore_mem>>) src(%dma_wait3A_263 : memref<80x128xf32, #tpu.memory_space<vmem_shared>>) dst(%arg12 : memref<80x128xf32, #tpu.memory_space<vmem>>)
    %add3A_264 = arith.constant 80 : i32
    %add3A_265 = arith.addi %add3A_231, %add3A_264 : i32
    %dma_start3A_266 = arith.constant 0 : i32
    %dma_start3A_267 = tpu.memref_slice %arg6[%add3A_265, %dma_start3A_266] : memref<20000x128xf32, #tpu.memory_space<hbm>> -> memref<80x128xf32, #tpu.memory_space<hbm>>
    %dma_start3A_268 = arith.constant 0 : i32
    %dma_start3A_269 = tpu.memref_slice %arg6[%add3A_265, %dma_start3A_268] : memref<20000x128xf32, #tpu.memory_space<hbm>> -> memref<80x128xf32, #tpu.memory_space<hbm>>
    tpu.enqueue_dma source(%arg12 : memref<80x128xf32, #tpu.memory_space<vmem>>) target(%dma_start3A_269 : memref<80x128xf32, #tpu.memory_space<hbm>>) target_semaphore(%arg27 : memref<!tpu.dma_semaphore, #tpu.memory_space<semaphore_mem>>)
    %dma_wait3A_270 = arith.constant 0 : i32
    %dma_wait3A_271 = tpu.memref_slice %arg6[%add3A_231, %dma_wait3A_270] : memref<20000x128xf32, #tpu.memory_space<hbm>> -> memref<80x128xf32, #tpu.memory_space<hbm>>
    %dma_wait3A_272 = arith.constant 0 : i32
    %dma_wait3A_273 = tpu.memref_slice %arg6[%add3A_231, %dma_wait3A_272] : memref<20000x128xf32, #tpu.memory_space<hbm>> -> memref<80x128xf32, #tpu.memory_space<hbm>>
    tpu.wait_dma2 semaphore(%arg26 : memref<!tpu.dma_semaphore, #tpu.memory_space<semaphore_mem>>) src(%arg9 : memref<80x128xf32, #tpu.memory_space<vmem>>) dst(%dma_wait3A_273 : memref<80x128xf32, #tpu.memory_space<hbm>>)
    %add3A_274 = arith.constant 240 : i32
    %add3A_275 = arith.addi %mul3A_0, %add3A_274 : i32
    %dma_start3A_276 = arith.constant 0 : i32
    %dma_start3A_277 = tpu.memref_slice %arg16[%add3A_275, %dma_start3A_276] : memref<10000x128xf32, #tpu.memory_space<vmem_shared>> -> memref<80x128xf32, #tpu.memory_space<vmem_shared>>
    %dma_start3A_278 = arith.constant 0 : i32
    %dma_start3A_279 = tpu.memref_slice %arg16[%add3A_275, %dma_start3A_278] : memref<10000x128xf32, #tpu.memory_space<vmem_shared>> -> memref<80x128xf32, #tpu.memory_space<vmem_shared>>
    tpu.enqueue_dma source(%dma_start3A_279 : memref<80x128xf32, #tpu.memory_space<vmem_shared>>) target(%arg9 : memref<80x128xf32, #tpu.memory_space<vmem>>) target_semaphore(%arg23 : memref<!tpu.dma_semaphore, #tpu.memory_space<semaphore_mem>>)
    %dma_wait3A_280 = arith.constant 0 : i32
    %dma_wait3A_281 = tpu.memref_slice %arg16[%mul3A_0, %dma_wait3A_280] : memref<10000x128xf32, #tpu.memory_space<vmem_shared>> -> memref<80x128xf32, #tpu.memory_space<vmem_shared>>
    %dma_wait3A_282 = arith.constant 0 : i32
    %dma_wait3A_283 = tpu.memref_slice %arg16[%mul3A_0, %dma_wait3A_282] : memref<10000x128xf32, #tpu.memory_space<vmem_shared>> -> memref<80x128xf32, #tpu.memory_space<vmem_shared>>
    tpu.wait_dma2 semaphore(%arg25 : memref<!tpu.dma_semaphore, #tpu.memory_space<semaphore_mem>>) src(%dma_wait3A_283 : memref<80x128xf32, #tpu.memory_space<vmem_shared>>) dst(%arg15 : memref<80x128xf32, #tpu.memory_space<vmem>>)
    %add3A_284 = arith.constant 160 : i32
    %add3A_285 = arith.addi %add3A_231, %add3A_284 : i32
    %dma_start3A_286 = arith.constant 0 : i32
    %dma_start3A_287 = tpu.memref_slice %arg6[%add3A_285, %dma_start3A_286] : memref<20000x128xf32, #tpu.memory_space<hbm>> -> memref<80x128xf32, #tpu.memory_space<hbm>>
    %dma_start3A_288 = arith.constant 0 : i32
    %dma_start3A_289 = tpu.memref_slice %arg6[%add3A_285, %dma_start3A_288] : memref<20000x128xf32, #tpu.memory_space<hbm>> -> memref<80x128xf32, #tpu.memory_space<hbm>>
    tpu.enqueue_dma source(%arg15 : memref<80x128xf32, #tpu.memory_space<vmem>>) target(%dma_start3A_289 : memref<80x128xf32, #tpu.memory_space<hbm>>) target_semaphore(%arg28 : memref<!tpu.dma_semaphore, #tpu.memory_space<semaphore_mem>>)
    %dma_wait3A_290 = arith.constant 0 : i32
    %dma_wait3A_291 = tpu.memref_slice %arg6[%add3A_231, %dma_wait3A_290] : memref<20000x128xf32, #tpu.memory_space<hbm>> -> memref<80x128xf32, #tpu.memory_space<hbm>>
    %dma_wait3A_292 = arith.constant 0 : i32
    %dma_wait3A_293 = tpu.memref_slice %arg6[%add3A_231, %dma_wait3A_292] : memref<20000x128xf32, #tpu.memory_space<hbm>> -> memref<80x128xf32, #tpu.memory_space<hbm>>
    tpu.wait_dma2 semaphore(%arg27 : memref<!tpu.dma_semaphore, #tpu.memory_space<semaphore_mem>>) src(%arg12 : memref<80x128xf32, #tpu.memory_space<vmem>>) dst(%dma_wait3A_293 : memref<80x128xf32, #tpu.memory_space<hbm>>)
    %add3A_294 = arith.constant 320 : i32
    %add3A_295 = arith.addi %mul3A_0, %add3A_294 : i32
    %dma_start3A_296 = arith.constant 0 : i32
    %dma_start3A_297 = tpu.memref_slice %arg16[%add3A_295, %dma_start3A_296] : memref<10000x128xf32, #tpu.memory_space<vmem_shared>> -> memref<80x128xf32, #tpu.memory_space<vmem_shared>>
    %dma_start3A_298 = arith.constant 0 : i32
    %dma_start3A_299 = tpu.memref_slice %arg16[%add3A_295, %dma_start3A_298] : memref<10000x128xf32, #tpu.memory_space<vmem_shared>> -> memref<80x128xf32, #tpu.memory_space<vmem_shared>>
    tpu.enqueue_dma source(%dma_start3A_299 : memref<80x128xf32, #tpu.memory_space<vmem_shared>>) target(%arg12 : memref<80x128xf32, #tpu.memory_space<vmem>>) target_semaphore(%arg24 : memref<!tpu.dma_semaphore, #tpu.memory_space<semaphore_mem>>)
    %dma_wait3A_300 = arith.constant 0 : i32
    %dma_wait3A_301 = tpu.memref_slice %arg16[%mul3A_0, %dma_wait3A_300] : memref<10000x128xf32, #tpu.memory_space<vmem_shared>> -> memref<80x128xf32, #tpu.memory_space<vmem_shared>>
    %dma_wait3A_302 = arith.constant 0 : i32
    %dma_wait3A_303 = tpu.memref_slice %arg16[%mul3A_0, %dma_wait3A_302] : memref<10000x128xf32, #tpu.memory_space<vmem_shared>> -> memref<80x128xf32, #tpu.memory_space<vmem_shared>>
    tpu.wait_dma2 semaphore(%arg23 : memref<!tpu.dma_semaphore, #tpu.memory_space<semaphore_mem>>) src(%dma_wait3A_303 : memref<80x128xf32, #tpu.memory_space<vmem_shared>>) dst(%arg9 : memref<80x128xf32, #tpu.memory_space<vmem>>)
    %add3A_304 = arith.constant 240 : i32
    %add3A_305 = arith.addi %add3A_231, %add3A_304 : i32
    %dma_start3A_306 = arith.constant 0 : i32
    %dma_start3A_307 = tpu.memref_slice %arg6[%add3A_305, %dma_start3A_306] : memref<20000x128xf32, #tpu.memory_space<hbm>> -> memref<80x128xf32, #tpu.memory_space<hbm>>
    %dma_start3A_308 = arith.constant 0 : i32
    %dma_start3A_309 = tpu.memref_slice %arg6[%add3A_305, %dma_start3A_308] : memref<20000x128xf32, #tpu.memory_space<hbm>> -> memref<80x128xf32, #tpu.memory_space<hbm>>
    tpu.enqueue_dma source(%arg9 : memref<80x128xf32, #tpu.memory_space<vmem>>) target(%dma_start3A_309 : memref<80x128xf32, #tpu.memory_space<hbm>>) target_semaphore(%arg26 : memref<!tpu.dma_semaphore, #tpu.memory_space<semaphore_mem>>)
    %dma_wait3A_310 = arith.constant 0 : i32
    %dma_wait3A_311 = tpu.memref_slice %arg6[%add3A_231, %dma_wait3A_310] : memref<20000x128xf32, #tpu.memory_space<hbm>> -> memref<80x128xf32, #tpu.memory_space<hbm>>
    %dma_wait3A_312 = arith.constant 0 : i32
    %dma_wait3A_313 = tpu.memref_slice %arg6[%add3A_231, %dma_wait3A_312] : memref<20000x128xf32, #tpu.memory_space<hbm>> -> memref<80x128xf32, #tpu.memory_space<hbm>>
    tpu.wait_dma2 semaphore(%arg28 : memref<!tpu.dma_semaphore, #tpu.memory_space<semaphore_mem>>) src(%arg15 : memref<80x128xf32, #tpu.memory_space<vmem>>) dst(%dma_wait3A_313 : memref<80x128xf32, #tpu.memory_space<hbm>>)
    %add3A_314 = arith.constant 400 : i32
    %add3A_315 = arith.addi %mul3A_0, %add3A_314 : i32
    %dma_start3A_316 = arith.constant 0 : i32
    %dma_start3A_317 = tpu.memref_slice %arg16[%add3A_315, %dma_start3A_316] : memref<10000x128xf32, #tpu.memory_space<vmem_shared>> -> memref<80x128xf32, #tpu.memory_space<vmem_shared>>
    %dma_start3A_318 = arith.constant 0 : i32
    %dma_start3A_319 = tpu.memref_slice %arg16[%add3A_315, %dma_start3A_318] : memref<10000x128xf32, #tpu.memory_space<vmem_shared>> -> memref<80x128xf32, #tpu.memory_space<vmem_shared>>
    tpu.enqueue_dma source(%dma_start3A_319 : memref<80x128xf32, #tpu.memory_space<vmem_shared>>) target(%arg15 : memref<80x128xf32, #tpu.memory_space<vmem>>) target_semaphore(%arg25 : memref<!tpu.dma_semaphore, #tpu.memory_space<semaphore_mem>>)
    %dma_wait3A_320 = arith.constant 0 : i32
    %dma_wait3A_321 = tpu.memref_slice %arg16[%mul3A_0, %dma_wait3A_320] : memref<10000x128xf32, #tpu.memory_space<vmem_shared>> -> memref<80x128xf32, #tpu.memory_space<vmem_shared>>
    %dma_wait3A_322 = arith.constant 0 : i32
    %dma_wait3A_323 = tpu.memref_slice %arg16[%mul3A_0, %dma_wait3A_322] : memref<10000x128xf32, #tpu.memory_space<vmem_shared>> -> memref<80x128xf32, #tpu.memory_space<vmem_shared>>
    tpu.wait_dma2 semaphore(%arg24 : memref<!tpu.dma_semaphore, #tpu.memory_space<semaphore_mem>>) src(%dma_wait3A_323 : memref<80x128xf32, #tpu.memory_space<vmem_shared>>) dst(%arg12 : memref<80x128xf32, #tpu.memory_space<vmem>>)
    %add3A_324 = arith.constant 320 : i32
    %add3A_325 = arith.addi %add3A_231, %add3A_324 : i32
    %dma_start3A_326 = arith.constant 0 : i32
    %dma_start3A_327 = tpu.memref_slice %arg6[%add3A_325, %dma_start3A_326] : memref<20000x128xf32, #tpu.memory_space<hbm>> -> memref<80x128xf32, #tpu.memory_space<hbm>>
    %dma_start3A_328 = arith.constant 0 : i32
    %dma_start3A_329 = tpu.memref_slice %arg6[%add3A_325, %dma_start3A_328] : memref<20000x128xf32, #tpu.memory_space<hbm>> -> memref<80x128xf32, #tpu.memory_space<hbm>>
    tpu.enqueue_dma source(%arg12 : memref<80x128xf32, #tpu.memory_space<vmem>>) target(%dma_start3A_329 : memref<80x128xf32, #tpu.memory_space<hbm>>) target_semaphore(%arg27 : memref<!tpu.dma_semaphore, #tpu.memory_space<semaphore_mem>>)
    %dma_wait3A_330 = arith.constant 0 : i32
    %dma_wait3A_331 = tpu.memref_slice %arg6[%add3A_231, %dma_wait3A_330] : memref<20000x128xf32, #tpu.memory_space<hbm>> -> memref<80x128xf32, #tpu.memory_space<hbm>>
    %dma_wait3A_332 = arith.constant 0 : i32
    %dma_wait3A_333 = tpu.memref_slice %arg6[%add3A_231, %dma_wait3A_332] : memref<20000x128xf32, #tpu.memory_space<hbm>> -> memref<80x128xf32, #tpu.memory_space<hbm>>
    tpu.wait_dma2 semaphore(%arg26 : memref<!tpu.dma_semaphore, #tpu.memory_space<semaphore_mem>>) src(%arg9 : memref<80x128xf32, #tpu.memory_space<vmem>>) dst(%dma_wait3A_333 : memref<80x128xf32, #tpu.memory_space<hbm>>)
    %add3A_334 = arith.constant 480 : i32
    %add3A_335 = arith.addi %mul3A_0, %add3A_334 : i32
    %dma_start3A_336 = arith.constant 0 : i32
    %dma_start3A_337 = tpu.memref_slice %arg16[%add3A_335, %dma_start3A_336] : memref<10000x128xf32, #tpu.memory_space<vmem_shared>> -> memref<80x128xf32, #tpu.memory_space<vmem_shared>>
    %dma_start3A_338 = arith.constant 0 : i32
    %dma_start3A_339 = tpu.memref_slice %arg16[%add3A_335, %dma_start3A_338] : memref<10000x128xf32, #tpu.memory_space<vmem_shared>> -> memref<80x128xf32, #tpu.memory_space<vmem_shared>>
    tpu.enqueue_dma source(%dma_start3A_339 : memref<80x128xf32, #tpu.memory_space<vmem_shared>>) target(%arg9 : memref<80x128xf32, #tpu.memory_space<vmem>>) target_semaphore(%arg23 : memref<!tpu.dma_semaphore, #tpu.memory_space<semaphore_mem>>)
    %dma_wait3A_340 = arith.constant 0 : i32
    %dma_wait3A_341 = tpu.memref_slice %arg16[%mul3A_0, %dma_wait3A_340] : memref<10000x128xf32, #tpu.memory_space<vmem_shared>> -> memref<80x128xf32, #tpu.memory_space<vmem_shared>>
    %dma_wait3A_342 = arith.constant 0 : i32
    %dma_wait3A_343 = tpu.memref_slice %arg16[%mul3A_0, %dma_wait3A_342] : memref<10000x128xf32, #tpu.memory_space<vmem_shared>> -> memref<80x128xf32, #tpu.memory_space<vmem_shared>>
    tpu.wait_dma2 semaphore(%arg25 : memref<!tpu.dma_semaphore, #tpu.memory_space<semaphore_mem>>) src(%dma_wait3A_343 : memref<80x128xf32, #tpu.memory_space<vmem_shared>>) dst(%arg15 : memref<80x128xf32, #tpu.memory_space<vmem>>)
    %add3A_344 = arith.constant 400 : i32
    %add3A_345 = arith.addi %add3A_231, %add3A_344 : i32
    %dma_start3A_346 = arith.constant 0 : i32
    %dma_start3A_347 = tpu.memref_slice %arg6[%add3A_345, %dma_start3A_346] : memref<20000x128xf32, #tpu.memory_space<hbm>> -> memref<80x128xf32, #tpu.memory_space<hbm>>
    %dma_start3A_348 = arith.constant 0 : i32
    %dma_start3A_349 = tpu.memref_slice %arg6[%add3A_345, %dma_start3A_348] : memref<20000x128xf32, #tpu.memory_space<hbm>> -> memref<80x128xf32, #tpu.memory_space<hbm>>
    tpu.enqueue_dma source(%arg15 : memref<80x128xf32, #tpu.memory_space<vmem>>) target(%dma_start3A_349 : memref<80x128xf32, #tpu.memory_space<hbm>>) target_semaphore(%arg28 : memref<!tpu.dma_semaphore, #tpu.memory_space<semaphore_mem>>)
    %dma_wait3A_350 = arith.constant 0 : i32
    %dma_wait3A_351 = tpu.memref_slice %arg6[%add3A_231, %dma_wait3A_350] : memref<20000x128xf32, #tpu.memory_space<hbm>> -> memref<80x128xf32, #tpu.memory_space<hbm>>
    %dma_wait3A_352 = arith.constant 0 : i32
    %dma_wait3A_353 = tpu.memref_slice %arg6[%add3A_231, %dma_wait3A_352] : memref<20000x128xf32, #tpu.memory_space<hbm>> -> memref<80x128xf32, #tpu.memory_space<hbm>>
    tpu.wait_dma2 semaphore(%arg27 : memref<!tpu.dma_semaphore, #tpu.memory_space<semaphore_mem>>) src(%arg12 : memref<80x128xf32, #tpu.memory_space<vmem>>) dst(%dma_wait3A_353 : memref<80x128xf32, #tpu.memory_space<hbm>>)
    %add3A_354 = arith.constant 560 : i32
    %add3A_355 = arith.addi %mul3A_0, %add3A_354 : i32
    %dma_start3A_356 = arith.constant 0 : i32
    %dma_start3A_357 = tpu.memref_slice %arg16[%add3A_355, %dma_start3A_356] : memref<10000x128xf32, #tpu.memory_space<vmem_shared>> -> memref<80x128xf32, #tpu.memory_space<vmem_shared>>
    %dma_start3A_358 = arith.constant 0 : i32
    %dma_start3A_359 = tpu.memref_slice %arg16[%add3A_355, %dma_start3A_358] : memref<10000x128xf32, #tpu.memory_space<vmem_shared>> -> memref<80x128xf32, #tpu.memory_space<vmem_shared>>
    tpu.enqueue_dma source(%dma_start3A_359 : memref<80x128xf32, #tpu.memory_space<vmem_shared>>) target(%arg12 : memref<80x128xf32, #tpu.memory_space<vmem>>) target_semaphore(%arg24 : memref<!tpu.dma_semaphore, #tpu.memory_space<semaphore_mem>>)
    %dma_wait3A_360 = arith.constant 0 : i32
    %dma_wait3A_361 = tpu.memref_slice %arg16[%mul3A_0, %dma_wait3A_360] : memref<10000x128xf32, #tpu.memory_space<vmem_shared>> -> memref<80x128xf32, #tpu.memory_space<vmem_shared>>
    %dma_wait3A_362 = arith.constant 0 : i32
    %dma_wait3A_363 = tpu.memref_slice %arg16[%mul3A_0, %dma_wait3A_362] : memref<10000x128xf32, #tpu.memory_space<vmem_shared>> -> memref<80x128xf32, #tpu.memory_space<vmem_shared>>
    tpu.wait_dma2 semaphore(%arg23 : memref<!tpu.dma_semaphore, #tpu.memory_space<semaphore_mem>>) src(%dma_wait3A_363 : memref<80x128xf32, #tpu.memory_space<vmem_shared>>) dst(%arg9 : memref<80x128xf32, #tpu.memory_space<vmem>>)
    %add3A_364 = arith.constant 480 : i32
    %add3A_365 = arith.addi %add3A_231, %add3A_364 : i32
    %dma_start3A_366 = arith.constant 0 : i32
    %dma_start3A_367 = tpu.memref_slice %arg6[%add3A_365, %dma_start3A_366] : memref<20000x128xf32, #tpu.memory_space<hbm>> -> memref<80x128xf32, #tpu.memory_space<hbm>>
    %dma_start3A_368 = arith.constant 0 : i32
    %dma_start3A_369 = tpu.memref_slice %arg6[%add3A_365, %dma_start3A_368] : memref<20000x128xf32, #tpu.memory_space<hbm>> -> memref<80x128xf32, #tpu.memory_space<hbm>>
    tpu.enqueue_dma source(%arg9 : memref<80x128xf32, #tpu.memory_space<vmem>>) target(%dma_start3A_369 : memref<80x128xf32, #tpu.memory_space<hbm>>) target_semaphore(%arg26 : memref<!tpu.dma_semaphore, #tpu.memory_space<semaphore_mem>>)
    %dma_wait3A_370 = arith.constant 0 : i32
    %dma_wait3A_371 = tpu.memref_slice %arg16[%mul3A_0, %dma_wait3A_370] : memref<10000x128xf32, #tpu.memory_space<vmem_shared>> -> memref<80x128xf32, #tpu.memory_space<vmem_shared>>
    %dma_wait3A_372 = arith.constant 0 : i32
    %dma_wait3A_373 = tpu.memref_slice %arg16[%mul3A_0, %dma_wait3A_372] : memref<10000x128xf32, #tpu.memory_space<vmem_shared>> -> memref<80x128xf32, #tpu.memory_space<vmem_shared>>
    tpu.wait_dma2 semaphore(%arg24 : memref<!tpu.dma_semaphore, #tpu.memory_space<semaphore_mem>>) src(%dma_wait3A_373 : memref<80x128xf32, #tpu.memory_space<vmem_shared>>) dst(%arg12 : memref<80x128xf32, #tpu.memory_space<vmem>>)
    %add3A_374 = arith.constant 560 : i32
    %add3A_375 = arith.addi %add3A_231, %add3A_374 : i32
    %dma_start3A_376 = arith.constant 0 : i32
    %dma_start3A_377 = tpu.memref_slice %arg6[%add3A_375, %dma_start3A_376] : memref<20000x128xf32, #tpu.memory_space<hbm>> -> memref<80x128xf32, #tpu.memory_space<hbm>>
    %dma_start3A_378 = arith.constant 0 : i32
    %dma_start3A_379 = tpu.memref_slice %arg6[%add3A_375, %dma_start3A_378] : memref<20000x128xf32, #tpu.memory_space<hbm>> -> memref<80x128xf32, #tpu.memory_space<hbm>>
    tpu.enqueue_dma source(%arg12 : memref<80x128xf32, #tpu.memory_space<vmem>>) target(%dma_start3A_379 : memref<80x128xf32, #tpu.memory_space<hbm>>) target_semaphore(%arg27 : memref<!tpu.dma_semaphore, #tpu.memory_space<semaphore_mem>>)
    %dma_wait3A_380 = arith.constant 0 : i32
    %dma_wait3A_381 = tpu.memref_slice %arg6[%add3A_231, %dma_wait3A_380] : memref<20000x128xf32, #tpu.memory_space<hbm>> -> memref<80x128xf32, #tpu.memory_space<hbm>>
    %dma_wait3A_382 = arith.constant 0 : i32
    %dma_wait3A_383 = tpu.memref_slice %arg6[%add3A_231, %dma_wait3A_382] : memref<20000x128xf32, #tpu.memory_space<hbm>> -> memref<80x128xf32, #tpu.memory_space<hbm>>
    tpu.wait_dma2 semaphore(%arg28 : memref<!tpu.dma_semaphore, #tpu.memory_space<semaphore_mem>>) src(%arg15 : memref<80x128xf32, #tpu.memory_space<vmem>>) dst(%dma_wait3A_383 : memref<80x128xf32, #tpu.memory_space<hbm>>)
    %dma_wait3A_384 = arith.constant 0 : i32
    %dma_wait3A_385 = tpu.memref_slice %arg6[%add3A_231, %dma_wait3A_384] : memref<20000x128xf32, #tpu.memory_space<hbm>> -> memref<80x128xf32, #tpu.memory_space<hbm>>
    %dma_wait3A_386 = arith.constant 0 : i32
    %dma_wait3A_387 = tpu.memref_slice %arg6[%add3A_231, %dma_wait3A_386] : memref<20000x128xf32, #tpu.memory_space<hbm>> -> memref<80x128xf32, #tpu.memory_space<hbm>>
    tpu.wait_dma2 semaphore(%arg26 : memref<!tpu.dma_semaphore, #tpu.memory_space<semaphore_mem>>) src(%arg9 : memref<80x128xf32, #tpu.memory_space<vmem>>) dst(%dma_wait3A_387 : memref<80x128xf32, #tpu.memory_space<hbm>>)
    %dma_wait3A_388 = arith.constant 0 : i32
    %dma_wait3A_389 = tpu.memref_slice %arg6[%add3A_231, %dma_wait3A_388] : memref<20000x128xf32, #tpu.memory_space<hbm>> -> memref<80x128xf32, #tpu.memory_space<hbm>>
    %dma_wait3A_390 = arith.constant 0 : i32
    %dma_wait3A_391 = tpu.memref_slice %arg6[%add3A_231, %dma_wait3A_390] : memref<20000x128xf32, #tpu.memory_space<hbm>> -> memref<80x128xf32, #tpu.memory_space<hbm>>
    tpu.wait_dma2 semaphore(%arg27 : memref<!tpu.dma_semaphore, #tpu.memory_space<semaphore_mem>>) src(%arg12 : memref<80x128xf32, #tpu.memory_space<vmem>>) dst(%dma_wait3A_391 : memref<80x128xf32, #tpu.memory_space<hbm>>)
    return
  }
}

#map = affine_map<(d0, d1) -> (0, 0)>
#map1 = affine_map<(d0, d1) -> (0)>
module attributes {stable_mosaic.version = 14 : i64} {
  func.func @_agg1(%arg0: i32, %arg1: i32, %arg2: memref<20000x128xf32, #tpu.memory_space<hbm>>, %arg3: memref<640000xi32, #tpu.memory_space<hbm>>, %arg4: memref<320000xi32, #tpu.memory_space<hbm>>, %arg5: memref<80x128xf32, #tpu.memory_space<hbm>>, %arg6: memref<20000x128xf32, #tpu.memory_space<hbm>>, %arg7: memref<80xi32, #tpu.memory_space<vmem>>, %arg8: memref<80xi32, #tpu.memory_space<vmem>>, %arg9: memref<80x128xf32, #tpu.memory_space<vmem>>, %arg10: memref<80xi32, #tpu.memory_space<vmem>>, %arg11: memref<80xi32, #tpu.memory_space<vmem>>, %arg12: memref<80x128xf32, #tpu.memory_space<vmem>>, %arg13: memref<80xi32, #tpu.memory_space<vmem>>, %arg14: memref<80xi32, #tpu.memory_space<vmem>>, %arg15: memref<80x128xf32, #tpu.memory_space<vmem>>, %arg16: memref<10000x128xf32, #tpu.memory_space<vmem_shared>>, %arg17: memref<!tpu.dma_semaphore, #tpu.memory_space<semaphore_mem>>, %arg18: memref<!tpu.dma_semaphore, #tpu.memory_space<semaphore_mem>>, %arg19: memref<!tpu.dma_semaphore, #tpu.memory_space<semaphore_mem>>, %arg20: memref<!tpu.dma_semaphore, #tpu.memory_space<semaphore_mem>>, %arg21: memref<!tpu.dma_semaphore, #tpu.memory_space<semaphore_mem>>, %arg22: memref<!tpu.dma_semaphore, #tpu.memory_space<semaphore_mem>>, %arg23: memref<!tpu.dma_semaphore, #tpu.memory_space<semaphore_mem>>, %arg24: memref<!tpu.dma_semaphore, #tpu.memory_space<semaphore_mem>>, %arg25: memref<!tpu.dma_semaphore, #tpu.memory_space<semaphore_mem>>, %arg26: memref<!tpu.dma_semaphore, #tpu.memory_space<semaphore_mem>>, %arg27: memref<!tpu.dma_semaphore, #tpu.memory_space<semaphore_mem>>, %arg28: memref<!tpu.dma_semaphore, #tpu.memory_space<semaphore_mem>>) attributes {dimension_semantics = [#tpu.dimension_semantics<core_parallel>, #tpu.dimension_semantics<subcore_parallel>], iteration_bounds = array<i64: 2, 16>, scalar_prefetch = 0 : i64, scratch_operands = 22 : i64, tpu.core_type = #tpu.core_type<sc_vector_subcore>, window_params = [{transform_indices = #map}, {transform_indices = #map1}, {transform_indices = #map1}, {transform_indices = #map}, {transform_indices = #map}]} {
    %mul3A = arith.constant 624 : i32
    %mul3A_0 = arith.muli %arg1, %mul3A : i32
    "tpu.region"() ({
      %run_scoped3A = tpu.sem_alloc : memref<!tpu.dma_semaphore, #tpu.memory_space<semaphore_mem>>
      tpu.enqueue_dma source(%arg5 : memref<80x128xf32, #tpu.memory_space<hbm>>) target(%arg9 : memref<80x128xf32, #tpu.memory_space<vmem>>) target_semaphore(%run_scoped3A : memref<!tpu.dma_semaphore, #tpu.memory_space<semaphore_mem>>)
      tpu.wait_dma2 semaphore(%run_scoped3A : memref<!tpu.dma_semaphore, #tpu.memory_space<semaphore_mem>>) src(%arg5 : memref<80x128xf32, #tpu.memory_space<hbm>>) dst(%arg9 : memref<80x128xf32, #tpu.memory_space<vmem>>)
      tpu.yield
    }) : () -> ()
    %add3A = arith.constant 0 : i32
    %add3A_1 = arith.addi %mul3A_0, %add3A : i32
    %dma_start3A = arith.constant 0 : i32
    %dma_start3A_2 = tpu.memref_slice %arg16[%add3A_1, %dma_start3A] : memref<10000x128xf32, #tpu.memory_space<vmem_shared>> -> memref<80x128xf32, #tpu.memory_space<vmem_shared>>
    %dma_start3A_3 = arith.constant 0 : i32
    %dma_start3A_4 = tpu.memref_slice %arg16[%add3A_1, %dma_start3A_3] : memref<10000x128xf32, #tpu.memory_space<vmem_shared>> -> memref<80x128xf32, #tpu.memory_space<vmem_shared>>
    tpu.enqueue_dma source(%arg9 : memref<80x128xf32, #tpu.memory_space<vmem>>) target(%dma_start3A_4 : memref<80x128xf32, #tpu.memory_space<vmem_shared>>) target_semaphore(%arg23 : memref<!tpu.dma_semaphore, #tpu.memory_space<semaphore_mem>>)
    %add3A_5 = arith.constant 80 : i32
    %add3A_6 = arith.addi %mul3A_0, %add3A_5 : i32
    %dma_start3A_7 = arith.constant 0 : i32
    %dma_start3A_8 = tpu.memref_slice %arg16[%add3A_6, %dma_start3A_7] : memref<10000x128xf32, #tpu.memory_space<vmem_shared>> -> memref<80x128xf32, #tpu.memory_space<vmem_shared>>
    %dma_start3A_9 = arith.constant 0 : i32
    %dma_start3A_10 = tpu.memref_slice %arg16[%add3A_6, %dma_start3A_9] : memref<10000x128xf32, #tpu.memory_space<vmem_shared>> -> memref<80x128xf32, #tpu.memory_space<vmem_shared>>
    tpu.enqueue_dma source(%arg9 : memref<80x128xf32, #tpu.memory_space<vmem>>) target(%dma_start3A_10 : memref<80x128xf32, #tpu.memory_space<vmem_shared>>) target_semaphore(%arg23 : memref<!tpu.dma_semaphore, #tpu.memory_space<semaphore_mem>>)
    %add3A_11 = arith.constant 160 : i32
    %add3A_12 = arith.addi %mul3A_0, %add3A_11 : i32
    %dma_start3A_13 = arith.constant 0 : i32
    %dma_start3A_14 = tpu.memref_slice %arg16[%add3A_12, %dma_start3A_13] : memref<10000x128xf32, #tpu.memory_space<vmem_shared>> -> memref<80x128xf32, #tpu.memory_space<vmem_shared>>
    %dma_start3A_15 = arith.constant 0 : i32
    %dma_start3A_16 = tpu.memref_slice %arg16[%add3A_12, %dma_start3A_15] : memref<10000x128xf32, #tpu.memory_space<vmem_shared>> -> memref<80x128xf32, #tpu.memory_space<vmem_shared>>
    tpu.enqueue_dma source(%arg9 : memref<80x128xf32, #tpu.memory_space<vmem>>) target(%dma_start3A_16 : memref<80x128xf32, #tpu.memory_space<vmem_shared>>) target_semaphore(%arg23 : memref<!tpu.dma_semaphore, #tpu.memory_space<semaphore_mem>>)
    %add3A_17 = arith.constant 240 : i32
    %add3A_18 = arith.addi %mul3A_0, %add3A_17 : i32
    %dma_start3A_19 = arith.constant 0 : i32
    %dma_start3A_20 = tpu.memref_slice %arg16[%add3A_18, %dma_start3A_19] : memref<10000x128xf32, #tpu.memory_space<vmem_shared>> -> memref<80x128xf32, #tpu.memory_space<vmem_shared>>
    %dma_start3A_21 = arith.constant 0 : i32
    %dma_start3A_22 = tpu.memref_slice %arg16[%add3A_18, %dma_start3A_21] : memref<10000x128xf32, #tpu.memory_space<vmem_shared>> -> memref<80x128xf32, #tpu.memory_space<vmem_shared>>
    tpu.enqueue_dma source(%arg9 : memref<80x128xf32, #tpu.memory_space<vmem>>) target(%dma_start3A_22 : memref<80x128xf32, #tpu.memory_space<vmem_shared>>) target_semaphore(%arg23 : memref<!tpu.dma_semaphore, #tpu.memory_space<semaphore_mem>>)
    %add3A_23 = arith.constant 320 : i32
    %add3A_24 = arith.addi %mul3A_0, %add3A_23 : i32
    %dma_start3A_25 = arith.constant 0 : i32
    %dma_start3A_26 = tpu.memref_slice %arg16[%add3A_24, %dma_start3A_25] : memref<10000x128xf32, #tpu.memory_space<vmem_shared>> -> memref<80x128xf32, #tpu.memory_space<vmem_shared>>
    %dma_start3A_27 = arith.constant 0 : i32
    %dma_start3A_28 = tpu.memref_slice %arg16[%add3A_24, %dma_start3A_27] : memref<10000x128xf32, #tpu.memory_space<vmem_shared>> -> memref<80x128xf32, #tpu.memory_space<vmem_shared>>
    tpu.enqueue_dma source(%arg9 : memref<80x128xf32, #tpu.memory_space<vmem>>) target(%dma_start3A_28 : memref<80x128xf32, #tpu.memory_space<vmem_shared>>) target_semaphore(%arg23 : memref<!tpu.dma_semaphore, #tpu.memory_space<semaphore_mem>>)
    %add3A_29 = arith.constant 400 : i32
    %add3A_30 = arith.addi %mul3A_0, %add3A_29 : i32
    %dma_start3A_31 = arith.constant 0 : i32
    %dma_start3A_32 = tpu.memref_slice %arg16[%add3A_30, %dma_start3A_31] : memref<10000x128xf32, #tpu.memory_space<vmem_shared>> -> memref<80x128xf32, #tpu.memory_space<vmem_shared>>
    %dma_start3A_33 = arith.constant 0 : i32
    %dma_start3A_34 = tpu.memref_slice %arg16[%add3A_30, %dma_start3A_33] : memref<10000x128xf32, #tpu.memory_space<vmem_shared>> -> memref<80x128xf32, #tpu.memory_space<vmem_shared>>
    tpu.enqueue_dma source(%arg9 : memref<80x128xf32, #tpu.memory_space<vmem>>) target(%dma_start3A_34 : memref<80x128xf32, #tpu.memory_space<vmem_shared>>) target_semaphore(%arg23 : memref<!tpu.dma_semaphore, #tpu.memory_space<semaphore_mem>>)
    %add3A_35 = arith.constant 480 : i32
    %add3A_36 = arith.addi %mul3A_0, %add3A_35 : i32
    %dma_start3A_37 = arith.constant 0 : i32
    %dma_start3A_38 = tpu.memref_slice %arg16[%add3A_36, %dma_start3A_37] : memref<10000x128xf32, #tpu.memory_space<vmem_shared>> -> memref<80x128xf32, #tpu.memory_space<vmem_shared>>
    %dma_start3A_39 = arith.constant 0 : i32
    %dma_start3A_40 = tpu.memref_slice %arg16[%add3A_36, %dma_start3A_39] : memref<10000x128xf32, #tpu.memory_space<vmem_shared>> -> memref<80x128xf32, #tpu.memory_space<vmem_shared>>
    tpu.enqueue_dma source(%arg9 : memref<80x128xf32, #tpu.memory_space<vmem>>) target(%dma_start3A_40 : memref<80x128xf32, #tpu.memory_space<vmem_shared>>) target_semaphore(%arg23 : memref<!tpu.dma_semaphore, #tpu.memory_space<semaphore_mem>>)
    %add3A_41 = arith.constant 560 : i32
    %add3A_42 = arith.addi %mul3A_0, %add3A_41 : i32
    %dma_start3A_43 = arith.constant 0 : i32
    %dma_start3A_44 = tpu.memref_slice %arg16[%add3A_42, %dma_start3A_43] : memref<10000x128xf32, #tpu.memory_space<vmem_shared>> -> memref<80x128xf32, #tpu.memory_space<vmem_shared>>
    %dma_start3A_45 = arith.constant 0 : i32
    %dma_start3A_46 = tpu.memref_slice %arg16[%add3A_42, %dma_start3A_45] : memref<10000x128xf32, #tpu.memory_space<vmem_shared>> -> memref<80x128xf32, #tpu.memory_space<vmem_shared>>
    tpu.enqueue_dma source(%arg9 : memref<80x128xf32, #tpu.memory_space<vmem>>) target(%dma_start3A_46 : memref<80x128xf32, #tpu.memory_space<vmem_shared>>) target_semaphore(%arg23 : memref<!tpu.dma_semaphore, #tpu.memory_space<semaphore_mem>>)
    %dma_wait3A = arith.constant 0 : i32
    %dma_wait3A_47 = tpu.memref_slice %arg16[%mul3A_0, %dma_wait3A] : memref<10000x128xf32, #tpu.memory_space<vmem_shared>> -> memref<80x128xf32, #tpu.memory_space<vmem_shared>>
    %dma_wait3A_48 = arith.constant 0 : i32
    %dma_wait3A_49 = tpu.memref_slice %arg16[%mul3A_0, %dma_wait3A_48] : memref<10000x128xf32, #tpu.memory_space<vmem_shared>> -> memref<80x128xf32, #tpu.memory_space<vmem_shared>>
    tpu.wait_dma2 semaphore(%arg23 : memref<!tpu.dma_semaphore, #tpu.memory_space<semaphore_mem>>) src(%arg9 : memref<80x128xf32, #tpu.memory_space<vmem>>) dst(%dma_wait3A_49 : memref<80x128xf32, #tpu.memory_space<vmem_shared>>)
    %dma_wait3A_50 = arith.constant 0 : i32
    %dma_wait3A_51 = tpu.memref_slice %arg16[%mul3A_0, %dma_wait3A_50] : memref<10000x128xf32, #tpu.memory_space<vmem_shared>> -> memref<80x128xf32, #tpu.memory_space<vmem_shared>>
    %dma_wait3A_52 = arith.constant 0 : i32
    %dma_wait3A_53 = tpu.memref_slice %arg16[%mul3A_0, %dma_wait3A_52] : memref<10000x128xf32, #tpu.memory_space<vmem_shared>> -> memref<80x128xf32, #tpu.memory_space<vmem_shared>>
    tpu.wait_dma2 semaphore(%arg23 : memref<!tpu.dma_semaphore, #tpu.memory_space<semaphore_mem>>) src(%arg9 : memref<80x128xf32, #tpu.memory_space<vmem>>) dst(%dma_wait3A_53 : memref<80x128xf32, #tpu.memory_space<vmem_shared>>)
    %dma_wait3A_54 = arith.constant 0 : i32
    %dma_wait3A_55 = tpu.memref_slice %arg16[%mul3A_0, %dma_wait3A_54] : memref<10000x128xf32, #tpu.memory_space<vmem_shared>> -> memref<80x128xf32, #tpu.memory_space<vmem_shared>>
    %dma_wait3A_56 = arith.constant 0 : i32
    %dma_wait3A_57 = tpu.memref_slice %arg16[%mul3A_0, %dma_wait3A_56] : memref<10000x128xf32, #tpu.memory_space<vmem_shared>> -> memref<80x128xf32, #tpu.memory_space<vmem_shared>>
    tpu.wait_dma2 semaphore(%arg23 : memref<!tpu.dma_semaphore, #tpu.memory_space<semaphore_mem>>) src(%arg9 : memref<80x128xf32, #tpu.memory_space<vmem>>) dst(%dma_wait3A_57 : memref<80x128xf32, #tpu.memory_space<vmem_shared>>)
    %dma_wait3A_58 = arith.constant 0 : i32
    %dma_wait3A_59 = tpu.memref_slice %arg16[%mul3A_0, %dma_wait3A_58] : memref<10000x128xf32, #tpu.memory_space<vmem_shared>> -> memref<80x128xf32, #tpu.memory_space<vmem_shared>>
    %dma_wait3A_60 = arith.constant 0 : i32
    %dma_wait3A_61 = tpu.memref_slice %arg16[%mul3A_0, %dma_wait3A_60] : memref<10000x128xf32, #tpu.memory_space<vmem_shared>> -> memref<80x128xf32, #tpu.memory_space<vmem_shared>>
    tpu.wait_dma2 semaphore(%arg23 : memref<!tpu.dma_semaphore, #tpu.memory_space<semaphore_mem>>) src(%arg9 : memref<80x128xf32, #tpu.memory_space<vmem>>) dst(%dma_wait3A_61 : memref<80x128xf32, #tpu.memory_space<vmem_shared>>)
    %dma_wait3A_62 = arith.constant 0 : i32
    %dma_wait3A_63 = tpu.memref_slice %arg16[%mul3A_0, %dma_wait3A_62] : memref<10000x128xf32, #tpu.memory_space<vmem_shared>> -> memref<80x128xf32, #tpu.memory_space<vmem_shared>>
    %dma_wait3A_64 = arith.constant 0 : i32
    %dma_wait3A_65 = tpu.memref_slice %arg16[%mul3A_0, %dma_wait3A_64] : memref<10000x128xf32, #tpu.memory_space<vmem_shared>> -> memref<80x128xf32, #tpu.memory_space<vmem_shared>>
    tpu.wait_dma2 semaphore(%arg23 : memref<!tpu.dma_semaphore, #tpu.memory_space<semaphore_mem>>) src(%arg9 : memref<80x128xf32, #tpu.memory_space<vmem>>) dst(%dma_wait3A_65 : memref<80x128xf32, #tpu.memory_space<vmem_shared>>)
    %dma_wait3A_66 = arith.constant 0 : i32
    %dma_wait3A_67 = tpu.memref_slice %arg16[%mul3A_0, %dma_wait3A_66] : memref<10000x128xf32, #tpu.memory_space<vmem_shared>> -> memref<80x128xf32, #tpu.memory_space<vmem_shared>>
    %dma_wait3A_68 = arith.constant 0 : i32
    %dma_wait3A_69 = tpu.memref_slice %arg16[%mul3A_0, %dma_wait3A_68] : memref<10000x128xf32, #tpu.memory_space<vmem_shared>> -> memref<80x128xf32, #tpu.memory_space<vmem_shared>>
    tpu.wait_dma2 semaphore(%arg23 : memref<!tpu.dma_semaphore, #tpu.memory_space<semaphore_mem>>) src(%arg9 : memref<80x128xf32, #tpu.memory_space<vmem>>) dst(%dma_wait3A_69 : memref<80x128xf32, #tpu.memory_space<vmem_shared>>)
    %dma_wait3A_70 = arith.constant 0 : i32
    %dma_wait3A_71 = tpu.memref_slice %arg16[%mul3A_0, %dma_wait3A_70] : memref<10000x128xf32, #tpu.memory_space<vmem_shared>> -> memref<80x128xf32, #tpu.memory_space<vmem_shared>>
    %dma_wait3A_72 = arith.constant 0 : i32
    %dma_wait3A_73 = tpu.memref_slice %arg16[%mul3A_0, %dma_wait3A_72] : memref<10000x128xf32, #tpu.memory_space<vmem_shared>> -> memref<80x128xf32, #tpu.memory_space<vmem_shared>>
    tpu.wait_dma2 semaphore(%arg23 : memref<!tpu.dma_semaphore, #tpu.memory_space<semaphore_mem>>) src(%arg9 : memref<80x128xf32, #tpu.memory_space<vmem>>) dst(%dma_wait3A_73 : memref<80x128xf32, #tpu.memory_space<vmem_shared>>)
    %dma_wait3A_74 = arith.constant 0 : i32
    %dma_wait3A_75 = tpu.memref_slice %arg16[%mul3A_0, %dma_wait3A_74] : memref<10000x128xf32, #tpu.memory_space<vmem_shared>> -> memref<80x128xf32, #tpu.memory_space<vmem_shared>>
    %dma_wait3A_76 = arith.constant 0 : i32
    %dma_wait3A_77 = tpu.memref_slice %arg16[%mul3A_0, %dma_wait3A_76] : memref<10000x128xf32, #tpu.memory_space<vmem_shared>> -> memref<80x128xf32, #tpu.memory_space<vmem_shared>>
    tpu.wait_dma2 semaphore(%arg23 : memref<!tpu.dma_semaphore, #tpu.memory_space<semaphore_mem>>) src(%arg9 : memref<80x128xf32, #tpu.memory_space<vmem>>) dst(%dma_wait3A_77 : memref<80x128xf32, #tpu.memory_space<vmem_shared>>)
    %barrier3A = arith.constant 0 : index
    tpu.barrier barrier_id(%barrier3A)
    %mul3A_78 = arith.constant 20000 : i32
    %mul3A_79 = arith.muli %arg1, %mul3A_78 : i32
    %mul3A_80 = arith.constant 320000 : i32
    %mul3A_81 = arith.muli %arg0, %mul3A_80 : i32
    %add3A_82 = arith.constant 0 : i32
    %add3A_83 = arith.addi %mul3A_79, %add3A_82 : i32
    %add3A_84 = arith.addi %mul3A_81, %add3A_83 : i32
    %dma_start3A_85 = tpu.memref_slice %arg3[%add3A_84] : memref<640000xi32, #tpu.memory_space<hbm>> -> memref<80xi32, #tpu.memory_space<hbm>>
    %dma_start3A_86 = tpu.memref_slice %arg3[%add3A_84] : memref<640000xi32, #tpu.memory_space<hbm>> -> memref<80xi32, #tpu.memory_space<hbm>>
    tpu.enqueue_dma source(%dma_start3A_86 : memref<80xi32, #tpu.memory_space<hbm>>) target(%arg7 : memref<80xi32, #tpu.memory_space<vmem>>) target_semaphore(%arg17 : memref<!tpu.dma_semaphore, #tpu.memory_space<semaphore_mem>>)
    %dma_start3A_87 = tpu.memref_slice %arg4[%add3A_83] : memref<320000xi32, #tpu.memory_space<hbm>> -> memref<80xi32, #tpu.memory_space<hbm>>
    %dma_start3A_88 = tpu.memref_slice %arg4[%add3A_83] : memref<320000xi32, #tpu.memory_space<hbm>> -> memref<80xi32, #tpu.memory_space<hbm>>
    tpu.enqueue_dma source(%dma_start3A_88 : memref<80xi32, #tpu.memory_space<hbm>>) target(%arg8 : memref<80xi32, #tpu.memory_space<vmem>>) target_semaphore(%arg18 : memref<!tpu.dma_semaphore, #tpu.memory_space<semaphore_mem>>)
    %add3A_89 = arith.constant 80 : i32
    %add3A_90 = arith.addi %mul3A_79, %add3A_89 : i32
    %add3A_91 = arith.addi %mul3A_81, %add3A_90 : i32
    %dma_start3A_92 = tpu.memref_slice %arg3[%add3A_91] : memref<640000xi32, #tpu.memory_space<hbm>> -> memref<80xi32, #tpu.memory_space<hbm>>
    %dma_start3A_93 = tpu.memref_slice %arg3[%add3A_91] : memref<640000xi32, #tpu.memory_space<hbm>> -> memref<80xi32, #tpu.memory_space<hbm>>
    tpu.enqueue_dma source(%dma_start3A_93 : memref<80xi32, #tpu.memory_space<hbm>>) target(%arg10 : memref<80xi32, #tpu.memory_space<vmem>>) target_semaphore(%arg19 : memref<!tpu.dma_semaphore, #tpu.memory_space<semaphore_mem>>)
    %dma_start3A_94 = tpu.memref_slice %arg4[%add3A_90] : memref<320000xi32, #tpu.memory_space<hbm>> -> memref<80xi32, #tpu.memory_space<hbm>>
    %dma_start3A_95 = tpu.memref_slice %arg4[%add3A_90] : memref<320000xi32, #tpu.memory_space<hbm>> -> memref<80xi32, #tpu.memory_space<hbm>>
    tpu.enqueue_dma source(%dma_start3A_95 : memref<80xi32, #tpu.memory_space<hbm>>) target(%arg11 : memref<80xi32, #tpu.memory_space<vmem>>) target_semaphore(%arg20 : memref<!tpu.dma_semaphore, #tpu.memory_space<semaphore_mem>>)
    %dma_wait3A_96 = arith.constant 0 : i32
    %dma_wait3A_97 = tpu.memref_slice %arg3[%dma_wait3A_96] : memref<640000xi32, #tpu.memory_space<hbm>> -> memref<80xi32, #tpu.memory_space<hbm>>
    %dma_wait3A_98 = arith.constant 0 : i32
    %dma_wait3A_99 = tpu.memref_slice %arg3[%dma_wait3A_98] : memref<640000xi32, #tpu.memory_space<hbm>> -> memref<80xi32, #tpu.memory_space<hbm>>
    tpu.wait_dma2 semaphore(%arg17 : memref<!tpu.dma_semaphore, #tpu.memory_space<semaphore_mem>>) src(%dma_wait3A_99 : memref<80xi32, #tpu.memory_space<hbm>>) dst(%arg7 : memref<80xi32, #tpu.memory_space<vmem>>)
    %dma_wait3A_100 = arith.constant 0 : i32
    %dma_wait3A_101 = tpu.memref_slice %arg4[%dma_wait3A_100] : memref<320000xi32, #tpu.memory_space<hbm>> -> memref<80xi32, #tpu.memory_space<hbm>>
    %dma_wait3A_102 = arith.constant 0 : i32
    %dma_wait3A_103 = tpu.memref_slice %arg4[%dma_wait3A_102] : memref<320000xi32, #tpu.memory_space<hbm>> -> memref<80xi32, #tpu.memory_space<hbm>>
    tpu.wait_dma2 semaphore(%arg18 : memref<!tpu.dma_semaphore, #tpu.memory_space<semaphore_mem>>) src(%dma_wait3A_103 : memref<80xi32, #tpu.memory_space<hbm>>) dst(%arg8 : memref<80xi32, #tpu.memory_space<vmem>>)
    %dma_start3A_104 = arith.constant 0 : i32
    %dma_start3A_105 = arith.constant 0 : i32
    %dma_start3A_106 = tpu.memref_slice %arg2[%dma_start3A_104, %dma_start3A_105] : memref<20000x128xf32, #tpu.memory_space<hbm>> -> memref<20000x128xf32, #tpu.memory_space<hbm>>
    tpu.enqueue_indirect_dma source(%dma_start3A_106 : memref<20000x128xf32, #tpu.memory_space<hbm>>) target(%arg9 : memref<80x128xf32, #tpu.memory_space<vmem>>) offsets(%arg7 : memref<80xi32, #tpu.memory_space<vmem>>) semaphore(%arg23 : memref<!tpu.dma_semaphore, #tpu.memory_space<semaphore_mem>>)
    %add3A_107 = arith.constant 160 : i32
    %add3A_108 = arith.addi %mul3A_79, %add3A_107 : i32
    %add3A_109 = arith.addi %mul3A_81, %add3A_108 : i32
    %dma_start3A_110 = tpu.memref_slice %arg3[%add3A_109] : memref<640000xi32, #tpu.memory_space<hbm>> -> memref<80xi32, #tpu.memory_space<hbm>>
    %dma_start3A_111 = tpu.memref_slice %arg3[%add3A_109] : memref<640000xi32, #tpu.memory_space<hbm>> -> memref<80xi32, #tpu.memory_space<hbm>>
    tpu.enqueue_dma source(%dma_start3A_111 : memref<80xi32, #tpu.memory_space<hbm>>) target(%arg13 : memref<80xi32, #tpu.memory_space<vmem>>) target_semaphore(%arg21 : memref<!tpu.dma_semaphore, #tpu.memory_space<semaphore_mem>>)
    %dma_start3A_112 = tpu.memref_slice %arg4[%add3A_108] : memref<320000xi32, #tpu.memory_space<hbm>> -> memref<80xi32, #tpu.memory_space<hbm>>
    %dma_start3A_113 = tpu.memref_slice %arg4[%add3A_108] : memref<320000xi32, #tpu.memory_space<hbm>> -> memref<80xi32, #tpu.memory_space<hbm>>
    tpu.enqueue_dma source(%dma_start3A_113 : memref<80xi32, #tpu.memory_space<hbm>>) target(%arg14 : memref<80xi32, #tpu.memory_space<vmem>>) target_semaphore(%arg22 : memref<!tpu.dma_semaphore, #tpu.memory_space<semaphore_mem>>)
    %dma_wait3A_114 = arith.constant 0 : i32
    %dma_wait3A_115 = tpu.memref_slice %arg3[%dma_wait3A_114] : memref<640000xi32, #tpu.memory_space<hbm>> -> memref<80xi32, #tpu.memory_space<hbm>>
    %dma_wait3A_116 = arith.constant 0 : i32
    %dma_wait3A_117 = tpu.memref_slice %arg3[%dma_wait3A_116] : memref<640000xi32, #tpu.memory_space<hbm>> -> memref<80xi32, #tpu.memory_space<hbm>>
    tpu.wait_dma2 semaphore(%arg19 : memref<!tpu.dma_semaphore, #tpu.memory_space<semaphore_mem>>) src(%dma_wait3A_117 : memref<80xi32, #tpu.memory_space<hbm>>) dst(%arg10 : memref<80xi32, #tpu.memory_space<vmem>>)
    %dma_wait3A_118 = arith.constant 0 : i32
    %dma_wait3A_119 = tpu.memref_slice %arg4[%dma_wait3A_118] : memref<320000xi32, #tpu.memory_space<hbm>> -> memref<80xi32, #tpu.memory_space<hbm>>
    %dma_wait3A_120 = arith.constant 0 : i32
    %dma_wait3A_121 = tpu.memref_slice %arg4[%dma_wait3A_120] : memref<320000xi32, #tpu.memory_space<hbm>> -> memref<80xi32, #tpu.memory_space<hbm>>
    tpu.wait_dma2 semaphore(%arg20 : memref<!tpu.dma_semaphore, #tpu.memory_space<semaphore_mem>>) src(%dma_wait3A_121 : memref<80xi32, #tpu.memory_space<hbm>>) dst(%arg11 : memref<80xi32, #tpu.memory_space<vmem>>)
    %dma_start3A_122 = arith.constant 0 : i32
    %dma_start3A_123 = arith.constant 0 : i32
    %dma_start3A_124 = tpu.memref_slice %arg2[%dma_start3A_122, %dma_start3A_123] : memref<20000x128xf32, #tpu.memory_space<hbm>> -> memref<20000x128xf32, #tpu.memory_space<hbm>>
    tpu.enqueue_indirect_dma source(%dma_start3A_124 : memref<20000x128xf32, #tpu.memory_space<hbm>>) target(%arg12 : memref<80x128xf32, #tpu.memory_space<vmem>>) offsets(%arg10 : memref<80xi32, #tpu.memory_space<vmem>>) semaphore(%arg24 : memref<!tpu.dma_semaphore, #tpu.memory_space<semaphore_mem>>)
    %dma_wait3A_125 = arith.constant 0 : i32
    %dma_wait3A_126 = arith.constant 0 : i32
    %dma_wait3A_127 = tpu.memref_slice %arg2[%dma_wait3A_125, %dma_wait3A_126] : memref<20000x128xf32, #tpu.memory_space<hbm>> -> memref<20000x128xf32, #tpu.memory_space<hbm>>
    tpu.wait_indirect_dma semaphore(%arg23 : memref<!tpu.dma_semaphore, #tpu.memory_space<semaphore_mem>>) src(%dma_wait3A_127 : memref<20000x128xf32, #tpu.memory_space<hbm>>) dst(%arg9 : memref<80x128xf32, #tpu.memory_space<vmem>>)
    %dma_start3A_128 = arith.constant 0 : i32
    %dma_start3A_129 = arith.constant 0 : i32
    %dma_start3A_130 = tpu.memref_slice %arg16[%dma_start3A_128, %dma_start3A_129] : memref<10000x128xf32, #tpu.memory_space<vmem_shared>> -> memref<10000x128xf32, #tpu.memory_space<vmem_shared>>
    tpu.enqueue_indirect_dma source(%arg9 : memref<80x128xf32, #tpu.memory_space<vmem>>) target(%dma_start3A_130 : memref<10000x128xf32, #tpu.memory_space<vmem_shared>>) offsets(%arg8 : memref<80xi32, #tpu.memory_space<vmem>>) semaphore(%arg26 : memref<!tpu.dma_semaphore, #tpu.memory_space<semaphore_mem>>) {add = true}
    %scan3A = arith.constant 0 : i32
    %scan3A_131 = arith.constant 0 : i32
    %scan3A_132 = arith.constant 82 : i32
    %scan3A_133 = arith.addi %scan3A_131, %scan3A_132 : i32
    %scan3A_134 = arith.constant 1 : i32
    scf.for %scan3A_359 = %scan3A_131 to %scan3A_133 step %scan3A_134  : i32 {
      %mul3A_360 = arith.constant 3 : i32
      %mul3A_361 = arith.muli %mul3A_360, %scan3A_359 : i32
      %add3A_362 = arith.constant 3 : i32
      %add3A_363 = arith.addi %add3A_362, %mul3A_361 : i32
      %dma_wait3A_364 = arith.constant 0 : i32
      %dma_wait3A_365 = arith.constant 0 : i32
      %dma_wait3A_366 = tpu.memref_slice %arg16[%dma_wait3A_364, %dma_wait3A_365] : memref<10000x128xf32, #tpu.memory_space<vmem_shared>> -> memref<10000x128xf32, #tpu.memory_space<vmem_shared>>
      tpu.wait_indirect_dma semaphore(%arg26 : memref<!tpu.dma_semaphore, #tpu.memory_space<semaphore_mem>>) src(%arg9 : memref<80x128xf32, #tpu.memory_space<vmem>>) dst(%dma_wait3A_366 : memref<10000x128xf32, #tpu.memory_space<vmem_shared>>)
      %mul3A_367 = arith.constant 80 : i32
      %mul3A_368 = arith.muli %add3A_363, %mul3A_367 : i32
      %add3A_369 = arith.addi %mul3A_79, %mul3A_368 : i32
      %add3A_370 = arith.addi %mul3A_81, %add3A_369 : i32
      %dma_start3A_371 = tpu.memref_slice %arg3[%add3A_370] : memref<640000xi32, #tpu.memory_space<hbm>> -> memref<80xi32, #tpu.memory_space<hbm>>
      %dma_start3A_372 = tpu.memref_slice %arg3[%add3A_370] : memref<640000xi32, #tpu.memory_space<hbm>> -> memref<80xi32, #tpu.memory_space<hbm>>
      tpu.enqueue_dma source(%dma_start3A_372 : memref<80xi32, #tpu.memory_space<hbm>>) target(%arg7 : memref<80xi32, #tpu.memory_space<vmem>>) target_semaphore(%arg17 : memref<!tpu.dma_semaphore, #tpu.memory_space<semaphore_mem>>)
      %dma_start3A_373 = tpu.memref_slice %arg4[%add3A_369] : memref<320000xi32, #tpu.memory_space<hbm>> -> memref<80xi32, #tpu.memory_space<hbm>>
      %dma_start3A_374 = tpu.memref_slice %arg4[%add3A_369] : memref<320000xi32, #tpu.memory_space<hbm>> -> memref<80xi32, #tpu.memory_space<hbm>>
      tpu.enqueue_dma source(%dma_start3A_374 : memref<80xi32, #tpu.memory_space<hbm>>) target(%arg8 : memref<80xi32, #tpu.memory_space<vmem>>) target_semaphore(%arg18 : memref<!tpu.dma_semaphore, #tpu.memory_space<semaphore_mem>>)
      %dma_wait3A_375 = arith.constant 0 : i32
      %dma_wait3A_376 = tpu.memref_slice %arg3[%dma_wait3A_375] : memref<640000xi32, #tpu.memory_space<hbm>> -> memref<80xi32, #tpu.memory_space<hbm>>
      %dma_wait3A_377 = arith.constant 0 : i32
      %dma_wait3A_378 = tpu.memref_slice %arg3[%dma_wait3A_377] : memref<640000xi32, #tpu.memory_space<hbm>> -> memref<80xi32, #tpu.memory_space<hbm>>
      tpu.wait_dma2 semaphore(%arg21 : memref<!tpu.dma_semaphore, #tpu.memory_space<semaphore_mem>>) src(%dma_wait3A_378 : memref<80xi32, #tpu.memory_space<hbm>>) dst(%arg13 : memref<80xi32, #tpu.memory_space<vmem>>)
      %dma_wait3A_379 = arith.constant 0 : i32
      %dma_wait3A_380 = tpu.memref_slice %arg4[%dma_wait3A_379] : memref<320000xi32, #tpu.memory_space<hbm>> -> memref<80xi32, #tpu.memory_space<hbm>>
      %dma_wait3A_381 = arith.constant 0 : i32
      %dma_wait3A_382 = tpu.memref_slice %arg4[%dma_wait3A_381] : memref<320000xi32, #tpu.memory_space<hbm>> -> memref<80xi32, #tpu.memory_space<hbm>>
      tpu.wait_dma2 semaphore(%arg22 : memref<!tpu.dma_semaphore, #tpu.memory_space<semaphore_mem>>) src(%dma_wait3A_382 : memref<80xi32, #tpu.memory_space<hbm>>) dst(%arg14 : memref<80xi32, #tpu.memory_space<vmem>>)
      %dma_start3A_383 = arith.constant 0 : i32
      %dma_start3A_384 = arith.constant 0 : i32
      %dma_start3A_385 = tpu.memref_slice %arg2[%dma_start3A_383, %dma_start3A_384] : memref<20000x128xf32, #tpu.memory_space<hbm>> -> memref<20000x128xf32, #tpu.memory_space<hbm>>
      tpu.enqueue_indirect_dma source(%dma_start3A_385 : memref<20000x128xf32, #tpu.memory_space<hbm>>) target(%arg15 : memref<80x128xf32, #tpu.memory_space<vmem>>) offsets(%arg13 : memref<80xi32, #tpu.memory_space<vmem>>) semaphore(%arg25 : memref<!tpu.dma_semaphore, #tpu.memory_space<semaphore_mem>>)
      %dma_wait3A_386 = arith.constant 0 : i32
      %dma_wait3A_387 = arith.constant 0 : i32
      %dma_wait3A_388 = tpu.memref_slice %arg2[%dma_wait3A_386, %dma_wait3A_387] : memref<20000x128xf32, #tpu.memory_space<hbm>> -> memref<20000x128xf32, #tpu.memory_space<hbm>>
      tpu.wait_indirect_dma semaphore(%arg24 : memref<!tpu.dma_semaphore, #tpu.memory_space<semaphore_mem>>) src(%dma_wait3A_388 : memref<20000x128xf32, #tpu.memory_space<hbm>>) dst(%arg12 : memref<80x128xf32, #tpu.memory_space<vmem>>)
      %dma_start3A_389 = arith.constant 0 : i32
      %dma_start3A_390 = arith.constant 0 : i32
      %dma_start3A_391 = tpu.memref_slice %arg16[%dma_start3A_389, %dma_start3A_390] : memref<10000x128xf32, #tpu.memory_space<vmem_shared>> -> memref<10000x128xf32, #tpu.memory_space<vmem_shared>>
      tpu.enqueue_indirect_dma source(%arg12 : memref<80x128xf32, #tpu.memory_space<vmem>>) target(%dma_start3A_391 : memref<10000x128xf32, #tpu.memory_space<vmem_shared>>) offsets(%arg11 : memref<80xi32, #tpu.memory_space<vmem>>) semaphore(%arg27 : memref<!tpu.dma_semaphore, #tpu.memory_space<semaphore_mem>>) {add = true}
      %add3A_392 = arith.constant 1 : i32
      %add3A_393 = arith.addi %add3A_363, %add3A_392 : i32
      %dma_wait3A_394 = arith.constant 0 : i32
      %dma_wait3A_395 = arith.constant 0 : i32
      %dma_wait3A_396 = tpu.memref_slice %arg16[%dma_wait3A_394, %dma_wait3A_395] : memref<10000x128xf32, #tpu.memory_space<vmem_shared>> -> memref<10000x128xf32, #tpu.memory_space<vmem_shared>>
      tpu.wait_indirect_dma semaphore(%arg27 : memref<!tpu.dma_semaphore, #tpu.memory_space<semaphore_mem>>) src(%arg12 : memref<80x128xf32, #tpu.memory_space<vmem>>) dst(%dma_wait3A_396 : memref<10000x128xf32, #tpu.memory_space<vmem_shared>>)
      %mul3A_397 = arith.constant 80 : i32
      %mul3A_398 = arith.muli %add3A_393, %mul3A_397 : i32
      %add3A_399 = arith.addi %mul3A_79, %mul3A_398 : i32
      %add3A_400 = arith.addi %mul3A_81, %add3A_399 : i32
      %dma_start3A_401 = tpu.memref_slice %arg3[%add3A_400] : memref<640000xi32, #tpu.memory_space<hbm>> -> memref<80xi32, #tpu.memory_space<hbm>>
      %dma_start3A_402 = tpu.memref_slice %arg3[%add3A_400] : memref<640000xi32, #tpu.memory_space<hbm>> -> memref<80xi32, #tpu.memory_space<hbm>>
      tpu.enqueue_dma source(%dma_start3A_402 : memref<80xi32, #tpu.memory_space<hbm>>) target(%arg10 : memref<80xi32, #tpu.memory_space<vmem>>) target_semaphore(%arg19 : memref<!tpu.dma_semaphore, #tpu.memory_space<semaphore_mem>>)
      %dma_start3A_403 = tpu.memref_slice %arg4[%add3A_399] : memref<320000xi32, #tpu.memory_space<hbm>> -> memref<80xi32, #tpu.memory_space<hbm>>
      %dma_start3A_404 = tpu.memref_slice %arg4[%add3A_399] : memref<320000xi32, #tpu.memory_space<hbm>> -> memref<80xi32, #tpu.memory_space<hbm>>
      tpu.enqueue_dma source(%dma_start3A_404 : memref<80xi32, #tpu.memory_space<hbm>>) target(%arg11 : memref<80xi32, #tpu.memory_space<vmem>>) target_semaphore(%arg20 : memref<!tpu.dma_semaphore, #tpu.memory_space<semaphore_mem>>)
      %dma_wait3A_405 = arith.constant 0 : i32
      %dma_wait3A_406 = tpu.memref_slice %arg3[%dma_wait3A_405] : memref<640000xi32, #tpu.memory_space<hbm>> -> memref<80xi32, #tpu.memory_space<hbm>>
      %dma_wait3A_407 = arith.constant 0 : i32
      %dma_wait3A_408 = tpu.memref_slice %arg3[%dma_wait3A_407] : memref<640000xi32, #tpu.memory_space<hbm>> -> memref<80xi32, #tpu.memory_space<hbm>>
      tpu.wait_dma2 semaphore(%arg17 : memref<!tpu.dma_semaphore, #tpu.memory_space<semaphore_mem>>) src(%dma_wait3A_408 : memref<80xi32, #tpu.memory_space<hbm>>) dst(%arg7 : memref<80xi32, #tpu.memory_space<vmem>>)
      %dma_wait3A_409 = arith.constant 0 : i32
      %dma_wait3A_410 = tpu.memref_slice %arg4[%dma_wait3A_409] : memref<320000xi32, #tpu.memory_space<hbm>> -> memref<80xi32, #tpu.memory_space<hbm>>
      %dma_wait3A_411 = arith.constant 0 : i32
      %dma_wait3A_412 = tpu.memref_slice %arg4[%dma_wait3A_411] : memref<320000xi32, #tpu.memory_space<hbm>> -> memref<80xi32, #tpu.memory_space<hbm>>
      tpu.wait_dma2 semaphore(%arg18 : memref<!tpu.dma_semaphore, #tpu.memory_space<semaphore_mem>>) src(%dma_wait3A_412 : memref<80xi32, #tpu.memory_space<hbm>>) dst(%arg8 : memref<80xi32, #tpu.memory_space<vmem>>)
      %dma_start3A_413 = arith.constant 0 : i32
      %dma_start3A_414 = arith.constant 0 : i32
      %dma_start3A_415 = tpu.memref_slice %arg2[%dma_start3A_413, %dma_start3A_414] : memref<20000x128xf32, #tpu.memory_space<hbm>> -> memref<20000x128xf32, #tpu.memory_space<hbm>>
      tpu.enqueue_indirect_dma source(%dma_start3A_415 : memref<20000x128xf32, #tpu.memory_space<hbm>>) target(%arg9 : memref<80x128xf32, #tpu.memory_space<vmem>>) offsets(%arg7 : memref<80xi32, #tpu.memory_space<vmem>>) semaphore(%arg23 : memref<!tpu.dma_semaphore, #tpu.memory_space<semaphore_mem>>)
      %dma_wait3A_416 = arith.constant 0 : i32
      %dma_wait3A_417 = arith.constant 0 : i32
      %dma_wait3A_418 = tpu.memref_slice %arg2[%dma_wait3A_416, %dma_wait3A_417] : memref<20000x128xf32, #tpu.memory_space<hbm>> -> memref<20000x128xf32, #tpu.memory_space<hbm>>
      tpu.wait_indirect_dma semaphore(%arg25 : memref<!tpu.dma_semaphore, #tpu.memory_space<semaphore_mem>>) src(%dma_wait3A_418 : memref<20000x128xf32, #tpu.memory_space<hbm>>) dst(%arg15 : memref<80x128xf32, #tpu.memory_space<vmem>>)
      %dma_start3A_419 = arith.constant 0 : i32
      %dma_start3A_420 = arith.constant 0 : i32
      %dma_start3A_421 = tpu.memref_slice %arg16[%dma_start3A_419, %dma_start3A_420] : memref<10000x128xf32, #tpu.memory_space<vmem_shared>> -> memref<10000x128xf32, #tpu.memory_space<vmem_shared>>
      tpu.enqueue_indirect_dma source(%arg15 : memref<80x128xf32, #tpu.memory_space<vmem>>) target(%dma_start3A_421 : memref<10000x128xf32, #tpu.memory_space<vmem_shared>>) offsets(%arg14 : memref<80xi32, #tpu.memory_space<vmem>>) semaphore(%arg28 : memref<!tpu.dma_semaphore, #tpu.memory_space<semaphore_mem>>) {add = true}
      %add3A_422 = arith.constant 2 : i32
      %add3A_423 = arith.addi %add3A_363, %add3A_422 : i32
      %dma_wait3A_424 = arith.constant 0 : i32
      %dma_wait3A_425 = arith.constant 0 : i32
      %dma_wait3A_426 = tpu.memref_slice %arg16[%dma_wait3A_424, %dma_wait3A_425] : memref<10000x128xf32, #tpu.memory_space<vmem_shared>> -> memref<10000x128xf32, #tpu.memory_space<vmem_shared>>
      tpu.wait_indirect_dma semaphore(%arg28 : memref<!tpu.dma_semaphore, #tpu.memory_space<semaphore_mem>>) src(%arg15 : memref<80x128xf32, #tpu.memory_space<vmem>>) dst(%dma_wait3A_426 : memref<10000x128xf32, #tpu.memory_space<vmem_shared>>)
      %mul3A_427 = arith.constant 80 : i32
      %mul3A_428 = arith.muli %add3A_423, %mul3A_427 : i32
      %add3A_429 = arith.addi %mul3A_79, %mul3A_428 : i32
      %add3A_430 = arith.addi %mul3A_81, %add3A_429 : i32
      %dma_start3A_431 = tpu.memref_slice %arg3[%add3A_430] : memref<640000xi32, #tpu.memory_space<hbm>> -> memref<80xi32, #tpu.memory_space<hbm>>
      %dma_start3A_432 = tpu.memref_slice %arg3[%add3A_430] : memref<640000xi32, #tpu.memory_space<hbm>> -> memref<80xi32, #tpu.memory_space<hbm>>
      tpu.enqueue_dma source(%dma_start3A_432 : memref<80xi32, #tpu.memory_space<hbm>>) target(%arg13 : memref<80xi32, #tpu.memory_space<vmem>>) target_semaphore(%arg21 : memref<!tpu.dma_semaphore, #tpu.memory_space<semaphore_mem>>)
      %dma_start3A_433 = tpu.memref_slice %arg4[%add3A_429] : memref<320000xi32, #tpu.memory_space<hbm>> -> memref<80xi32, #tpu.memory_space<hbm>>
      %dma_start3A_434 = tpu.memref_slice %arg4[%add3A_429] : memref<320000xi32, #tpu.memory_space<hbm>> -> memref<80xi32, #tpu.memory_space<hbm>>
      tpu.enqueue_dma source(%dma_start3A_434 : memref<80xi32, #tpu.memory_space<hbm>>) target(%arg14 : memref<80xi32, #tpu.memory_space<vmem>>) target_semaphore(%arg22 : memref<!tpu.dma_semaphore, #tpu.memory_space<semaphore_mem>>)
      %dma_wait3A_435 = arith.constant 0 : i32
      %dma_wait3A_436 = tpu.memref_slice %arg3[%dma_wait3A_435] : memref<640000xi32, #tpu.memory_space<hbm>> -> memref<80xi32, #tpu.memory_space<hbm>>
      %dma_wait3A_437 = arith.constant 0 : i32
      %dma_wait3A_438 = tpu.memref_slice %arg3[%dma_wait3A_437] : memref<640000xi32, #tpu.memory_space<hbm>> -> memref<80xi32, #tpu.memory_space<hbm>>
      tpu.wait_dma2 semaphore(%arg19 : memref<!tpu.dma_semaphore, #tpu.memory_space<semaphore_mem>>) src(%dma_wait3A_438 : memref<80xi32, #tpu.memory_space<hbm>>) dst(%arg10 : memref<80xi32, #tpu.memory_space<vmem>>)
      %dma_wait3A_439 = arith.constant 0 : i32
      %dma_wait3A_440 = tpu.memref_slice %arg4[%dma_wait3A_439] : memref<320000xi32, #tpu.memory_space<hbm>> -> memref<80xi32, #tpu.memory_space<hbm>>
      %dma_wait3A_441 = arith.constant 0 : i32
      %dma_wait3A_442 = tpu.memref_slice %arg4[%dma_wait3A_441] : memref<320000xi32, #tpu.memory_space<hbm>> -> memref<80xi32, #tpu.memory_space<hbm>>
      tpu.wait_dma2 semaphore(%arg20 : memref<!tpu.dma_semaphore, #tpu.memory_space<semaphore_mem>>) src(%dma_wait3A_442 : memref<80xi32, #tpu.memory_space<hbm>>) dst(%arg11 : memref<80xi32, #tpu.memory_space<vmem>>)
      %dma_start3A_443 = arith.constant 0 : i32
      %dma_start3A_444 = arith.constant 0 : i32
      %dma_start3A_445 = tpu.memref_slice %arg2[%dma_start3A_443, %dma_start3A_444] : memref<20000x128xf32, #tpu.memory_space<hbm>> -> memref<20000x128xf32, #tpu.memory_space<hbm>>
      tpu.enqueue_indirect_dma source(%dma_start3A_445 : memref<20000x128xf32, #tpu.memory_space<hbm>>) target(%arg12 : memref<80x128xf32, #tpu.memory_space<vmem>>) offsets(%arg10 : memref<80xi32, #tpu.memory_space<vmem>>) semaphore(%arg24 : memref<!tpu.dma_semaphore, #tpu.memory_space<semaphore_mem>>)
      %dma_wait3A_446 = arith.constant 0 : i32
      %dma_wait3A_447 = arith.constant 0 : i32
      %dma_wait3A_448 = tpu.memref_slice %arg2[%dma_wait3A_446, %dma_wait3A_447] : memref<20000x128xf32, #tpu.memory_space<hbm>> -> memref<20000x128xf32, #tpu.memory_space<hbm>>
      tpu.wait_indirect_dma semaphore(%arg23 : memref<!tpu.dma_semaphore, #tpu.memory_space<semaphore_mem>>) src(%dma_wait3A_448 : memref<20000x128xf32, #tpu.memory_space<hbm>>) dst(%arg9 : memref<80x128xf32, #tpu.memory_space<vmem>>)
      %dma_start3A_449 = arith.constant 0 : i32
      %dma_start3A_450 = arith.constant 0 : i32
      %dma_start3A_451 = tpu.memref_slice %arg16[%dma_start3A_449, %dma_start3A_450] : memref<10000x128xf32, #tpu.memory_space<vmem_shared>> -> memref<10000x128xf32, #tpu.memory_space<vmem_shared>>
      tpu.enqueue_indirect_dma source(%arg9 : memref<80x128xf32, #tpu.memory_space<vmem>>) target(%dma_start3A_451 : memref<10000x128xf32, #tpu.memory_space<vmem_shared>>) offsets(%arg8 : memref<80xi32, #tpu.memory_space<vmem>>) semaphore(%arg26 : memref<!tpu.dma_semaphore, #tpu.memory_space<semaphore_mem>>) {add = true}
    }
    %scan3A_135 = arith.constant 82 : i32
    %dma_wait3A_136 = arith.constant 0 : i32
    %dma_wait3A_137 = arith.constant 0 : i32
    %dma_wait3A_138 = tpu.memref_slice %arg16[%dma_wait3A_136, %dma_wait3A_137] : memref<10000x128xf32, #tpu.memory_space<vmem_shared>> -> memref<10000x128xf32, #tpu.memory_space<vmem_shared>>
    tpu.wait_indirect_dma semaphore(%arg26 : memref<!tpu.dma_semaphore, #tpu.memory_space<semaphore_mem>>) src(%arg9 : memref<80x128xf32, #tpu.memory_space<vmem>>) dst(%dma_wait3A_138 : memref<10000x128xf32, #tpu.memory_space<vmem_shared>>)
    %add3A_139 = arith.constant 19920 : i32
    %add3A_140 = arith.addi %mul3A_79, %add3A_139 : i32
    %add3A_141 = arith.addi %mul3A_81, %add3A_140 : i32
    %dma_start3A_142 = tpu.memref_slice %arg3[%add3A_141] : memref<640000xi32, #tpu.memory_space<hbm>> -> memref<80xi32, #tpu.memory_space<hbm>>
    %dma_start3A_143 = tpu.memref_slice %arg3[%add3A_141] : memref<640000xi32, #tpu.memory_space<hbm>> -> memref<80xi32, #tpu.memory_space<hbm>>
    tpu.enqueue_dma source(%dma_start3A_143 : memref<80xi32, #tpu.memory_space<hbm>>) target(%arg7 : memref<80xi32, #tpu.memory_space<vmem>>) target_semaphore(%arg17 : memref<!tpu.dma_semaphore, #tpu.memory_space<semaphore_mem>>)
    %dma_start3A_144 = tpu.memref_slice %arg4[%add3A_140] : memref<320000xi32, #tpu.memory_space<hbm>> -> memref<80xi32, #tpu.memory_space<hbm>>
    %dma_start3A_145 = tpu.memref_slice %arg4[%add3A_140] : memref<320000xi32, #tpu.memory_space<hbm>> -> memref<80xi32, #tpu.memory_space<hbm>>
    tpu.enqueue_dma source(%dma_start3A_145 : memref<80xi32, #tpu.memory_space<hbm>>) target(%arg8 : memref<80xi32, #tpu.memory_space<vmem>>) target_semaphore(%arg18 : memref<!tpu.dma_semaphore, #tpu.memory_space<semaphore_mem>>)
    %dma_wait3A_146 = arith.constant 0 : i32
    %dma_wait3A_147 = tpu.memref_slice %arg3[%dma_wait3A_146] : memref<640000xi32, #tpu.memory_space<hbm>> -> memref<80xi32, #tpu.memory_space<hbm>>
    %dma_wait3A_148 = arith.constant 0 : i32
    %dma_wait3A_149 = tpu.memref_slice %arg3[%dma_wait3A_148] : memref<640000xi32, #tpu.memory_space<hbm>> -> memref<80xi32, #tpu.memory_space<hbm>>
    tpu.wait_dma2 semaphore(%arg21 : memref<!tpu.dma_semaphore, #tpu.memory_space<semaphore_mem>>) src(%dma_wait3A_149 : memref<80xi32, #tpu.memory_space<hbm>>) dst(%arg13 : memref<80xi32, #tpu.memory_space<vmem>>)
    %dma_wait3A_150 = arith.constant 0 : i32
    %dma_wait3A_151 = tpu.memref_slice %arg4[%dma_wait3A_150] : memref<320000xi32, #tpu.memory_space<hbm>> -> memref<80xi32, #tpu.memory_space<hbm>>
    %dma_wait3A_152 = arith.constant 0 : i32
    %dma_wait3A_153 = tpu.memref_slice %arg4[%dma_wait3A_152] : memref<320000xi32, #tpu.memory_space<hbm>> -> memref<80xi32, #tpu.memory_space<hbm>>
    tpu.wait_dma2 semaphore(%arg22 : memref<!tpu.dma_semaphore, #tpu.memory_space<semaphore_mem>>) src(%dma_wait3A_153 : memref<80xi32, #tpu.memory_space<hbm>>) dst(%arg14 : memref<80xi32, #tpu.memory_space<vmem>>)
    %dma_start3A_154 = arith.constant 0 : i32
    %dma_start3A_155 = arith.constant 0 : i32
    %dma_start3A_156 = tpu.memref_slice %arg2[%dma_start3A_154, %dma_start3A_155] : memref<20000x128xf32, #tpu.memory_space<hbm>> -> memref<20000x128xf32, #tpu.memory_space<hbm>>
    tpu.enqueue_indirect_dma source(%dma_start3A_156 : memref<20000x128xf32, #tpu.memory_space<hbm>>) target(%arg15 : memref<80x128xf32, #tpu.memory_space<vmem>>) offsets(%arg13 : memref<80xi32, #tpu.memory_space<vmem>>) semaphore(%arg25 : memref<!tpu.dma_semaphore, #tpu.memory_space<semaphore_mem>>)
    %dma_wait3A_157 = arith.constant 0 : i32
    %dma_wait3A_158 = arith.constant 0 : i32
    %dma_wait3A_159 = tpu.memref_slice %arg2[%dma_wait3A_157, %dma_wait3A_158] : memref<20000x128xf32, #tpu.memory_space<hbm>> -> memref<20000x128xf32, #tpu.memory_space<hbm>>
    tpu.wait_indirect_dma semaphore(%arg24 : memref<!tpu.dma_semaphore, #tpu.memory_space<semaphore_mem>>) src(%dma_wait3A_159 : memref<20000x128xf32, #tpu.memory_space<hbm>>) dst(%arg12 : memref<80x128xf32, #tpu.memory_space<vmem>>)
    %dma_start3A_160 = arith.constant 0 : i32
    %dma_start3A_161 = arith.constant 0 : i32
    %dma_start3A_162 = tpu.memref_slice %arg16[%dma_start3A_160, %dma_start3A_161] : memref<10000x128xf32, #tpu.memory_space<vmem_shared>> -> memref<10000x128xf32, #tpu.memory_space<vmem_shared>>
    tpu.enqueue_indirect_dma source(%arg12 : memref<80x128xf32, #tpu.memory_space<vmem>>) target(%dma_start3A_162 : memref<10000x128xf32, #tpu.memory_space<vmem_shared>>) offsets(%arg11 : memref<80xi32, #tpu.memory_space<vmem>>) semaphore(%arg27 : memref<!tpu.dma_semaphore, #tpu.memory_space<semaphore_mem>>) {add = true}
    %dma_wait3A_163 = arith.constant 0 : i32
    %dma_wait3A_164 = arith.constant 0 : i32
    %dma_wait3A_165 = tpu.memref_slice %arg16[%dma_wait3A_163, %dma_wait3A_164] : memref<10000x128xf32, #tpu.memory_space<vmem_shared>> -> memref<10000x128xf32, #tpu.memory_space<vmem_shared>>
    tpu.wait_indirect_dma semaphore(%arg27 : memref<!tpu.dma_semaphore, #tpu.memory_space<semaphore_mem>>) src(%arg12 : memref<80x128xf32, #tpu.memory_space<vmem>>) dst(%dma_wait3A_165 : memref<10000x128xf32, #tpu.memory_space<vmem_shared>>)
    %dma_wait3A_166 = arith.constant 0 : i32
    %dma_wait3A_167 = tpu.memref_slice %arg3[%dma_wait3A_166] : memref<640000xi32, #tpu.memory_space<hbm>> -> memref<80xi32, #tpu.memory_space<hbm>>
    %dma_wait3A_168 = arith.constant 0 : i32
    %dma_wait3A_169 = tpu.memref_slice %arg3[%dma_wait3A_168] : memref<640000xi32, #tpu.memory_space<hbm>> -> memref<80xi32, #tpu.memory_space<hbm>>
    tpu.wait_dma2 semaphore(%arg17 : memref<!tpu.dma_semaphore, #tpu.memory_space<semaphore_mem>>) src(%dma_wait3A_169 : memref<80xi32, #tpu.memory_space<hbm>>) dst(%arg7 : memref<80xi32, #tpu.memory_space<vmem>>)
    %dma_wait3A_170 = arith.constant 0 : i32
    %dma_wait3A_171 = tpu.memref_slice %arg4[%dma_wait3A_170] : memref<320000xi32, #tpu.memory_space<hbm>> -> memref<80xi32, #tpu.memory_space<hbm>>
    %dma_wait3A_172 = arith.constant 0 : i32
    %dma_wait3A_173 = tpu.memref_slice %arg4[%dma_wait3A_172] : memref<320000xi32, #tpu.memory_space<hbm>> -> memref<80xi32, #tpu.memory_space<hbm>>
    tpu.wait_dma2 semaphore(%arg18 : memref<!tpu.dma_semaphore, #tpu.memory_space<semaphore_mem>>) src(%dma_wait3A_173 : memref<80xi32, #tpu.memory_space<hbm>>) dst(%arg8 : memref<80xi32, #tpu.memory_space<vmem>>)
    %dma_start3A_174 = arith.constant 0 : i32
    %dma_start3A_175 = arith.constant 0 : i32
    %dma_start3A_176 = tpu.memref_slice %arg2[%dma_start3A_174, %dma_start3A_175] : memref<20000x128xf32, #tpu.memory_space<hbm>> -> memref<20000x128xf32, #tpu.memory_space<hbm>>
    tpu.enqueue_indirect_dma source(%dma_start3A_176 : memref<20000x128xf32, #tpu.memory_space<hbm>>) target(%arg9 : memref<80x128xf32, #tpu.memory_space<vmem>>) offsets(%arg7 : memref<80xi32, #tpu.memory_space<vmem>>) semaphore(%arg23 : memref<!tpu.dma_semaphore, #tpu.memory_space<semaphore_mem>>)
    %dma_wait3A_177 = arith.constant 0 : i32
    %dma_wait3A_178 = arith.constant 0 : i32
    %dma_wait3A_179 = tpu.memref_slice %arg2[%dma_wait3A_177, %dma_wait3A_178] : memref<20000x128xf32, #tpu.memory_space<hbm>> -> memref<20000x128xf32, #tpu.memory_space<hbm>>
    tpu.wait_indirect_dma semaphore(%arg25 : memref<!tpu.dma_semaphore, #tpu.memory_space<semaphore_mem>>) src(%dma_wait3A_179 : memref<20000x128xf32, #tpu.memory_space<hbm>>) dst(%arg15 : memref<80x128xf32, #tpu.memory_space<vmem>>)
    %dma_start3A_180 = arith.constant 0 : i32
    %dma_start3A_181 = arith.constant 0 : i32
    %dma_start3A_182 = tpu.memref_slice %arg16[%dma_start3A_180, %dma_start3A_181] : memref<10000x128xf32, #tpu.memory_space<vmem_shared>> -> memref<10000x128xf32, #tpu.memory_space<vmem_shared>>
    tpu.enqueue_indirect_dma source(%arg15 : memref<80x128xf32, #tpu.memory_space<vmem>>) target(%dma_start3A_182 : memref<10000x128xf32, #tpu.memory_space<vmem_shared>>) offsets(%arg14 : memref<80xi32, #tpu.memory_space<vmem>>) semaphore(%arg28 : memref<!tpu.dma_semaphore, #tpu.memory_space<semaphore_mem>>) {add = true}
    %dma_wait3A_183 = arith.constant 0 : i32
    %dma_wait3A_184 = arith.constant 0 : i32
    %dma_wait3A_185 = tpu.memref_slice %arg16[%dma_wait3A_183, %dma_wait3A_184] : memref<10000x128xf32, #tpu.memory_space<vmem_shared>> -> memref<10000x128xf32, #tpu.memory_space<vmem_shared>>
    tpu.wait_indirect_dma semaphore(%arg28 : memref<!tpu.dma_semaphore, #tpu.memory_space<semaphore_mem>>) src(%arg15 : memref<80x128xf32, #tpu.memory_space<vmem>>) dst(%dma_wait3A_185 : memref<10000x128xf32, #tpu.memory_space<vmem_shared>>)
    %dma_wait3A_186 = arith.constant 0 : i32
    %dma_wait3A_187 = arith.constant 0 : i32
    %dma_wait3A_188 = tpu.memref_slice %arg2[%dma_wait3A_186, %dma_wait3A_187] : memref<20000x128xf32, #tpu.memory_space<hbm>> -> memref<20000x128xf32, #tpu.memory_space<hbm>>
    tpu.wait_indirect_dma semaphore(%arg23 : memref<!tpu.dma_semaphore, #tpu.memory_space<semaphore_mem>>) src(%dma_wait3A_188 : memref<20000x128xf32, #tpu.memory_space<hbm>>) dst(%arg9 : memref<80x128xf32, #tpu.memory_space<vmem>>)
    %dma_start3A_189 = arith.constant 0 : i32
    %dma_start3A_190 = arith.constant 0 : i32
    %dma_start3A_191 = tpu.memref_slice %arg16[%dma_start3A_189, %dma_start3A_190] : memref<10000x128xf32, #tpu.memory_space<vmem_shared>> -> memref<10000x128xf32, #tpu.memory_space<vmem_shared>>
    tpu.enqueue_indirect_dma source(%arg9 : memref<80x128xf32, #tpu.memory_space<vmem>>) target(%dma_start3A_191 : memref<10000x128xf32, #tpu.memory_space<vmem_shared>>) offsets(%arg8 : memref<80xi32, #tpu.memory_space<vmem>>) semaphore(%arg26 : memref<!tpu.dma_semaphore, #tpu.memory_space<semaphore_mem>>) {add = true}
    %dma_wait3A_192 = arith.constant 0 : i32
    %dma_wait3A_193 = arith.constant 0 : i32
    %dma_wait3A_194 = tpu.memref_slice %arg16[%dma_wait3A_192, %dma_wait3A_193] : memref<10000x128xf32, #tpu.memory_space<vmem_shared>> -> memref<10000x128xf32, #tpu.memory_space<vmem_shared>>
    tpu.wait_indirect_dma semaphore(%arg26 : memref<!tpu.dma_semaphore, #tpu.memory_space<semaphore_mem>>) src(%arg9 : memref<80x128xf32, #tpu.memory_space<vmem>>) dst(%dma_wait3A_194 : memref<10000x128xf32, #tpu.memory_space<vmem_shared>>)
    %barrier3A_195 = arith.constant 0 : index
    tpu.barrier barrier_id(%barrier3A_195)
    %mul3A_196 = arith.constant 10000 : i32
    %mul3A_197 = arith.muli %arg0, %mul3A_196 : i32
    %add3A_198 = arith.addi %mul3A_197, %mul3A_0 : i32
    %add3A_199 = arith.constant 0 : i32
    %add3A_200 = arith.addi %mul3A_0, %add3A_199 : i32
    %dma_start3A_201 = arith.constant 0 : i32
    %dma_start3A_202 = tpu.memref_slice %arg16[%add3A_200, %dma_start3A_201] : memref<10000x128xf32, #tpu.memory_space<vmem_shared>> -> memref<80x128xf32, #tpu.memory_space<vmem_shared>>
    %dma_start3A_203 = arith.constant 0 : i32
    %dma_start3A_204 = tpu.memref_slice %arg16[%add3A_200, %dma_start3A_203] : memref<10000x128xf32, #tpu.memory_space<vmem_shared>> -> memref<80x128xf32, #tpu.memory_space<vmem_shared>>
    tpu.enqueue_dma source(%dma_start3A_204 : memref<80x128xf32, #tpu.memory_space<vmem_shared>>) target(%arg9 : memref<80x128xf32, #tpu.memory_space<vmem>>) target_semaphore(%arg23 : memref<!tpu.dma_semaphore, #tpu.memory_space<semaphore_mem>>)
    %add3A_205 = arith.constant 80 : i32
    %add3A_206 = arith.addi %mul3A_0, %add3A_205 : i32
    %dma_start3A_207 = arith.constant 0 : i32
    %dma_start3A_208 = tpu.memref_slice %arg16[%add3A_206, %dma_start3A_207] : memref<10000x128xf32, #tpu.memory_space<vmem_shared>> -> memref<80x128xf32, #tpu.memory_space<vmem_shared>>
    %dma_start3A_209 = arith.constant 0 : i32
    %dma_start3A_210 = tpu.memref_slice %arg16[%add3A_206, %dma_start3A_209] : memref<10000x128xf32, #tpu.memory_space<vmem_shared>> -> memref<80x128xf32, #tpu.memory_space<vmem_shared>>
    tpu.enqueue_dma source(%dma_start3A_210 : memref<80x128xf32, #tpu.memory_space<vmem_shared>>) target(%arg12 : memref<80x128xf32, #tpu.memory_space<vmem>>) target_semaphore(%arg24 : memref<!tpu.dma_semaphore, #tpu.memory_space<semaphore_mem>>)
    %dma_wait3A_211 = arith.constant 0 : i32
    %dma_wait3A_212 = tpu.memref_slice %arg16[%mul3A_0, %dma_wait3A_211] : memref<10000x128xf32, #tpu.memory_space<vmem_shared>> -> memref<80x128xf32, #tpu.memory_space<vmem_shared>>
    %dma_wait3A_213 = arith.constant 0 : i32
    %dma_wait3A_214 = tpu.memref_slice %arg16[%mul3A_0, %dma_wait3A_213] : memref<10000x128xf32, #tpu.memory_space<vmem_shared>> -> memref<80x128xf32, #tpu.memory_space<vmem_shared>>
    tpu.wait_dma2 semaphore(%arg23 : memref<!tpu.dma_semaphore, #tpu.memory_space<semaphore_mem>>) src(%dma_wait3A_214 : memref<80x128xf32, #tpu.memory_space<vmem_shared>>) dst(%arg9 : memref<80x128xf32, #tpu.memory_space<vmem>>)
    %add3A_215 = arith.constant 0 : i32
    %add3A_216 = arith.addi %add3A_198, %add3A_215 : i32
    %dma_start3A_217 = arith.constant 0 : i32
    %dma_start3A_218 = tpu.memref_slice %arg6[%add3A_216, %dma_start3A_217] : memref<20000x128xf32, #tpu.memory_space<hbm>> -> memref<80x128xf32, #tpu.memory_space<hbm>>
    %dma_start3A_219 = arith.constant 0 : i32
    %dma_start3A_220 = tpu.memref_slice %arg6[%add3A_216, %dma_start3A_219] : memref<20000x128xf32, #tpu.memory_space<hbm>> -> memref<80x128xf32, #tpu.memory_space<hbm>>
    tpu.enqueue_dma source(%arg9 : memref<80x128xf32, #tpu.memory_space<vmem>>) target(%dma_start3A_220 : memref<80x128xf32, #tpu.memory_space<hbm>>) target_semaphore(%arg26 : memref<!tpu.dma_semaphore, #tpu.memory_space<semaphore_mem>>)
    %add3A_221 = arith.constant 160 : i32
    %add3A_222 = arith.addi %mul3A_0, %add3A_221 : i32
    %dma_start3A_223 = arith.constant 0 : i32
    %dma_start3A_224 = tpu.memref_slice %arg16[%add3A_222, %dma_start3A_223] : memref<10000x128xf32, #tpu.memory_space<vmem_shared>> -> memref<80x128xf32, #tpu.memory_space<vmem_shared>>
    %dma_start3A_225 = arith.constant 0 : i32
    %dma_start3A_226 = tpu.memref_slice %arg16[%add3A_222, %dma_start3A_225] : memref<10000x128xf32, #tpu.memory_space<vmem_shared>> -> memref<80x128xf32, #tpu.memory_space<vmem_shared>>
    tpu.enqueue_dma source(%dma_start3A_226 : memref<80x128xf32, #tpu.memory_space<vmem_shared>>) target(%arg15 : memref<80x128xf32, #tpu.memory_space<vmem>>) target_semaphore(%arg25 : memref<!tpu.dma_semaphore, #tpu.memory_space<semaphore_mem>>)
    %dma_wait3A_227 = arith.constant 0 : i32
    %dma_wait3A_228 = tpu.memref_slice %arg16[%mul3A_0, %dma_wait3A_227] : memref<10000x128xf32, #tpu.memory_space<vmem_shared>> -> memref<80x128xf32, #tpu.memory_space<vmem_shared>>
    %dma_wait3A_229 = arith.constant 0 : i32
    %dma_wait3A_230 = tpu.memref_slice %arg16[%mul3A_0, %dma_wait3A_229] : memref<10000x128xf32, #tpu.memory_space<vmem_shared>> -> memref<80x128xf32, #tpu.memory_space<vmem_shared>>
    tpu.wait_dma2 semaphore(%arg24 : memref<!tpu.dma_semaphore, #tpu.memory_space<semaphore_mem>>) src(%dma_wait3A_230 : memref<80x128xf32, #tpu.memory_space<vmem_shared>>) dst(%arg12 : memref<80x128xf32, #tpu.memory_space<vmem>>)
    %add3A_231 = arith.constant 80 : i32
    %add3A_232 = arith.addi %add3A_198, %add3A_231 : i32
    %dma_start3A_233 = arith.constant 0 : i32
    %dma_start3A_234 = tpu.memref_slice %arg6[%add3A_232, %dma_start3A_233] : memref<20000x128xf32, #tpu.memory_space<hbm>> -> memref<80x128xf32, #tpu.memory_space<hbm>>
    %dma_start3A_235 = arith.constant 0 : i32
    %dma_start3A_236 = tpu.memref_slice %arg6[%add3A_232, %dma_start3A_235] : memref<20000x128xf32, #tpu.memory_space<hbm>> -> memref<80x128xf32, #tpu.memory_space<hbm>>
    tpu.enqueue_dma source(%arg12 : memref<80x128xf32, #tpu.memory_space<vmem>>) target(%dma_start3A_236 : memref<80x128xf32, #tpu.memory_space<hbm>>) target_semaphore(%arg27 : memref<!tpu.dma_semaphore, #tpu.memory_space<semaphore_mem>>)
    %dma_wait3A_237 = arith.constant 0 : i32
    %dma_wait3A_238 = tpu.memref_slice %arg6[%add3A_198, %dma_wait3A_237] : memref<20000x128xf32, #tpu.memory_space<hbm>> -> memref<80x128xf32, #tpu.memory_space<hbm>>
    %dma_wait3A_239 = arith.constant 0 : i32
    %dma_wait3A_240 = tpu.memref_slice %arg6[%add3A_198, %dma_wait3A_239] : memref<20000x128xf32, #tpu.memory_space<hbm>> -> memref<80x128xf32, #tpu.memory_space<hbm>>
    tpu.wait_dma2 semaphore(%arg26 : memref<!tpu.dma_semaphore, #tpu.memory_space<semaphore_mem>>) src(%arg9 : memref<80x128xf32, #tpu.memory_space<vmem>>) dst(%dma_wait3A_240 : memref<80x128xf32, #tpu.memory_space<hbm>>)
    %add3A_241 = arith.constant 240 : i32
    %add3A_242 = arith.addi %mul3A_0, %add3A_241 : i32
    %dma_start3A_243 = arith.constant 0 : i32
    %dma_start3A_244 = tpu.memref_slice %arg16[%add3A_242, %dma_start3A_243] : memref<10000x128xf32, #tpu.memory_space<vmem_shared>> -> memref<80x128xf32, #tpu.memory_space<vmem_shared>>
    %dma_start3A_245 = arith.constant 0 : i32
    %dma_start3A_246 = tpu.memref_slice %arg16[%add3A_242, %dma_start3A_245] : memref<10000x128xf32, #tpu.memory_space<vmem_shared>> -> memref<80x128xf32, #tpu.memory_space<vmem_shared>>
    tpu.enqueue_dma source(%dma_start3A_246 : memref<80x128xf32, #tpu.memory_space<vmem_shared>>) target(%arg9 : memref<80x128xf32, #tpu.memory_space<vmem>>) target_semaphore(%arg23 : memref<!tpu.dma_semaphore, #tpu.memory_space<semaphore_mem>>)
    %dma_wait3A_247 = arith.constant 0 : i32
    %dma_wait3A_248 = tpu.memref_slice %arg16[%mul3A_0, %dma_wait3A_247] : memref<10000x128xf32, #tpu.memory_space<vmem_shared>> -> memref<80x128xf32, #tpu.memory_space<vmem_shared>>
    %dma_wait3A_249 = arith.constant 0 : i32
    %dma_wait3A_250 = tpu.memref_slice %arg16[%mul3A_0, %dma_wait3A_249] : memref<10000x128xf32, #tpu.memory_space<vmem_shared>> -> memref<80x128xf32, #tpu.memory_space<vmem_shared>>
    tpu.wait_dma2 semaphore(%arg25 : memref<!tpu.dma_semaphore, #tpu.memory_space<semaphore_mem>>) src(%dma_wait3A_250 : memref<80x128xf32, #tpu.memory_space<vmem_shared>>) dst(%arg15 : memref<80x128xf32, #tpu.memory_space<vmem>>)
    %add3A_251 = arith.constant 160 : i32
    %add3A_252 = arith.addi %add3A_198, %add3A_251 : i32
    %dma_start3A_253 = arith.constant 0 : i32
    %dma_start3A_254 = tpu.memref_slice %arg6[%add3A_252, %dma_start3A_253] : memref<20000x128xf32, #tpu.memory_space<hbm>> -> memref<80x128xf32, #tpu.memory_space<hbm>>
    %dma_start3A_255 = arith.constant 0 : i32
    %dma_start3A_256 = tpu.memref_slice %arg6[%add3A_252, %dma_start3A_255] : memref<20000x128xf32, #tpu.memory_space<hbm>> -> memref<80x128xf32, #tpu.memory_space<hbm>>
    tpu.enqueue_dma source(%arg15 : memref<80x128xf32, #tpu.memory_space<vmem>>) target(%dma_start3A_256 : memref<80x128xf32, #tpu.memory_space<hbm>>) target_semaphore(%arg28 : memref<!tpu.dma_semaphore, #tpu.memory_space<semaphore_mem>>)
    %dma_wait3A_257 = arith.constant 0 : i32
    %dma_wait3A_258 = tpu.memref_slice %arg6[%add3A_198, %dma_wait3A_257] : memref<20000x128xf32, #tpu.memory_space<hbm>> -> memref<80x128xf32, #tpu.memory_space<hbm>>
    %dma_wait3A_259 = arith.constant 0 : i32
    %dma_wait3A_260 = tpu.memref_slice %arg6[%add3A_198, %dma_wait3A_259] : memref<20000x128xf32, #tpu.memory_space<hbm>> -> memref<80x128xf32, #tpu.memory_space<hbm>>
    tpu.wait_dma2 semaphore(%arg27 : memref<!tpu.dma_semaphore, #tpu.memory_space<semaphore_mem>>) src(%arg12 : memref<80x128xf32, #tpu.memory_space<vmem>>) dst(%dma_wait3A_260 : memref<80x128xf32, #tpu.memory_space<hbm>>)
    %add3A_261 = arith.constant 320 : i32
    %add3A_262 = arith.addi %mul3A_0, %add3A_261 : i32
    %dma_start3A_263 = arith.constant 0 : i32
    %dma_start3A_264 = tpu.memref_slice %arg16[%add3A_262, %dma_start3A_263] : memref<10000x128xf32, #tpu.memory_space<vmem_shared>> -> memref<80x128xf32, #tpu.memory_space<vmem_shared>>
    %dma_start3A_265 = arith.constant 0 : i32
    %dma_start3A_266 = tpu.memref_slice %arg16[%add3A_262, %dma_start3A_265] : memref<10000x128xf32, #tpu.memory_space<vmem_shared>> -> memref<80x128xf32, #tpu.memory_space<vmem_shared>>
    tpu.enqueue_dma source(%dma_start3A_266 : memref<80x128xf32, #tpu.memory_space<vmem_shared>>) target(%arg12 : memref<80x128xf32, #tpu.memory_space<vmem>>) target_semaphore(%arg24 : memref<!tpu.dma_semaphore, #tpu.memory_space<semaphore_mem>>)
    %dma_wait3A_267 = arith.constant 0 : i32
    %dma_wait3A_268 = tpu.memref_slice %arg16[%mul3A_0, %dma_wait3A_267] : memref<10000x128xf32, #tpu.memory_space<vmem_shared>> -> memref<80x128xf32, #tpu.memory_space<vmem_shared>>
    %dma_wait3A_269 = arith.constant 0 : i32
    %dma_wait3A_270 = tpu.memref_slice %arg16[%mul3A_0, %dma_wait3A_269] : memref<10000x128xf32, #tpu.memory_space<vmem_shared>> -> memref<80x128xf32, #tpu.memory_space<vmem_shared>>
    tpu.wait_dma2 semaphore(%arg23 : memref<!tpu.dma_semaphore, #tpu.memory_space<semaphore_mem>>) src(%dma_wait3A_270 : memref<80x128xf32, #tpu.memory_space<vmem_shared>>) dst(%arg9 : memref<80x128xf32, #tpu.memory_space<vmem>>)
    %add3A_271 = arith.constant 240 : i32
    %add3A_272 = arith.addi %add3A_198, %add3A_271 : i32
    %dma_start3A_273 = arith.constant 0 : i32
    %dma_start3A_274 = tpu.memref_slice %arg6[%add3A_272, %dma_start3A_273] : memref<20000x128xf32, #tpu.memory_space<hbm>> -> memref<80x128xf32, #tpu.memory_space<hbm>>
    %dma_start3A_275 = arith.constant 0 : i32
    %dma_start3A_276 = tpu.memref_slice %arg6[%add3A_272, %dma_start3A_275] : memref<20000x128xf32, #tpu.memory_space<hbm>> -> memref<80x128xf32, #tpu.memory_space<hbm>>
    tpu.enqueue_dma source(%arg9 : memref<80x128xf32, #tpu.memory_space<vmem>>) target(%dma_start3A_276 : memref<80x128xf32, #tpu.memory_space<hbm>>) target_semaphore(%arg26 : memref<!tpu.dma_semaphore, #tpu.memory_space<semaphore_mem>>)
    %dma_wait3A_277 = arith.constant 0 : i32
    %dma_wait3A_278 = tpu.memref_slice %arg6[%add3A_198, %dma_wait3A_277] : memref<20000x128xf32, #tpu.memory_space<hbm>> -> memref<80x128xf32, #tpu.memory_space<hbm>>
    %dma_wait3A_279 = arith.constant 0 : i32
    %dma_wait3A_280 = tpu.memref_slice %arg6[%add3A_198, %dma_wait3A_279] : memref<20000x128xf32, #tpu.memory_space<hbm>> -> memref<80x128xf32, #tpu.memory_space<hbm>>
    tpu.wait_dma2 semaphore(%arg28 : memref<!tpu.dma_semaphore, #tpu.memory_space<semaphore_mem>>) src(%arg15 : memref<80x128xf32, #tpu.memory_space<vmem>>) dst(%dma_wait3A_280 : memref<80x128xf32, #tpu.memory_space<hbm>>)
    %add3A_281 = arith.constant 400 : i32
    %add3A_282 = arith.addi %mul3A_0, %add3A_281 : i32
    %dma_start3A_283 = arith.constant 0 : i32
    %dma_start3A_284 = tpu.memref_slice %arg16[%add3A_282, %dma_start3A_283] : memref<10000x128xf32, #tpu.memory_space<vmem_shared>> -> memref<80x128xf32, #tpu.memory_space<vmem_shared>>
    %dma_start3A_285 = arith.constant 0 : i32
    %dma_start3A_286 = tpu.memref_slice %arg16[%add3A_282, %dma_start3A_285] : memref<10000x128xf32, #tpu.memory_space<vmem_shared>> -> memref<80x128xf32, #tpu.memory_space<vmem_shared>>
    tpu.enqueue_dma source(%dma_start3A_286 : memref<80x128xf32, #tpu.memory_space<vmem_shared>>) target(%arg15 : memref<80x128xf32, #tpu.memory_space<vmem>>) target_semaphore(%arg25 : memref<!tpu.dma_semaphore, #tpu.memory_space<semaphore_mem>>)
    %dma_wait3A_287 = arith.constant 0 : i32
    %dma_wait3A_288 = tpu.memref_slice %arg16[%mul3A_0, %dma_wait3A_287] : memref<10000x128xf32, #tpu.memory_space<vmem_shared>> -> memref<80x128xf32, #tpu.memory_space<vmem_shared>>
    %dma_wait3A_289 = arith.constant 0 : i32
    %dma_wait3A_290 = tpu.memref_slice %arg16[%mul3A_0, %dma_wait3A_289] : memref<10000x128xf32, #tpu.memory_space<vmem_shared>> -> memref<80x128xf32, #tpu.memory_space<vmem_shared>>
    tpu.wait_dma2 semaphore(%arg24 : memref<!tpu.dma_semaphore, #tpu.memory_space<semaphore_mem>>) src(%dma_wait3A_290 : memref<80x128xf32, #tpu.memory_space<vmem_shared>>) dst(%arg12 : memref<80x128xf32, #tpu.memory_space<vmem>>)
    %add3A_291 = arith.constant 320 : i32
    %add3A_292 = arith.addi %add3A_198, %add3A_291 : i32
    %dma_start3A_293 = arith.constant 0 : i32
    %dma_start3A_294 = tpu.memref_slice %arg6[%add3A_292, %dma_start3A_293] : memref<20000x128xf32, #tpu.memory_space<hbm>> -> memref<80x128xf32, #tpu.memory_space<hbm>>
    %dma_start3A_295 = arith.constant 0 : i32
    %dma_start3A_296 = tpu.memref_slice %arg6[%add3A_292, %dma_start3A_295] : memref<20000x128xf32, #tpu.memory_space<hbm>> -> memref<80x128xf32, #tpu.memory_space<hbm>>
    tpu.enqueue_dma source(%arg12 : memref<80x128xf32, #tpu.memory_space<vmem>>) target(%dma_start3A_296 : memref<80x128xf32, #tpu.memory_space<hbm>>) target_semaphore(%arg27 : memref<!tpu.dma_semaphore, #tpu.memory_space<semaphore_mem>>)
    %dma_wait3A_297 = arith.constant 0 : i32
    %dma_wait3A_298 = tpu.memref_slice %arg6[%add3A_198, %dma_wait3A_297] : memref<20000x128xf32, #tpu.memory_space<hbm>> -> memref<80x128xf32, #tpu.memory_space<hbm>>
    %dma_wait3A_299 = arith.constant 0 : i32
    %dma_wait3A_300 = tpu.memref_slice %arg6[%add3A_198, %dma_wait3A_299] : memref<20000x128xf32, #tpu.memory_space<hbm>> -> memref<80x128xf32, #tpu.memory_space<hbm>>
    tpu.wait_dma2 semaphore(%arg26 : memref<!tpu.dma_semaphore, #tpu.memory_space<semaphore_mem>>) src(%arg9 : memref<80x128xf32, #tpu.memory_space<vmem>>) dst(%dma_wait3A_300 : memref<80x128xf32, #tpu.memory_space<hbm>>)
    %add3A_301 = arith.constant 480 : i32
    %add3A_302 = arith.addi %mul3A_0, %add3A_301 : i32
    %dma_start3A_303 = arith.constant 0 : i32
    %dma_start3A_304 = tpu.memref_slice %arg16[%add3A_302, %dma_start3A_303] : memref<10000x128xf32, #tpu.memory_space<vmem_shared>> -> memref<80x128xf32, #tpu.memory_space<vmem_shared>>
    %dma_start3A_305 = arith.constant 0 : i32
    %dma_start3A_306 = tpu.memref_slice %arg16[%add3A_302, %dma_start3A_305] : memref<10000x128xf32, #tpu.memory_space<vmem_shared>> -> memref<80x128xf32, #tpu.memory_space<vmem_shared>>
    tpu.enqueue_dma source(%dma_start3A_306 : memref<80x128xf32, #tpu.memory_space<vmem_shared>>) target(%arg9 : memref<80x128xf32, #tpu.memory_space<vmem>>) target_semaphore(%arg23 : memref<!tpu.dma_semaphore, #tpu.memory_space<semaphore_mem>>)
    %dma_wait3A_307 = arith.constant 0 : i32
    %dma_wait3A_308 = tpu.memref_slice %arg16[%mul3A_0, %dma_wait3A_307] : memref<10000x128xf32, #tpu.memory_space<vmem_shared>> -> memref<80x128xf32, #tpu.memory_space<vmem_shared>>
    %dma_wait3A_309 = arith.constant 0 : i32
    %dma_wait3A_310 = tpu.memref_slice %arg16[%mul3A_0, %dma_wait3A_309] : memref<10000x128xf32, #tpu.memory_space<vmem_shared>> -> memref<80x128xf32, #tpu.memory_space<vmem_shared>>
    tpu.wait_dma2 semaphore(%arg25 : memref<!tpu.dma_semaphore, #tpu.memory_space<semaphore_mem>>) src(%dma_wait3A_310 : memref<80x128xf32, #tpu.memory_space<vmem_shared>>) dst(%arg15 : memref<80x128xf32, #tpu.memory_space<vmem>>)
    %add3A_311 = arith.constant 400 : i32
    %add3A_312 = arith.addi %add3A_198, %add3A_311 : i32
    %dma_start3A_313 = arith.constant 0 : i32
    %dma_start3A_314 = tpu.memref_slice %arg6[%add3A_312, %dma_start3A_313] : memref<20000x128xf32, #tpu.memory_space<hbm>> -> memref<80x128xf32, #tpu.memory_space<hbm>>
    %dma_start3A_315 = arith.constant 0 : i32
    %dma_start3A_316 = tpu.memref_slice %arg6[%add3A_312, %dma_start3A_315] : memref<20000x128xf32, #tpu.memory_space<hbm>> -> memref<80x128xf32, #tpu.memory_space<hbm>>
    tpu.enqueue_dma source(%arg15 : memref<80x128xf32, #tpu.memory_space<vmem>>) target(%dma_start3A_316 : memref<80x128xf32, #tpu.memory_space<hbm>>) target_semaphore(%arg28 : memref<!tpu.dma_semaphore, #tpu.memory_space<semaphore_mem>>)
    %dma_wait3A_317 = arith.constant 0 : i32
    %dma_wait3A_318 = tpu.memref_slice %arg6[%add3A_198, %dma_wait3A_317] : memref<20000x128xf32, #tpu.memory_space<hbm>> -> memref<80x128xf32, #tpu.memory_space<hbm>>
    %dma_wait3A_319 = arith.constant 0 : i32
    %dma_wait3A_320 = tpu.memref_slice %arg6[%add3A_198, %dma_wait3A_319] : memref<20000x128xf32, #tpu.memory_space<hbm>> -> memref<80x128xf32, #tpu.memory_space<hbm>>
    tpu.wait_dma2 semaphore(%arg27 : memref<!tpu.dma_semaphore, #tpu.memory_space<semaphore_mem>>) src(%arg12 : memref<80x128xf32, #tpu.memory_space<vmem>>) dst(%dma_wait3A_320 : memref<80x128xf32, #tpu.memory_space<hbm>>)
    %add3A_321 = arith.constant 560 : i32
    %add3A_322 = arith.addi %mul3A_0, %add3A_321 : i32
    %dma_start3A_323 = arith.constant 0 : i32
    %dma_start3A_324 = tpu.memref_slice %arg16[%add3A_322, %dma_start3A_323] : memref<10000x128xf32, #tpu.memory_space<vmem_shared>> -> memref<80x128xf32, #tpu.memory_space<vmem_shared>>
    %dma_start3A_325 = arith.constant 0 : i32
    %dma_start3A_326 = tpu.memref_slice %arg16[%add3A_322, %dma_start3A_325] : memref<10000x128xf32, #tpu.memory_space<vmem_shared>> -> memref<80x128xf32, #tpu.memory_space<vmem_shared>>
    tpu.enqueue_dma source(%dma_start3A_326 : memref<80x128xf32, #tpu.memory_space<vmem_shared>>) target(%arg12 : memref<80x128xf32, #tpu.memory_space<vmem>>) target_semaphore(%arg24 : memref<!tpu.dma_semaphore, #tpu.memory_space<semaphore_mem>>)
    %dma_wait3A_327 = arith.constant 0 : i32
    %dma_wait3A_328 = tpu.memref_slice %arg16[%mul3A_0, %dma_wait3A_327] : memref<10000x128xf32, #tpu.memory_space<vmem_shared>> -> memref<80x128xf32, #tpu.memory_space<vmem_shared>>
    %dma_wait3A_329 = arith.constant 0 : i32
    %dma_wait3A_330 = tpu.memref_slice %arg16[%mul3A_0, %dma_wait3A_329] : memref<10000x128xf32, #tpu.memory_space<vmem_shared>> -> memref<80x128xf32, #tpu.memory_space<vmem_shared>>
    tpu.wait_dma2 semaphore(%arg23 : memref<!tpu.dma_semaphore, #tpu.memory_space<semaphore_mem>>) src(%dma_wait3A_330 : memref<80x128xf32, #tpu.memory_space<vmem_shared>>) dst(%arg9 : memref<80x128xf32, #tpu.memory_space<vmem>>)
    %add3A_331 = arith.constant 480 : i32
    %add3A_332 = arith.addi %add3A_198, %add3A_331 : i32
    %dma_start3A_333 = arith.constant 0 : i32
    %dma_start3A_334 = tpu.memref_slice %arg6[%add3A_332, %dma_start3A_333] : memref<20000x128xf32, #tpu.memory_space<hbm>> -> memref<80x128xf32, #tpu.memory_space<hbm>>
    %dma_start3A_335 = arith.constant 0 : i32
    %dma_start3A_336 = tpu.memref_slice %arg6[%add3A_332, %dma_start3A_335] : memref<20000x128xf32, #tpu.memory_space<hbm>> -> memref<80x128xf32, #tpu.memory_space<hbm>>
    tpu.enqueue_dma source(%arg9 : memref<80x128xf32, #tpu.memory_space<vmem>>) target(%dma_start3A_336 : memref<80x128xf32, #tpu.memory_space<hbm>>) target_semaphore(%arg26 : memref<!tpu.dma_semaphore, #tpu.memory_space<semaphore_mem>>)
    %dma_wait3A_337 = arith.constant 0 : i32
    %dma_wait3A_338 = tpu.memref_slice %arg16[%mul3A_0, %dma_wait3A_337] : memref<10000x128xf32, #tpu.memory_space<vmem_shared>> -> memref<80x128xf32, #tpu.memory_space<vmem_shared>>
    %dma_wait3A_339 = arith.constant 0 : i32
    %dma_wait3A_340 = tpu.memref_slice %arg16[%mul3A_0, %dma_wait3A_339] : memref<10000x128xf32, #tpu.memory_space<vmem_shared>> -> memref<80x128xf32, #tpu.memory_space<vmem_shared>>
    tpu.wait_dma2 semaphore(%arg24 : memref<!tpu.dma_semaphore, #tpu.memory_space<semaphore_mem>>) src(%dma_wait3A_340 : memref<80x128xf32, #tpu.memory_space<vmem_shared>>) dst(%arg12 : memref<80x128xf32, #tpu.memory_space<vmem>>)
    %add3A_341 = arith.constant 560 : i32
    %add3A_342 = arith.addi %add3A_198, %add3A_341 : i32
    %dma_start3A_343 = arith.constant 0 : i32
    %dma_start3A_344 = tpu.memref_slice %arg6[%add3A_342, %dma_start3A_343] : memref<20000x128xf32, #tpu.memory_space<hbm>> -> memref<80x128xf32, #tpu.memory_space<hbm>>
    %dma_start3A_345 = arith.constant 0 : i32
    %dma_start3A_346 = tpu.memref_slice %arg6[%add3A_342, %dma_start3A_345] : memref<20000x128xf32, #tpu.memory_space<hbm>> -> memref<80x128xf32, #tpu.memory_space<hbm>>
    tpu.enqueue_dma source(%arg12 : memref<80x128xf32, #tpu.memory_space<vmem>>) target(%dma_start3A_346 : memref<80x128xf32, #tpu.memory_space<hbm>>) target_semaphore(%arg27 : memref<!tpu.dma_semaphore, #tpu.memory_space<semaphore_mem>>)
    %dma_wait3A_347 = arith.constant 0 : i32
    %dma_wait3A_348 = tpu.memref_slice %arg6[%add3A_198, %dma_wait3A_347] : memref<20000x128xf32, #tpu.memory_space<hbm>> -> memref<80x128xf32, #tpu.memory_space<hbm>>
    %dma_wait3A_349 = arith.constant 0 : i32
    %dma_wait3A_350 = tpu.memref_slice %arg6[%add3A_198, %dma_wait3A_349] : memref<20000x128xf32, #tpu.memory_space<hbm>> -> memref<80x128xf32, #tpu.memory_space<hbm>>
    tpu.wait_dma2 semaphore(%arg28 : memref<!tpu.dma_semaphore, #tpu.memory_space<semaphore_mem>>) src(%arg15 : memref<80x128xf32, #tpu.memory_space<vmem>>) dst(%dma_wait3A_350 : memref<80x128xf32, #tpu.memory_space<hbm>>)
    %dma_wait3A_351 = arith.constant 0 : i32
    %dma_wait3A_352 = tpu.memref_slice %arg6[%add3A_198, %dma_wait3A_351] : memref<20000x128xf32, #tpu.memory_space<hbm>> -> memref<80x128xf32, #tpu.memory_space<hbm>>
    %dma_wait3A_353 = arith.constant 0 : i32
    %dma_wait3A_354 = tpu.memref_slice %arg6[%add3A_198, %dma_wait3A_353] : memref<20000x128xf32, #tpu.memory_space<hbm>> -> memref<80x128xf32, #tpu.memory_space<hbm>>
    tpu.wait_dma2 semaphore(%arg26 : memref<!tpu.dma_semaphore, #tpu.memory_space<semaphore_mem>>) src(%arg9 : memref<80x128xf32, #tpu.memory_space<vmem>>) dst(%dma_wait3A_354 : memref<80x128xf32, #tpu.memory_space<hbm>>)
    %dma_wait3A_355 = arith.constant 0 : i32
    %dma_wait3A_356 = tpu.memref_slice %arg6[%add3A_198, %dma_wait3A_355] : memref<20000x128xf32, #tpu.memory_space<hbm>> -> memref<80x128xf32, #tpu.memory_space<hbm>>
    %dma_wait3A_357 = arith.constant 0 : i32
    %dma_wait3A_358 = tpu.memref_slice %arg6[%add3A_198, %dma_wait3A_357] : memref<20000x128xf32, #tpu.memory_space<hbm>> -> memref<80x128xf32, #tpu.memory_space<hbm>>
    tpu.wait_dma2 semaphore(%arg27 : memref<!tpu.dma_semaphore, #tpu.memory_space<semaphore_mem>>) src(%arg12 : memref<80x128xf32, #tpu.memory_space<vmem>>) dst(%dma_wait3A_358 : memref<80x128xf32, #tpu.memory_space<hbm>>)
    return
  }
}

#map = affine_map<(d0, d1) -> (0)>
#map1 = affine_map<(d0, d1) -> (0, 0)>
module attributes {stable_mosaic.version = 14 : i64} {
  func.func @_degk(%arg0: i32, %arg1: i32, %arg2: memref<320000xi32, #tpu.memory_space<hbm>>, %arg3: memref<80x128xf32, #tpu.memory_space<hbm>>, %arg4: memref<80x128xf32, #tpu.memory_space<hbm>>, %arg5: memref<20000x128xf32, #tpu.memory_space<hbm>>, %arg6: memref<80xi32, #tpu.memory_space<vmem>>, %arg7: memref<80xi32, #tpu.memory_space<vmem>>, %arg8: memref<80x128xf32, #tpu.memory_space<vmem>>, %arg9: memref<80x128xf32, #tpu.memory_space<vmem>>, %arg10: memref<80x128xf32, #tpu.memory_space<vmem>>, %arg11: memref<10000x128xf32, #tpu.memory_space<vmem_shared>>, %arg12: memref<!tpu.dma_semaphore, #tpu.memory_space<semaphore_mem>>, %arg13: memref<!tpu.dma_semaphore, #tpu.memory_space<semaphore_mem>>, %arg14: memref<!tpu.dma_semaphore, #tpu.memory_space<semaphore_mem>>, %arg15: memref<!tpu.dma_semaphore, #tpu.memory_space<semaphore_mem>>, %arg16: memref<!tpu.dma_semaphore, #tpu.memory_space<semaphore_mem>>, %arg17: memref<!tpu.dma_semaphore, #tpu.memory_space<semaphore_mem>>, %arg18: memref<!tpu.dma_semaphore, #tpu.memory_space<semaphore_mem>>, %arg19: memref<!tpu.dma_semaphore, #tpu.memory_space<semaphore_mem>>) attributes {dimension_semantics = [#tpu.dimension_semantics<core_parallel>, #tpu.dimension_semantics<subcore_parallel>], iteration_bounds = array<i64: 2, 16>, scalar_prefetch = 0 : i64, scratch_operands = 14 : i64, tpu.core_type = #tpu.core_type<sc_vector_subcore>, window_params = [{transform_indices = #map}, {transform_indices = #map1}, {transform_indices = #map1}, {transform_indices = #map1}]} {
    %mul3A = arith.constant 624 : i32
    %mul3A_0 = arith.muli %arg1, %mul3A : i32
    %mul3A_1 = arith.constant 16 : i32
    %mul3A_2 = arith.muli %arg0, %mul3A_1 : i32
    %add3A = arith.addi %mul3A_2, %arg1 : i32
    %mul3A_3 = arith.constant 10000 : i32
    %mul3A_4 = arith.muli %add3A, %mul3A_3 : i32
    "tpu.region"() ({
      %run_scoped3A = tpu.sem_alloc : memref<!tpu.dma_semaphore, #tpu.memory_space<semaphore_mem>>
      tpu.enqueue_dma source(%arg3 : memref<80x128xf32, #tpu.memory_space<hbm>>) target(%arg8 : memref<80x128xf32, #tpu.memory_space<vmem>>) target_semaphore(%run_scoped3A : memref<!tpu.dma_semaphore, #tpu.memory_space<semaphore_mem>>)
      tpu.wait_dma2 semaphore(%run_scoped3A : memref<!tpu.dma_semaphore, #tpu.memory_space<semaphore_mem>>) src(%arg3 : memref<80x128xf32, #tpu.memory_space<hbm>>) dst(%arg8 : memref<80x128xf32, #tpu.memory_space<vmem>>)
      tpu.yield
    }) : () -> ()
    %add3A_5 = arith.constant 0 : i32
    %add3A_6 = arith.addi %mul3A_0, %add3A_5 : i32
    %dma_start3A = arith.constant 0 : i32
    %dma_start3A_7 = tpu.memref_slice %arg11[%add3A_6, %dma_start3A] : memref<10000x128xf32, #tpu.memory_space<vmem_shared>> -> memref<80x128xf32, #tpu.memory_space<vmem_shared>>
    %dma_start3A_8 = arith.constant 0 : i32
    %dma_start3A_9 = tpu.memref_slice %arg11[%add3A_6, %dma_start3A_8] : memref<10000x128xf32, #tpu.memory_space<vmem_shared>> -> memref<80x128xf32, #tpu.memory_space<vmem_shared>>
    tpu.enqueue_dma source(%arg8 : memref<80x128xf32, #tpu.memory_space<vmem>>) target(%dma_start3A_9 : memref<80x128xf32, #tpu.memory_space<vmem_shared>>) target_semaphore(%arg14 : memref<!tpu.dma_semaphore, #tpu.memory_space<semaphore_mem>>)
    %add3A_10 = arith.constant 80 : i32
    %add3A_11 = arith.addi %mul3A_0, %add3A_10 : i32
    %dma_start3A_12 = arith.constant 0 : i32
    %dma_start3A_13 = tpu.memref_slice %arg11[%add3A_11, %dma_start3A_12] : memref<10000x128xf32, #tpu.memory_space<vmem_shared>> -> memref<80x128xf32, #tpu.memory_space<vmem_shared>>
    %dma_start3A_14 = arith.constant 0 : i32
    %dma_start3A_15 = tpu.memref_slice %arg11[%add3A_11, %dma_start3A_14] : memref<10000x128xf32, #tpu.memory_space<vmem_shared>> -> memref<80x128xf32, #tpu.memory_space<vmem_shared>>
    tpu.enqueue_dma source(%arg8 : memref<80x128xf32, #tpu.memory_space<vmem>>) target(%dma_start3A_15 : memref<80x128xf32, #tpu.memory_space<vmem_shared>>) target_semaphore(%arg14 : memref<!tpu.dma_semaphore, #tpu.memory_space<semaphore_mem>>)
    %add3A_16 = arith.constant 160 : i32
    %add3A_17 = arith.addi %mul3A_0, %add3A_16 : i32
    %dma_start3A_18 = arith.constant 0 : i32
    %dma_start3A_19 = tpu.memref_slice %arg11[%add3A_17, %dma_start3A_18] : memref<10000x128xf32, #tpu.memory_space<vmem_shared>> -> memref<80x128xf32, #tpu.memory_space<vmem_shared>>
    %dma_start3A_20 = arith.constant 0 : i32
    %dma_start3A_21 = tpu.memref_slice %arg11[%add3A_17, %dma_start3A_20] : memref<10000x128xf32, #tpu.memory_space<vmem_shared>> -> memref<80x128xf32, #tpu.memory_space<vmem_shared>>
    tpu.enqueue_dma source(%arg8 : memref<80x128xf32, #tpu.memory_space<vmem>>) target(%dma_start3A_21 : memref<80x128xf32, #tpu.memory_space<vmem_shared>>) target_semaphore(%arg14 : memref<!tpu.dma_semaphore, #tpu.memory_space<semaphore_mem>>)
    %add3A_22 = arith.constant 240 : i32
    %add3A_23 = arith.addi %mul3A_0, %add3A_22 : i32
    %dma_start3A_24 = arith.constant 0 : i32
    %dma_start3A_25 = tpu.memref_slice %arg11[%add3A_23, %dma_start3A_24] : memref<10000x128xf32, #tpu.memory_space<vmem_shared>> -> memref<80x128xf32, #tpu.memory_space<vmem_shared>>
    %dma_start3A_26 = arith.constant 0 : i32
    %dma_start3A_27 = tpu.memref_slice %arg11[%add3A_23, %dma_start3A_26] : memref<10000x128xf32, #tpu.memory_space<vmem_shared>> -> memref<80x128xf32, #tpu.memory_space<vmem_shared>>
    tpu.enqueue_dma source(%arg8 : memref<80x128xf32, #tpu.memory_space<vmem>>) target(%dma_start3A_27 : memref<80x128xf32, #tpu.memory_space<vmem_shared>>) target_semaphore(%arg14 : memref<!tpu.dma_semaphore, #tpu.memory_space<semaphore_mem>>)
    %add3A_28 = arith.constant 320 : i32
    %add3A_29 = arith.addi %mul3A_0, %add3A_28 : i32
    %dma_start3A_30 = arith.constant 0 : i32
    %dma_start3A_31 = tpu.memref_slice %arg11[%add3A_29, %dma_start3A_30] : memref<10000x128xf32, #tpu.memory_space<vmem_shared>> -> memref<80x128xf32, #tpu.memory_space<vmem_shared>>
    %dma_start3A_32 = arith.constant 0 : i32
    %dma_start3A_33 = tpu.memref_slice %arg11[%add3A_29, %dma_start3A_32] : memref<10000x128xf32, #tpu.memory_space<vmem_shared>> -> memref<80x128xf32, #tpu.memory_space<vmem_shared>>
    tpu.enqueue_dma source(%arg8 : memref<80x128xf32, #tpu.memory_space<vmem>>) target(%dma_start3A_33 : memref<80x128xf32, #tpu.memory_space<vmem_shared>>) target_semaphore(%arg14 : memref<!tpu.dma_semaphore, #tpu.memory_space<semaphore_mem>>)
    %add3A_34 = arith.constant 400 : i32
    %add3A_35 = arith.addi %mul3A_0, %add3A_34 : i32
    %dma_start3A_36 = arith.constant 0 : i32
    %dma_start3A_37 = tpu.memref_slice %arg11[%add3A_35, %dma_start3A_36] : memref<10000x128xf32, #tpu.memory_space<vmem_shared>> -> memref<80x128xf32, #tpu.memory_space<vmem_shared>>
    %dma_start3A_38 = arith.constant 0 : i32
    %dma_start3A_39 = tpu.memref_slice %arg11[%add3A_35, %dma_start3A_38] : memref<10000x128xf32, #tpu.memory_space<vmem_shared>> -> memref<80x128xf32, #tpu.memory_space<vmem_shared>>
    tpu.enqueue_dma source(%arg8 : memref<80x128xf32, #tpu.memory_space<vmem>>) target(%dma_start3A_39 : memref<80x128xf32, #tpu.memory_space<vmem_shared>>) target_semaphore(%arg14 : memref<!tpu.dma_semaphore, #tpu.memory_space<semaphore_mem>>)
    %add3A_40 = arith.constant 480 : i32
    %add3A_41 = arith.addi %mul3A_0, %add3A_40 : i32
    %dma_start3A_42 = arith.constant 0 : i32
    %dma_start3A_43 = tpu.memref_slice %arg11[%add3A_41, %dma_start3A_42] : memref<10000x128xf32, #tpu.memory_space<vmem_shared>> -> memref<80x128xf32, #tpu.memory_space<vmem_shared>>
    %dma_start3A_44 = arith.constant 0 : i32
    %dma_start3A_45 = tpu.memref_slice %arg11[%add3A_41, %dma_start3A_44] : memref<10000x128xf32, #tpu.memory_space<vmem_shared>> -> memref<80x128xf32, #tpu.memory_space<vmem_shared>>
    tpu.enqueue_dma source(%arg8 : memref<80x128xf32, #tpu.memory_space<vmem>>) target(%dma_start3A_45 : memref<80x128xf32, #tpu.memory_space<vmem_shared>>) target_semaphore(%arg14 : memref<!tpu.dma_semaphore, #tpu.memory_space<semaphore_mem>>)
    %add3A_46 = arith.constant 560 : i32
    %add3A_47 = arith.addi %mul3A_0, %add3A_46 : i32
    %dma_start3A_48 = arith.constant 0 : i32
    %dma_start3A_49 = tpu.memref_slice %arg11[%add3A_47, %dma_start3A_48] : memref<10000x128xf32, #tpu.memory_space<vmem_shared>> -> memref<80x128xf32, #tpu.memory_space<vmem_shared>>
    %dma_start3A_50 = arith.constant 0 : i32
    %dma_start3A_51 = tpu.memref_slice %arg11[%add3A_47, %dma_start3A_50] : memref<10000x128xf32, #tpu.memory_space<vmem_shared>> -> memref<80x128xf32, #tpu.memory_space<vmem_shared>>
    tpu.enqueue_dma source(%arg8 : memref<80x128xf32, #tpu.memory_space<vmem>>) target(%dma_start3A_51 : memref<80x128xf32, #tpu.memory_space<vmem_shared>>) target_semaphore(%arg14 : memref<!tpu.dma_semaphore, #tpu.memory_space<semaphore_mem>>)
    %dma_wait3A = arith.constant 0 : i32
    %dma_wait3A_52 = tpu.memref_slice %arg11[%mul3A_0, %dma_wait3A] : memref<10000x128xf32, #tpu.memory_space<vmem_shared>> -> memref<80x128xf32, #tpu.memory_space<vmem_shared>>
    %dma_wait3A_53 = arith.constant 0 : i32
    %dma_wait3A_54 = tpu.memref_slice %arg11[%mul3A_0, %dma_wait3A_53] : memref<10000x128xf32, #tpu.memory_space<vmem_shared>> -> memref<80x128xf32, #tpu.memory_space<vmem_shared>>
    tpu.wait_dma2 semaphore(%arg14 : memref<!tpu.dma_semaphore, #tpu.memory_space<semaphore_mem>>) src(%arg8 : memref<80x128xf32, #tpu.memory_space<vmem>>) dst(%dma_wait3A_54 : memref<80x128xf32, #tpu.memory_space<vmem_shared>>)
    %dma_wait3A_55 = arith.constant 0 : i32
    %dma_wait3A_56 = tpu.memref_slice %arg11[%mul3A_0, %dma_wait3A_55] : memref<10000x128xf32, #tpu.memory_space<vmem_shared>> -> memref<80x128xf32, #tpu.memory_space<vmem_shared>>
    %dma_wait3A_57 = arith.constant 0 : i32
    %dma_wait3A_58 = tpu.memref_slice %arg11[%mul3A_0, %dma_wait3A_57] : memref<10000x128xf32, #tpu.memory_space<vmem_shared>> -> memref<80x128xf32, #tpu.memory_space<vmem_shared>>
    tpu.wait_dma2 semaphore(%arg14 : memref<!tpu.dma_semaphore, #tpu.memory_space<semaphore_mem>>) src(%arg8 : memref<80x128xf32, #tpu.memory_space<vmem>>) dst(%dma_wait3A_58 : memref<80x128xf32, #tpu.memory_space<vmem_shared>>)
    %dma_wait3A_59 = arith.constant 0 : i32
    %dma_wait3A_60 = tpu.memref_slice %arg11[%mul3A_0, %dma_wait3A_59] : memref<10000x128xf32, #tpu.memory_space<vmem_shared>> -> memref<80x128xf32, #tpu.memory_space<vmem_shared>>
    %dma_wait3A_61 = arith.constant 0 : i32
    %dma_wait3A_62 = tpu.memref_slice %arg11[%mul3A_0, %dma_wait3A_61] : memref<10000x128xf32, #tpu.memory_space<vmem_shared>> -> memref<80x128xf32, #tpu.memory_space<vmem_shared>>
    tpu.wait_dma2 semaphore(%arg14 : memref<!tpu.dma_semaphore, #tpu.memory_space<semaphore_mem>>) src(%arg8 : memref<80x128xf32, #tpu.memory_space<vmem>>) dst(%dma_wait3A_62 : memref<80x128xf32, #tpu.memory_space<vmem_shared>>)
    %dma_wait3A_63 = arith.constant 0 : i32
    %dma_wait3A_64 = tpu.memref_slice %arg11[%mul3A_0, %dma_wait3A_63] : memref<10000x128xf32, #tpu.memory_space<vmem_shared>> -> memref<80x128xf32, #tpu.memory_space<vmem_shared>>
    %dma_wait3A_65 = arith.constant 0 : i32
    %dma_wait3A_66 = tpu.memref_slice %arg11[%mul3A_0, %dma_wait3A_65] : memref<10000x128xf32, #tpu.memory_space<vmem_shared>> -> memref<80x128xf32, #tpu.memory_space<vmem_shared>>
    tpu.wait_dma2 semaphore(%arg14 : memref<!tpu.dma_semaphore, #tpu.memory_space<semaphore_mem>>) src(%arg8 : memref<80x128xf32, #tpu.memory_space<vmem>>) dst(%dma_wait3A_66 : memref<80x128xf32, #tpu.memory_space<vmem_shared>>)
    %dma_wait3A_67 = arith.constant 0 : i32
    %dma_wait3A_68 = tpu.memref_slice %arg11[%mul3A_0, %dma_wait3A_67] : memref<10000x128xf32, #tpu.memory_space<vmem_shared>> -> memref<80x128xf32, #tpu.memory_space<vmem_shared>>
    %dma_wait3A_69 = arith.constant 0 : i32
    %dma_wait3A_70 = tpu.memref_slice %arg11[%mul3A_0, %dma_wait3A_69] : memref<10000x128xf32, #tpu.memory_space<vmem_shared>> -> memref<80x128xf32, #tpu.memory_space<vmem_shared>>
    tpu.wait_dma2 semaphore(%arg14 : memref<!tpu.dma_semaphore, #tpu.memory_space<semaphore_mem>>) src(%arg8 : memref<80x128xf32, #tpu.memory_space<vmem>>) dst(%dma_wait3A_70 : memref<80x128xf32, #tpu.memory_space<vmem_shared>>)
    %dma_wait3A_71 = arith.constant 0 : i32
    %dma_wait3A_72 = tpu.memref_slice %arg11[%mul3A_0, %dma_wait3A_71] : memref<10000x128xf32, #tpu.memory_space<vmem_shared>> -> memref<80x128xf32, #tpu.memory_space<vmem_shared>>
    %dma_wait3A_73 = arith.constant 0 : i32
    %dma_wait3A_74 = tpu.memref_slice %arg11[%mul3A_0, %dma_wait3A_73] : memref<10000x128xf32, #tpu.memory_space<vmem_shared>> -> memref<80x128xf32, #tpu.memory_space<vmem_shared>>
    tpu.wait_dma2 semaphore(%arg14 : memref<!tpu.dma_semaphore, #tpu.memory_space<semaphore_mem>>) src(%arg8 : memref<80x128xf32, #tpu.memory_space<vmem>>) dst(%dma_wait3A_74 : memref<80x128xf32, #tpu.memory_space<vmem_shared>>)
    %dma_wait3A_75 = arith.constant 0 : i32
    %dma_wait3A_76 = tpu.memref_slice %arg11[%mul3A_0, %dma_wait3A_75] : memref<10000x128xf32, #tpu.memory_space<vmem_shared>> -> memref<80x128xf32, #tpu.memory_space<vmem_shared>>
    %dma_wait3A_77 = arith.constant 0 : i32
    %dma_wait3A_78 = tpu.memref_slice %arg11[%mul3A_0, %dma_wait3A_77] : memref<10000x128xf32, #tpu.memory_space<vmem_shared>> -> memref<80x128xf32, #tpu.memory_space<vmem_shared>>
    tpu.wait_dma2 semaphore(%arg14 : memref<!tpu.dma_semaphore, #tpu.memory_space<semaphore_mem>>) src(%arg8 : memref<80x128xf32, #tpu.memory_space<vmem>>) dst(%dma_wait3A_78 : memref<80x128xf32, #tpu.memory_space<vmem_shared>>)
    %dma_wait3A_79 = arith.constant 0 : i32
    %dma_wait3A_80 = tpu.memref_slice %arg11[%mul3A_0, %dma_wait3A_79] : memref<10000x128xf32, #tpu.memory_space<vmem_shared>> -> memref<80x128xf32, #tpu.memory_space<vmem_shared>>
    %dma_wait3A_81 = arith.constant 0 : i32
    %dma_wait3A_82 = tpu.memref_slice %arg11[%mul3A_0, %dma_wait3A_81] : memref<10000x128xf32, #tpu.memory_space<vmem_shared>> -> memref<80x128xf32, #tpu.memory_space<vmem_shared>>
    tpu.wait_dma2 semaphore(%arg14 : memref<!tpu.dma_semaphore, #tpu.memory_space<semaphore_mem>>) src(%arg8 : memref<80x128xf32, #tpu.memory_space<vmem>>) dst(%dma_wait3A_82 : memref<80x128xf32, #tpu.memory_space<vmem_shared>>)
    "tpu.region"() ({
      %run_scoped3A = tpu.sem_alloc : memref<!tpu.dma_semaphore, #tpu.memory_space<semaphore_mem>>
      tpu.enqueue_dma source(%arg4 : memref<80x128xf32, #tpu.memory_space<hbm>>) target(%arg8 : memref<80x128xf32, #tpu.memory_space<vmem>>) target_semaphore(%run_scoped3A : memref<!tpu.dma_semaphore, #tpu.memory_space<semaphore_mem>>)
      tpu.wait_dma2 semaphore(%run_scoped3A : memref<!tpu.dma_semaphore, #tpu.memory_space<semaphore_mem>>) src(%arg4 : memref<80x128xf32, #tpu.memory_space<hbm>>) dst(%arg8 : memref<80x128xf32, #tpu.memory_space<vmem>>)
      tpu.yield
    }) : () -> ()
    %barrier3A = arith.constant 0 : index
    tpu.barrier barrier_id(%barrier3A)
    %add3A_83 = arith.constant 0 : i32
    %add3A_84 = arith.addi %mul3A_4, %add3A_83 : i32
    "tpu.region"() ({
      %run_scoped3A = tpu.sem_alloc : memref<!tpu.dma_semaphore, #tpu.memory_space<semaphore_mem>>
      %dma_start3A_276 = tpu.memref_slice %arg2[%add3A_84] : memref<320000xi32, #tpu.memory_space<hbm>> -> memref<80xi32, #tpu.memory_space<hbm>>
      %dma_start3A_277 = tpu.memref_slice %arg2[%add3A_84] : memref<320000xi32, #tpu.memory_space<hbm>> -> memref<80xi32, #tpu.memory_space<hbm>>
      tpu.enqueue_dma source(%dma_start3A_277 : memref<80xi32, #tpu.memory_space<hbm>>) target(%arg6 : memref<80xi32, #tpu.memory_space<vmem>>) target_semaphore(%run_scoped3A : memref<!tpu.dma_semaphore, #tpu.memory_space<semaphore_mem>>)
      %dma_wait3A_278 = tpu.memref_slice %arg2[%add3A_84] : memref<320000xi32, #tpu.memory_space<hbm>> -> memref<80xi32, #tpu.memory_space<hbm>>
      %dma_wait3A_279 = tpu.memref_slice %arg2[%add3A_84] : memref<320000xi32, #tpu.memory_space<hbm>> -> memref<80xi32, #tpu.memory_space<hbm>>
      tpu.wait_dma2 semaphore(%run_scoped3A : memref<!tpu.dma_semaphore, #tpu.memory_space<semaphore_mem>>) src(%dma_wait3A_279 : memref<80xi32, #tpu.memory_space<hbm>>) dst(%arg6 : memref<80xi32, #tpu.memory_space<vmem>>)
      tpu.yield
    }) : () -> ()
    %dma_start3A_85 = arith.constant 0 : i32
    %dma_start3A_86 = arith.constant 0 : i32
    %dma_start3A_87 = tpu.memref_slice %arg11[%dma_start3A_85, %dma_start3A_86] : memref<10000x128xf32, #tpu.memory_space<vmem_shared>> -> memref<10000x128xf32, #tpu.memory_space<vmem_shared>>
    tpu.enqueue_indirect_dma source(%arg8 : memref<80x128xf32, #tpu.memory_space<vmem>>) target(%dma_start3A_87 : memref<10000x128xf32, #tpu.memory_space<vmem_shared>>) offsets(%arg6 : memref<80xi32, #tpu.memory_space<vmem>>) semaphore(%arg12 : memref<!tpu.dma_semaphore, #tpu.memory_space<semaphore_mem>>) {add = true}
    %scan3A = arith.constant 0 : i32
    %scan3A_88 = arith.constant 0 : i32
    %scan3A_89 = arith.constant 61 : i32
    %scan3A_90 = arith.addi %scan3A_88, %scan3A_89 : i32
    %scan3A_91 = arith.constant 1 : i32
    scf.for %scan3A_276 = %scan3A_88 to %scan3A_90 step %scan3A_91  : i32 {
      %mul3A_277 = arith.constant 2 : i32
      %mul3A_278 = arith.muli %mul3A_277, %scan3A_276 : i32
      %add3A_279 = arith.constant 1 : i32
      %add3A_280 = arith.addi %mul3A_278, %add3A_279 : i32
      %mul3A_281 = arith.constant 80 : i32
      %mul3A_282 = arith.muli %add3A_280, %mul3A_281 : i32
      %add3A_283 = arith.addi %mul3A_4, %mul3A_282 : i32
      "tpu.region"() ({
        %run_scoped3A = tpu.sem_alloc : memref<!tpu.dma_semaphore, #tpu.memory_space<semaphore_mem>>
        %dma_start3A_303 = tpu.memref_slice %arg2[%add3A_283] : memref<320000xi32, #tpu.memory_space<hbm>> -> memref<80xi32, #tpu.memory_space<hbm>>
        %dma_start3A_304 = tpu.memref_slice %arg2[%add3A_283] : memref<320000xi32, #tpu.memory_space<hbm>> -> memref<80xi32, #tpu.memory_space<hbm>>
        tpu.enqueue_dma source(%dma_start3A_304 : memref<80xi32, #tpu.memory_space<hbm>>) target(%arg7 : memref<80xi32, #tpu.memory_space<vmem>>) target_semaphore(%run_scoped3A : memref<!tpu.dma_semaphore, #tpu.memory_space<semaphore_mem>>)
        %dma_wait3A_305 = tpu.memref_slice %arg2[%add3A_283] : memref<320000xi32, #tpu.memory_space<hbm>> -> memref<80xi32, #tpu.memory_space<hbm>>
        %dma_wait3A_306 = tpu.memref_slice %arg2[%add3A_283] : memref<320000xi32, #tpu.memory_space<hbm>> -> memref<80xi32, #tpu.memory_space<hbm>>
        tpu.wait_dma2 semaphore(%run_scoped3A : memref<!tpu.dma_semaphore, #tpu.memory_space<semaphore_mem>>) src(%dma_wait3A_306 : memref<80xi32, #tpu.memory_space<hbm>>) dst(%arg7 : memref<80xi32, #tpu.memory_space<vmem>>)
        tpu.yield
      }) : () -> ()
      %dma_start3A_284 = arith.constant 0 : i32
      %dma_start3A_285 = arith.constant 0 : i32
      %dma_start3A_286 = tpu.memref_slice %arg11[%dma_start3A_284, %dma_start3A_285] : memref<10000x128xf32, #tpu.memory_space<vmem_shared>> -> memref<10000x128xf32, #tpu.memory_space<vmem_shared>>
      tpu.enqueue_indirect_dma source(%arg8 : memref<80x128xf32, #tpu.memory_space<vmem>>) target(%dma_start3A_286 : memref<10000x128xf32, #tpu.memory_space<vmem_shared>>) offsets(%arg7 : memref<80xi32, #tpu.memory_space<vmem>>) semaphore(%arg13 : memref<!tpu.dma_semaphore, #tpu.memory_space<semaphore_mem>>) {add = true}
      %dma_wait3A_287 = arith.constant 0 : i32
      %dma_wait3A_288 = arith.constant 0 : i32
      %dma_wait3A_289 = tpu.memref_slice %arg11[%dma_wait3A_287, %dma_wait3A_288] : memref<10000x128xf32, #tpu.memory_space<vmem_shared>> -> memref<10000x128xf32, #tpu.memory_space<vmem_shared>>
      tpu.wait_indirect_dma semaphore(%arg12 : memref<!tpu.dma_semaphore, #tpu.memory_space<semaphore_mem>>) src(%arg8 : memref<80x128xf32, #tpu.memory_space<vmem>>) dst(%dma_wait3A_289 : memref<10000x128xf32, #tpu.memory_space<vmem_shared>>)
      %mul3A_290 = arith.constant 2 : i32
      %mul3A_291 = arith.muli %mul3A_290, %scan3A_276 : i32
      %add3A_292 = arith.constant 2 : i32
      %add3A_293 = arith.addi %mul3A_291, %add3A_292 : i32
      %mul3A_294 = arith.constant 80 : i32
      %mul3A_295 = arith.muli %add3A_293, %mul3A_294 : i32
      %add3A_296 = arith.addi %mul3A_4, %mul3A_295 : i32
      "tpu.region"() ({
        %run_scoped3A = tpu.sem_alloc : memref<!tpu.dma_semaphore, #tpu.memory_space<semaphore_mem>>
        %dma_start3A_303 = tpu.memref_slice %arg2[%add3A_296] : memref<320000xi32, #tpu.memory_space<hbm>> -> memref<80xi32, #tpu.memory_space<hbm>>
        %dma_start3A_304 = tpu.memref_slice %arg2[%add3A_296] : memref<320000xi32, #tpu.memory_space<hbm>> -> memref<80xi32, #tpu.memory_space<hbm>>
        tpu.enqueue_dma source(%dma_start3A_304 : memref<80xi32, #tpu.memory_space<hbm>>) target(%arg6 : memref<80xi32, #tpu.memory_space<vmem>>) target_semaphore(%run_scoped3A : memref<!tpu.dma_semaphore, #tpu.memory_space<semaphore_mem>>)
        %dma_wait3A_305 = tpu.memref_slice %arg2[%add3A_296] : memref<320000xi32, #tpu.memory_space<hbm>> -> memref<80xi32, #tpu.memory_space<hbm>>
        %dma_wait3A_306 = tpu.memref_slice %arg2[%add3A_296] : memref<320000xi32, #tpu.memory_space<hbm>> -> memref<80xi32, #tpu.memory_space<hbm>>
        tpu.wait_dma2 semaphore(%run_scoped3A : memref<!tpu.dma_semaphore, #tpu.memory_space<semaphore_mem>>) src(%dma_wait3A_306 : memref<80xi32, #tpu.memory_space<hbm>>) dst(%arg6 : memref<80xi32, #tpu.memory_space<vmem>>)
        tpu.yield
      }) : () -> ()
      %dma_start3A_297 = arith.constant 0 : i32
      %dma_start3A_298 = arith.constant 0 : i32
      %dma_start3A_299 = tpu.memref_slice %arg11[%dma_start3A_297, %dma_start3A_298] : memref<10000x128xf32, #tpu.memory_space<vmem_shared>> -> memref<10000x128xf32, #tpu.memory_space<vmem_shared>>
      tpu.enqueue_indirect_dma source(%arg8 : memref<80x128xf32, #tpu.memory_space<vmem>>) target(%dma_start3A_299 : memref<10000x128xf32, #tpu.memory_space<vmem_shared>>) offsets(%arg6 : memref<80xi32, #tpu.memory_space<vmem>>) semaphore(%arg12 : memref<!tpu.dma_semaphore, #tpu.memory_space<semaphore_mem>>) {add = true}
      %dma_wait3A_300 = arith.constant 0 : i32
      %dma_wait3A_301 = arith.constant 0 : i32
      %dma_wait3A_302 = tpu.memref_slice %arg11[%dma_wait3A_300, %dma_wait3A_301] : memref<10000x128xf32, #tpu.memory_space<vmem_shared>> -> memref<10000x128xf32, #tpu.memory_space<vmem_shared>>
      tpu.wait_indirect_dma semaphore(%arg13 : memref<!tpu.dma_semaphore, #tpu.memory_space<semaphore_mem>>) src(%arg8 : memref<80x128xf32, #tpu.memory_space<vmem>>) dst(%dma_wait3A_302 : memref<10000x128xf32, #tpu.memory_space<vmem_shared>>)
    }
    %scan3A_92 = arith.constant 61 : i32
    %add3A_93 = arith.constant 9840 : i32
    %add3A_94 = arith.addi %mul3A_4, %add3A_93 : i32
    "tpu.region"() ({
      %run_scoped3A = tpu.sem_alloc : memref<!tpu.dma_semaphore, #tpu.memory_space<semaphore_mem>>
      %dma_start3A_276 = tpu.memref_slice %arg2[%add3A_94] : memref<320000xi32, #tpu.memory_space<hbm>> -> memref<80xi32, #tpu.memory_space<hbm>>
      %dma_start3A_277 = tpu.memref_slice %arg2[%add3A_94] : memref<320000xi32, #tpu.memory_space<hbm>> -> memref<80xi32, #tpu.memory_space<hbm>>
      tpu.enqueue_dma source(%dma_start3A_277 : memref<80xi32, #tpu.memory_space<hbm>>) target(%arg7 : memref<80xi32, #tpu.memory_space<vmem>>) target_semaphore(%run_scoped3A : memref<!tpu.dma_semaphore, #tpu.memory_space<semaphore_mem>>)
      %dma_wait3A_278 = tpu.memref_slice %arg2[%add3A_94] : memref<320000xi32, #tpu.memory_space<hbm>> -> memref<80xi32, #tpu.memory_space<hbm>>
      %dma_wait3A_279 = tpu.memref_slice %arg2[%add3A_94] : memref<320000xi32, #tpu.memory_space<hbm>> -> memref<80xi32, #tpu.memory_space<hbm>>
      tpu.wait_dma2 semaphore(%run_scoped3A : memref<!tpu.dma_semaphore, #tpu.memory_space<semaphore_mem>>) src(%dma_wait3A_279 : memref<80xi32, #tpu.memory_space<hbm>>) dst(%arg7 : memref<80xi32, #tpu.memory_space<vmem>>)
      tpu.yield
    }) : () -> ()
    %dma_start3A_95 = arith.constant 0 : i32
    %dma_start3A_96 = arith.constant 0 : i32
    %dma_start3A_97 = tpu.memref_slice %arg11[%dma_start3A_95, %dma_start3A_96] : memref<10000x128xf32, #tpu.memory_space<vmem_shared>> -> memref<10000x128xf32, #tpu.memory_space<vmem_shared>>
    tpu.enqueue_indirect_dma source(%arg8 : memref<80x128xf32, #tpu.memory_space<vmem>>) target(%dma_start3A_97 : memref<10000x128xf32, #tpu.memory_space<vmem_shared>>) offsets(%arg7 : memref<80xi32, #tpu.memory_space<vmem>>) semaphore(%arg13 : memref<!tpu.dma_semaphore, #tpu.memory_space<semaphore_mem>>) {add = true}
    %dma_wait3A_98 = arith.constant 0 : i32
    %dma_wait3A_99 = arith.constant 0 : i32
    %dma_wait3A_100 = tpu.memref_slice %arg11[%dma_wait3A_98, %dma_wait3A_99] : memref<10000x128xf32, #tpu.memory_space<vmem_shared>> -> memref<10000x128xf32, #tpu.memory_space<vmem_shared>>
    tpu.wait_indirect_dma semaphore(%arg12 : memref<!tpu.dma_semaphore, #tpu.memory_space<semaphore_mem>>) src(%arg8 : memref<80x128xf32, #tpu.memory_space<vmem>>) dst(%dma_wait3A_100 : memref<10000x128xf32, #tpu.memory_space<vmem_shared>>)
    %add3A_101 = arith.constant 9920 : i32
    %add3A_102 = arith.addi %mul3A_4, %add3A_101 : i32
    "tpu.region"() ({
      %run_scoped3A = tpu.sem_alloc : memref<!tpu.dma_semaphore, #tpu.memory_space<semaphore_mem>>
      %dma_start3A_276 = tpu.memref_slice %arg2[%add3A_102] : memref<320000xi32, #tpu.memory_space<hbm>> -> memref<80xi32, #tpu.memory_space<hbm>>
      %dma_start3A_277 = tpu.memref_slice %arg2[%add3A_102] : memref<320000xi32, #tpu.memory_space<hbm>> -> memref<80xi32, #tpu.memory_space<hbm>>
      tpu.enqueue_dma source(%dma_start3A_277 : memref<80xi32, #tpu.memory_space<hbm>>) target(%arg6 : memref<80xi32, #tpu.memory_space<vmem>>) target_semaphore(%run_scoped3A : memref<!tpu.dma_semaphore, #tpu.memory_space<semaphore_mem>>)
      %dma_wait3A_278 = tpu.memref_slice %arg2[%add3A_102] : memref<320000xi32, #tpu.memory_space<hbm>> -> memref<80xi32, #tpu.memory_space<hbm>>
      %dma_wait3A_279 = tpu.memref_slice %arg2[%add3A_102] : memref<320000xi32, #tpu.memory_space<hbm>> -> memref<80xi32, #tpu.memory_space<hbm>>
      tpu.wait_dma2 semaphore(%run_scoped3A : memref<!tpu.dma_semaphore, #tpu.memory_space<semaphore_mem>>) src(%dma_wait3A_279 : memref<80xi32, #tpu.memory_space<hbm>>) dst(%arg6 : memref<80xi32, #tpu.memory_space<vmem>>)
      tpu.yield
    }) : () -> ()
    %dma_start3A_103 = arith.constant 0 : i32
    %dma_start3A_104 = arith.constant 0 : i32
    %dma_start3A_105 = tpu.memref_slice %arg11[%dma_start3A_103, %dma_start3A_104] : memref<10000x128xf32, #tpu.memory_space<vmem_shared>> -> memref<10000x128xf32, #tpu.memory_space<vmem_shared>>
    tpu.enqueue_indirect_dma source(%arg8 : memref<80x128xf32, #tpu.memory_space<vmem>>) target(%dma_start3A_105 : memref<10000x128xf32, #tpu.memory_space<vmem_shared>>) offsets(%arg6 : memref<80xi32, #tpu.memory_space<vmem>>) semaphore(%arg12 : memref<!tpu.dma_semaphore, #tpu.memory_space<semaphore_mem>>) {add = true}
    %dma_wait3A_106 = arith.constant 0 : i32
    %dma_wait3A_107 = arith.constant 0 : i32
    %dma_wait3A_108 = tpu.memref_slice %arg11[%dma_wait3A_106, %dma_wait3A_107] : memref<10000x128xf32, #tpu.memory_space<vmem_shared>> -> memref<10000x128xf32, #tpu.memory_space<vmem_shared>>
    tpu.wait_indirect_dma semaphore(%arg13 : memref<!tpu.dma_semaphore, #tpu.memory_space<semaphore_mem>>) src(%arg8 : memref<80x128xf32, #tpu.memory_space<vmem>>) dst(%dma_wait3A_108 : memref<10000x128xf32, #tpu.memory_space<vmem_shared>>)
    %dma_wait3A_109 = arith.constant 0 : i32
    %dma_wait3A_110 = arith.constant 0 : i32
    %dma_wait3A_111 = tpu.memref_slice %arg11[%dma_wait3A_109, %dma_wait3A_110] : memref<10000x128xf32, #tpu.memory_space<vmem_shared>> -> memref<10000x128xf32, #tpu.memory_space<vmem_shared>>
    tpu.wait_indirect_dma semaphore(%arg12 : memref<!tpu.dma_semaphore, #tpu.memory_space<semaphore_mem>>) src(%arg8 : memref<80x128xf32, #tpu.memory_space<vmem>>) dst(%dma_wait3A_111 : memref<10000x128xf32, #tpu.memory_space<vmem_shared>>)
    %barrier3A_112 = arith.constant 0 : index
    tpu.barrier barrier_id(%barrier3A_112)
    %mul3A_113 = arith.constant 10000 : i32
    %mul3A_114 = arith.muli %arg0, %mul3A_113 : i32
    %add3A_115 = arith.addi %mul3A_114, %mul3A_0 : i32
    %add3A_116 = arith.constant 0 : i32
    %add3A_117 = arith.addi %mul3A_0, %add3A_116 : i32
    %dma_start3A_118 = arith.constant 0 : i32
    %dma_start3A_119 = tpu.memref_slice %arg11[%add3A_117, %dma_start3A_118] : memref<10000x128xf32, #tpu.memory_space<vmem_shared>> -> memref<80x128xf32, #tpu.memory_space<vmem_shared>>
    %dma_start3A_120 = arith.constant 0 : i32
    %dma_start3A_121 = tpu.memref_slice %arg11[%add3A_117, %dma_start3A_120] : memref<10000x128xf32, #tpu.memory_space<vmem_shared>> -> memref<80x128xf32, #tpu.memory_space<vmem_shared>>
    tpu.enqueue_dma source(%dma_start3A_121 : memref<80x128xf32, #tpu.memory_space<vmem_shared>>) target(%arg8 : memref<80x128xf32, #tpu.memory_space<vmem>>) target_semaphore(%arg14 : memref<!tpu.dma_semaphore, #tpu.memory_space<semaphore_mem>>)
    %add3A_122 = arith.constant 80 : i32
    %add3A_123 = arith.addi %mul3A_0, %add3A_122 : i32
    %dma_start3A_124 = arith.constant 0 : i32
    %dma_start3A_125 = tpu.memref_slice %arg11[%add3A_123, %dma_start3A_124] : memref<10000x128xf32, #tpu.memory_space<vmem_shared>> -> memref<80x128xf32, #tpu.memory_space<vmem_shared>>
    %dma_start3A_126 = arith.constant 0 : i32
    %dma_start3A_127 = tpu.memref_slice %arg11[%add3A_123, %dma_start3A_126] : memref<10000x128xf32, #tpu.memory_space<vmem_shared>> -> memref<80x128xf32, #tpu.memory_space<vmem_shared>>
    tpu.enqueue_dma source(%dma_start3A_127 : memref<80x128xf32, #tpu.memory_space<vmem_shared>>) target(%arg9 : memref<80x128xf32, #tpu.memory_space<vmem>>) target_semaphore(%arg15 : memref<!tpu.dma_semaphore, #tpu.memory_space<semaphore_mem>>)
    %dma_wait3A_128 = arith.constant 0 : i32
    %dma_wait3A_129 = tpu.memref_slice %arg11[%mul3A_0, %dma_wait3A_128] : memref<10000x128xf32, #tpu.memory_space<vmem_shared>> -> memref<80x128xf32, #tpu.memory_space<vmem_shared>>
    %dma_wait3A_130 = arith.constant 0 : i32
    %dma_wait3A_131 = tpu.memref_slice %arg11[%mul3A_0, %dma_wait3A_130] : memref<10000x128xf32, #tpu.memory_space<vmem_shared>> -> memref<80x128xf32, #tpu.memory_space<vmem_shared>>
    tpu.wait_dma2 semaphore(%arg14 : memref<!tpu.dma_semaphore, #tpu.memory_space<semaphore_mem>>) src(%dma_wait3A_131 : memref<80x128xf32, #tpu.memory_space<vmem_shared>>) dst(%arg8 : memref<80x128xf32, #tpu.memory_space<vmem>>)
    %add3A_132 = arith.constant 0 : i32
    %add3A_133 = arith.addi %add3A_115, %add3A_132 : i32
    %dma_start3A_134 = arith.constant 0 : i32
    %dma_start3A_135 = tpu.memref_slice %arg5[%add3A_133, %dma_start3A_134] : memref<20000x128xf32, #tpu.memory_space<hbm>> -> memref<80x128xf32, #tpu.memory_space<hbm>>
    %dma_start3A_136 = arith.constant 0 : i32
    %dma_start3A_137 = tpu.memref_slice %arg5[%add3A_133, %dma_start3A_136] : memref<20000x128xf32, #tpu.memory_space<hbm>> -> memref<80x128xf32, #tpu.memory_space<hbm>>
    tpu.enqueue_dma source(%arg8 : memref<80x128xf32, #tpu.memory_space<vmem>>) target(%dma_start3A_137 : memref<80x128xf32, #tpu.memory_space<hbm>>) target_semaphore(%arg17 : memref<!tpu.dma_semaphore, #tpu.memory_space<semaphore_mem>>)
    %add3A_138 = arith.constant 160 : i32
    %add3A_139 = arith.addi %mul3A_0, %add3A_138 : i32
    %dma_start3A_140 = arith.constant 0 : i32
    %dma_start3A_141 = tpu.memref_slice %arg11[%add3A_139, %dma_start3A_140] : memref<10000x128xf32, #tpu.memory_space<vmem_shared>> -> memref<80x128xf32, #tpu.memory_space<vmem_shared>>
    %dma_start3A_142 = arith.constant 0 : i32
    %dma_start3A_143 = tpu.memref_slice %arg11[%add3A_139, %dma_start3A_142] : memref<10000x128xf32, #tpu.memory_space<vmem_shared>> -> memref<80x128xf32, #tpu.memory_space<vmem_shared>>
    tpu.enqueue_dma source(%dma_start3A_143 : memref<80x128xf32, #tpu.memory_space<vmem_shared>>) target(%arg10 : memref<80x128xf32, #tpu.memory_space<vmem>>) target_semaphore(%arg16 : memref<!tpu.dma_semaphore, #tpu.memory_space<semaphore_mem>>)
    %dma_wait3A_144 = arith.constant 0 : i32
    %dma_wait3A_145 = tpu.memref_slice %arg11[%mul3A_0, %dma_wait3A_144] : memref<10000x128xf32, #tpu.memory_space<vmem_shared>> -> memref<80x128xf32, #tpu.memory_space<vmem_shared>>
    %dma_wait3A_146 = arith.constant 0 : i32
    %dma_wait3A_147 = tpu.memref_slice %arg11[%mul3A_0, %dma_wait3A_146] : memref<10000x128xf32, #tpu.memory_space<vmem_shared>> -> memref<80x128xf32, #tpu.memory_space<vmem_shared>>
    tpu.wait_dma2 semaphore(%arg15 : memref<!tpu.dma_semaphore, #tpu.memory_space<semaphore_mem>>) src(%dma_wait3A_147 : memref<80x128xf32, #tpu.memory_space<vmem_shared>>) dst(%arg9 : memref<80x128xf32, #tpu.memory_space<vmem>>)
    %add3A_148 = arith.constant 80 : i32
    %add3A_149 = arith.addi %add3A_115, %add3A_148 : i32
    %dma_start3A_150 = arith.constant 0 : i32
    %dma_start3A_151 = tpu.memref_slice %arg5[%add3A_149, %dma_start3A_150] : memref<20000x128xf32, #tpu.memory_space<hbm>> -> memref<80x128xf32, #tpu.memory_space<hbm>>
    %dma_start3A_152 = arith.constant 0 : i32
    %dma_start3A_153 = tpu.memref_slice %arg5[%add3A_149, %dma_start3A_152] : memref<20000x128xf32, #tpu.memory_space<hbm>> -> memref<80x128xf32, #tpu.memory_space<hbm>>
    tpu.enqueue_dma source(%arg9 : memref<80x128xf32, #tpu.memory_space<vmem>>) target(%dma_start3A_153 : memref<80x128xf32, #tpu.memory_space<hbm>>) target_semaphore(%arg18 : memref<!tpu.dma_semaphore, #tpu.memory_space<semaphore_mem>>)
    %dma_wait3A_154 = arith.constant 0 : i32
    %dma_wait3A_155 = tpu.memref_slice %arg5[%add3A_115, %dma_wait3A_154] : memref<20000x128xf32, #tpu.memory_space<hbm>> -> memref<80x128xf32, #tpu.memory_space<hbm>>
    %dma_wait3A_156 = arith.constant 0 : i32
    %dma_wait3A_157 = tpu.memref_slice %arg5[%add3A_115, %dma_wait3A_156] : memref<20000x128xf32, #tpu.memory_space<hbm>> -> memref<80x128xf32, #tpu.memory_space<hbm>>
    tpu.wait_dma2 semaphore(%arg17 : memref<!tpu.dma_semaphore, #tpu.memory_space<semaphore_mem>>) src(%arg8 : memref<80x128xf32, #tpu.memory_space<vmem>>) dst(%dma_wait3A_157 : memref<80x128xf32, #tpu.memory_space<hbm>>)
    %add3A_158 = arith.constant 240 : i32
    %add3A_159 = arith.addi %mul3A_0, %add3A_158 : i32
    %dma_start3A_160 = arith.constant 0 : i32
    %dma_start3A_161 = tpu.memref_slice %arg11[%add3A_159, %dma_start3A_160] : memref<10000x128xf32, #tpu.memory_space<vmem_shared>> -> memref<80x128xf32, #tpu.memory_space<vmem_shared>>
    %dma_start3A_162 = arith.constant 0 : i32
    %dma_start3A_163 = tpu.memref_slice %arg11[%add3A_159, %dma_start3A_162] : memref<10000x128xf32, #tpu.memory_space<vmem_shared>> -> memref<80x128xf32, #tpu.memory_space<vmem_shared>>
    tpu.enqueue_dma source(%dma_start3A_163 : memref<80x128xf32, #tpu.memory_space<vmem_shared>>) target(%arg8 : memref<80x128xf32, #tpu.memory_space<vmem>>) target_semaphore(%arg14 : memref<!tpu.dma_semaphore, #tpu.memory_space<semaphore_mem>>)
    %dma_wait3A_164 = arith.constant 0 : i32
    %dma_wait3A_165 = tpu.memref_slice %arg11[%mul3A_0, %dma_wait3A_164] : memref<10000x128xf32, #tpu.memory_space<vmem_shared>> -> memref<80x128xf32, #tpu.memory_space<vmem_shared>>
    %dma_wait3A_166 = arith.constant 0 : i32
    %dma_wait3A_167 = tpu.memref_slice %arg11[%mul3A_0, %dma_wait3A_166] : memref<10000x128xf32, #tpu.memory_space<vmem_shared>> -> memref<80x128xf32, #tpu.memory_space<vmem_shared>>
    tpu.wait_dma2 semaphore(%arg16 : memref<!tpu.dma_semaphore, #tpu.memory_space<semaphore_mem>>) src(%dma_wait3A_167 : memref<80x128xf32, #tpu.memory_space<vmem_shared>>) dst(%arg10 : memref<80x128xf32, #tpu.memory_space<vmem>>)
    %add3A_168 = arith.constant 160 : i32
    %add3A_169 = arith.addi %add3A_115, %add3A_168 : i32
    %dma_start3A_170 = arith.constant 0 : i32
    %dma_start3A_171 = tpu.memref_slice %arg5[%add3A_169, %dma_start3A_170] : memref<20000x128xf32, #tpu.memory_space<hbm>> -> memref<80x128xf32, #tpu.memory_space<hbm>>
    %dma_start3A_172 = arith.constant 0 : i32
    %dma_start3A_173 = tpu.memref_slice %arg5[%add3A_169, %dma_start3A_172] : memref<20000x128xf32, #tpu.memory_space<hbm>> -> memref<80x128xf32, #tpu.memory_space<hbm>>
    tpu.enqueue_dma source(%arg10 : memref<80x128xf32, #tpu.memory_space<vmem>>) target(%dma_start3A_173 : memref<80x128xf32, #tpu.memory_space<hbm>>) target_semaphore(%arg19 : memref<!tpu.dma_semaphore, #tpu.memory_space<semaphore_mem>>)
    %dma_wait3A_174 = arith.constant 0 : i32
    %dma_wait3A_175 = tpu.memref_slice %arg5[%add3A_115, %dma_wait3A_174] : memref<20000x128xf32, #tpu.memory_space<hbm>> -> memref<80x128xf32, #tpu.memory_space<hbm>>
    %dma_wait3A_176 = arith.constant 0 : i32
    %dma_wait3A_177 = tpu.memref_slice %arg5[%add3A_115, %dma_wait3A_176] : memref<20000x128xf32, #tpu.memory_space<hbm>> -> memref<80x128xf32, #tpu.memory_space<hbm>>
    tpu.wait_dma2 semaphore(%arg18 : memref<!tpu.dma_semaphore, #tpu.memory_space<semaphore_mem>>) src(%arg9 : memref<80x128xf32, #tpu.memory_space<vmem>>) dst(%dma_wait3A_177 : memref<80x128xf32, #tpu.memory_space<hbm>>)
    %add3A_178 = arith.constant 320 : i32
    %add3A_179 = arith.addi %mul3A_0, %add3A_178 : i32
    %dma_start3A_180 = arith.constant 0 : i32
    %dma_start3A_181 = tpu.memref_slice %arg11[%add3A_179, %dma_start3A_180] : memref<10000x128xf32, #tpu.memory_space<vmem_shared>> -> memref<80x128xf32, #tpu.memory_space<vmem_shared>>
    %dma_start3A_182 = arith.constant 0 : i32
    %dma_start3A_183 = tpu.memref_slice %arg11[%add3A_179, %dma_start3A_182] : memref<10000x128xf32, #tpu.memory_space<vmem_shared>> -> memref<80x128xf32, #tpu.memory_space<vmem_shared>>
    tpu.enqueue_dma source(%dma_start3A_183 : memref<80x128xf32, #tpu.memory_space<vmem_shared>>) target(%arg9 : memref<80x128xf32, #tpu.memory_space<vmem>>) target_semaphore(%arg15 : memref<!tpu.dma_semaphore, #tpu.memory_space<semaphore_mem>>)
    %dma_wait3A_184 = arith.constant 0 : i32
    %dma_wait3A_185 = tpu.memref_slice %arg11[%mul3A_0, %dma_wait3A_184] : memref<10000x128xf32, #tpu.memory_space<vmem_shared>> -> memref<80x128xf32, #tpu.memory_space<vmem_shared>>
    %dma_wait3A_186 = arith.constant 0 : i32
    %dma_wait3A_187 = tpu.memref_slice %arg11[%mul3A_0, %dma_wait3A_186] : memref<10000x128xf32, #tpu.memory_space<vmem_shared>> -> memref<80x128xf32, #tpu.memory_space<vmem_shared>>
    tpu.wait_dma2 semaphore(%arg14 : memref<!tpu.dma_semaphore, #tpu.memory_space<semaphore_mem>>) src(%dma_wait3A_187 : memref<80x128xf32, #tpu.memory_space<vmem_shared>>) dst(%arg8 : memref<80x128xf32, #tpu.memory_space<vmem>>)
    %add3A_188 = arith.constant 240 : i32
    %add3A_189 = arith.addi %add3A_115, %add3A_188 : i32
    %dma_start3A_190 = arith.constant 0 : i32
    %dma_start3A_191 = tpu.memref_slice %arg5[%add3A_189, %dma_start3A_190] : memref<20000x128xf32, #tpu.memory_space<hbm>> -> memref<80x128xf32, #tpu.memory_space<hbm>>
    %dma_start3A_192 = arith.constant 0 : i32
    %dma_start3A_193 = tpu.memref_slice %arg5[%add3A_189, %dma_start3A_192] : memref<20000x128xf32, #tpu.memory_space<hbm>> -> memref<80x128xf32, #tpu.memory_space<hbm>>
    tpu.enqueue_dma source(%arg8 : memref<80x128xf32, #tpu.memory_space<vmem>>) target(%dma_start3A_193 : memref<80x128xf32, #tpu.memory_space<hbm>>) target_semaphore(%arg17 : memref<!tpu.dma_semaphore, #tpu.memory_space<semaphore_mem>>)
    %dma_wait3A_194 = arith.constant 0 : i32
    %dma_wait3A_195 = tpu.memref_slice %arg5[%add3A_115, %dma_wait3A_194] : memref<20000x128xf32, #tpu.memory_space<hbm>> -> memref<80x128xf32, #tpu.memory_space<hbm>>
    %dma_wait3A_196 = arith.constant 0 : i32
    %dma_wait3A_197 = tpu.memref_slice %arg5[%add3A_115, %dma_wait3A_196] : memref<20000x128xf32, #tpu.memory_space<hbm>> -> memref<80x128xf32, #tpu.memory_space<hbm>>
    tpu.wait_dma2 semaphore(%arg19 : memref<!tpu.dma_semaphore, #tpu.memory_space<semaphore_mem>>) src(%arg10 : memref<80x128xf32, #tpu.memory_space<vmem>>) dst(%dma_wait3A_197 : memref<80x128xf32, #tpu.memory_space<hbm>>)
    %add3A_198 = arith.constant 400 : i32
    %add3A_199 = arith.addi %mul3A_0, %add3A_198 : i32
    %dma_start3A_200 = arith.constant 0 : i32
    %dma_start3A_201 = tpu.memref_slice %arg11[%add3A_199, %dma_start3A_200] : memref<10000x128xf32, #tpu.memory_space<vmem_shared>> -> memref<80x128xf32, #tpu.memory_space<vmem_shared>>
    %dma_start3A_202 = arith.constant 0 : i32
    %dma_start3A_203 = tpu.memref_slice %arg11[%add3A_199, %dma_start3A_202] : memref<10000x128xf32, #tpu.memory_space<vmem_shared>> -> memref<80x128xf32, #tpu.memory_space<vmem_shared>>
    tpu.enqueue_dma source(%dma_start3A_203 : memref<80x128xf32, #tpu.memory_space<vmem_shared>>) target(%arg10 : memref<80x128xf32, #tpu.memory_space<vmem>>) target_semaphore(%arg16 : memref<!tpu.dma_semaphore, #tpu.memory_space<semaphore_mem>>)
    %dma_wait3A_204 = arith.constant 0 : i32
    %dma_wait3A_205 = tpu.memref_slice %arg11[%mul3A_0, %dma_wait3A_204] : memref<10000x128xf32, #tpu.memory_space<vmem_shared>> -> memref<80x128xf32, #tpu.memory_space<vmem_shared>>
    %dma_wait3A_206 = arith.constant 0 : i32
    %dma_wait3A_207 = tpu.memref_slice %arg11[%mul3A_0, %dma_wait3A_206] : memref<10000x128xf32, #tpu.memory_space<vmem_shared>> -> memref<80x128xf32, #tpu.memory_space<vmem_shared>>
    tpu.wait_dma2 semaphore(%arg15 : memref<!tpu.dma_semaphore, #tpu.memory_space<semaphore_mem>>) src(%dma_wait3A_207 : memref<80x128xf32, #tpu.memory_space<vmem_shared>>) dst(%arg9 : memref<80x128xf32, #tpu.memory_space<vmem>>)
    %add3A_208 = arith.constant 320 : i32
    %add3A_209 = arith.addi %add3A_115, %add3A_208 : i32
    %dma_start3A_210 = arith.constant 0 : i32
    %dma_start3A_211 = tpu.memref_slice %arg5[%add3A_209, %dma_start3A_210] : memref<20000x128xf32, #tpu.memory_space<hbm>> -> memref<80x128xf32, #tpu.memory_space<hbm>>
    %dma_start3A_212 = arith.constant 0 : i32
    %dma_start3A_213 = tpu.memref_slice %arg5[%add3A_209, %dma_start3A_212] : memref<20000x128xf32, #tpu.memory_space<hbm>> -> memref<80x128xf32, #tpu.memory_space<hbm>>
    tpu.enqueue_dma source(%arg9 : memref<80x128xf32, #tpu.memory_space<vmem>>) target(%dma_start3A_213 : memref<80x128xf32, #tpu.memory_space<hbm>>) target_semaphore(%arg18 : memref<!tpu.dma_semaphore, #tpu.memory_space<semaphore_mem>>)
    %dma_wait3A_214 = arith.constant 0 : i32
    %dma_wait3A_215 = tpu.memref_slice %arg5[%add3A_115, %dma_wait3A_214] : memref<20000x128xf32, #tpu.memory_space<hbm>> -> memref<80x128xf32, #tpu.memory_space<hbm>>
    %dma_wait3A_216 = arith.constant 0 : i32
    %dma_wait3A_217 = tpu.memref_slice %arg5[%add3A_115, %dma_wait3A_216] : memref<20000x128xf32, #tpu.memory_space<hbm>> -> memref<80x128xf32, #tpu.memory_space<hbm>>
    tpu.wait_dma2 semaphore(%arg17 : memref<!tpu.dma_semaphore, #tpu.memory_space<semaphore_mem>>) src(%arg8 : memref<80x128xf32, #tpu.memory_space<vmem>>) dst(%dma_wait3A_217 : memref<80x128xf32, #tpu.memory_space<hbm>>)
    %add3A_218 = arith.constant 480 : i32
    %add3A_219 = arith.addi %mul3A_0, %add3A_218 : i32
    %dma_start3A_220 = arith.constant 0 : i32
    %dma_start3A_221 = tpu.memref_slice %arg11[%add3A_219, %dma_start3A_220] : memref<10000x128xf32, #tpu.memory_space<vmem_shared>> -> memref<80x128xf32, #tpu.memory_space<vmem_shared>>
    %dma_start3A_222 = arith.constant 0 : i32
    %dma_start3A_223 = tpu.memref_slice %arg11[%add3A_219, %dma_start3A_222] : memref<10000x128xf32, #tpu.memory_space<vmem_shared>> -> memref<80x128xf32, #tpu.memory_space<vmem_shared>>
    tpu.enqueue_dma source(%dma_start3A_223 : memref<80x128xf32, #tpu.memory_space<vmem_shared>>) target(%arg8 : memref<80x128xf32, #tpu.memory_space<vmem>>) target_semaphore(%arg14 : memref<!tpu.dma_semaphore, #tpu.memory_space<semaphore_mem>>)
    %dma_wait3A_224 = arith.constant 0 : i32
    %dma_wait3A_225 = tpu.memref_slice %arg11[%mul3A_0, %dma_wait3A_224] : memref<10000x128xf32, #tpu.memory_space<vmem_shared>> -> memref<80x128xf32, #tpu.memory_space<vmem_shared>>
    %dma_wait3A_226 = arith.constant 0 : i32
    %dma_wait3A_227 = tpu.memref_slice %arg11[%mul3A_0, %dma_wait3A_226] : memref<10000x128xf32, #tpu.memory_space<vmem_shared>> -> memref<80x128xf32, #tpu.memory_space<vmem_shared>>
    tpu.wait_dma2 semaphore(%arg16 : memref<!tpu.dma_semaphore, #tpu.memory_space<semaphore_mem>>) src(%dma_wait3A_227 : memref<80x128xf32, #tpu.memory_space<vmem_shared>>) dst(%arg10 : memref<80x128xf32, #tpu.memory_space<vmem>>)
    %add3A_228 = arith.constant 400 : i32
    %add3A_229 = arith.addi %add3A_115, %add3A_228 : i32
    %dma_start3A_230 = arith.constant 0 : i32
    %dma_start3A_231 = tpu.memref_slice %arg5[%add3A_229, %dma_start3A_230] : memref<20000x128xf32, #tpu.memory_space<hbm>> -> memref<80x128xf32, #tpu.memory_space<hbm>>
    %dma_start3A_232 = arith.constant 0 : i32
    %dma_start3A_233 = tpu.memref_slice %arg5[%add3A_229, %dma_start3A_232] : memref<20000x128xf32, #tpu.memory_space<hbm>> -> memref<80x128xf32, #tpu.memory_space<hbm>>
    tpu.enqueue_dma source(%arg10 : memref<80x128xf32, #tpu.memory_space<vmem>>) target(%dma_start3A_233 : memref<80x128xf32, #tpu.memory_space<hbm>>) target_semaphore(%arg19 : memref<!tpu.dma_semaphore, #tpu.memory_space<semaphore_mem>>)
    %dma_wait3A_234 = arith.constant 0 : i32
    %dma_wait3A_235 = tpu.memref_slice %arg5[%add3A_115, %dma_wait3A_234] : memref<20000x128xf32, #tpu.memory_space<hbm>> -> memref<80x128xf32, #tpu.memory_space<hbm>>
    %dma_wait3A_236 = arith.constant 0 : i32
    %dma_wait3A_237 = tpu.memref_slice %arg5[%add3A_115, %dma_wait3A_236] : memref<20000x128xf32, #tpu.memory_space<hbm>> -> memref<80x128xf32, #tpu.memory_space<hbm>>
    tpu.wait_dma2 semaphore(%arg18 : memref<!tpu.dma_semaphore, #tpu.memory_space<semaphore_mem>>) src(%arg9 : memref<80x128xf32, #tpu.memory_space<vmem>>) dst(%dma_wait3A_237 : memref<80x128xf32, #tpu.memory_space<hbm>>)
    %add3A_238 = arith.constant 560 : i32
    %add3A_239 = arith.addi %mul3A_0, %add3A_238 : i32
    %dma_start3A_240 = arith.constant 0 : i32
    %dma_start3A_241 = tpu.memref_slice %arg11[%add3A_239, %dma_start3A_240] : memref<10000x128xf32, #tpu.memory_space<vmem_shared>> -> memref<80x128xf32, #tpu.memory_space<vmem_shared>>
    %dma_start3A_242 = arith.constant 0 : i32
    %dma_start3A_243 = tpu.memref_slice %arg11[%add3A_239, %dma_start3A_242] : memref<10000x128xf32, #tpu.memory_space<vmem_shared>> -> memref<80x128xf32, #tpu.memory_space<vmem_shared>>
    tpu.enqueue_dma source(%dma_start3A_243 : memref<80x128xf32, #tpu.memory_space<vmem_shared>>) target(%arg9 : memref<80x128xf32, #tpu.memory_space<vmem>>) target_semaphore(%arg15 : memref<!tpu.dma_semaphore, #tpu.memory_space<semaphore_mem>>)
    %dma_wait3A_244 = arith.constant 0 : i32
    %dma_wait3A_245 = tpu.memref_slice %arg11[%mul3A_0, %dma_wait3A_244] : memref<10000x128xf32, #tpu.memory_space<vmem_shared>> -> memref<80x128xf32, #tpu.memory_space<vmem_shared>>
    %dma_wait3A_246 = arith.constant 0 : i32
    %dma_wait3A_247 = tpu.memref_slice %arg11[%mul3A_0, %dma_wait3A_246] : memref<10000x128xf32, #tpu.memory_space<vmem_shared>> -> memref<80x128xf32, #tpu.memory_space<vmem_shared>>
    tpu.wait_dma2 semaphore(%arg14 : memref<!tpu.dma_semaphore, #tpu.memory_space<semaphore_mem>>) src(%dma_wait3A_247 : memref<80x128xf32, #tpu.memory_space<vmem_shared>>) dst(%arg8 : memref<80x128xf32, #tpu.memory_space<vmem>>)
    %add3A_248 = arith.constant 480 : i32
    %add3A_249 = arith.addi %add3A_115, %add3A_248 : i32
    %dma_start3A_250 = arith.constant 0 : i32
    %dma_start3A_251 = tpu.memref_slice %arg5[%add3A_249, %dma_start3A_250] : memref<20000x128xf32, #tpu.memory_space<hbm>> -> memref<80x128xf32, #tpu.memory_space<hbm>>
    %dma_start3A_252 = arith.constant 0 : i32
    %dma_start3A_253 = tpu.memref_slice %arg5[%add3A_249, %dma_start3A_252] : memref<20000x128xf32, #tpu.memory_space<hbm>> -> memref<80x128xf32, #tpu.memory_space<hbm>>
    tpu.enqueue_dma source(%arg8 : memref<80x128xf32, #tpu.memory_space<vmem>>) target(%dma_start3A_253 : memref<80x128xf32, #tpu.memory_space<hbm>>) target_semaphore(%arg17 : memref<!tpu.dma_semaphore, #tpu.memory_space<semaphore_mem>>)
    %dma_wait3A_254 = arith.constant 0 : i32
    %dma_wait3A_255 = tpu.memref_slice %arg11[%mul3A_0, %dma_wait3A_254] : memref<10000x128xf32, #tpu.memory_space<vmem_shared>> -> memref<80x128xf32, #tpu.memory_space<vmem_shared>>
    %dma_wait3A_256 = arith.constant 0 : i32
    %dma_wait3A_257 = tpu.memref_slice %arg11[%mul3A_0, %dma_wait3A_256] : memref<10000x128xf32, #tpu.memory_space<vmem_shared>> -> memref<80x128xf32, #tpu.memory_space<vmem_shared>>
    tpu.wait_dma2 semaphore(%arg15 : memref<!tpu.dma_semaphore, #tpu.memory_space<semaphore_mem>>) src(%dma_wait3A_257 : memref<80x128xf32, #tpu.memory_space<vmem_shared>>) dst(%arg9 : memref<80x128xf32, #tpu.memory_space<vmem>>)
    %add3A_258 = arith.constant 560 : i32
    %add3A_259 = arith.addi %add3A_115, %add3A_258 : i32
    %dma_start3A_260 = arith.constant 0 : i32
    %dma_start3A_261 = tpu.memref_slice %arg5[%add3A_259, %dma_start3A_260] : memref<20000x128xf32, #tpu.memory_space<hbm>> -> memref<80x128xf32, #tpu.memory_space<hbm>>
    %dma_start3A_262 = arith.constant 0 : i32
    %dma_start3A_263 = tpu.memref_slice %arg5[%add3A_259, %dma_start3A_262] : memref<20000x128xf32, #tpu.memory_space<hbm>> -> memref<80x128xf32, #tpu.memory_space<hbm>>
    tpu.enqueue_dma source(%arg9 : memref<80x128xf32, #tpu.memory_space<vmem>>) target(%dma_start3A_263 : memref<80x128xf32, #tpu.memory_space<hbm>>) target_semaphore(%arg18 : memref<!tpu.dma_semaphore, #tpu.memory_space<semaphore_mem>>)
    %dma_wait3A_264 = arith.constant 0 : i32
    %dma_wait3A_265 = tpu.memref_slice %arg5[%add3A_115, %dma_wait3A_264] : memref<20000x128xf32, #tpu.memory_space<hbm>> -> memref<80x128xf32, #tpu.memory_space<hbm>>
    %dma_wait3A_266 = arith.constant 0 : i32
    %dma_wait3A_267 = tpu.memref_slice %arg5[%add3A_115, %dma_wait3A_266] : memref<20000x128xf32, #tpu.memory_space<hbm>> -> memref<80x128xf32, #tpu.memory_space<hbm>>
    tpu.wait_dma2 semaphore(%arg19 : memref<!tpu.dma_semaphore, #tpu.memory_space<semaphore_mem>>) src(%arg10 : memref<80x128xf32, #tpu.memory_space<vmem>>) dst(%dma_wait3A_267 : memref<80x128xf32, #tpu.memory_space<hbm>>)
    %dma_wait3A_268 = arith.constant 0 : i32
    %dma_wait3A_269 = tpu.memref_slice %arg5[%add3A_115, %dma_wait3A_268] : memref<20000x128xf32, #tpu.memory_space<hbm>> -> memref<80x128xf32, #tpu.memory_space<hbm>>
    %dma_wait3A_270 = arith.constant 0 : i32
    %dma_wait3A_271 = tpu.memref_slice %arg5[%add3A_115, %dma_wait3A_270] : memref<20000x128xf32, #tpu.memory_space<hbm>> -> memref<80x128xf32, #tpu.memory_space<hbm>>
    tpu.wait_dma2 semaphore(%arg17 : memref<!tpu.dma_semaphore, #tpu.memory_space<semaphore_mem>>) src(%arg8 : memref<80x128xf32, #tpu.memory_space<vmem>>) dst(%dma_wait3A_271 : memref<80x128xf32, #tpu.memory_space<hbm>>)
    %dma_wait3A_272 = arith.constant 0 : i32
    %dma_wait3A_273 = tpu.memref_slice %arg5[%add3A_115, %dma_wait3A_272] : memref<20000x128xf32, #tpu.memory_space<hbm>> -> memref<80x128xf32, #tpu.memory_space<hbm>>
    %dma_wait3A_274 = arith.constant 0 : i32
    %dma_wait3A_275 = tpu.memref_slice %arg5[%add3A_115, %dma_wait3A_274] : memref<20000x128xf32, #tpu.memory_space<hbm>> -> memref<80x128xf32, #tpu.memory_space<hbm>>
    tpu.wait_dma2 semaphore(%arg18 : memref<!tpu.dma_semaphore, #tpu.memory_space<semaphore_mem>>) src(%arg9 : memref<80x128xf32, #tpu.memory_space<vmem>>) dst(%dma_wait3A_275 : memref<80x128xf32, #tpu.memory_space<hbm>>)
    return
  }
}

module attributes {stable_mosaic.version = 14 : i64} {
  func.func @_gates_body(%arg0: i32, %arg1: memref<2000x128xf32, #tpu.memory_space<vmem>>, %arg2: memref<2000x128xf32, #tpu.memory_space<vmem>>, %arg3: memref<2000x128xf32, #tpu.memory_space<vmem>>, %arg4: memref<2000x128xf32, #tpu.memory_space<vmem>>, %arg5: memref<2000x128xf32, #tpu.memory_space<vmem>>, %arg6: memref<256x128xf32, #tpu.memory_space<vmem>>, %arg7: memref<1x128xf32, #tpu.memory_space<vmem>>, %arg8: memref<256x128xf32, #tpu.memory_space<vmem>>, %arg9: memref<1x128xf32, #tpu.memory_space<vmem>>, %arg10: memref<2000x128xf32, #tpu.memory_space<vmem>>, %arg11: memref<2000x128xf32, #tpu.memory_space<vmem>>) attributes {dimension_semantics = [#tpu.dimension_semantics<arbitrary>], iteration_bounds = array<i64: 5>, scalar_prefetch = 0 : i64, scratch_operands = 0 : i64, tpu.core_type = #tpu.core_type<tc>, window_params = [{transform_indices = @transform_0, window_bounds = array<i64: 2000, 128>}, {transform_indices = @transform_1, window_bounds = array<i64: 2000, 128>}, {transform_indices = @transform_2, window_bounds = array<i64: 2000, 128>}, {transform_indices = @transform_3, window_bounds = array<i64: 2000, 128>}, {transform_indices = @transform_4, window_bounds = array<i64: 2000, 128>}, {pipeline_mode = #tpu.pipeline_mode<synchronous>, transform_indices = @transform_5, window_bounds = array<i64: 256, 128>}, {pipeline_mode = #tpu.pipeline_mode<synchronous>, transform_indices = @transform_6, window_bounds = array<i64: 1, 128>}, {pipeline_mode = #tpu.pipeline_mode<synchronous>, transform_indices = @transform_7, window_bounds = array<i64: 256, 128>}, {pipeline_mode = #tpu.pipeline_mode<synchronous>, transform_indices = @transform_8, window_bounds = array<i64: 1, 128>}, {transform_indices = @transform_9, window_bounds = array<i64: 2000, 128>}, {transform_indices = @transform_10, window_bounds = array<i64: 2000, 128>}]} {
    %get3A = arith.constant 0 : index
    %get3A_0 = arith.constant 0 : index
    %get3A_1 = vector.load %arg3[%get3A, %get3A_0] : memref<2000x128xf32, #tpu.memory_space<vmem>>, vector<2000x128xf32>
    %slice3A = vector.extract_strided_slice %get3A_1 {offsets = [0, 0], sizes = [2000, 1], strides = [1, 1]} : vector<2000x128xf32> to vector<2000x1xf32>
    %get3A_2 = arith.constant 0 : index
    %get3A_3 = arith.constant 0 : index
    %get3A_4 = vector.load %arg4[%get3A_2, %get3A_3] : memref<2000x128xf32, #tpu.memory_space<vmem>>, vector<2000x128xf32>
    %slice3A_5 = vector.extract_strided_slice %get3A_4 {offsets = [0, 0], sizes = [2000, 1], strides = [1, 1]} : vector<2000x128xf32> to vector<2000x1xf32>
    %add3A = arith.addf %slice3A, %slice3A_5 : vector<2000x1xf32>
    %max3A = arith.constant 1.000000e+00 : f32
    %max3A_6 = vector.broadcast %max3A : f32 to vector<2000x1xf32>
    %max3A_7 = arith.maximumf %add3A, %max3A_6 : vector<2000x1xf32>
    %div3A = arith.constant 1.000000e+00 : f32
    %div3A_8 = vector.broadcast %div3A : f32 to vector<2000x1xf32>
    %div3A_9 = arith.divf %div3A_8, %max3A_7 : vector<2000x1xf32>
    %mul3A = arith.mulf %add3A, %div3A_9 : vector<2000x1xf32>
    %get3A_10 = arith.constant 0 : index
    %get3A_11 = arith.constant 0 : index
    %get3A_12 = vector.load %arg1[%get3A_10, %get3A_11] : memref<2000x128xf32, #tpu.memory_space<vmem>>, vector<2000x128xf32>
    %get3A_13 = arith.constant 0 : index
    %get3A_14 = arith.constant 0 : index
    %get3A_15 = vector.load %arg2[%get3A_13, %get3A_14] : memref<2000x128xf32, #tpu.memory_space<vmem>>, vector<2000x128xf32>
    %concatenate3A = tpu.concatenate %get3A_12, %get3A_15 in 1 : vector<2000x128xf32>, vector<2000x128xf32> -> vector<2000x256xf32>
    %get3A_16 = arith.constant 0 : index
    %get3A_17 = arith.constant 0 : index
    %get3A_18 = vector.load %arg6[%get3A_16, %get3A_17] : memref<256x128xf32, #tpu.memory_space<vmem>>, vector<256x128xf32>
    %dot_general3A = arith.constant dense<0.000000e+00> : vector<2000x128xf32>
    %dot_general3A_19 = tpu.matmul %concatenate3A, %get3A_18, %dot_general3A {dimension_numbers = #tpu.dot_dimension_numbers<[1], [0], [0], [1], [0, 0, 1, 1], [], []>, transpose_lhs_hint = false} : vector<2000x256xf32>, vector<256x128xf32>, vector<2000x128xf32> -> vector<2000x128xf32>
    %mul3A_20 = vector.broadcast %div3A_9 : vector<2000x1xf32> to vector<2000x128xf32>
    %mul3A_21 = arith.mulf %dot_general3A_19, %mul3A_20 : vector<2000x128xf32>
    %get3A_22 = arith.constant 0 : index
    %get3A_23 = arith.constant 0 : index
    %get3A_24 = vector.load %arg7[%get3A_22, %get3A_23] : memref<1x128xf32, #tpu.memory_space<vmem>>, vector<1x128xf32>
    %mul3A_25 = vector.broadcast %get3A_24 : vector<1x128xf32> to vector<2000x128xf32>
    %mul3A_26 = vector.broadcast %mul3A : vector<2000x1xf32> to vector<2000x128xf32>
    %mul3A_27 = arith.mulf %mul3A_25, %mul3A_26 : vector<2000x128xf32>
    %add3A_28 = arith.addf %mul3A_21, %mul3A_27 : vector<2000x128xf32>
    %logistic3A = arith.negf %add3A_28 : vector<2000x128xf32>
    %logistic3A_29 = math.exp %logistic3A : vector<2000x128xf32>
    %logistic3A_30 = arith.constant 1.000000e+00 : f32
    %logistic3A_31 = vector.broadcast %logistic3A_30 : f32 to vector<2000x128xf32>
    %logistic3A_32 = arith.addf %logistic3A_31, %logistic3A_29 : vector<2000x128xf32>
    %logistic3A_33 = arith.divf %logistic3A_31, %logistic3A_32 : vector<2000x128xf32>
    %get3A_34 = arith.constant 0 : index
    %get3A_35 = arith.constant 0 : index
    %get3A_36 = vector.load %arg8[%get3A_34, %get3A_35] : memref<256x128xf32, #tpu.memory_space<vmem>>, vector<256x128xf32>
    %dot_general3A_37 = arith.constant dense<0.000000e+00> : vector<2000x128xf32>
    %dot_general3A_38 = tpu.matmul %concatenate3A, %get3A_36, %dot_general3A_37 {dimension_numbers = #tpu.dot_dimension_numbers<[1], [0], [0], [1], [0, 0, 1, 1], [], []>, transpose_lhs_hint = false} : vector<2000x256xf32>, vector<256x128xf32>, vector<2000x128xf32> -> vector<2000x128xf32>
    %mul3A_39 = vector.broadcast %div3A_9 : vector<2000x1xf32> to vector<2000x128xf32>
    %mul3A_40 = arith.mulf %dot_general3A_38, %mul3A_39 : vector<2000x128xf32>
    %get3A_41 = arith.constant 0 : index
    %get3A_42 = arith.constant 0 : index
    %get3A_43 = vector.load %arg9[%get3A_41, %get3A_42] : memref<1x128xf32, #tpu.memory_space<vmem>>, vector<1x128xf32>
    %mul3A_44 = vector.broadcast %get3A_43 : vector<1x128xf32> to vector<2000x128xf32>
    %mul3A_45 = vector.broadcast %mul3A : vector<2000x1xf32> to vector<2000x128xf32>
    %mul3A_46 = arith.mulf %mul3A_44, %mul3A_45 : vector<2000x128xf32>
    %add3A_47 = arith.addf %mul3A_40, %mul3A_46 : vector<2000x128xf32>
    %logistic3A_48 = arith.negf %add3A_47 : vector<2000x128xf32>
    %logistic3A_49 = math.exp %logistic3A_48 : vector<2000x128xf32>
    %logistic3A_50 = arith.constant 1.000000e+00 : f32
    %logistic3A_51 = vector.broadcast %logistic3A_50 : f32 to vector<2000x128xf32>
    %logistic3A_52 = arith.addf %logistic3A_51, %logistic3A_49 : vector<2000x128xf32>
    %logistic3A_53 = arith.divf %logistic3A_51, %logistic3A_52 : vector<2000x128xf32>
    %swap3A = arith.constant 0 : index
    %swap3A_54 = arith.constant 0 : index
    %swap3A_55 = vector.load %arg10[%swap3A, %swap3A_54] : memref<2000x128xf32, #tpu.memory_space<vmem>>, vector<2000x128xf32>
    tpu.vector_store %arg10[%swap3A, %swap3A_54], %logistic3A_33 {strides = array<i32>} : memref<2000x128xf32, #tpu.memory_space<vmem>>, vector<2000x128xf32>,
    %get3A_56 = arith.constant 0 : index
    %get3A_57 = arith.constant 0 : index
    %get3A_58 = vector.load %arg5[%get3A_56, %get3A_57] : memref<2000x128xf32, #tpu.memory_space<vmem>>, vector<2000x128xf32>
    %mul3A_59 = arith.mulf %logistic3A_53, %get3A_58 : vector<2000x128xf32>
    %swap3A_60 = arith.constant 0 : index
    %swap3A_61 = arith.constant 0 : index
    %swap3A_62 = vector.load %arg11[%swap3A_60, %swap3A_61] : memref<2000x128xf32, #tpu.memory_space<vmem>>, vector<2000x128xf32>
    tpu.vector_store %arg11[%swap3A_60, %swap3A_61], %mul3A_59 {strides = array<i32>} : memref<2000x128xf32, #tpu.memory_space<vmem>>, vector<2000x128xf32>,
    return
  }
  func.func @transform_0(%arg0: i32) -> (i32, i32) {
    %c0_i32 = arith.constant 0 : i32
    %c0_i32_0 = arith.constant 0 : i32
    return %arg0, %c0_i32 : i32, i32
  }
  func.func @transform_1(%arg0: i32) -> (i32, i32) {
    %add3A = arith.constant 5 : i32
    %add3A_0 = arith.addi %arg0, %add3A : i32
    %c0_i32 = arith.constant 0 : i32
    %c0_i32_1 = arith.constant 0 : i32
    return %add3A_0, %c0_i32 : i32, i32
  }
  func.func @transform_2(%arg0: i32) -> (i32, i32) {
    %c0_i32 = arith.constant 0 : i32
    %c0_i32_0 = arith.constant 0 : i32
    return %arg0, %c0_i32 : i32, i32
  }
  func.func @transform_3(%arg0: i32) -> (i32, i32) {
    %add3A = arith.constant 5 : i32
    %add3A_0 = arith.addi %arg0, %add3A : i32
    %c0_i32 = arith.constant 0 : i32
    %c0_i32_1 = arith.constant 0 : i32
    return %add3A_0, %c0_i32 : i32, i32
  }
  func.func @transform_4(%arg0: i32) -> (i32, i32) {
    %c0_i32 = arith.constant 0 : i32
    %c0_i32_0 = arith.constant 0 : i32
    return %arg0, %c0_i32 : i32, i32
  }
  func.func @transform_5(%arg0: i32) -> (i32, i32) {
    %c0_i32 = arith.constant 0 : i32
    %c0_i32_0 = arith.constant 0 : i32
    %c0_i32_1 = arith.constant 0 : i32
    return %c0_i32, %c0_i32_0 : i32, i32
  }
  func.func @transform_6(%arg0: i32) -> (i32, i32) {
    %c0_i32 = arith.constant 0 : i32
    %c0_i32_0 = arith.constant 0 : i32
    %c0_i32_1 = arith.constant 0 : i32
    return %c0_i32, %c0_i32_0 : i32, i32
  }
  func.func @transform_7(%arg0: i32) -> (i32, i32) {
    %c0_i32 = arith.constant 0 : i32
    %c0_i32_0 = arith.constant 0 : i32
    %c0_i32_1 = arith.constant 0 : i32
    return %c0_i32, %c0_i32_0 : i32, i32
  }
  func.func @transform_8(%arg0: i32) -> (i32, i32) {
    %c0_i32 = arith.constant 0 : i32
    %c0_i32_0 = arith.constant 0 : i32
    %c0_i32_1 = arith.constant 0 : i32
    return %c0_i32, %c0_i32_0 : i32, i32
  }
  func.func @transform_9(%arg0: i32) -> (i32, i32) {
    %c0_i32 = arith.constant 0 : i32
    %c0_i32_0 = arith.constant 0 : i32
    return %arg0, %c0_i32 : i32, i32
  }
  func.func @transform_10(%arg0: i32) -> (i32, i32) {
    %c0_i32 = arith.constant 0 : i32
    %c0_i32_0 = arith.constant 0 : i32
    return %arg0, %c0_i32 : i32, i32
  }
}

module attributes {stable_mosaic.version = 14 : i64} {
  func.func @_out_body(%arg0: i32, %arg1: memref<2000x128xf32, #tpu.memory_space<vmem>>, %arg2: memref<2000x128xf32, #tpu.memory_space<vmem>>, %arg3: memref<2000x128xf32, #tpu.memory_space<vmem>>, %arg4: memref<2000x128xf32, #tpu.memory_space<vmem>>, %arg5: memref<2000x128xf32, #tpu.memory_space<vmem>>, %arg6: memref<2000x128xf32, #tpu.memory_space<vmem>>, %arg7: memref<2000x128xf32, #tpu.memory_space<vmem>>, %arg8: memref<256x128xf32, #tpu.memory_space<vmem>>, %arg9: memref<1x128xf32, #tpu.memory_space<vmem>>, %arg10: memref<2000x128xf32, #tpu.memory_space<vmem>>) attributes {dimension_semantics = [#tpu.dimension_semantics<arbitrary>], iteration_bounds = array<i64: 5>, scalar_prefetch = 0 : i64, scratch_operands = 0 : i64, tpu.core_type = #tpu.core_type<tc>, window_params = [{transform_indices = @transform_0, window_bounds = array<i64: 2000, 128>}, {transform_indices = @transform_1, window_bounds = array<i64: 2000, 128>}, {transform_indices = @transform_2, window_bounds = array<i64: 2000, 128>}, {transform_indices = @transform_3, window_bounds = array<i64: 2000, 128>}, {transform_indices = @transform_4, window_bounds = array<i64: 2000, 128>}, {transform_indices = @transform_5, window_bounds = array<i64: 2000, 128>}, {transform_indices = @transform_6, window_bounds = array<i64: 2000, 128>}, {pipeline_mode = #tpu.pipeline_mode<synchronous>, transform_indices = @transform_7, window_bounds = array<i64: 256, 128>}, {pipeline_mode = #tpu.pipeline_mode<synchronous>, transform_indices = @transform_8, window_bounds = array<i64: 1, 128>}, {transform_indices = @transform_9, window_bounds = array<i64: 2000, 128>}]} {
    %get3A = arith.constant 0 : index
    %get3A_0 = arith.constant 0 : index
    %get3A_1 = vector.load %arg4[%get3A, %get3A_0] : memref<2000x128xf32, #tpu.memory_space<vmem>>, vector<2000x128xf32>
    %slice3A = vector.extract_strided_slice %get3A_1 {offsets = [0, 0], sizes = [2000, 1], strides = [1, 1]} : vector<2000x128xf32> to vector<2000x1xf32>
    %get3A_2 = arith.constant 0 : index
    %get3A_3 = arith.constant 0 : index
    %get3A_4 = vector.load %arg5[%get3A_2, %get3A_3] : memref<2000x128xf32, #tpu.memory_space<vmem>>, vector<2000x128xf32>
    %slice3A_5 = vector.extract_strided_slice %get3A_4 {offsets = [0, 0], sizes = [2000, 1], strides = [1, 1]} : vector<2000x128xf32> to vector<2000x1xf32>
    %add3A = arith.addf %slice3A, %slice3A_5 : vector<2000x1xf32>
    %max3A = arith.constant 1.000000e+00 : f32
    %max3A_6 = vector.broadcast %max3A : f32 to vector<2000x1xf32>
    %max3A_7 = arith.maximumf %add3A, %max3A_6 : vector<2000x1xf32>
    %div3A = arith.constant 1.000000e+00 : f32
    %div3A_8 = vector.broadcast %div3A : f32 to vector<2000x1xf32>
    %div3A_9 = arith.divf %div3A_8, %max3A_7 : vector<2000x1xf32>
    %mul3A = arith.mulf %add3A, %div3A_9 : vector<2000x1xf32>
    %get3A_10 = arith.constant 0 : index
    %get3A_11 = arith.constant 0 : index
    %get3A_12 = vector.load %arg1[%get3A_10, %get3A_11] : memref<2000x128xf32, #tpu.memory_space<vmem>>, vector<2000x128xf32>
    %get3A_13 = arith.constant 0 : index
    %get3A_14 = arith.constant 0 : index
    %get3A_15 = vector.load %arg2[%get3A_13, %get3A_14] : memref<2000x128xf32, #tpu.memory_space<vmem>>, vector<2000x128xf32>
    %get3A_16 = arith.constant 0 : index
    %get3A_17 = arith.constant 0 : index
    %get3A_18 = vector.load %arg3[%get3A_16, %get3A_17] : memref<2000x128xf32, #tpu.memory_space<vmem>>, vector<2000x128xf32>
    %add3A_19 = arith.addf %get3A_15, %get3A_18 : vector<2000x128xf32>
    %concatenate3A = tpu.concatenate %get3A_12, %add3A_19 in 1 : vector<2000x128xf32>, vector<2000x128xf32> -> vector<2000x256xf32>
    %get3A_20 = arith.constant 0 : index
    %get3A_21 = arith.constant 0 : index
    %get3A_22 = vector.load %arg8[%get3A_20, %get3A_21] : memref<256x128xf32, #tpu.memory_space<vmem>>, vector<256x128xf32>
    %dot_general3A = arith.constant dense<0.000000e+00> : vector<2000x128xf32>
    %dot_general3A_23 = tpu.matmul %concatenate3A, %get3A_22, %dot_general3A {dimension_numbers = #tpu.dot_dimension_numbers<[1], [0], [0], [1], [0, 0, 1, 1], [], []>, transpose_lhs_hint = false} : vector<2000x256xf32>, vector<256x128xf32>, vector<2000x128xf32> -> vector<2000x128xf32>
    %mul3A_24 = vector.broadcast %div3A_9 : vector<2000x1xf32> to vector<2000x128xf32>
    %mul3A_25 = arith.mulf %dot_general3A_23, %mul3A_24 : vector<2000x128xf32>
    %get3A_26 = arith.constant 0 : index
    %get3A_27 = arith.constant 0 : index
    %get3A_28 = vector.load %arg9[%get3A_26, %get3A_27] : memref<1x128xf32, #tpu.memory_space<vmem>>, vector<1x128xf32>
    %mul3A_29 = vector.broadcast %get3A_28 : vector<1x128xf32> to vector<2000x128xf32>
    %mul3A_30 = vector.broadcast %mul3A : vector<2000x1xf32> to vector<2000x128xf32>
    %mul3A_31 = arith.mulf %mul3A_29, %mul3A_30 : vector<2000x128xf32>
    %add3A_32 = arith.addf %mul3A_25, %mul3A_31 : vector<2000x128xf32>
    %tanh3A = math.tanh %add3A_32 : vector<2000x128xf32>
    %get3A_33 = arith.constant 0 : index
    %get3A_34 = arith.constant 0 : index
    %get3A_35 = vector.load %arg6[%get3A_33, %get3A_34] : memref<2000x128xf32, #tpu.memory_space<vmem>>, vector<2000x128xf32>
    %get3A_36 = arith.constant 0 : index
    %get3A_37 = arith.constant 0 : index
    %get3A_38 = vector.load %arg7[%get3A_36, %get3A_37] : memref<2000x128xf32, #tpu.memory_space<vmem>>, vector<2000x128xf32>
    %mul3A_39 = arith.mulf %get3A_35, %get3A_38 : vector<2000x128xf32>
    %sub3A = arith.constant 1.000000e+00 : f32
    %sub3A_40 = vector.broadcast %sub3A : f32 to vector<2000x128xf32>
    %sub3A_41 = arith.subf %sub3A_40, %get3A_35 : vector<2000x128xf32>
    %mul3A_42 = arith.mulf %sub3A_41, %tanh3A : vector<2000x128xf32>
    %add3A_43 = arith.addf %mul3A_39, %mul3A_42 : vector<2000x128xf32>
    %swap3A = arith.constant 0 : index
    %swap3A_44 = arith.constant 0 : index
    %swap3A_45 = vector.load %arg10[%swap3A, %swap3A_44] : memref<2000x128xf32, #tpu.memory_space<vmem>>, vector<2000x128xf32>
    tpu.vector_store %arg10[%swap3A, %swap3A_44], %add3A_43 {strides = array<i32>} : memref<2000x128xf32, #tpu.memory_space<vmem>>, vector<2000x128xf32>,
    return
  }
  func.func @transform_0(%arg0: i32) -> (i32, i32) {
    %c0_i32 = arith.constant 0 : i32
    %c0_i32_0 = arith.constant 0 : i32
    return %arg0, %c0_i32 : i32, i32
  }
  func.func @transform_1(%arg0: i32) -> (i32, i32) {
    %c0_i32 = arith.constant 0 : i32
    %c0_i32_0 = arith.constant 0 : i32
    return %arg0, %c0_i32 : i32, i32
  }
  func.func @transform_2(%arg0: i32) -> (i32, i32) {
    %add3A = arith.constant 5 : i32
    %add3A_0 = arith.addi %arg0, %add3A : i32
    %c0_i32 = arith.constant 0 : i32
    %c0_i32_1 = arith.constant 0 : i32
    return %add3A_0, %c0_i32 : i32, i32
  }
  func.func @transform_3(%arg0: i32) -> (i32, i32) {
    %c0_i32 = arith.constant 0 : i32
    %c0_i32_0 = arith.constant 0 : i32
    return %arg0, %c0_i32 : i32, i32
  }
  func.func @transform_4(%arg0: i32) -> (i32, i32) {
    %add3A = arith.constant 5 : i32
    %add3A_0 = arith.addi %arg0, %add3A : i32
    %c0_i32 = arith.constant 0 : i32
    %c0_i32_1 = arith.constant 0 : i32
    return %add3A_0, %c0_i32 : i32, i32
  }
  func.func @transform_5(%arg0: i32) -> (i32, i32) {
    %c0_i32 = arith.constant 0 : i32
    %c0_i32_0 = arith.constant 0 : i32
    return %arg0, %c0_i32 : i32, i32
  }
  func.func @transform_6(%arg0: i32) -> (i32, i32) {
    %c0_i32 = arith.constant 0 : i32
    %c0_i32_0 = arith.constant 0 : i32
    return %arg0, %c0_i32 : i32, i32
  }
  func.func @transform_7(%arg0: i32) -> (i32, i32) {
    %c0_i32 = arith.constant 0 : i32
    %c0_i32_0 = arith.constant 0 : i32
    %c0_i32_1 = arith.constant 0 : i32
    return %c0_i32, %c0_i32_0 : i32, i32
  }
  func.func @transform_8(%arg0: i32) -> (i32, i32) {
    %c0_i32 = arith.constant 0 : i32
    %c0_i32_0 = arith.constant 0 : i32
    %c0_i32_1 = arith.constant 0 : i32
    return %c0_i32, %c0_i32_0 : i32, i32
  }
  func.func @transform_9(%arg0: i32) -> (i32, i32) {
    %c0_i32 = arith.constant 0 : i32
    %c0_i32_0 = arith.constant 0 : i32
    return %arg0, %c0_i32 : i32, i32
  }
}

</mosaic_0001>

<sc_bundles>
// kernel: kernel.10.cloned.1.call-start
scs
__scs_entry_jumppad:
0x0: {  	(pc) =	sbr.rel $0x88, $3  }
0x1: {  	(tag) =	ssettag $0x0;
	lr =	simm.s32 $0x1  }
0x2: {  	[smem:$0x3F98] =	sst lr;
	_ =	strace $0xD0000000  }
0x3: {  	_ = 	snop  }
0x4: {  	_ = 	snop  }
0x5: {  	_ = 	snop  }
0x6: {  	_ = 	snop  }
0x7: {  	_ = 	snop  }
__scs_overlays_trampoline_lowered:
0x8: {  	[smem:$0x3FA7] =	sst s0  }
0x9: {  	[smem:$0x3FA8] =	sst s1  }
0xa: {  	[smem:$0x3FA9] =	sst s2  }
0xb: {  	[smem:$0x3FAA] =	sst s3  }
0xc: {  	[smem:$0x3FAB] =	sst s4  }
0xd: {  	[smem:$0x3FAC] =	sst s5  }
0xe: {  	[smem:$0x3FAD] =	sst s6  }
0xf: {  	[smem:$0x3FAE] =	sst s7  }
0x10: {  	[smem:$0x3FAF] =	sst s8  }
0x11: {  	[smem:$0x3FB0] =	sst s9;
	s0 =	simm.s32 @!p0 $0x0  }
0x12: {  	s1 =	sld [smem:$0x3F96];
	s0 =	simm.s32 @p0 $0x1  }
0x13: {  	[smem:$0x3FB1] =	sst s0;
	s0 =	simm.s32 @!p1 $0x0  }
0x14: {  	s2 =	sld [smem:$0x3F95];
	s0 =	simm.s32 @p1 $0x1  }
0x15: {  	[smem:$0x3FB2] =	sst s0;
	s0 =	simm.s32 @!p2 $0x0  }
0x16: {  	s3 =	sld [smem:$0x3FDB];
	s0 =	simm.s32 @p2 $0x1  }
0x17: {  	s4 =	simm.s32 $0x1BF5;
	[smem:$0x3FB4] =	sst s0  }
0x18: {  	s0 =	sld [smem:$0x3F97];
	_ =	swait.ge [sflag:s4], $0x0  }
0x19: {  	s7 =	sld [smem:$0x3F98]  }
0x1a: {  	s8 =	sadd.s32 $0xFFFFE003, lr  }
0x1b: {  	s9 =	sadd.s32 $0xFFFFFEF7, lr;
	s5 =	simm.s32 $0xFFFFFFFF;
	p2 =	slt.u32 s8, $0xFFFFF086  }
0x1c: {  	p1 =	slt.u32 s9, $0xF7A;
	s5 =	simm.s32 @!p2 $0x0  }
0x1d: {  	s5 =	simm.s32 @p1 $0x1;
	p0 =	seq.s32 s7, s2  }
0x1e: {  	s7 =	smul.u32 @!p0 $0xF7A, s2;
	p2 =	seq.s32 @!p0 s5, $0x0  }
0x1f: {  	s9 =	smul.u32 $0xF7A, s1;
	s8 =	simm.s32 @!p0 $0x1BF5;
	p2 =	por !p2, p0  }
0x20: {  	[sflag:s8] =	ssyncset.s32 @!p0 $0xFFFFF086;
	s6 =	sadd.s32 @!p0 s3, s7;
	s7 =	simm.s32 @!p0 $0x108  }
0x21: {  	s3 =	sadd.s32 s3, s9;
	s6 =	sadd.s32 @!p0 $0x88, s6;
	s7 =	simm.s32 @p2 $0x1082  }
0x22: {  	[simem:s7], [sflag:s8] =	dma.local @!p0 [hbm:s6], $0xF7A  }
0x23: {  	s9 =	sor.u32 $0xD0000000, s2;
	s6 =	simm.s32 $0x108;
	_ =	swait.ge @!p0 [sflag:s8], $0x0  }
0x24: {  	s3 =	sadd.s32 $0x88, s3;
	s6 =	simm.s32 @!p1 $0x1082;
	[sflag:s4] =	ssyncset.s32 $0xFFFFF086  }
0x25: {  	[simem:s6], [sflag:s4] =	dma.local [hbm:s3], $0xF7A  }
0x26: {  	[smem:$0x3F98] =	sst s1;
	(tag) =	ssettag s2;
	_ =	strace s9  }
0x27: {  	s1 =	sld [smem:$0x3FA8]  }
0x28: {  	s2 =	sld [smem:$0x3FA9]  }
0x29: {  	s4 =	sld [smem:$0x3FAB]  }
0x2a: {  	p0 =	seq.s32 s5, $0x0;
	s5 =	sld [smem:$0x3FAC]  }
0x2b: {  	s6 =	sld [smem:$0x3FAD]  }
0x2c: {  	s7 =	sld [smem:$0x3FAE]  }
0x2d: {  	s3 =	simm.s32 $0x108;
	s8 =	sld [smem:$0x3FAF]  }
0x2e: {  	s3 =	simm.s32 @!p0 $0x1082;
	s9 =	sld [smem:$0x3FB0]  }
0x2f: {  	lr =	sadd.s32 s0, s3;
	s0 =	sld [smem:$0x3FA7]  }
0x30: {  	s3 =	sld [smem:$0x3FAA]  }
0x31: {  	[smem:$0x3FB3] =	sst s10  }
0x32: {  	s10 =	sld [smem:$0x3FB1];
	_ =	sdelay $0x3  }
0x33: {  	p0 =	seq.s32 s10, $0x1;
	s10 =	sld [smem:$0x3FB3];
	_ =	sdelay $0x3  }
0x34: {  	[smem:$0x3FB3] =	sst s10  }
0x35: {  	s10 =	sld [smem:$0x3FB2];
	_ =	sdelay $0x3  }
0x36: {  	p1 =	seq.s32 s10, $0x1;
	s10 =	sld [smem:$0x3FB3];
	_ =	sdelay $0x3  }
0x37: {  	[smem:$0x3FB3] =	sst s10  }
0x38: {  	s10 =	sld [smem:$0x3FB4]  }
0x39: {  	_ = 	snop;
	(pc) =	sbr.ind lr, $3  }
0x3a: {  	_ = 	snop  }
0x3b: {  	_ = 	snop  }
0x3c: {  	p2 =	seq.s32 s10, $0x1;
	s10 =	sld [smem:$0x3FB3]  }
0x3d: {  	_ =	shalt  }
0x3e: {  	_ =	shalt  }
0x3f: {  	_ =	shalt  }
0x40: {  	_ =	shalt  }
0x41: {  	_ =	shalt  }
0x42: {  	_ =	shalt  }
0x43: {  	_ =	shalt  }
0x44: {  	_ =	shalt  }
0x45: {  	_ =	shalt  }
0x46: {  	_ =	shalt  }
0x47: {  	_ =	shalt  }
0x48: {  	_ =	shalt  }
0x49: {  	_ =	shalt  }
0x4a: {  	_ =	shalt  }
0x4b: {  	_ =	shalt  }
0x4c: {  	_ =	shalt  }
0x4d: {  	_ =	shalt  }
0x4e: {  	_ =	shalt  }
0x4f: {  	_ =	shalt  }
0x50: {  	_ =	shalt  }
0x51: {  	_ =	shalt  }
0x52: {  	_ =	shalt  }
0x53: {  	_ =	shalt  }
0x54: {  	_ =	shalt  }
0x55: {  	_ =	shalt  }
0x56: {  	_ =	shalt  }
0x57: {  	_ =	shalt  }
0x58: {  	_ =	shalt  }
0x59: {  	_ =	shalt  }
0x5a: {  	_ =	shalt  }
0x5b: {  	_ =	shalt  }
0x5c: {  	_ =	shalt  }
0x5d: {  	_ =	shalt  }
0x5e: {  	_ =	shalt  }
0x5f: {  	_ =	shalt  }
0x60: {  	_ =	shalt  }
0x61: {  	_ =	shalt  }
0x62: {  	_ =	shalt  }
0x63: {  	_ =	shalt  }
0x64: {  	_ =	shalt  }
0x65: {  	_ =	shalt  }
0x66: {  	_ =	shalt  }
0x67: {  	_ =	shalt  }
0x68: {  	_ =	shalt  }
0x69: {  	_ =	shalt  }
0x6a: {  	_ =	shalt  }
0x6b: {  	_ =	shalt  }
0x6c: {  	_ =	shalt  }
0x6d: {  	_ =	shalt  }
0x6e: {  	_ =	shalt  }
0x6f: {  	_ =	shalt  }
0x70: {  	_ =	shalt  }
0x71: {  	_ =	shalt  }
0x72: {  	_ =	shalt  }
0x73: {  	_ =	shalt  }
0x74: {  	_ =	shalt  }
0x75: {  	_ =	shalt  }
0x76: {  	_ =	shalt  }
0x77: {  	_ =	shalt  }
0x78: {  	_ =	shalt  }
0x79: {  	_ =	shalt  }
0x7a: {  	_ =	shalt  }
0x7b: {  	_ =	shalt  }
0x7c: {  	_ =	shalt  }
0x7d: {  	_ =	shalt  }
0x7e: {  	_ =	shalt  }
0x7f: {  	_ =	shalt  }
0x80: {  	_ =	shalt  }
0x81: {  	_ =	shalt  }
0x82: {  	_ =	shalt  }
0x83: {  	_ =	shalt  }
0x84: {  	_ =	shalt  }
0x85: {  	_ =	shalt  }
0x86: {  	_ =	shalt  }
0x87: {  	_ =	shalt  }
.Lfunc_end0:
.L_simem_size_0:
called_computation.1_lowered:
.L_overlay_start_0:
0x88: {  	s2 =	sld [smem:$0x3FD9]  }
0x89: {  	s3 =	sld [smem:$0x3FFE];
	_ =	sdelay $0x1  }
0x8a: {  	s1 =	srdreg.scid  }
0x8b: {  	s0 =	sand.u32 $0x1, s1  }
0x8c: {  	s17 =	sshll.u32 s0, $0xA;
	s2 =	sadd.s32 s3, s2  }
0x8d: {  	s2 =	sadd.s32 s2, s17  }
0x8e: {  	[smem:$0x3FBF] =	sst s2  }
0x8f: {  	_ = 	snop  }
0x90: {  	s2 =	sld [smem:$0x3FD0];
	(tm) =	ssettm $0x1  }
0x91: {  	s18 =	sld [smem:$0x3FFB];
	_ =	sdelay $0x3  }
0x92: {  	_ =	strace s18  }
0x93: {  	s3 =	sld [smem:$0x3FFC];
	_ =	sdelay $0x3  }
0x94: {  	_ =	strace s3  }
0x95: {  	s3 =	sld [smem:$0x3FFD];
	_ =	sdelay $0x3  }
0x96: {  	_ =	strace s3  }
0x97: {  	_ =	strace $0x8FFFFFFF  }
0x98: {  	s19 =	sld [smem:$0x3FDB];
	_ =	sdelay $0x1  }
0x99: {  	s4 =	simm.s32 $_scs_section_size  }
0x9a: {  	s5 =	simm.s32 $_size__tile_overlayer_lowered;
	s6 =	simm.s32 $_tile_overlayer_lowered  }
0x9b: {  	s22 =	simm.s32 $0x1BFF;
	s21 =	sshll.u32 s6, $0x1;
	s3 =	sadd.s32 s4, s19  }
0x9c: {  	s7 =	simm.s32 $0x0;
	s20 =	sshll.u32 s5, $0x1;
	s5 =	sadd.s32 s21, s3  }
0x9d: {  	[timem:s7], [sflag:s22] =	dma.local [hbm:s5], s20  }
0x9e: {  	_ =	swait.ge [sflag:s22], s20  }
0x9f: {  	s4 =	ssub.s32 $0x0, s20;
	[sflag:s22] =	ssyncset.done $0x0  }
0xa0: {  	[sflag:s22] =	ssyncadd.s32 s4;
	_ =	sdelay $0x1  }
0xa1: {  	s23 =	simm.s32 $0x1B8B  }
0xa2: {  	_ =	swait.ge [sflag:s23], $0x1  }
0xa3: {  	[sflag:s23] =	ssyncset.done $0x0  }
0xa4: {  	s25 =	simm.s32 $0x1B8E;
	s24 =	sld [smem:$0x3FFE];
	[sflag:s23] =	ssyncadd.s32 $0xFFFFFFFF  }
0xa5: {  	s26 =	simm.s32 $execute0_lowered;
	[smem:$0x3FD2] =	sst s25  }
0xa6: {  	s5 =	sshll.u32 s26, $0x1;
	_ =	strace $0x80000046;
	[dreg:$0x1] =	wrdreg $0xFFFFFFFF  }
0xa7: {  	s28 =	simm.s32 $_size_execute0_lowered;
	s3 =	sadd.s32 s3, s5;
	[dreg:$0x0] =	wrdreg $0x0  }
0xa8: {  	s5 =	sshll.u32 s28, $0x1;
	[dreg:$0x2] =	wrdreg s3  }
0xa9: {  	[dreg:$0x3] =	wrdreg s5  }
0xaa: {  	[dreg:$0x4] =	wrdreg $0xC0  }
0xab: {  	_ =	task [dreg:s7], $0x5FFFF  }
0xac: {  	[dreg:$0x1] =	wrdreg $0xFFFFFFFF  }
0xad: {  	[dreg:$0x0] =	wrdreg $0x60  }
0xae: {  	[dreg:$0x2] =	wrdreg s24  }
0xaf: {  	[dreg:$0x3] =	wrdreg s2  }
0xb0: {  	[dreg:$0x4] =	wrdreg $0x7B000  }
0xb1: {  	[dreg:$0x5] =	wrdreg $0xA  }
0xb2: {  	_ =	task.clear_ibuf [dreg:s7], $0x6FFFF;
	_ =	strace $0x90000046  }
0xb3: {  	s29 =	simm.s32 $0xA;
	_ =	strace $0x80000048  }
0xb4: {  	_ =	swait.ge [sflag:s29], $0x1  }
0xb5: {  	[sflag:s29] =	ssyncadd.s32 $0xFFFFFFFF  }
0xb6: {  	_ =	strace $0x90000048  }
0xb7: {  	_ =	sfence  }
0xb8: {  	s30 =	sld [smem:$0x0];
	_ =	sdelay $0x2  }
0xb9: {  	s31 =	sshll.u32 s1, $0xD;
	s1 =	sshrl.u32 s1, $0x2  }
0xba: {  	s3 =	sand.u32 $0x4000, s31;
	s1 =	sadd.s32 s1, s30  }
0xbb: {  	s0 =	sor.u32 s3, s0;
	s1 =	sshll.u32 s1, $0x11  }
0xbc: {  	s0 =	sor.u32 s1, s0  }
0xbd: {  	s0 =	sadd.s32 $0x8F2B, s0  }
0xbe: {  	[sflag:s0] =	ssyncadd.remote.s32 $0x1  }
0xbf: {  	_ =	sfence.sel $0xFFFF  }
0xc0: {  	[dreg:$0x0] =	wrdreg $0xFFFFFFFF;
	(pc) =	sbr.abs _section_cstart, $3  }
0xc1: {  	[dreg:$0x1] =	wrdreg $0xFFFFFFFF  }
0xc2: {  	_ =	task.clear_ibuf [dreg:s7], $0x2FFFF;
	_ =	strace $0x9FFFFFFF  }
0xc3: {  	(tm) =	ssettm $0x7FFFFFFF  }
tec
execute0_lowered:
.L_overlay_start_1:
0x0: {  	(tag) =	ssettag $0x1  }
0x1: {  	s0 =	rddreg [dreg:$0x0]  }
0x2: {  	s1 =	rddreg [dreg:$0x1]  }
0x3: {  	s3 =	rddreg [dreg:$0x2]  }
0x4: {  	s4 =	simm.s32 $0x0;
	s2 =	srdreg.scid;
	s14 =	stileid.u32  }
0x5: {  	[smem:$0x7FF] =	sst s4;
	s2 =	sand.u32 $0x1, s2;
	s6 =	smul.u32 $0x270, s14  }
0x6: {  	s5 =	sadd.s32 $0x16800, s0;
	s8 =	sadd.s32 $0x2C00, s0;
	s15 =	smul.u32 $0x4E20, s14  }
0x7: {  	s9 =	sadd.s32 $0x64A00, s0;
	s11 =	smul.u32 $0x4E000, s14;
	_ =	strace $0x80000047  }
0x8: {  	s7 =	smul.u32 $0x2710, s2;
	[dreg:$0x7] =	wrdreg s9;
	s16 =	ssub.s32 $0x2, s2  }
0x9: {  	s2 =	smul.u32 $0x4E200, s2;
	s17 =	sshrl.u32 s11, $0x2;
	s12 =	sadd.s32 $0x50, s15  }
0xa: {  	s21 =	sshrl.u32 s15, $0x3;
	s13 =	sadd.s32 $0xA0, s15;
	s9 =	sadd.s32 $0x4DD0, s15  }
0xb: {  	s6 =	sadd.s32 s6, s7;
	s7 =	sadd.s32 s15, s2;
	s30 =	sadd.s32 s17, s3  }
0xc: {  	s20 =	sadd.s32 s2, s12;
	s11 =	sadd.s32 s8, s21;
	s22 =	sadd.s32 s2, s13  }
0xd: {  	s23 =	sshrl.u32 s12, $0x3;
	s2 =	sadd.s32 s2, s9;
	[dreg:$0xa] =	wrdreg s11  }
0xe: {  	s9 =	sshrl.u32 s9, $0x3;
	s11 =	sadd.s32 s8, s23;
	[dreg:$0x8] =	wrdreg s30  }
0xf: {  	s10 =	sshrl.u32 s16, $0x1;
	s25 =	sadd.s32 s8, s9;
	[dreg:$0xc] =	wrdreg s11  }
0x10: {  	s6 =	sshll.u32 s6, $0x4;
	s23 =	sadd.s32 $0xF0, s7;
	[dreg:$0x10] =	wrdreg s25  }
0x11: {  	s18 =	sshrl.u32 s7, $0x3;
	s31 =	sadd.s32 $0xA000, s30;
	[dreg:$0x1a] =	wrdreg s23  }
0x12: {  	s2 =	sshrl.u32 s2, $0x3;
	s29 =	sadd.s32 $0x11800, s30;
	[dreg:$0x1e] =	wrdreg s31  }
0x13: {  	s0 =	sadd.s32 s6, s0;
	s19 =	sadd.s32 s1, s18;
	[smem:$0x7FD] =	sst s29  }
0x14: {  	s6 =	ssub.s32 s16, s10;
	s2 =	sadd.s32 s1, s2;
	[dreg:$0x9] =	wrdreg s19  }
0x15: {  	s10 =	sshrl.u32 s20, $0x3;
	s25 =	sadd.s32 $0x5000, s30;
	[dreg:$0xf] =	wrdreg s2  }
0x16: {  	s28 =	simm.s32 $0x9;
	s10 =	sadd.s32 s1, s10;
	[dreg:$0x1c] =	wrdreg s25  }
0x17: {  	s24 =	sshrl.u32 s13, $0x3;
	s26 =	sadd.s32 $0x65000, s0;
	[dreg:$0xb] =	wrdreg s10  }
0x18: {  	s13 =	sadd.s32 $0x190, s7;
	s9 =	sadd.s32 $0x65500, s0;
	[dreg:$0x11] =	wrdreg s26  }
0x19: {  	s15 =	sadd.s32 $0x140, s7;
	s11 =	sadd.s32 $0x65A00, s0;
	[dreg:$0x12] =	wrdreg s9  }
0x1a: {  	s7 =	simm.s32 $0xC;
	s12 =	sadd.s32 $0x65F00, s0;
	[dreg:$0x13] =	wrdreg s11  }
0x1b: {  	s17 =	sshrl.u32 s15, $0x3;
	s18 =	sadd.s32 $0x66400, s0;
	[dreg:$0x14] =	wrdreg s12  }
0x1c: {  	s15 =	simm.s32 $0x50;
	s20 =	sadd.s32 $0x66900, s0;
	[dreg:$0x15] =	wrdreg s18  }
0x1d: {  	s23 =	simm.s32 $0x6;
	s19 =	sadd.s32 s17, s1;
	[dreg:$0x16] =	wrdreg s20  }
0x1e: {  	s21 =	sadd.s32 $0x66E00, s0;
	s0 =	sadd.s32 $0x67300, s0;
	[dreg:$0x6] =	wrdreg s19  }
0x1f: {  	s25 =	sadd.s32 $0xC800, s30;
	s17 =	simm.s32 $0x5280;
	[dreg:$0x17] =	wrdreg s21  }
0x20: {  	s10 =	sshrl.u32 s22, $0x3;
	[dreg:$0x18] =	wrdreg s0;
	s22 =	smax.u32 s6, $0x1  }
0x21: {  	s26 =	sadd.s32 $0x7800, s30;
	s6 =	simm.s32 $0x100;
	s9 =	simm.s32 $0x7  }
0x22: {  	s11 =	simm.s32 $0x2900;
	s12 =	simm.s32 $0x2980;
	[dreg:$0x1f] =	wrdreg s25  }
0x23: {  	s18 =	simm.s32 $0x3;
	s19 =	simm.s32 $0x4;
	[dreg:$0x19] =	wrdreg s22  }
0x24: {  	s20 =	simm.s32 $0x2A00;
	s0 =	simm.s32 $0x0;
	[dreg:$0x1d] =	wrdreg s26  }
0x25: {  	s21 =	simm.s32 $0xA;
	s10 =	sadd.s32 s1, s10;
	[smem:$0x7FB] =	sst s0  }
0x26: {  	s22 =	simm.s32 $0x5;
	[dreg:$0xd] =	wrdreg s10;
	s10 =	sadd.s32 s8, s24  }
0x27: {  	s26 =	simm.s32 $0xB;
	s24 =	sadd.s32 $0x2800, s30;
	[dreg:$0xe] =	wrdreg s10  }
0x28: {  	s10 =	smul.u32 $0x9C4, s14;
	s14 =	sshrl.u32 s13, $0x3;
	[dreg:$0x1b] =	wrdreg s24  }
0x29: {  	s13 =	simm.s32 $0x1;
	s24 =	simm.s32 $0x5300;
	s16 =	sadd.s32 s14, s1  }
0x2a: {  	s14 =	simm.s32 $0x2;
	s2 =	sadd.s32 s10, s8;
	[dreg:$0x5] =	wrdreg s16  }
0x2b: {  	s10 =	simm.s32 $0x80;
	[dreg:$0x4] =	wrdreg s2;
	s2 =	sadd.s32 $0xF000, s30  }
0x2c: {  	s16 =	simm.s32 $0x5200;
	s8 =	simm.s32 $0x8;
	[smem:$0x7FC] =	sst s2  }
.LBB2_1:
0x2d: {  	s0 =	rddreg [dreg:$0x7]  }
0x2e: {  	[tilespmem:s6], [sflag:$0xD] =	stream.linear.gather [hbm4b:s0+s4], $0x2800, $0x38;
	[tilespmem:$0x1B380] =	vst v63  }
0x2f: {  	s0 =	simm.s32 $0xD  }
0x30: {  	_ =	swait.ge [sflag:s0], $0x2800  }
0x31: {  	[sflag:s0] =	ssyncset.done $0x0  }
0x32: {  	[sflag:s0] =	ssyncadd.s32 $0xFFFFD800  }
0x33: {  	[spmem:s30] =	stream.linear.scatter [tilespmem:s6], [sflag:$0x7], $0x2800, $0x38;
	[tilespmem:$0x1B380] =	vst v63  }
0x34: {  	s0 =	rddreg [dreg:$0x1b]  }
0x35: {  	[spmem:s0] =	stream.linear.scatter [tilespmem:s6], [sflag:$0x7], $0x2800, $0x38;
	[tilespmem:$0x1B380] =	vst v63  }
0x36: {  	s0 =	rddreg [dreg:$0x1c]  }
0x37: {  	[spmem:s0] =	stream.linear.scatter [tilespmem:s6], [sflag:$0x7], $0x2800, $0x38;
	[tilespmem:$0x1B380] =	vst v63  }
0x38: {  	s0 =	rddreg [dreg:$0x1d]  }
0x39: {  	[spmem:s0] =	stream.linear.scatter [tilespmem:s6], [sflag:$0x7], $0x2800, $0x38;
	[tilespmem:$0x1B380] =	vst v63  }
0x3a: {  	_ = 	snop  }
0x3b: {  	[spmem:s31] =	stream.linear.scatter [tilespmem:s6], [sflag:$0x7], $0x2800, $0x38;
	[tilespmem:$0x1B380] =	vst v63  }
0x3c: {  	_ = 	snop  }
0x3d: {  	[spmem:s25] =	stream.linear.scatter [tilespmem:s6], [sflag:$0x7], $0x2800, $0x38;
	[tilespmem:$0x1B380] =	vst v63  }
0x3e: {  	_ = 	snop  }
0x3f: {  	[spmem:s2] =	stream.linear.scatter [tilespmem:s6], [sflag:$0x7], $0x2800, $0x38;
	[tilespmem:$0x1B380] =	vst v63  }
0x40: {  	_ = 	snop  }
0x41: {  	[spmem:s29] =	stream.linear.scatter [tilespmem:s6], [sflag:$0x7], $0x2800, $0x38;
	[tilespmem:$0x1B380] =	vst v63  }
0x42: {  	_ =	swait.ge [sflag:s9], $0x2800  }
0x43: {  	[sflag:s9] =	ssyncset.done $0x0  }
0x44: {  	[sflag:s9] =	ssyncadd.s32 $0xFFFFD800  }
0x45: {  	_ =	swait.ge [sflag:s9], $0x2800  }
0x46: {  	[sflag:s9] =	ssyncset.done $0x0  }
0x47: {  	[sflag:s9] =	ssyncadd.s32 $0xFFFFD800  }
0x48: {  	_ =	swait.ge [sflag:s9], $0x2800  }
0x49: {  	[sflag:s9] =	ssyncset.done $0x0  }
0x4a: {  	[sflag:s9] =	ssyncadd.s32 $0xFFFFD800  }
0x4b: {  	_ =	swait.ge [sflag:s9], $0x2800  }
0x4c: {  	[sflag:s9] =	ssyncset.done $0x0  }
0x4d: {  	[sflag:s9] =	ssyncadd.s32 $0xFFFFD800  }
0x4e: {  	_ =	swait.ge [sflag:s9], $0x2800  }
0x4f: {  	[sflag:s9] =	ssyncset.done $0x0  }
0x50: {  	[sflag:s9] =	ssyncadd.s32 $0xFFFFD800  }
0x51: {  	_ =	swait.ge [sflag:s9], $0x2800  }
0x52: {  	[sflag:s9] =	ssyncset.done $0x0  }
0x53: {  	[sflag:s9] =	ssyncadd.s32 $0xFFFFD800  }
0x54: {  	_ =	swait.ge [sflag:s9], $0x2800  }
0x55: {  	[sflag:s9] =	ssyncset.done $0x0  }
0x56: {  	[sflag:s9] =	ssyncadd.s32 $0xFFFFD800  }
0x57: {  	_ =	swait.ge [sflag:s9], $0x2800  }
0x58: {  	[sflag:s9] =	ssyncset.done $0x0  }
0x59: {  	[sflag:s9] =	ssyncadd.s32 $0xFFFFD800  }
0x5a: {  	[bflag:$0x0] =	sbarrier.arrive $0xFFFF  }
0x5b: {  	s31 =	rddreg [dreg:$0x9]  }
0x5c: {  	[tilespmem:s4], [sflag:$0x1] =	stream.linear.gather [hbm4b:s31+s4], $0x50, $0x38;
	[tilespmem:$0x1B380] =	vst v63  }
0x5d: {  	s2 =	rddreg [dreg:$0xa]  }
0x5e: {  	[tilespmem:s10], [sflag:$0x2] =	stream.linear.gather [hbm4b:s2+s4], $0x50, $0x38;
	[tilespmem:$0x1B380] =	vst v63  }
0x5f: {  	s25 =	rddreg [dreg:$0xb]  }
0x60: {  	[tilespmem:s11], [sflag:$0x3] =	stream.linear.gather [hbm4b:s25+s4], $0x50, $0x38;
	[tilespmem:$0x1B380] =	vst v63  }
0x61: {  	s29 =	rddreg [dreg:$0xc]  }
0x62: {  	[tilespmem:s12], [sflag:$0x4] =	stream.linear.gather [hbm4b:s29+s4], $0x50, $0x38;
	[tilespmem:$0x1B380] =	vst v63  }
0x63: {  	_ =	swait.ge [sflag:s13], $0x50  }
0x64: {  	[sflag:s13] =	ssyncset.done $0x0  }
0x65: {  	[sflag:s13] =	ssyncadd.s32 $0xFFFFFFB0  }
0x66: {  	_ =	swait.ge [sflag:s14], $0x50  }
0x67: {  	[sflag:s14] =	ssyncset.done $0x0  }
0x68: {  	[sflag:s14] =	ssyncadd.s32 $0xFFFFFFB0  }
0x69: {  	[tilespmem:s6], [sflag:$0x7] =	stream.indirect.gather [hbm4b:s5+s15], $0x80, s4, s15, $0xb8;
	[tilespmem:$0x1B380] =	vst v63  }
0x6a: {  	s31 =	rddreg [dreg:$0xd]  }
0x6b: {  	[tilespmem:s16], [sflag:$0x5] =	stream.linear.gather [hbm4b:s31+s4], $0x50, $0x38;
	[tilespmem:$0x1B380] =	vst v63  }
0x6c: {  	s2 =	rddreg [dreg:$0xe]  }
0x6d: {  	[tilespmem:s17], [sflag:$0x6] =	stream.linear.gather [hbm4b:s2+s4], $0x50, $0x38;
	[tilespmem:$0x1B380] =	vst v63  }
0x6e: {  	_ =	swait.ge [sflag:s18], $0x50  }
0x6f: {  	[sflag:s18] =	ssyncset.done $0x0  }
0x70: {  	[sflag:s18] =	ssyncadd.s32 $0xFFFFFFB0  }
0x71: {  	_ =	swait.ge [sflag:s19], $0x50  }
0x72: {  	[sflag:s19] =	ssyncset.done $0x0  }
0x73: {  	[sflag:s19] =	ssyncadd.s32 $0xFFFFFFB0  }
0x74: {  	[tilespmem:s20], [sflag:$0x8] =	stream.indirect.gather [hbm4b:s5+s15], $0x80, s11, s15, $0xb8;
	[tilespmem:$0x1B380] =	vst v63  }
0x75: {  	_ =	swait.ge [sflag:s9], $0x2800  }
0x76: {  	[sflag:s9] =	ssyncset.done $0x0  }
0x77: {  	[sflag:s9] =	ssyncadd.s32 $0xFFFFD800  }
0x78: {  	[spmem:s3] =	stream.indirect.scatter.add.f32 [tilespmem:s6], [sflag:$0xA], $0x80, s10, s15, $0xb8;
	[tilespmem:$0x1B380] =	vst v63  }
0x79: {  	_ =	swait.ge [sflag:s21], $0x2800  }
0x7a: {  	s2 =	rddreg [dreg:$0x1a]  }
0x7b: {  	[sflag:s21] =	ssyncset.done $0x0;
	s25 =	sshrl.u32 s2, $0x3  }
0x7c: {  	s29 =	rddreg [dreg:$0x4];
	[sflag:s21] =	ssyncadd.s32 $0xFFFFD800;
	s0 =	sadd.s32 s1, s25  }
0x7d: {  	[tilespmem:s4], [sflag:$0x1] =	stream.linear.gather [hbm4b:s0+s4], $0x50, $0x38;
	[tilespmem:$0x1B380] =	vst v63  }
0x7e: {  	s0 =	sadd.s32 $0x0, s29  }
0x7f: {  	s25 =	sadd.s32 $0x1E, s0  }
0x80: {  	[tilespmem:s10], [sflag:$0x2] =	stream.linear.gather [hbm4b:s25+s4], $0x50, $0x38;
	[tilespmem:$0x1B380] =	vst v63  }
0x81: {  	_ =	swait.ge [sflag:s22], $0x50  }
0x82: {  	[sflag:s22] =	ssyncset.done $0x0  }
0x83: {  	[sflag:s22] =	ssyncadd.s32 $0xFFFFFFB0  }
0x84: {  	_ =	swait.ge [sflag:s23], $0x50  }
0x85: {  	[sflag:s23] =	ssyncset.done $0x0  }
0x86: {  	[sflag:s23] =	ssyncadd.s32 $0xFFFFFFB0  }
0x87: {  	[tilespmem:s24], [sflag:$0x9] =	stream.indirect.gather [hbm4b:s5+s15], $0x80, s16, s15, $0xb8;
	[tilespmem:$0x1B380] =	vst v63  }
0x88: {  	_ =	swait.ge [sflag:s8], $0x2800  }
0x89: {  	[sflag:s8] =	ssyncset.done $0x0  }
0x8a: {  	[sflag:s8] =	ssyncadd.s32 $0xFFFFD800  }
0x8b: {  	[spmem:s3] =	stream.indirect.scatter.add.f32 [tilespmem:s20], [sflag:$0xB], $0x80, s12, s15, $0xb8;
	[tilespmem:$0x1B380] =	vst v63  }
0x8c: {  	_ =	swait.ge [sflag:s26], $0x2800  }
0x8d: {  	s31 =	rddreg [dreg:$0x6];
	[sflag:s26] =	ssyncset.done $0x0  }
0x8e: {  	[sflag:s26] =	ssyncadd.s32 $0xFFFFD800;
	s25 =	sadd.s32 $0x0, s31  }
0x8f: {  	[tilespmem:s11], [sflag:$0x3] =	stream.linear.gather [hbm4b:s25+s4], $0x50, $0x38;
	[tilespmem:$0x1B380] =	vst v63  }
0x90: {  	s29 =	sadd.s32 $0x28, s0  }
0x91: {  	[tilespmem:s12], [sflag:$0x4] =	stream.linear.gather [hbm4b:s29+s4], $0x50, $0x38;
	[tilespmem:$0x1B380] =	vst v63  }
0x92: {  	_ =	swait.ge [sflag:s13], $0x50  }
0x93: {  	[sflag:s13] =	ssyncset.done $0x0  }
0x94: {  	[sflag:s13] =	ssyncadd.s32 $0xFFFFFFB0  }
0x95: {  	_ =	swait.ge [sflag:s14], $0x50  }
0x96: {  	[sflag:s14] =	ssyncset.done $0x0  }
0x97: {  	[sflag:s14] =	ssyncadd.s32 $0xFFFFFFB0  }
0x98: {  	[tilespmem:s6], [sflag:$0x7] =	stream.indirect.gather [hbm4b:s5+s15], $0x80, s4, s15, $0xb8;
	[tilespmem:$0x1B380] =	vst v63  }
0x99: {  	_ =	swait.ge [sflag:s28], $0x2800  }
0x9a: {  	[sflag:s28] =	ssyncset.done $0x0  }
0x9b: {  	[sflag:s28] =	ssyncadd.s32 $0xFFFFD800  }
0x9c: {  	[spmem:s3] =	stream.indirect.scatter.add.f32 [tilespmem:s24], [sflag:$0xC], $0x80, s17, s15, $0xb8;
	[tilespmem:$0x1B380] =	vst v63  }
0x9d: {  	_ =	swait.ge [sflag:s7], $0x2800  }
0x9e: {  	s31 =	rddreg [dreg:$0x5];
	[sflag:s7] =	ssyncset.done $0x0  }
0x9f: {  	[sflag:s7] =	ssyncadd.s32 $0xFFFFD800;
	s25 =	sadd.s32 $0x0, s31  }
0xa0: {  	[tilespmem:s16], [sflag:$0x5] =	stream.linear.gather [hbm4b:s25+s4], $0x50, $0x38;
	[tilespmem:$0x1B380] =	vst v63  }
0xa1: {  	s0 =	sadd.s32 $0x32, s0  }
0xa2: {  	[tilespmem:s17], [sflag:$0x6] =	stream.linear.gather [hbm4b:s0+s4], $0x50, $0x38;
	[tilespmem:$0x1B380] =	vst v63  }
0xa3: {  	_ =	swait.ge [sflag:s18], $0x50  }
0xa4: {  	[sflag:s18] =	ssyncset.done $0x0  }
0xa5: {  	[sflag:s18] =	ssyncadd.s32 $0xFFFFFFB0  }
0xa6: {  	_ =	swait.ge [sflag:s19], $0x50  }
0xa7: {  	[sflag:s19] =	ssyncset.done $0x0  }
0xa8: {  	[sflag:s19] =	ssyncadd.s32 $0xFFFFFFB0  }
0xa9: {  	[tilespmem:s20], [sflag:$0x8] =	stream.indirect.gather [hbm4b:s5+s15], $0x80, s11, s15, $0xb8;
	[tilespmem:$0x1B380] =	vst v63  }
0xaa: {  	_ =	swait.ge [sflag:s9], $0x2800  }
0xab: {  	s30 =	simm.s32 $0x1E;
	s25 =	smov.u32 s2;
	[sflag:s9] =	ssyncset.done $0x0  }
.LBB2_2:
0xac: {  	[sflag:s9] =	ssyncadd.s32 $0xFFFFD800  }
0xad: {  	[spmem:s3] =	stream.indirect.scatter.add.f32 [tilespmem:s6], [sflag:$0xA], $0x80, s10, s15, $0xb8;
	[tilespmem:$0x1B380] =	vst v63  }
0xae: {  	s25 =	sadd.s32 $0xF0, s25;
	_ =	swait.ge [sflag:s21], $0x2800  }
0xaf: {  	s31 =	smov.u32 s30;
	s0 =	sshrl.u32 s25, $0x3;
	[sflag:s21] =	ssyncset.done $0x0  }
0xb0: {  	s0 =	sadd.s32 s1, s0;
	s2 =	rddreg [dreg:$0x4];
	[sflag:s21] =	ssyncadd.s32 $0xFFFFD800  }
0xb1: {  	[tilespmem:s4], [sflag:$0x1] =	stream.linear.gather [hbm4b:s0+s4], $0x50, $0x38;
	[tilespmem:$0x1B380] =	vst v63  }
0xb2: {  	s0 =	sadd.s32 s31, s2  }
0xb3: {  	s2 =	sadd.s32 $0x1E, s0  }
0xb4: {  	[tilespmem:s10], [sflag:$0x2] =	stream.linear.gather [hbm4b:s2+s4], $0x50, $0x38;
	[tilespmem:$0x1B380] =	vst v63  }
0xb5: {  	_ =	swait.ge [sflag:s22], $0x50  }
0xb6: {  	[sflag:s22] =	ssyncset.done $0x0  }
0xb7: {  	[sflag:s22] =	ssyncadd.s32 $0xFFFFFFB0  }
0xb8: {  	_ =	swait.ge [sflag:s23], $0x50  }
0xb9: {  	[sflag:s23] =	ssyncset.done $0x0  }
0xba: {  	[sflag:s23] =	ssyncadd.s32 $0xFFFFFFB0  }
0xbb: {  	[tilespmem:s24], [sflag:$0x9] =	stream.indirect.gather [hbm4b:s5+s15], $0x80, s16, s15, $0xb8;
	[tilespmem:$0x1B380] =	vst v63  }
0xbc: {  	_ =	swait.ge [sflag:s8], $0x2800  }
0xbd: {  	[sflag:s8] =	ssyncset.done $0x0  }
0xbe: {  	[sflag:s8] =	ssyncadd.s32 $0xFFFFD800  }
0xbf: {  	[spmem:s3] =	stream.indirect.scatter.add.f32 [tilespmem:s20], [sflag:$0xB], $0x80, s12, s15, $0xb8;
	[tilespmem:$0x1B380] =	vst v63  }
0xc0: {  	_ =	swait.ge [sflag:s26], $0x2800  }
0xc1: {  	s29 =	rddreg [dreg:$0x6];
	[sflag:s26] =	ssyncset.done $0x0  }
0xc2: {  	[sflag:s26] =	ssyncadd.s32 $0xFFFFD800;
	s2 =	sadd.s32 s31, s29  }
0xc3: {  	[tilespmem:s11], [sflag:$0x3] =	stream.linear.gather [hbm4b:s2+s4], $0x50, $0x38;
	[tilespmem:$0x1B380] =	vst v63  }
0xc4: {  	s29 =	sadd.s32 $0x28, s0  }
0xc5: {  	[tilespmem:s12], [sflag:$0x4] =	stream.linear.gather [hbm4b:s29+s4], $0x50, $0x38;
	[tilespmem:$0x1B380] =	vst v63  }
0xc6: {  	_ =	swait.ge [sflag:s13], $0x50  }
0xc7: {  	[sflag:s13] =	ssyncset.done $0x0  }
0xc8: {  	[sflag:s13] =	ssyncadd.s32 $0xFFFFFFB0  }
0xc9: {  	_ =	swait.ge [sflag:s14], $0x50  }
0xca: {  	[sflag:s14] =	ssyncset.done $0x0  }
0xcb: {  	[sflag:s14] =	ssyncadd.s32 $0xFFFFFFB0  }
0xcc: {  	[tilespmem:s6], [sflag:$0x7] =	stream.indirect.gather [hbm4b:s5+s15], $0x80, s4, s15, $0xb8;
	[tilespmem:$0x1B380] =	vst v63  }
0xcd: {  	_ =	swait.ge [sflag:s28], $0x2800  }
0xce: {  	[sflag:s28] =	ssyncset.done $0x0  }
0xcf: {  	[sflag:s28] =	ssyncadd.s32 $0xFFFFD800  }
0xd0: {  	[spmem:s3] =	stream.indirect.scatter.add.f32 [tilespmem:s24], [sflag:$0xC], $0x80, s17, s15, $0xb8;
	[tilespmem:$0x1B380] =	vst v63  }
0xd1: {  	_ =	swait.ge [sflag:s7], $0x2800  }
0xd2: {  	s29 =	rddreg [dreg:$0x5];
	[sflag:s7] =	ssyncset.done $0x0  }
0xd3: {  	[sflag:s7] =	ssyncadd.s32 $0xFFFFD800;
	s2 =	sadd.s32 s31, s29  }
0xd4: {  	[tilespmem:s16], [sflag:$0x5] =	stream.linear.gather [hbm4b:s2+s4], $0x50, $0x38;
	[tilespmem:$0x1B380] =	vst v63  }
0xd5: {  	s0 =	sadd.s32 $0x32, s0  }
0xd6: {  	[tilespmem:s17], [sflag:$0x6] =	stream.linear.gather [hbm4b:s0+s4], $0x50, $0x38;
	[tilespmem:$0x1B380] =	vst v63  }
0xd7: {  	_ =	swait.ge [sflag:s18], $0x50  }
0xd8: {  	[sflag:s18] =	ssyncset.done $0x0  }
0xd9: {  	[sflag:s18] =	ssyncadd.s32 $0xFFFFFFB0  }
0xda: {  	p0 =	sne.s32 s30, $0x97E;
	_ =	swait.ge [sflag:s19], $0x50  }
.Ltmp0:
0xdb: {  	[sflag:s19] =	ssyncset.done $0x0;
	(pc) =	sbr.rel @p0 .LBB2_2-.Ltmp0, $4  }
0xdc: {  	[sflag:s19] =	ssyncadd.s32 $0xFFFFFFB0  }
0xdd: {  	[tilespmem:s20], [sflag:$0x8] =	stream.indirect.gather [hbm4b:s5+s15], $0x80, s11, s15, $0xb8;
	[tilespmem:$0x1B380] =	vst v63  }
0xde: {  	_ =	swait.ge [sflag:s9], $0x2800  }
0xdf: {  	s30 =	sadd.s32 $0x1E, s30;
	[sflag:s9] =	ssyncset.done $0x0  }
0xe0: {  	[sflag:s9] =	ssyncadd.s32 $0xFFFFD800  }
0xe1: {  	[spmem:s3] =	stream.indirect.scatter.add.f32 [tilespmem:s6], [sflag:$0xA], $0x80, s10, s15, $0xb8;
	[tilespmem:$0x1B380] =	vst v63  }
0xe2: {  	_ =	swait.ge [sflag:s21], $0x2800  }
0xe3: {  	[sflag:s21] =	ssyncset.done $0x0  }
0xe4: {  	s0 =	rddreg [dreg:$0xf];
	[sflag:s21] =	ssyncadd.s32 $0xFFFFD800  }
0xe5: {  	[tilespmem:s4], [sflag:$0x1] =	stream.linear.gather [hbm4b:s0+s4], $0x50, $0x38;
	[tilespmem:$0x1B380] =	vst v63  }
0xe6: {  	s25 =	rddreg [dreg:$0x10]  }
0xe7: {  	[tilespmem:s10], [sflag:$0x2] =	stream.linear.gather [hbm4b:s25+s4], $0x50, $0x38;
	[tilespmem:$0x1B380] =	vst v63  }
0xe8: {  	_ =	swait.ge [sflag:s22], $0x50  }
0xe9: {  	[sflag:s22] =	ssyncset.done $0x0  }
0xea: {  	[sflag:s22] =	ssyncadd.s32 $0xFFFFFFB0  }
0xeb: {  	_ =	swait.ge [sflag:s23], $0x50  }
0xec: {  	[sflag:s23] =	ssyncset.done $0x0  }
0xed: {  	[sflag:s23] =	ssyncadd.s32 $0xFFFFFFB0  }
0xee: {  	[tilespmem:s24], [sflag:$0x9] =	stream.indirect.gather [hbm4b:s5+s15], $0x80, s16, s15, $0xb8;
	[tilespmem:$0x1B380] =	vst v63  }
0xef: {  	_ =	swait.ge [sflag:s8], $0x2800  }
0xf0: {  	[sflag:s8] =	ssyncset.done $0x0  }
0xf1: {  	[sflag:s8] =	ssyncadd.s32 $0xFFFFD800  }
0xf2: {  	[spmem:s3] =	stream.indirect.scatter.add.f32 [tilespmem:s20], [sflag:$0xB], $0x80, s12, s15, $0xb8;
	[tilespmem:$0x1B380] =	vst v63  }
0xf3: {  	_ =	swait.ge [sflag:s26], $0x2800  }
0xf4: {  	[sflag:s26] =	ssyncset.done $0x0  }
0xf5: {  	[sflag:s26] =	ssyncadd.s32 $0xFFFFD800  }
0xf6: {  	_ =	swait.ge [sflag:s13], $0x50  }
0xf7: {  	[sflag:s13] =	ssyncset.done $0x0  }
0xf8: {  	[sflag:s13] =	ssyncadd.s32 $0xFFFFFFB0  }
0xf9: {  	_ =	swait.ge [sflag:s14], $0x50  }
0xfa: {  	[sflag:s14] =	ssyncset.done $0x0  }
0xfb: {  	[sflag:s14] =	ssyncadd.s32 $0xFFFFFFB0  }
0xfc: {  	[tilespmem:s6], [sflag:$0x7] =	stream.indirect.gather [hbm4b:s5+s15], $0x80, s4, s15, $0xb8;
	[tilespmem:$0x1B380] =	vst v63  }
0xfd: {  	_ =	swait.ge [sflag:s28], $0x2800  }
0xfe: {  	[sflag:s28] =	ssyncset.done $0x0  }
0xff: {  	[sflag:s28] =	ssyncadd.s32 $0xFFFFD800  }
0x100: {  	[spmem:s3] =	stream.indirect.scatter.add.f32 [tilespmem:s24], [sflag:$0xC], $0x80, s17, s15, $0xb8;
	[tilespmem:$0x1B380] =	vst v63  }
0x101: {  	_ =	swait.ge [sflag:s7], $0x2800  }
0x102: {  	[sflag:s7] =	ssyncset.done $0x0  }
0x103: {  	[sflag:s7] =	ssyncadd.s32 $0xFFFFD800  }
0x104: {  	_ =	swait.ge [sflag:s9], $0x2800  }
0x105: {  	[sflag:s9] =	ssyncset.done $0x0  }
0x106: {  	[sflag:s9] =	ssyncadd.s32 $0xFFFFD800  }
0x107: {  	[spmem:s3] =	stream.indirect.scatter.add.f32 [tilespmem:s6], [sflag:$0xA], $0x80, s10, s15, $0xb8;
	[tilespmem:$0x1B380] =	vst v63  }
0x108: {  	_ =	swait.ge [sflag:s21], $0x2800  }
0x109: {  	[sflag:s21] =	ssyncset.done $0x0  }
0x10a: {  	[sflag:s21] =	ssyncadd.s32 $0xFFFFD800  }
0x10b: {  	[bflag:$0x0] =	sbarrier.arrive $0xFFFF  }
0x10c: {  	s2 =	rddreg [dreg:$0x8]  }
0x10d: {  	[tilespmem:s6], [sflag:$0x7] =	stream.linear.gather [spmem:s2], $0x2800, $0x38;
	[tilespmem:$0x1B380] =	vst v63  }
0x10e: {  	s25 =	rddreg [dreg:$0x1b]  }
0x10f: {  	[tilespmem:s20], [sflag:$0x8] =	stream.linear.gather [spmem:s25], $0x2800, $0x38;
	[tilespmem:$0x1B380] =	vst v63  }
0x110: {  	_ =	swait.ge [sflag:s9], $0x2800  }
0x111: {  	[sflag:s9] =	ssyncset.done $0x0  }
0x112: {  	s2 =	rddreg [dreg:$0x11];
	[sflag:s9] =	ssyncadd.s32 $0xFFFFD800  }
0x113: {  	[hbm4b:s2+s4] =	stream.linear.scatter [tilespmem:s6], [sflag:$0xA], $0x2800, $0x38;
	[tilespmem:$0x1B380] =	vst v63  }
0x114: {  	s25 =	rddreg [dreg:$0x1c]  }
0x115: {  	[tilespmem:s24], [sflag:$0x9] =	stream.linear.gather [spmem:s25], $0x2800, $0x38;
	[tilespmem:$0x1B380] =	vst v63  }
0x116: {  	_ =	swait.ge [sflag:s8], $0x2800  }
0x117: {  	[sflag:s8] =	ssyncset.done $0x0  }
0x118: {  	s2 =	rddreg [dreg:$0x12];
	[sflag:s8] =	ssyncadd.s32 $0xFFFFD800  }
0x119: {  	[hbm4b:s2+s4] =	stream.linear.scatter [tilespmem:s20], [sflag:$0xB], $0x2800, $0x38;
	[tilespmem:$0x1B380] =	vst v63  }
0x11a: {  	_ =	swait.ge [sflag:s21], $0x2800  }
0x11b: {  	[sflag:s21] =	ssyncset.done $0x0  }
0x11c: {  	s25 =	rddreg [dreg:$0x1d];
	[sflag:s21] =	ssyncadd.s32 $0xFFFFD800  }
0x11d: {  	[tilespmem:s6], [sflag:$0x7] =	stream.linear.gather [spmem:s25], $0x2800, $0x38;
	[tilespmem:$0x1B380] =	vst v63  }
0x11e: {  	_ =	swait.ge [sflag:s28], $0x2800  }
0x11f: {  	[sflag:s28] =	ssyncset.done $0x0  }
0x120: {  	s2 =	rddreg [dreg:$0x13];
	[sflag:s28] =	ssyncadd.s32 $0xFFFFD800  }
0x121: {  	[hbm4b:s2+s4] =	stream.linear.scatter [tilespmem:s24], [sflag:$0xC], $0x2800, $0x38;
	[tilespmem:$0x1B380] =	vst v63  }
0x122: {  	_ =	swait.ge [sflag:s26], $0x2800  }
0x123: {  	[sflag:s26] =	ssyncset.done $0x0  }
0x124: {  	s31 =	rddreg [dreg:$0x1e];
	[sflag:s26] =	ssyncadd.s32 $0xFFFFD800  }
0x125: {  	[tilespmem:s20], [sflag:$0x8] =	stream.linear.gather [spmem:s31], $0x2800, $0x38;
	[tilespmem:$0x1B380] =	vst v63  }
0x126: {  	_ =	swait.ge [sflag:s9], $0x2800  }
0x127: {  	[sflag:s9] =	ssyncset.done $0x0  }
0x128: {  	s25 =	rddreg [dreg:$0x14];
	[sflag:s9] =	ssyncadd.s32 $0xFFFFD800  }
0x129: {  	[hbm4b:s25+s4] =	stream.linear.scatter [tilespmem:s6], [sflag:$0xA], $0x2800, $0x38;
	[tilespmem:$0x1B380] =	vst v63  }
0x12a: {  	_ =	swait.ge [sflag:s7], $0x2800  }
0x12b: {  	[sflag:s7] =	ssyncset.done $0x0  }
0x12c: {  	s25 =	rddreg [dreg:$0x1f];
	[sflag:s7] =	ssyncadd.s32 $0xFFFFD800  }
0x12d: {  	[tilespmem:s24], [sflag:$0x9] =	stream.linear.gather [spmem:s25], $0x2800, $0x38;
	[tilespmem:$0x1B380] =	vst v63  }
0x12e: {  	_ =	swait.ge [sflag:s8], $0x2800  }
0x12f: {  	[sflag:s8] =	ssyncset.done $0x0  }
0x130: {  	s2 =	rddreg [dreg:$0x15];
	[sflag:s8] =	ssyncadd.s32 $0xFFFFD800  }
0x131: {  	[hbm4b:s2+s4] =	stream.linear.scatter [tilespmem:s20], [sflag:$0xB], $0x2800, $0x38;
	[tilespmem:$0x1B380] =	vst v63  }
0x132: {  	_ =	swait.ge [sflag:s21], $0x2800  }
0x133: {  	s2 =	sld [smem:$0x7FC]  }
0x134: {  	[sflag:s21] =	ssyncset.done $0x0  }
0x135: {  	[sflag:s21] =	ssyncadd.s32 $0xFFFFD800  }
0x136: {  	[tilespmem:s6], [sflag:$0x7] =	stream.linear.gather [spmem:s2], $0x2800, $0x38;
	[tilespmem:$0x1B380] =	vst v63  }
0x137: {  	_ =	swait.ge [sflag:s28], $0x2800  }
0x138: {  	[sflag:s28] =	ssyncset.done $0x0  }
0x139: {  	s0 =	rddreg [dreg:$0x16];
	[sflag:s28] =	ssyncadd.s32 $0xFFFFD800  }
0x13a: {  	[hbm4b:s0+s4] =	stream.linear.scatter [tilespmem:s24], [sflag:$0xC], $0x2800, $0x38;
	[tilespmem:$0x1B380] =	vst v63  }
0x13b: {  	_ =	swait.ge [sflag:s26], $0x2800  }
0x13c: {  	s29 =	sld [smem:$0x7FD]  }
0x13d: {  	[sflag:s26] =	ssyncset.done $0x0  }
0x13e: {  	[sflag:s26] =	ssyncadd.s32 $0xFFFFD800  }
0x13f: {  	[tilespmem:s20], [sflag:$0x8] =	stream.linear.gather [spmem:s29], $0x2800, $0x38;
	[tilespmem:$0x1B380] =	vst v63  }
0x140: {  	_ =	swait.ge [sflag:s9], $0x2800  }
0x141: {  	[sflag:s9] =	ssyncset.done $0x0  }
0x142: {  	s0 =	rddreg [dreg:$0x17];
	[sflag:s9] =	ssyncadd.s32 $0xFFFFD800  }
0x143: {  	[hbm4b:s0+s4] =	stream.linear.scatter [tilespmem:s6], [sflag:$0xA], $0x2800, $0x38;
	[tilespmem:$0x1B380] =	vst v63  }
0x144: {  	_ =	swait.ge [sflag:s8], $0x2800  }
0x145: {  	[sflag:s8] =	ssyncset.done $0x0  }
0x146: {  	s0 =	rddreg [dreg:$0x18];
	[sflag:s8] =	ssyncadd.s32 $0xFFFFD800  }
0x147: {  	[hbm4b:s0+s4] =	stream.linear.scatter [tilespmem:s20], [sflag:$0xB], $0x2800, $0x38;
	[tilespmem:$0x1B380] =	vst v63  }
0x148: {  	_ =	swait.ge [sflag:s7], $0x2800  }
0x149: {  	[sflag:s7] =	ssyncset.done $0x0  }
0x14a: {  	[sflag:s7] =	ssyncadd.s32 $0xFFFFD800  }
0x14b: {  	_ =	swait.ge [sflag:s21], $0x2800  }
0x14c: {  	[sflag:s21] =	ssyncset.done $0x0  }
0x14d: {  	[sflag:s21] =	ssyncadd.s32 $0xFFFFD800  }
0x14e: {  	_ =	swait.ge [sflag:s26], $0x2800  }
0x14f: {  	s30 =	sld [smem:$0x7FB];
	_ =	sdelay $0x2  }
0x150: {  	s0 =	rddreg [dreg:$0x19];
	s30 =	sadd.s32 $0x1, s30  }
0x151: {  	p0 =	sne.s32 s30, s0  }
.Ltmp1:
0x152: {  	_ = 	snop;
	(pc) =	sbr.rel @p0 .LBB2_1-.Ltmp1, $3  }
0x153: {  	_ =	sdelay $0x1  }
0x154: {  	[sflag:s26] =	ssyncset.done $0x0;
	[smem:$0x7FB] =	sst s30  }
0x155: {  	[sflag:s26] =	ssyncadd.s32 $0xFFFFD800;
	s30 =	rddreg [dreg:$0x8]  }
0x156: {  	_ =	sfence.sel $0x180000  }
0x157: {  	[bflag:$0x0] =	sbarrier.arrive $0xFFFF  }
0x158: {  	_ =	strace $0x90000047  }
0x159: {  	s0 =	stileid.u32;
	[bflag:$0x2] =	sbarrier.arrive $0xFFFF  }
0x15a: {  	p0 =	sne.s32 s0, $0x0;
	s0 =	rddreg [dreg:$0x3]  }
0x15b: {  	s0 =	sadd.s32 @!p0 $0x100000, s0  }
0x15c: {  	[sflag:s0] =	ssyncadd.tile.s32 @!p0 $0x1;
	_ =	shalt  }
.Lfunc_end2:
_tile_overlayer_lowered:
.L_overlay_start_2:
0x15d: {  	(tag) =	ssettag $0x2  }
0x15e: {  	s0 =	rddreg [dreg:$0x0];
	s2 =	stileid.u32  }
0x15f: {  	s1 =	rddreg [dreg:$0x1];
	p0 =	sne.s32 s2, $0x0  }
0x160: {  	s3 =	rddreg [dreg:$0x2];
	[bflag:$0x3] =	sbarrier.arrive $0xFFFF;
	s2 =	simm.s32 @!p0 $0x1C0D  }
0x161: {  	[timem:s3], [sflag:s2] =	dma.local @!p0 [hbm:s0], s1  }
0x162: {  	s0 =	simm.s32 @!p0 $0xD  }
0x163: {  	_ =	swait.ge @!p0 [sflag:s0], s1  }
0x164: {  	s1 =	ssub.s32 @!p0 $0x0, s1;
	[sflag:s0] =	ssyncset.done @!p0 $0x0  }
0x165: {  	[sflag:s0] =	ssyncadd.s32 @!p0 s1  }
0x166: {  	[bflag:$0x3] =	sbarrier.arrive $0xFFFF  }
0x167: {  	_ =	shalt  }

// kernel: kernel.13.cloned.1.call-start
scs
__scs_entry_jumppad:
0x0: {  	(pc) =	sbr.rel $0x88, $3  }
0x1: {  	(tag) =	ssettag $0x0;
	lr =	simm.s32 $0x1  }
0x2: {  	[smem:$0x3F98] =	sst lr;
	_ =	strace $0xD0000000  }
0x3: {  	_ = 	snop  }
0x4: {  	_ = 	snop  }
0x5: {  	_ = 	snop  }
0x6: {  	_ = 	snop  }
0x7: {  	_ = 	snop  }
__scs_overlays_trampoline_lowered:
0x8: {  	[smem:$0x3FA7] =	sst s0  }
0x9: {  	[smem:$0x3FA8] =	sst s1  }
0xa: {  	[smem:$0x3FA9] =	sst s2  }
0xb: {  	[smem:$0x3FAA] =	sst s3  }
0xc: {  	[smem:$0x3FAB] =	sst s4  }
0xd: {  	[smem:$0x3FAC] =	sst s5  }
0xe: {  	[smem:$0x3FAD] =	sst s6  }
0xf: {  	[smem:$0x3FAE] =	sst s7  }
0x10: {  	[smem:$0x3FAF] =	sst s8  }
0x11: {  	[smem:$0x3FB0] =	sst s9;
	s0 =	simm.s32 @!p0 $0x0  }
0x12: {  	s1 =	sld [smem:$0x3F96];
	s0 =	simm.s32 @p0 $0x1  }
0x13: {  	[smem:$0x3FB1] =	sst s0;
	s0 =	simm.s32 @!p1 $0x0  }
0x14: {  	s2 =	sld [smem:$0x3F95];
	s0 =	simm.s32 @p1 $0x1  }
0x15: {  	[smem:$0x3FB2] =	sst s0;
	s0 =	simm.s32 @!p2 $0x0  }
0x16: {  	s3 =	sld [smem:$0x3FDB];
	s0 =	simm.s32 @p2 $0x1  }
0x17: {  	s4 =	simm.s32 $0x1BF5;
	[smem:$0x3FB4] =	sst s0  }
0x18: {  	s0 =	sld [smem:$0x3F97];
	_ =	swait.ge [sflag:s4], $0x0  }
0x19: {  	s7 =	sld [smem:$0x3F98]  }
0x1a: {  	s8 =	sadd.s32 $0xFFFFE003, lr  }
0x1b: {  	s9 =	sadd.s32 $0xFFFFFEF7, lr;
	s5 =	simm.s32 $0xFFFFFFFF;
	p2 =	slt.u32 s8, $0xFFFFF086  }
0x1c: {  	p1 =	slt.u32 s9, $0xF7A;
	s5 =	simm.s32 @!p2 $0x0  }
0x1d: {  	s5 =	simm.s32 @p1 $0x1;
	p0 =	seq.s32 s7, s2  }
0x1e: {  	s7 =	smul.u32 @!p0 $0xF7A, s2;
	p2 =	seq.s32 @!p0 s5, $0x0  }
0x1f: {  	s9 =	smul.u32 $0xF7A, s1;
	s8 =	simm.s32 @!p0 $0x1BF5;
	p2 =	por !p2, p0  }
0x20: {  	[sflag:s8] =	ssyncset.s32 @!p0 $0xFFFFF086;
	s6 =	sadd.s32 @!p0 s3, s7;
	s7 =	simm.s32 @!p0 $0x108  }
0x21: {  	s3 =	sadd.s32 s3, s9;
	s6 =	sadd.s32 @!p0 $0x88, s6;
	s7 =	simm.s32 @p2 $0x1082  }
0x22: {  	[simem:s7], [sflag:s8] =	dma.local @!p0 [hbm:s6], $0xF7A  }
0x23: {  	s9 =	sor.u32 $0xD0000000, s2;
	s6 =	simm.s32 $0x108;
	_ =	swait.ge @!p0 [sflag:s8], $0x0  }
0x24: {  	s3 =	sadd.s32 $0x88, s3;
	s6 =	simm.s32 @!p1 $0x1082;
	[sflag:s4] =	ssyncset.s32 $0xFFFFF086  }
0x25: {  	[simem:s6], [sflag:s4] =	dma.local [hbm:s3], $0xF7A  }
0x26: {  	[smem:$0x3F98] =	sst s1;
	(tag) =	ssettag s2;
	_ =	strace s9  }
0x27: {  	s1 =	sld [smem:$0x3FA8]  }
0x28: {  	s2 =	sld [smem:$0x3FA9]  }
0x29: {  	s4 =	sld [smem:$0x3FAB]  }
0x2a: {  	p0 =	seq.s32 s5, $0x0;
	s5 =	sld [smem:$0x3FAC]  }
0x2b: {  	s6 =	sld [smem:$0x3FAD]  }
0x2c: {  	s7 =	sld [smem:$0x3FAE]  }
0x2d: {  	s3 =	simm.s32 $0x108;
	s8 =	sld [smem:$0x3FAF]  }
0x2e: {  	s3 =	simm.s32 @!p0 $0x1082;
	s9 =	sld [smem:$0x3FB0]  }
0x2f: {  	lr =	sadd.s32 s0, s3;
	s0 =	sld [smem:$0x3FA7]  }
0x30: {  	s3 =	sld [smem:$0x3FAA]  }
0x31: {  	[smem:$0x3FB3] =	sst s10  }
0x32: {  	s10 =	sld [smem:$0x3FB1];
	_ =	sdelay $0x3  }
0x33: {  	p0 =	seq.s32 s10, $0x1;
	s10 =	sld [smem:$0x3FB3];
	_ =	sdelay $0x3  }
0x34: {  	[smem:$0x3FB3] =	sst s10  }
0x35: {  	s10 =	sld [smem:$0x3FB2];
	_ =	sdelay $0x3  }
0x36: {  	p1 =	seq.s32 s10, $0x1;
	s10 =	sld [smem:$0x3FB3];
	_ =	sdelay $0x3  }
0x37: {  	[smem:$0x3FB3] =	sst s10  }
0x38: {  	s10 =	sld [smem:$0x3FB4]  }
0x39: {  	_ = 	snop;
	(pc) =	sbr.ind lr, $3  }
0x3a: {  	_ = 	snop  }
0x3b: {  	_ = 	snop  }
0x3c: {  	p2 =	seq.s32 s10, $0x1;
	s10 =	sld [smem:$0x3FB3]  }
0x3d: {  	_ =	shalt  }
0x3e: {  	_ =	shalt  }
0x3f: {  	_ =	shalt  }
0x40: {  	_ =	shalt  }
0x41: {  	_ =	shalt  }
0x42: {  	_ =	shalt  }
0x43: {  	_ =	shalt  }
0x44: {  	_ =	shalt  }
0x45: {  	_ =	shalt  }
0x46: {  	_ =	shalt  }
0x47: {  	_ =	shalt  }
0x48: {  	_ =	shalt  }
0x49: {  	_ =	shalt  }
0x4a: {  	_ =	shalt  }
0x4b: {  	_ =	shalt  }
0x4c: {  	_ =	shalt  }
0x4d: {  	_ =	shalt  }
0x4e: {  	_ =	shalt  }
0x4f: {  	_ =	shalt  }
0x50: {  	_ =	shalt  }
0x51: {  	_ =	shalt  }
0x52: {  	_ =	shalt  }
0x53: {  	_ =	shalt  }
0x54: {  	_ =	shalt  }
0x55: {  	_ =	shalt  }
0x56: {  	_ =	shalt  }
0x57: {  	_ =	shalt  }
0x58: {  	_ =	shalt  }
0x59: {  	_ =	shalt  }
0x5a: {  	_ =	shalt  }
0x5b: {  	_ =	shalt  }
0x5c: {  	_ =	shalt  }
0x5d: {  	_ =	shalt  }
0x5e: {  	_ =	shalt  }
0x5f: {  	_ =	shalt  }
0x60: {  	_ =	shalt  }
0x61: {  	_ =	shalt  }
0x62: {  	_ =	shalt  }
0x63: {  	_ =	shalt  }
0x64: {  	_ =	shalt  }
0x65: {  	_ =	shalt  }
0x66: {  	_ =	shalt  }
0x67: {  	_ =	shalt  }
0x68: {  	_ =	shalt  }
0x69: {  	_ =	shalt  }
0x6a: {  	_ =	shalt  }
0x6b: {  	_ =	shalt  }
0x6c: {  	_ =	shalt  }
0x6d: {  	_ =	shalt  }
0x6e: {  	_ =	shalt  }
0x6f: {  	_ =	shalt  }
0x70: {  	_ =	shalt  }
0x71: {  	_ =	shalt  }
0x72: {  	_ =	shalt  }
0x73: {  	_ =	shalt  }
0x74: {  	_ =	shalt  }
0x75: {  	_ =	shalt  }
0x76: {  	_ =	shalt  }
0x77: {  	_ =	shalt  }
0x78: {  	_ =	shalt  }
0x79: {  	_ =	shalt  }
0x7a: {  	_ =	shalt  }
0x7b: {  	_ =	shalt  }
0x7c: {  	_ =	shalt  }
0x7d: {  	_ =	shalt  }
0x7e: {  	_ =	shalt  }
0x7f: {  	_ =	shalt  }
0x80: {  	_ =	shalt  }
0x81: {  	_ =	shalt  }
0x82: {  	_ =	shalt  }
0x83: {  	_ =	shalt  }
0x84: {  	_ =	shalt  }
0x85: {  	_ =	shalt  }
0x86: {  	_ =	shalt  }
0x87: {  	_ =	shalt  }
.Lfunc_end0:
.L_simem_size_0:
called_computation.2_lowered:
.L_overlay_start_0:
0x88: {  	s2 =	sld [smem:$0x3FD9]  }
0x89: {  	s3 =	sld [smem:$0x3FFE];
	_ =	sdelay $0x1  }
0x8a: {  	s1 =	srdreg.scid  }
0x8b: {  	s0 =	sand.u32 $0x1, s1  }
0x8c: {  	s17 =	sshll.u32 s0, $0xA;
	s2 =	sadd.s32 s3, s2  }
0x8d: {  	s2 =	sadd.s32 s2, s17  }
0x8e: {  	[smem:$0x3FBF] =	sst s2  }
0x8f: {  	_ = 	snop  }
0x90: {  	s2 =	sld [smem:$0x3FD0];
	(tm) =	ssettm $0x1  }
0x91: {  	s18 =	sld [smem:$0x3FFB];
	_ =	sdelay $0x3  }
0x92: {  	_ =	strace s18  }
0x93: {  	s3 =	sld [smem:$0x3FFC];
	_ =	sdelay $0x3  }
0x94: {  	_ =	strace s3  }
0x95: {  	s3 =	sld [smem:$0x3FFD];
	_ =	sdelay $0x3  }
0x96: {  	_ =	strace s3  }
0x97: {  	_ =	strace $0x8FFFFFFF  }
0x98: {  	s19 =	sld [smem:$0x3FDB];
	_ =	sdelay $0x1  }
0x99: {  	s4 =	simm.s32 $_scs_section_size  }
0x9a: {  	s5 =	simm.s32 $_size__tile_overlayer_lowered;
	s6 =	simm.s32 $_tile_overlayer_lowered  }
0x9b: {  	s22 =	simm.s32 $0x1BFF;
	s21 =	sshll.u32 s6, $0x1;
	s3 =	sadd.s32 s4, s19  }
0x9c: {  	s7 =	simm.s32 $0x0;
	s20 =	sshll.u32 s5, $0x1;
	s5 =	sadd.s32 s21, s3  }
0x9d: {  	[timem:s7], [sflag:s22] =	dma.local [hbm:s5], s20  }
0x9e: {  	_ =	swait.ge [sflag:s22], s20  }
0x9f: {  	s4 =	ssub.s32 $0x0, s20;
	[sflag:s22] =	ssyncset.done $0x0  }
0xa0: {  	[sflag:s22] =	ssyncadd.s32 s4;
	_ =	sdelay $0x1  }
0xa1: {  	s23 =	simm.s32 $0x1B8B  }
0xa2: {  	_ =	swait.ge [sflag:s23], $0x1  }
0xa3: {  	[sflag:s23] =	ssyncset.done $0x0  }
0xa4: {  	s25 =	simm.s32 $0x1B8E;
	s24 =	sld [smem:$0x3FFE];
	[sflag:s23] =	ssyncadd.s32 $0xFFFFFFFF  }
0xa5: {  	s26 =	simm.s32 $execute0_lowered;
	[smem:$0x3FD2] =	sst s25  }
0xa6: {  	s5 =	sshll.u32 s26, $0x1;
	_ =	strace $0x8000004C;
	[dreg:$0x1] =	wrdreg $0xFFFFFFFF  }
0xa7: {  	s28 =	simm.s32 $_size_execute0_lowered;
	s3 =	sadd.s32 s3, s5;
	[dreg:$0x0] =	wrdreg $0x0  }
0xa8: {  	s5 =	sshll.u32 s28, $0x1;
	[dreg:$0x2] =	wrdreg s3  }
0xa9: {  	[dreg:$0x3] =	wrdreg s5  }
0xaa: {  	[dreg:$0x4] =	wrdreg $0xC0  }
0xab: {  	_ =	task [dreg:s7], $0x5FFFF  }
0xac: {  	[dreg:$0x1] =	wrdreg $0xFFFFFFFF  }
0xad: {  	[dreg:$0x0] =	wrdreg $0x60  }
0xae: {  	[dreg:$0x2] =	wrdreg s2  }
0xaf: {  	[dreg:$0x3] =	wrdreg s24  }
0xb0: {  	[dreg:$0x4] =	wrdreg $0x7B000  }
0xb1: {  	[dreg:$0x5] =	wrdreg $0x9  }
0xb2: {  	_ =	task.clear_ibuf [dreg:s7], $0x6FFFF;
	_ =	strace $0x9000004C  }
0xb3: {  	s29 =	simm.s32 $0x9;
	_ =	strace $0x8000004E  }
0xb4: {  	_ =	swait.ge [sflag:s29], $0x1  }
0xb5: {  	[sflag:s29] =	ssyncadd.s32 $0xFFFFFFFF  }
0xb6: {  	_ =	strace $0x9000004E  }
0xb7: {  	_ =	sfence  }
0xb8: {  	s30 =	sld [smem:$0x0];
	_ =	sdelay $0x2  }
0xb9: {  	s31 =	sshll.u32 s1, $0xD;
	s1 =	sshrl.u32 s1, $0x2  }
0xba: {  	s3 =	sand.u32 $0x4000, s31;
	s1 =	sadd.s32 s1, s30  }
0xbb: {  	s0 =	sor.u32 s3, s0;
	s1 =	sshll.u32 s1, $0x11  }
0xbc: {  	s0 =	sor.u32 s1, s0  }
0xbd: {  	s0 =	sadd.s32 $0x8F2B, s0  }
0xbe: {  	[sflag:s0] =	ssyncadd.remote.s32 $0x1  }
0xbf: {  	_ =	sfence.sel $0xFFFF  }
0xc0: {  	[dreg:$0x0] =	wrdreg $0xFFFFFFFF;
	(pc) =	sbr.abs _section_cstart, $3  }
0xc1: {  	[dreg:$0x1] =	wrdreg $0xFFFFFFFF  }
0xc2: {  	_ =	task.clear_ibuf [dreg:s7], $0x2FFFF;
	_ =	strace $0x9FFFFFFF  }
0xc3: {  	(tm) =	ssettm $0x7FFFFFFF  }
tec
execute0_lowered:
.L_overlay_start_1:
0x0: {  	(tag) =	ssettag $0x1  }
0x1: {  	s1 =	rddreg [dreg:$0x0]  }
0x2: {  	s0 =	rddreg [dreg:$0x1]  }
0x3: {  	s3 =	rddreg [dreg:$0x2];
	s4 =	simm.s32 $0x0;
	s2 =	srdreg.scid  }
0x4: {  	s11 =	stileid.u32;
	[smem:$0x7FF] =	sst s4;
	s2 =	sand.u32 $0x1, s2  }
0x5: {  	s7 =	smul.u32 $0x270, s11;
	s5 =	sadd.s32 $0xCA00, s0;
	s6 =	sadd.s32 $0x2C00, s0  }
0x6: {  	s9 =	sadd.s32 $0x64A00, s0;
	s24 =	smul.u32 $0x4E000, s11;
	_ =	strace $0x8000004D  }
0x7: {  	s8 =	smul.u32 $0x2710, s2;
	[dreg:$0x8] =	wrdreg s9;
	s23 =	sshll.u32 s2, $0x4  }
0x8: {  	s10 =	ssub.s32 $0x2, s2;
	s2 =	smul.u32 $0x27100, s2;
	s9 =	sor.u32 s11, s23  }
0x9: {  	s25 =	sshrl.u32 s10, $0x1;
	s11 =	smul.u32 $0x2710, s11;
	s7 =	sadd.s32 s7, s8  }
0xa: {  	s9 =	smul.u32 $0x2710, s9;
	s8 =	sshrl.u32 s24, $0x2;
	s7 =	sshll.u32 s7, $0x4  }
0xb: {  	s12 =	sadd.s32 s8, s3;
	s2 =	sadd.s32 s11, s2;
	s0 =	sadd.s32 s7, s0  }
0xc: {  	s7 =	ssub.s32 s10, s25;
	s26 =	sshrl.u32 s9, $0x3;
	s20 =	sadd.s32 $0x190, s2  }
0xd: {  	s24 =	sadd.s32 $0x140, s2;
	s10 =	sadd.s32 $0x11800, s12;
	s9 =	sadd.s32 s5, s26  }
0xe: {  	s13 =	sadd.s32 s6, s26;
	s14 =	sadd.s32 $0xA, s26;
	[smem:$0x7FD] =	sst s10  }
0xf: {  	s15 =	sadd.s32 $0x14, s26;
	s18 =	sadd.s32 $0x4CE, s26;
	[dreg:$0xa] =	wrdreg s9  }
0x10: {  	s8 =	sadd.s32 $0x4D8, s26;
	s11 =	sadd.s32 $0x16800, s0;
	[dreg:$0xb] =	wrdreg s13  }
0x11: {  	s22 =	sshrl.u32 s20, $0x3;
	s20 =	sadd.s32 $0x18600, s0;
	[dreg:$0x14] =	wrdreg s11  }
0x12: {  	s26 =	sshrl.u32 s24, $0x3;
	s24 =	sadd.s32 $0x5000, s12;
	[dreg:$0x1a] =	wrdreg s20  }
0x13: {  	s13 =	sadd.s32 s5, s14;
	[dreg:$0x1f] =	wrdreg s24  }
0x14: {  	s9 =	sadd.s32 s6, s14;
	[dreg:$0xc] =	wrdreg s13  }
0x15: {  	s16 =	sadd.s32 s5, s15;
	[dreg:$0xd] =	wrdreg s9  }
0x16: {  	s17 =	sadd.s32 s6, s15;
	[dreg:$0xe] =	wrdreg s16  }
0x17: {  	s19 =	sadd.s32 s5, s18;
	[dreg:$0xf] =	wrdreg s17  }
0x18: {  	s21 =	sadd.s32 s5, s8;
	[dreg:$0x10] =	wrdreg s19  }
0x19: {  	s8 =	sadd.s32 s6, s8;
	[dreg:$0x12] =	wrdreg s21  }
0x1a: {  	s23 =	sadd.s32 s22, s6;
	[dreg:$0x13] =	wrdreg s8  }
0x1b: {  	s25 =	sadd.s32 s22, s5;
	[dreg:$0x4] =	wrdreg s23  }
0x1c: {  	s14 =	sadd.s32 $0x16D00, s0;
	[dreg:$0x5] =	wrdreg s25  }
0x1d: {  	s15 =	sadd.s32 s26, s5;
	[dreg:$0x15] =	wrdreg s14  }
0x1e: {  	s22 =	sadd.s32 $0xF0, s2;
	[dreg:$0x7] =	wrdreg s15  }
0x1f: {  	s2 =	simm.s32 $0x0;
	[dreg:$0x1d] =	wrdreg s22  }
0x20: {  	s9 =	sadd.s32 s6, s18;
	[smem:$0x7FA] =	sst s2  }
0x21: {  	s28 =	simm.s32 $0x6;
	s13 =	sadd.s32 s26, s6;
	[dreg:$0x11] =	wrdreg s9  }
0x22: {  	s29 =	simm.s32 $0x8;
	s16 =	sadd.s32 $0x17200, s0;
	[dreg:$0x6] =	wrdreg s13  }
0x23: {  	s30 =	simm.s32 $0xB;
	s17 =	sadd.s32 $0x17700, s0;
	[dreg:$0x16] =	wrdreg s16  }
0x24: {  	s31 =	simm.s32 $0x9;
	s18 =	sadd.s32 $0x17C00, s0;
	[dreg:$0x17] =	wrdreg s17  }
0x25: {  	s11 =	simm.s32 $0x100;
	s19 =	sadd.s32 $0x18100, s0;
	[dreg:$0x18] =	wrdreg s18  }
0x26: {  	s20 =	simm.s32 $0x5200;
	s0 =	sadd.s32 $0x18B00, s0;
	[dreg:$0x19] =	wrdreg s19  }
0x27: {  	s24 =	simm.s32 $0x2A00;
	s21 =	smax.u32 s7, $0x1;
	[dreg:$0x1b] =	wrdreg s0  }
0x28: {  	s8 =	smov.u32 s12;
	s23 =	sadd.s32 $0x2800, s12;
	[dreg:$0x1c] =	wrdreg s21  }
0x29: {  	s25 =	sadd.s32 $0x7800, s12;
	s26 =	sadd.s32 $0xA000, s12;
	[dreg:$0x1e] =	wrdreg s23  }
0x2a: {  	s7 =	sadd.s32 $0xC800, s12;
	s14 =	simm.s32 $0x80;
	[smem:$0x7F8] =	sst s25  }
0x2b: {  	s15 =	simm.s32 $0x2900;
	s22 =	simm.s32 $0x3;
	[smem:$0x7F9] =	sst s26  }
0x2c: {  	s9 =	sadd.s32 $0xF000, s12;
	s13 =	simm.s32 $0x7;
	s16 =	simm.s32 $0x2980  }
0x2d: {  	s17 =	simm.s32 $0x1;
	s18 =	simm.s32 $0x2;
	s19 =	simm.s32 $0x50  }
0x2e: {  	s21 =	simm.s32 $0x5280;
	s23 =	simm.s32 $0x4;
	[dreg:$0x9] =	wrdreg s8  }
0x2f: {  	s25 =	simm.s32 $0xA;
	s26 =	simm.s32 $0x5;
	[smem:$0x7FB] =	sst s7  }
0x30: {  	s12 =	simm.s32 $0x5300;
	s0 =	simm.s32 $0xC;
	[smem:$0x7FC] =	sst s9  }
.LBB2_1:
0x31: {  	s2 =	rddreg [dreg:$0x8]  }
0x32: {  	[tilespmem:s11], [sflag:$0xD] =	stream.linear.gather [hbm4b:s2+s4], $0x2800, $0x38;
	[tilespmem:$0x1B380] =	vst v63  }
0x33: {  	s2 =	simm.s32 $0xD  }
0x34: {  	_ =	swait.ge [sflag:s2], $0x2800  }
0x35: {  	[sflag:s2] =	ssyncset.done $0x0  }
0x36: {  	[sflag:s2] =	ssyncadd.s32 $0xFFFFD800  }
0x37: {  	[spmem:s8] =	stream.linear.scatter [tilespmem:s11], [sflag:$0x7], $0x2800, $0x38;
	[tilespmem:$0x1B380] =	vst v63  }
0x38: {  	s8 =	rddreg [dreg:$0x1e]  }
0x39: {  	[spmem:s8] =	stream.linear.scatter [tilespmem:s11], [sflag:$0x7], $0x2800, $0x38;
	[tilespmem:$0x1B380] =	vst v63  }
0x3a: {  	s8 =	rddreg [dreg:$0x1f]  }
0x3b: {  	[spmem:s8] =	stream.linear.scatter [tilespmem:s11], [sflag:$0x7], $0x2800, $0x38;
	[tilespmem:$0x1B380] =	vst v63  }
0x3c: {  	s8 =	sld [smem:$0x7F8];
	_ =	sdelay $0x2  }
0x3d: {  	[spmem:s8] =	stream.linear.scatter [tilespmem:s11], [sflag:$0x7], $0x2800, $0x38;
	[tilespmem:$0x1B380] =	vst v63  }
0x3e: {  	s8 =	sld [smem:$0x7F9];
	_ =	sdelay $0x2  }
0x3f: {  	[spmem:s8] =	stream.linear.scatter [tilespmem:s11], [sflag:$0x7], $0x2800, $0x38;
	[tilespmem:$0x1B380] =	vst v63  }
0x40: {  	_ = 	snop  }
0x41: {  	[spmem:s7] =	stream.linear.scatter [tilespmem:s11], [sflag:$0x7], $0x2800, $0x38;
	[tilespmem:$0x1B380] =	vst v63  }
0x42: {  	_ = 	snop  }
0x43: {  	[spmem:s9] =	stream.linear.scatter [tilespmem:s11], [sflag:$0x7], $0x2800, $0x38;
	[tilespmem:$0x1B380] =	vst v63  }
0x44: {  	_ = 	snop  }
0x45: {  	[spmem:s10] =	stream.linear.scatter [tilespmem:s11], [sflag:$0x7], $0x2800, $0x38;
	[tilespmem:$0x1B380] =	vst v63  }
0x46: {  	_ =	swait.ge [sflag:s13], $0x2800  }
0x47: {  	[sflag:s13] =	ssyncset.done $0x0  }
0x48: {  	[sflag:s13] =	ssyncadd.s32 $0xFFFFD800  }
0x49: {  	_ =	swait.ge [sflag:s13], $0x2800  }
0x4a: {  	[sflag:s13] =	ssyncset.done $0x0  }
0x4b: {  	[sflag:s13] =	ssyncadd.s32 $0xFFFFD800  }
0x4c: {  	_ =	swait.ge [sflag:s13], $0x2800  }
0x4d: {  	[sflag:s13] =	ssyncset.done $0x0  }
0x4e: {  	[sflag:s13] =	ssyncadd.s32 $0xFFFFD800  }
0x4f: {  	_ =	swait.ge [sflag:s13], $0x2800  }
0x50: {  	[sflag:s13] =	ssyncset.done $0x0  }
0x51: {  	[sflag:s13] =	ssyncadd.s32 $0xFFFFD800  }
0x52: {  	_ =	swait.ge [sflag:s13], $0x2800  }
0x53: {  	[sflag:s13] =	ssyncset.done $0x0  }
0x54: {  	[sflag:s13] =	ssyncadd.s32 $0xFFFFD800  }
0x55: {  	_ =	swait.ge [sflag:s13], $0x2800  }
0x56: {  	[sflag:s13] =	ssyncset.done $0x0  }
0x57: {  	[sflag:s13] =	ssyncadd.s32 $0xFFFFD800  }
0x58: {  	_ =	swait.ge [sflag:s13], $0x2800  }
0x59: {  	[sflag:s13] =	ssyncset.done $0x0  }
0x5a: {  	[sflag:s13] =	ssyncadd.s32 $0xFFFFD800  }
0x5b: {  	_ =	swait.ge [sflag:s13], $0x2800  }
0x5c: {  	[sflag:s13] =	ssyncset.done $0x0  }
0x5d: {  	[sflag:s13] =	ssyncadd.s32 $0xFFFFD800  }
0x5e: {  	[bflag:$0x0] =	sbarrier.arrive $0xFFFF  }
0x5f: {  	s7 =	rddreg [dreg:$0xa]  }
0x60: {  	[tilespmem:s4], [sflag:$0x1] =	stream.linear.gather [hbm4b:s7+s4], $0x50, $0x38;
	[tilespmem:$0x1B380] =	vst v63  }
0x61: {  	s8 =	rddreg [dreg:$0xb]  }
0x62: {  	[tilespmem:s14], [sflag:$0x2] =	stream.linear.gather [hbm4b:s8+s4], $0x50, $0x38;
	[tilespmem:$0x1B380] =	vst v63  }
0x63: {  	s9 =	rddreg [dreg:$0xc]  }
0x64: {  	[tilespmem:s15], [sflag:$0x3] =	stream.linear.gather [hbm4b:s9+s4], $0x50, $0x38;
	[tilespmem:$0x1B380] =	vst v63  }
0x65: {  	s10 =	rddreg [dreg:$0xd]  }
0x66: {  	[tilespmem:s16], [sflag:$0x4] =	stream.linear.gather [hbm4b:s10+s4], $0x50, $0x38;
	[tilespmem:$0x1B380] =	vst v63  }
0x67: {  	_ =	swait.ge [sflag:s17], $0x50  }
0x68: {  	[sflag:s17] =	ssyncset.done $0x0  }
0x69: {  	[sflag:s17] =	ssyncadd.s32 $0xFFFFFFB0  }
0x6a: {  	_ =	swait.ge [sflag:s18], $0x50  }
0x6b: {  	[sflag:s18] =	ssyncset.done $0x0  }
0x6c: {  	[sflag:s18] =	ssyncadd.s32 $0xFFFFFFB0  }
0x6d: {  	[tilespmem:s11], [sflag:$0x7] =	stream.indirect.gather [hbm4b:s1+s19], $0x80, s4, s19, $0xb8;
	[tilespmem:$0x1B380] =	vst v63  }
0x6e: {  	s7 =	rddreg [dreg:$0xe]  }
0x6f: {  	[tilespmem:s20], [sflag:$0x5] =	stream.linear.gather [hbm4b:s7+s4], $0x50, $0x38;
	[tilespmem:$0x1B380] =	vst v63  }
0x70: {  	s8 =	rddreg [dreg:$0xf]  }
0x71: {  	[tilespmem:s21], [sflag:$0x6] =	stream.linear.gather [hbm4b:s8+s4], $0x50, $0x38;
	[tilespmem:$0x1B380] =	vst v63  }
0x72: {  	_ =	swait.ge [sflag:s22], $0x50  }
0x73: {  	[sflag:s22] =	ssyncset.done $0x0  }
0x74: {  	[sflag:s22] =	ssyncadd.s32 $0xFFFFFFB0  }
0x75: {  	_ =	swait.ge [sflag:s23], $0x50  }
0x76: {  	[sflag:s23] =	ssyncset.done $0x0  }
0x77: {  	[sflag:s23] =	ssyncadd.s32 $0xFFFFFFB0  }
0x78: {  	[tilespmem:s24], [sflag:$0x8] =	stream.indirect.gather [hbm4b:s1+s19], $0x80, s15, s19, $0xb8;
	[tilespmem:$0x1B380] =	vst v63  }
0x79: {  	_ =	swait.ge [sflag:s13], $0x2800  }
0x7a: {  	[sflag:s13] =	ssyncset.done $0x0  }
0x7b: {  	[sflag:s13] =	ssyncadd.s32 $0xFFFFD800  }
0x7c: {  	[spmem:s3] =	stream.indirect.scatter.add.f32 [tilespmem:s11], [sflag:$0xA], $0x80, s14, s19, $0xb8;
	[tilespmem:$0x1B380] =	vst v63  }
0x7d: {  	_ =	swait.ge [sflag:s25], $0x2800  }
0x7e: {  	s2 =	rddreg [dreg:$0x1d]  }
0x7f: {  	[sflag:s25] =	ssyncset.done $0x0;
	s9 =	sshrl.u32 s2, $0x3  }
0x80: {  	[sflag:s25] =	ssyncadd.s32 $0xFFFFD800;
	s10 =	sadd.s32 s5, s9  }
0x81: {  	[tilespmem:s4], [sflag:$0x1] =	stream.linear.gather [hbm4b:s10+s4], $0x50, $0x38;
	[tilespmem:$0x1B380] =	vst v63  }
0x82: {  	s7 =	sadd.s32 s6, s9  }
0x83: {  	[tilespmem:s14], [sflag:$0x2] =	stream.linear.gather [hbm4b:s7+s4], $0x50, $0x38;
	[tilespmem:$0x1B380] =	vst v63  }
0x84: {  	_ =	swait.ge [sflag:s26], $0x50  }
0x85: {  	[sflag:s26] =	ssyncset.done $0x0  }
0x86: {  	[sflag:s26] =	ssyncadd.s32 $0xFFFFFFB0  }
0x87: {  	_ =	swait.ge [sflag:s28], $0x50  }
0x88: {  	[sflag:s28] =	ssyncset.done $0x0  }
0x89: {  	[sflag:s28] =	ssyncadd.s32 $0xFFFFFFB0  }
0x8a: {  	[tilespmem:s12], [sflag:$0x9] =	stream.indirect.gather [hbm4b:s1+s19], $0x80, s20, s19, $0xb8;
	[tilespmem:$0x1B380] =	vst v63  }
0x8b: {  	_ =	swait.ge [sflag:s29], $0x2800  }
0x8c: {  	[sflag:s29] =	ssyncset.done $0x0  }
0x8d: {  	[sflag:s29] =	ssyncadd.s32 $0xFFFFD800  }
0x8e: {  	[spmem:s3] =	stream.indirect.scatter.add.f32 [tilespmem:s24], [sflag:$0xB], $0x80, s16, s19, $0xb8;
	[tilespmem:$0x1B380] =	vst v63  }
0x8f: {  	_ =	swait.ge [sflag:s30], $0x2800  }
0x90: {  	s8 =	rddreg [dreg:$0x7];
	[sflag:s30] =	ssyncset.done $0x0  }
0x91: {  	s9 =	rddreg [dreg:$0x6];
	[sflag:s30] =	ssyncadd.s32 $0xFFFFD800;
	s7 =	sadd.s32 $0x0, s8  }
0x92: {  	[tilespmem:s15], [sflag:$0x3] =	stream.linear.gather [hbm4b:s7+s4], $0x50, $0x38;
	[tilespmem:$0x1B380] =	vst v63  }
0x93: {  	s10 =	sadd.s32 $0x0, s9  }
0x94: {  	[tilespmem:s16], [sflag:$0x4] =	stream.linear.gather [hbm4b:s10+s4], $0x50, $0x38;
	[tilespmem:$0x1B380] =	vst v63  }
0x95: {  	_ =	swait.ge [sflag:s17], $0x50  }
0x96: {  	[sflag:s17] =	ssyncset.done $0x0  }
0x97: {  	[sflag:s17] =	ssyncadd.s32 $0xFFFFFFB0  }
0x98: {  	_ =	swait.ge [sflag:s18], $0x50  }
0x99: {  	[sflag:s18] =	ssyncset.done $0x0  }
0x9a: {  	[sflag:s18] =	ssyncadd.s32 $0xFFFFFFB0  }
0x9b: {  	[tilespmem:s11], [sflag:$0x7] =	stream.indirect.gather [hbm4b:s1+s19], $0x80, s4, s19, $0xb8;
	[tilespmem:$0x1B380] =	vst v63  }
0x9c: {  	_ =	swait.ge [sflag:s31], $0x2800  }
0x9d: {  	[sflag:s31] =	ssyncset.done $0x0  }
0x9e: {  	[sflag:s31] =	ssyncadd.s32 $0xFFFFD800  }
0x9f: {  	[spmem:s3] =	stream.indirect.scatter.add.f32 [tilespmem:s12], [sflag:$0xC], $0x80, s21, s19, $0xb8;
	[tilespmem:$0x1B380] =	vst v63  }
0xa0: {  	_ =	swait.ge [sflag:s0], $0x2800  }
0xa1: {  	s8 =	rddreg [dreg:$0x5];
	[sflag:s0] =	ssyncset.done $0x0  }
0xa2: {  	s9 =	rddreg [dreg:$0x4];
	[sflag:s0] =	ssyncadd.s32 $0xFFFFD800;
	s7 =	sadd.s32 $0x0, s8  }
0xa3: {  	[tilespmem:s20], [sflag:$0x5] =	stream.linear.gather [hbm4b:s7+s4], $0x50, $0x38;
	[tilespmem:$0x1B380] =	vst v63  }
0xa4: {  	s10 =	sadd.s32 $0x0, s9  }
0xa5: {  	[tilespmem:s21], [sflag:$0x6] =	stream.linear.gather [hbm4b:s10+s4], $0x50, $0x38;
	[tilespmem:$0x1B380] =	vst v63  }
0xa6: {  	_ =	swait.ge [sflag:s22], $0x50  }
0xa7: {  	[sflag:s22] =	ssyncset.done $0x0  }
0xa8: {  	[sflag:s22] =	ssyncadd.s32 $0xFFFFFFB0  }
0xa9: {  	_ =	swait.ge [sflag:s23], $0x50  }
0xaa: {  	[sflag:s23] =	ssyncset.done $0x0  }
0xab: {  	[sflag:s23] =	ssyncadd.s32 $0xFFFFFFB0  }
0xac: {  	[tilespmem:s24], [sflag:$0x8] =	stream.indirect.gather [hbm4b:s1+s19], $0x80, s15, s19, $0xb8;
	[tilespmem:$0x1B380] =	vst v63  }
0xad: {  	_ =	swait.ge [sflag:s13], $0x2800  }
0xae: {  	[sflag:s13] =	ssyncset.done $0x0  }
0xaf: {  	s8 =	sadd.s32 $0xF0, s2;
	s7 =	simm.s32 $0x1E;
	[sflag:s13] =	ssyncadd.s32 $0xFFFFD800  }
.LBB2_2:
0xb0: {  	[spmem:s3] =	stream.indirect.scatter.add.f32 [tilespmem:s11], [sflag:$0xA], $0x80, s14, s19, $0xb8;
	[tilespmem:$0x1B380] =	vst v63  }
0xb1: {  	_ =	swait.ge [sflag:s25], $0x2800  }
0xb2: {  	s10 =	sshrl.u32 s8, $0x3;
	[sflag:s25] =	ssyncset.done $0x0  }
0xb3: {  	s2 =	sadd.s32 s5, s10;
	[sflag:s25] =	ssyncadd.s32 $0xFFFFD800  }
0xb4: {  	[tilespmem:s4], [sflag:$0x1] =	stream.linear.gather [hbm4b:s2+s4], $0x50, $0x38;
	[tilespmem:$0x1B380] =	vst v63  }
0xb5: {  	s10 =	sadd.s32 s6, s10  }
0xb6: {  	[tilespmem:s14], [sflag:$0x2] =	stream.linear.gather [hbm4b:s10+s4], $0x50, $0x38;
	[tilespmem:$0x1B380] =	vst v63  }
0xb7: {  	_ =	swait.ge [sflag:s26], $0x50  }
0xb8: {  	[sflag:s26] =	ssyncset.done $0x0  }
0xb9: {  	[sflag:s26] =	ssyncadd.s32 $0xFFFFFFB0  }
0xba: {  	_ =	swait.ge [sflag:s28], $0x50  }
0xbb: {  	[sflag:s28] =	ssyncset.done $0x0  }
0xbc: {  	[sflag:s28] =	ssyncadd.s32 $0xFFFFFFB0  }
0xbd: {  	[tilespmem:s12], [sflag:$0x9] =	stream.indirect.gather [hbm4b:s1+s19], $0x80, s20, s19, $0xb8;
	[tilespmem:$0x1B380] =	vst v63  }
0xbe: {  	_ =	swait.ge [sflag:s29], $0x2800  }
0xbf: {  	[sflag:s29] =	ssyncset.done $0x0  }
0xc0: {  	[sflag:s29] =	ssyncadd.s32 $0xFFFFD800  }
0xc1: {  	[spmem:s3] =	stream.indirect.scatter.add.f32 [tilespmem:s24], [sflag:$0xB], $0x80, s16, s19, $0xb8;
	[tilespmem:$0x1B380] =	vst v63  }
0xc2: {  	_ =	swait.ge [sflag:s30], $0x2800  }
0xc3: {  	s9 =	smov.u32 s7;
	s2 =	rddreg [dreg:$0x7];
	[sflag:s30] =	ssyncset.done $0x0  }
0xc4: {  	s10 =	rddreg [dreg:$0x6];
	[sflag:s30] =	ssyncadd.s32 $0xFFFFD800;
	s2 =	sadd.s32 s9, s2  }
0xc5: {  	[tilespmem:s15], [sflag:$0x3] =	stream.linear.gather [hbm4b:s2+s4], $0x50, $0x38;
	[tilespmem:$0x1B380] =	vst v63  }
0xc6: {  	s10 =	sadd.s32 s9, s10  }
0xc7: {  	[tilespmem:s16], [sflag:$0x4] =	stream.linear.gather [hbm4b:s10+s4], $0x50, $0x38;
	[tilespmem:$0x1B380] =	vst v63  }
0xc8: {  	_ =	swait.ge [sflag:s17], $0x50  }
0xc9: {  	[sflag:s17] =	ssyncset.done $0x0  }
0xca: {  	[sflag:s17] =	ssyncadd.s32 $0xFFFFFFB0  }
0xcb: {  	_ =	swait.ge [sflag:s18], $0x50  }
0xcc: {  	[sflag:s18] =	ssyncset.done $0x0  }
0xcd: {  	[sflag:s18] =	ssyncadd.s32 $0xFFFFFFB0  }
0xce: {  	[tilespmem:s11], [sflag:$0x7] =	stream.indirect.gather [hbm4b:s1+s19], $0x80, s4, s19, $0xb8;
	[tilespmem:$0x1B380] =	vst v63  }
0xcf: {  	_ =	swait.ge [sflag:s31], $0x2800  }
0xd0: {  	[sflag:s31] =	ssyncset.done $0x0  }
0xd1: {  	[sflag:s31] =	ssyncadd.s32 $0xFFFFD800  }
0xd2: {  	[spmem:s3] =	stream.indirect.scatter.add.f32 [tilespmem:s12], [sflag:$0xC], $0x80, s21, s19, $0xb8;
	[tilespmem:$0x1B380] =	vst v63  }
0xd3: {  	_ =	swait.ge [sflag:s0], $0x2800  }
0xd4: {  	s2 =	rddreg [dreg:$0x5];
	[sflag:s0] =	ssyncset.done $0x0  }
0xd5: {  	s10 =	rddreg [dreg:$0x4];
	[sflag:s0] =	ssyncadd.s32 $0xFFFFD800;
	s2 =	sadd.s32 s9, s2  }
0xd6: {  	[tilespmem:s20], [sflag:$0x5] =	stream.linear.gather [hbm4b:s2+s4], $0x50, $0x38;
	[tilespmem:$0x1B380] =	vst v63  }
0xd7: {  	s10 =	sadd.s32 s9, s10  }
0xd8: {  	[tilespmem:s21], [sflag:$0x6] =	stream.linear.gather [hbm4b:s10+s4], $0x50, $0x38;
	[tilespmem:$0x1B380] =	vst v63  }
0xd9: {  	_ =	swait.ge [sflag:s22], $0x50  }
0xda: {  	[sflag:s22] =	ssyncset.done $0x0  }
0xdb: {  	[sflag:s22] =	ssyncadd.s32 $0xFFFFFFB0  }
0xdc: {  	_ =	swait.ge [sflag:s23], $0x50  }
0xdd: {  	p0 =	sne.s32 s7, $0x492;
	[sflag:s23] =	ssyncset.done $0x0  }
.Ltmp0:
0xde: {  	[sflag:s23] =	ssyncadd.s32 $0xFFFFFFB0;
	(pc) =	sbr.rel @p0 .LBB2_2-.Ltmp0, $4  }
0xdf: {  	[tilespmem:s24], [sflag:$0x8] =	stream.indirect.gather [hbm4b:s1+s19], $0x80, s15, s19, $0xb8;
	[tilespmem:$0x1B380] =	vst v63  }
0xe0: {  	_ =	swait.ge [sflag:s13], $0x2800  }
0xe1: {  	[sflag:s13] =	ssyncset.done $0x0  }
0xe2: {  	s7 =	sadd.s32 $0x1E, s7;
	s8 =	sadd.s32 $0xF0, s8;
	[sflag:s13] =	ssyncadd.s32 $0xFFFFD800  }
0xe3: {  	[spmem:s3] =	stream.indirect.scatter.add.f32 [tilespmem:s11], [sflag:$0xA], $0x80, s14, s19, $0xb8;
	[tilespmem:$0x1B380] =	vst v63  }
0xe4: {  	_ =	swait.ge [sflag:s25], $0x2800  }
0xe5: {  	[sflag:s25] =	ssyncset.done $0x0  }
0xe6: {  	s2 =	rddreg [dreg:$0x10];
	[sflag:s25] =	ssyncadd.s32 $0xFFFFD800  }
0xe7: {  	[tilespmem:s4], [sflag:$0x1] =	stream.linear.gather [hbm4b:s2+s4], $0x50, $0x38;
	[tilespmem:$0x1B380] =	vst v63  }
0xe8: {  	s9 =	rddreg [dreg:$0x11]  }
0xe9: {  	[tilespmem:s14], [sflag:$0x2] =	stream.linear.gather [hbm4b:s9+s4], $0x50, $0x38;
	[tilespmem:$0x1B380] =	vst v63  }
0xea: {  	_ =	swait.ge [sflag:s26], $0x50  }
0xeb: {  	[sflag:s26] =	ssyncset.done $0x0  }
0xec: {  	[sflag:s26] =	ssyncadd.s32 $0xFFFFFFB0  }
0xed: {  	_ =	swait.ge [sflag:s28], $0x50  }
0xee: {  	[sflag:s28] =	ssyncset.done $0x0  }
0xef: {  	[sflag:s28] =	ssyncadd.s32 $0xFFFFFFB0  }
0xf0: {  	[tilespmem:s12], [sflag:$0x9] =	stream.indirect.gather [hbm4b:s1+s19], $0x80, s20, s19, $0xb8;
	[tilespmem:$0x1B380] =	vst v63  }
0xf1: {  	_ =	swait.ge [sflag:s29], $0x2800  }
0xf2: {  	[sflag:s29] =	ssyncset.done $0x0  }
0xf3: {  	[sflag:s29] =	ssyncadd.s32 $0xFFFFD800  }
0xf4: {  	[spmem:s3] =	stream.indirect.scatter.add.f32 [tilespmem:s24], [sflag:$0xB], $0x80, s16, s19, $0xb8;
	[tilespmem:$0x1B380] =	vst v63  }
0xf5: {  	_ =	swait.ge [sflag:s30], $0x2800  }
0xf6: {  	[sflag:s30] =	ssyncset.done $0x0  }
0xf7: {  	s10 =	rddreg [dreg:$0x12];
	[sflag:s30] =	ssyncadd.s32 $0xFFFFD800  }
0xf8: {  	[tilespmem:s15], [sflag:$0x3] =	stream.linear.gather [hbm4b:s10+s4], $0x50, $0x38;
	[tilespmem:$0x1B380] =	vst v63  }
0xf9: {  	s7 =	rddreg [dreg:$0x13]  }
0xfa: {  	[tilespmem:s16], [sflag:$0x4] =	stream.linear.gather [hbm4b:s7+s4], $0x50, $0x38;
	[tilespmem:$0x1B380] =	vst v63  }
0xfb: {  	_ =	swait.ge [sflag:s17], $0x50  }
0xfc: {  	[sflag:s17] =	ssyncset.done $0x0  }
0xfd: {  	[sflag:s17] =	ssyncadd.s32 $0xFFFFFFB0  }
0xfe: {  	_ =	swait.ge [sflag:s18], $0x50  }
0xff: {  	[sflag:s18] =	ssyncset.done $0x0  }
0x100: {  	[sflag:s18] =	ssyncadd.s32 $0xFFFFFFB0  }
0x101: {  	[tilespmem:s11], [sflag:$0x7] =	stream.indirect.gather [hbm4b:s1+s19], $0x80, s4, s19, $0xb8;
	[tilespmem:$0x1B380] =	vst v63  }
0x102: {  	_ =	swait.ge [sflag:s31], $0x2800  }
0x103: {  	[sflag:s31] =	ssyncset.done $0x0  }
0x104: {  	[sflag:s31] =	ssyncadd.s32 $0xFFFFD800  }
0x105: {  	[spmem:s3] =	stream.indirect.scatter.add.f32 [tilespmem:s12], [sflag:$0xC], $0x80, s21, s19, $0xb8;
	[tilespmem:$0x1B380] =	vst v63  }
0x106: {  	_ =	swait.ge [sflag:s0], $0x2800  }
0x107: {  	[sflag:s0] =	ssyncset.done $0x0  }
0x108: {  	[sflag:s0] =	ssyncadd.s32 $0xFFFFD800  }
0x109: {  	_ =	swait.ge [sflag:s22], $0x50  }
0x10a: {  	[sflag:s22] =	ssyncset.done $0x0  }
0x10b: {  	[sflag:s22] =	ssyncadd.s32 $0xFFFFFFB0  }
0x10c: {  	_ =	swait.ge [sflag:s23], $0x50  }
0x10d: {  	[sflag:s23] =	ssyncset.done $0x0  }
0x10e: {  	[sflag:s23] =	ssyncadd.s32 $0xFFFFFFB0  }
0x10f: {  	[tilespmem:s24], [sflag:$0x8] =	stream.indirect.gather [hbm4b:s1+s19], $0x80, s15, s19, $0xb8;
	[tilespmem:$0x1B380] =	vst v63  }
0x110: {  	_ =	swait.ge [sflag:s13], $0x2800  }
0x111: {  	[sflag:s13] =	ssyncset.done $0x0  }
0x112: {  	[sflag:s13] =	ssyncadd.s32 $0xFFFFD800  }
0x113: {  	[spmem:s3] =	stream.indirect.scatter.add.f32 [tilespmem:s11], [sflag:$0xA], $0x80, s14, s19, $0xb8;
	[tilespmem:$0x1B380] =	vst v63  }
0x114: {  	_ =	swait.ge [sflag:s25], $0x2800  }
0x115: {  	[sflag:s25] =	ssyncset.done $0x0  }
0x116: {  	[sflag:s25] =	ssyncadd.s32 $0xFFFFD800  }
0x117: {  	_ =	swait.ge [sflag:s29], $0x2800  }
0x118: {  	[sflag:s29] =	ssyncset.done $0x0  }
0x119: {  	[sflag:s29] =	ssyncadd.s32 $0xFFFFD800  }
0x11a: {  	[spmem:s3] =	stream.indirect.scatter.add.f32 [tilespmem:s24], [sflag:$0xB], $0x80, s16, s19, $0xb8;
	[tilespmem:$0x1B380] =	vst v63  }
0x11b: {  	_ =	swait.ge [sflag:s30], $0x2800  }
0x11c: {  	[sflag:s30] =	ssyncset.done $0x0  }
0x11d: {  	[sflag:s30] =	ssyncadd.s32 $0xFFFFD800  }
0x11e: {  	[bflag:$0x0] =	sbarrier.arrive $0xFFFF  }
0x11f: {  	s8 =	rddreg [dreg:$0x9]  }
0x120: {  	[tilespmem:s11], [sflag:$0x7] =	stream.linear.gather [spmem:s8], $0x2800, $0x38;
	[tilespmem:$0x1B380] =	vst v63  }
0x121: {  	s9 =	rddreg [dreg:$0x1e]  }
0x122: {  	[tilespmem:s24], [sflag:$0x8] =	stream.linear.gather [spmem:s9], $0x2800, $0x38;
	[tilespmem:$0x1B380] =	vst v63  }
0x123: {  	_ =	swait.ge [sflag:s13], $0x2800  }
0x124: {  	[sflag:s13] =	ssyncset.done $0x0  }
0x125: {  	s10 =	rddreg [dreg:$0x14];
	[sflag:s13] =	ssyncadd.s32 $0xFFFFD800  }
0x126: {  	[hbm4b:s10+s4] =	stream.linear.scatter [tilespmem:s11], [sflag:$0xA], $0x2800, $0x38;
	[tilespmem:$0x1B380] =	vst v63  }
0x127: {  	s7 =	rddreg [dreg:$0x1f]  }
0x128: {  	[tilespmem:s12], [sflag:$0x9] =	stream.linear.gather [spmem:s7], $0x2800, $0x38;
	[tilespmem:$0x1B380] =	vst v63  }
0x129: {  	_ =	swait.ge [sflag:s29], $0x2800  }
0x12a: {  	[sflag:s29] =	ssyncset.done $0x0  }
0x12b: {  	s8 =	rddreg [dreg:$0x15];
	[sflag:s29] =	ssyncadd.s32 $0xFFFFD800  }
0x12c: {  	[hbm4b:s8+s4] =	stream.linear.scatter [tilespmem:s24], [sflag:$0xB], $0x2800, $0x38;
	[tilespmem:$0x1B380] =	vst v63  }
0x12d: {  	_ =	swait.ge [sflag:s25], $0x2800  }
0x12e: {  	s9 =	sld [smem:$0x7F8]  }
0x12f: {  	[sflag:s25] =	ssyncset.done $0x0  }
0x130: {  	[sflag:s25] =	ssyncadd.s32 $0xFFFFD800  }
0x131: {  	[tilespmem:s11], [sflag:$0x7] =	stream.linear.gather [spmem:s9], $0x2800, $0x38;
	[tilespmem:$0x1B380] =	vst v63  }
0x132: {  	_ =	swait.ge [sflag:s31], $0x2800  }
0x133: {  	[sflag:s31] =	ssyncset.done $0x0  }
0x134: {  	s10 =	rddreg [dreg:$0x16];
	[sflag:s31] =	ssyncadd.s32 $0xFFFFD800  }
0x135: {  	[hbm4b:s10+s4] =	stream.linear.scatter [tilespmem:s12], [sflag:$0xC], $0x2800, $0x38;
	[tilespmem:$0x1B380] =	vst v63  }
0x136: {  	_ =	swait.ge [sflag:s30], $0x2800  }
0x137: {  	s7 =	sld [smem:$0x7F9]  }
0x138: {  	[sflag:s30] =	ssyncset.done $0x0  }
0x139: {  	[sflag:s30] =	ssyncadd.s32 $0xFFFFD800  }
0x13a: {  	[tilespmem:s24], [sflag:$0x8] =	stream.linear.gather [spmem:s7], $0x2800, $0x38;
	[tilespmem:$0x1B380] =	vst v63  }
0x13b: {  	_ =	swait.ge [sflag:s13], $0x2800  }
0x13c: {  	[sflag:s13] =	ssyncset.done $0x0  }
0x13d: {  	s8 =	rddreg [dreg:$0x17];
	[sflag:s13] =	ssyncadd.s32 $0xFFFFD800  }
0x13e: {  	[hbm4b:s8+s4] =	stream.linear.scatter [tilespmem:s11], [sflag:$0xA], $0x2800, $0x38;
	[tilespmem:$0x1B380] =	vst v63  }
0x13f: {  	_ =	swait.ge [sflag:s0], $0x2800  }
0x140: {  	s7 =	sld [smem:$0x7FB]  }
0x141: {  	[sflag:s0] =	ssyncset.done $0x0  }
0x142: {  	[sflag:s0] =	ssyncadd.s32 $0xFFFFD800  }
0x143: {  	[tilespmem:s12], [sflag:$0x9] =	stream.linear.gather [spmem:s7], $0x2800, $0x38;
	[tilespmem:$0x1B380] =	vst v63  }
0x144: {  	_ =	swait.ge [sflag:s29], $0x2800  }
0x145: {  	[sflag:s29] =	ssyncset.done $0x0  }
0x146: {  	s9 =	rddreg [dreg:$0x18];
	[sflag:s29] =	ssyncadd.s32 $0xFFFFD800  }
0x147: {  	[hbm4b:s9+s4] =	stream.linear.scatter [tilespmem:s24], [sflag:$0xB], $0x2800, $0x38;
	[tilespmem:$0x1B380] =	vst v63  }
0x148: {  	_ =	swait.ge [sflag:s25], $0x2800  }
0x149: {  	s9 =	sld [smem:$0x7FC]  }
0x14a: {  	[sflag:s25] =	ssyncset.done $0x0  }
0x14b: {  	[sflag:s25] =	ssyncadd.s32 $0xFFFFD800  }
0x14c: {  	[tilespmem:s11], [sflag:$0x7] =	stream.linear.gather [spmem:s9], $0x2800, $0x38;
	[tilespmem:$0x1B380] =	vst v63  }
0x14d: {  	_ =	swait.ge [sflag:s31], $0x2800  }
0x14e: {  	[sflag:s31] =	ssyncset.done $0x0  }
0x14f: {  	s10 =	rddreg [dreg:$0x19];
	[sflag:s31] =	ssyncadd.s32 $0xFFFFD800  }
0x150: {  	[hbm4b:s10+s4] =	stream.linear.scatter [tilespmem:s12], [sflag:$0xC], $0x2800, $0x38;
	[tilespmem:$0x1B380] =	vst v63  }
0x151: {  	_ =	swait.ge [sflag:s30], $0x2800  }
0x152: {  	s10 =	sld [smem:$0x7FD]  }
0x153: {  	[sflag:s30] =	ssyncset.done $0x0  }
0x154: {  	[sflag:s30] =	ssyncadd.s32 $0xFFFFD800  }
0x155: {  	[tilespmem:s24], [sflag:$0x8] =	stream.linear.gather [spmem:s10], $0x2800, $0x38;
	[tilespmem:$0x1B380] =	vst v63  }
0x156: {  	_ =	swait.ge [sflag:s13], $0x2800  }
0x157: {  	[sflag:s13] =	ssyncset.done $0x0  }
0x158: {  	s8 =	rddreg [dreg:$0x1a];
	[sflag:s13] =	ssyncadd.s32 $0xFFFFD800  }
0x159: {  	[hbm4b:s8+s4] =	stream.linear.scatter [tilespmem:s11], [sflag:$0xA], $0x2800, $0x38;
	[tilespmem:$0x1B380] =	vst v63  }
0x15a: {  	_ =	swait.ge [sflag:s29], $0x2800  }
0x15b: {  	[sflag:s29] =	ssyncset.done $0x0  }
0x15c: {  	s8 =	rddreg [dreg:$0x1b];
	[sflag:s29] =	ssyncadd.s32 $0xFFFFD800  }
0x15d: {  	[hbm4b:s8+s4] =	stream.linear.scatter [tilespmem:s24], [sflag:$0xB], $0x2800, $0x38;
	[tilespmem:$0x1B380] =	vst v63  }
0x15e: {  	_ =	swait.ge [sflag:s0], $0x2800  }
0x15f: {  	[sflag:s0] =	ssyncset.done $0x0  }
0x160: {  	[sflag:s0] =	ssyncadd.s32 $0xFFFFD800  }
0x161: {  	_ =	swait.ge [sflag:s25], $0x2800  }
0x162: {  	[sflag:s25] =	ssyncset.done $0x0  }
0x163: {  	[sflag:s25] =	ssyncadd.s32 $0xFFFFD800  }
0x164: {  	_ =	swait.ge [sflag:s30], $0x2800  }
0x165: {  	s8 =	sld [smem:$0x7FA];
	_ =	sdelay $0x2  }
0x166: {  	s2 =	rddreg [dreg:$0x1c];
	s8 =	sadd.s32 $0x1, s8  }
0x167: {  	p0 =	sne.s32 s8, s2  }
.Ltmp1:
0x168: {  	_ = 	snop;
	(pc) =	sbr.rel @p0 .LBB2_1-.Ltmp1, $3  }
0x169: {  	_ =	sdelay $0x1  }
0x16a: {  	[sflag:s30] =	ssyncset.done $0x0;
	[smem:$0x7FA] =	sst s8  }
0x16b: {  	[sflag:s30] =	ssyncadd.s32 $0xFFFFD800;
	s8 =	rddreg [dreg:$0x9]  }
0x16c: {  	_ =	sfence.sel $0x180000  }
0x16d: {  	[bflag:$0x0] =	sbarrier.arrive $0xFFFF  }
0x16e: {  	_ =	strace $0x9000004D  }
0x16f: {  	s0 =	stileid.u32;
	[bflag:$0x2] =	sbarrier.arrive $0xFFFF  }
0x170: {  	p0 =	sne.s32 s0, $0x0;
	s0 =	rddreg [dreg:$0x3]  }
0x171: {  	s0 =	sadd.s32 @!p0 $0x100000, s0  }
0x172: {  	[sflag:s0] =	ssyncadd.tile.s32 @!p0 $0x1;
	_ =	shalt  }
.Lfunc_end2:
_tile_overlayer_lowered:
.L_overlay_start_2:
0x173: {  	(tag) =	ssettag $0x2  }
0x174: {  	s0 =	rddreg [dreg:$0x0];
	s2 =	stileid.u32  }
0x175: {  	s1 =	rddreg [dreg:$0x1];
	p0 =	sne.s32 s2, $0x0  }
0x176: {  	s3 =	rddreg [dreg:$0x2];
	[bflag:$0x3] =	sbarrier.arrive $0xFFFF;
	s2 =	simm.s32 @!p0 $0x1C0D  }
0x177: {  	[timem:s3], [sflag:s2] =	dma.local @!p0 [hbm:s0], s1  }
0x178: {  	s0 =	simm.s32 @!p0 $0xD  }
0x179: {  	_ =	swait.ge @!p0 [sflag:s0], s1  }
0x17a: {  	s1 =	ssub.s32 @!p0 $0x0, s1;
	[sflag:s0] =	ssyncset.done @!p0 $0x0  }
0x17b: {  	[sflag:s0] =	ssyncadd.s32 @!p0 s1  }
0x17c: {  	[bflag:$0x3] =	sbarrier.arrive $0xFFFF  }
0x17d: {  	_ =	shalt  }

// kernel: kernel.7.cloned.1.call-start
scs
__scs_entry_jumppad:
0x0: {  	(pc) =	sbr.rel $0x88, $3  }
0x1: {  	(tag) =	ssettag $0x0;
	lr =	simm.s32 $0x1  }
0x2: {  	[smem:$0x3F98] =	sst lr;
	_ =	strace $0xD0000000  }
0x3: {  	_ = 	snop  }
0x4: {  	_ = 	snop  }
0x5: {  	_ = 	snop  }
0x6: {  	_ = 	snop  }
0x7: {  	_ = 	snop  }
__scs_overlays_trampoline_lowered:
0x8: {  	[smem:$0x3FA7] =	sst s0  }
0x9: {  	[smem:$0x3FA8] =	sst s1  }
0xa: {  	[smem:$0x3FA9] =	sst s2  }
0xb: {  	[smem:$0x3FAA] =	sst s3  }
0xc: {  	[smem:$0x3FAB] =	sst s4  }
0xd: {  	[smem:$0x3FAC] =	sst s5  }
0xe: {  	[smem:$0x3FAD] =	sst s6  }
0xf: {  	[smem:$0x3FAE] =	sst s7  }
0x10: {  	[smem:$0x3FAF] =	sst s8  }
0x11: {  	[smem:$0x3FB0] =	sst s9;
	s0 =	simm.s32 @!p0 $0x0  }
0x12: {  	s1 =	sld [smem:$0x3F96];
	s0 =	simm.s32 @p0 $0x1  }
0x13: {  	[smem:$0x3FB1] =	sst s0;
	s0 =	simm.s32 @!p1 $0x0  }
0x14: {  	s2 =	sld [smem:$0x3F95];
	s0 =	simm.s32 @p1 $0x1  }
0x15: {  	[smem:$0x3FB2] =	sst s0;
	s0 =	simm.s32 @!p2 $0x0  }
0x16: {  	s3 =	sld [smem:$0x3FDB];
	s0 =	simm.s32 @p2 $0x1  }
0x17: {  	s4 =	simm.s32 $0x1BF5;
	[smem:$0x3FB4] =	sst s0  }
0x18: {  	s0 =	sld [smem:$0x3F97];
	_ =	swait.ge [sflag:s4], $0x0  }
0x19: {  	s7 =	sld [smem:$0x3F98]  }
0x1a: {  	s8 =	sadd.s32 $0xFFFFE003, lr  }
0x1b: {  	s9 =	sadd.s32 $0xFFFFFEF7, lr;
	s5 =	simm.s32 $0xFFFFFFFF;
	p2 =	slt.u32 s8, $0xFFFFF086  }
0x1c: {  	p1 =	slt.u32 s9, $0xF7A;
	s5 =	simm.s32 @!p2 $0x0  }
0x1d: {  	s5 =	simm.s32 @p1 $0x1;
	p0 =	seq.s32 s7, s2  }
0x1e: {  	s7 =	smul.u32 @!p0 $0xF7A, s2;
	p2 =	seq.s32 @!p0 s5, $0x0  }
0x1f: {  	s9 =	smul.u32 $0xF7A, s1;
	s8 =	simm.s32 @!p0 $0x1BF5;
	p2 =	por !p2, p0  }
0x20: {  	[sflag:s8] =	ssyncset.s32 @!p0 $0xFFFFF086;
	s6 =	sadd.s32 @!p0 s3, s7;
	s7 =	simm.s32 @!p0 $0x108  }
0x21: {  	s3 =	sadd.s32 s3, s9;
	s6 =	sadd.s32 @!p0 $0x88, s6;
	s7 =	simm.s32 @p2 $0x1082  }
0x22: {  	[simem:s7], [sflag:s8] =	dma.local @!p0 [hbm:s6], $0xF7A  }
0x23: {  	s9 =	sor.u32 $0xD0000000, s2;
	s6 =	simm.s32 $0x108;
	_ =	swait.ge @!p0 [sflag:s8], $0x0  }
0x24: {  	s3 =	sadd.s32 $0x88, s3;
	s6 =	simm.s32 @!p1 $0x1082;
	[sflag:s4] =	ssyncset.s32 $0xFFFFF086  }
0x25: {  	[simem:s6], [sflag:s4] =	dma.local [hbm:s3], $0xF7A  }
0x26: {  	[smem:$0x3F98] =	sst s1;
	(tag) =	ssettag s2;
	_ =	strace s9  }
0x27: {  	s1 =	sld [smem:$0x3FA8]  }
0x28: {  	s2 =	sld [smem:$0x3FA9]  }
0x29: {  	s4 =	sld [smem:$0x3FAB]  }
0x2a: {  	p0 =	seq.s32 s5, $0x0;
	s5 =	sld [smem:$0x3FAC]  }
0x2b: {  	s6 =	sld [smem:$0x3FAD]  }
0x2c: {  	s7 =	sld [smem:$0x3FAE]  }
0x2d: {  	s3 =	simm.s32 $0x108;
	s8 =	sld [smem:$0x3FAF]  }
0x2e: {  	s3 =	simm.s32 @!p0 $0x1082;
	s9 =	sld [smem:$0x3FB0]  }
0x2f: {  	lr =	sadd.s32 s0, s3;
	s0 =	sld [smem:$0x3FA7]  }
0x30: {  	s3 =	sld [smem:$0x3FAA]  }
0x31: {  	[smem:$0x3FB3] =	sst s10  }
0x32: {  	s10 =	sld [smem:$0x3FB1];
	_ =	sdelay $0x3  }
0x33: {  	p0 =	seq.s32 s10, $0x1;
	s10 =	sld [smem:$0x3FB3];
	_ =	sdelay $0x3  }
0x34: {  	[smem:$0x3FB3] =	sst s10  }
0x35: {  	s10 =	sld [smem:$0x3FB2];
	_ =	sdelay $0x3  }
0x36: {  	p1 =	seq.s32 s10, $0x1;
	s10 =	sld [smem:$0x3FB3];
	_ =	sdelay $0x3  }
0x37: {  	[smem:$0x3FB3] =	sst s10  }
0x38: {  	s10 =	sld [smem:$0x3FB4]  }
0x39: {  	_ = 	snop;
	(pc) =	sbr.ind lr, $3  }
0x3a: {  	_ = 	snop  }
0x3b: {  	_ = 	snop  }
0x3c: {  	p2 =	seq.s32 s10, $0x1;
	s10 =	sld [smem:$0x3FB3]  }
0x3d: {  	_ =	shalt  }
0x3e: {  	_ =	shalt  }
0x3f: {  	_ =	shalt  }
0x40: {  	_ =	shalt  }
0x41: {  	_ =	shalt  }
0x42: {  	_ =	shalt  }
0x43: {  	_ =	shalt  }
0x44: {  	_ =	shalt  }
0x45: {  	_ =	shalt  }
0x46: {  	_ =	shalt  }
0x47: {  	_ =	shalt  }
0x48: {  	_ =	shalt  }
0x49: {  	_ =	shalt  }
0x4a: {  	_ =	shalt  }
0x4b: {  	_ =	shalt  }
0x4c: {  	_ =	shalt  }
0x4d: {  	_ =	shalt  }
0x4e: {  	_ =	shalt  }
0x4f: {  	_ =	shalt  }
0x50: {  	_ =	shalt  }
0x51: {  	_ =	shalt  }
0x52: {  	_ =	shalt  }
0x53: {  	_ =	shalt  }
0x54: {  	_ =	shalt  }
0x55: {  	_ =	shalt  }
0x56: {  	_ =	shalt  }
0x57: {  	_ =	shalt  }
0x58: {  	_ =	shalt  }
0x59: {  	_ =	shalt  }
0x5a: {  	_ =	shalt  }
0x5b: {  	_ =	shalt  }
0x5c: {  	_ =	shalt  }
0x5d: {  	_ =	shalt  }
0x5e: {  	_ =	shalt  }
0x5f: {  	_ =	shalt  }
0x60: {  	_ =	shalt  }
0x61: {  	_ =	shalt  }
0x62: {  	_ =	shalt  }
0x63: {  	_ =	shalt  }
0x64: {  	_ =	shalt  }
0x65: {  	_ =	shalt  }
0x66: {  	_ =	shalt  }
0x67: {  	_ =	shalt  }
0x68: {  	_ =	shalt  }
0x69: {  	_ =	shalt  }
0x6a: {  	_ =	shalt  }
0x6b: {  	_ =	shalt  }
0x6c: {  	_ =	shalt  }
0x6d: {  	_ =	shalt  }
0x6e: {  	_ =	shalt  }
0x6f: {  	_ =	shalt  }
0x70: {  	_ =	shalt  }
0x71: {  	_ =	shalt  }
0x72: {  	_ =	shalt  }
0x73: {  	_ =	shalt  }
0x74: {  	_ =	shalt  }
0x75: {  	_ =	shalt  }
0x76: {  	_ =	shalt  }
0x77: {  	_ =	shalt  }
0x78: {  	_ =	shalt  }
0x79: {  	_ =	shalt  }
0x7a: {  	_ =	shalt  }
0x7b: {  	_ =	shalt  }
0x7c: {  	_ =	shalt  }
0x7d: {  	_ =	shalt  }
0x7e: {  	_ =	shalt  }
0x7f: {  	_ =	shalt  }
0x80: {  	_ =	shalt  }
0x81: {  	_ =	shalt  }
0x82: {  	_ =	shalt  }
0x83: {  	_ =	shalt  }
0x84: {  	_ =	shalt  }
0x85: {  	_ =	shalt  }
0x86: {  	_ =	shalt  }
0x87: {  	_ =	shalt  }
.Lfunc_end0:
.L_simem_size_0:
called_computation_lowered:
.L_overlay_start_0:
0x88: {  	s2 =	sld [smem:$0x3FD9]  }
0x89: {  	s3 =	sld [smem:$0x3FFE];
	_ =	sdelay $0x1  }
0x8a: {  	s1 =	srdreg.scid  }
0x8b: {  	s0 =	sand.u32 $0x1, s1  }
0x8c: {  	s17 =	sshll.u32 s0, $0xA;
	s2 =	sadd.s32 s3, s2  }
0x8d: {  	s2 =	sadd.s32 s2, s17  }
0x8e: {  	[smem:$0x3FBF] =	sst s2  }
0x8f: {  	_ = 	snop  }
0x90: {  	(tm) =	ssettm $0x1  }
0x91: {  	s18 =	sld [smem:$0x3FFB];
	_ =	sdelay $0x3  }
0x92: {  	_ =	strace s18  }
0x93: {  	s2 =	sld [smem:$0x3FFC];
	_ =	sdelay $0x3  }
0x94: {  	_ =	strace s2  }
0x95: {  	s2 =	sld [smem:$0x3FFD];
	_ =	sdelay $0x3  }
0x96: {  	_ =	strace s2  }
0x97: {  	_ =	strace $0x8FFFFFFF  }
0x98: {  	s19 =	sld [smem:$0x3FDB];
	_ =	sdelay $0x1  }
0x99: {  	s20 =	simm.s32 $_scs_section_size  }
0x9a: {  	s4 =	simm.s32 $_size__tile_overlayer_lowered;
	s5 =	simm.s32 $_tile_overlayer_lowered  }
0x9b: {  	s6 =	simm.s32 $0x1BFF;
	s21 =	sshll.u32 s5, $0x1;
	s3 =	sadd.s32 s20, s19  }
0x9c: {  	s22 =	simm.s32 $0x0;
	s4 =	sshll.u32 s4, $0x1;
	s5 =	sadd.s32 s21, s3  }
0x9d: {  	[timem:s22], [sflag:s6] =	dma.local [hbm:s5], s4  }
0x9e: {  	_ =	swait.ge [sflag:s6], s4  }
0x9f: {  	s4 =	ssub.s32 $0x0, s4;
	[sflag:s6] =	ssyncset.done $0x0  }
0xa0: {  	[sflag:s6] =	ssyncadd.s32 s4;
	_ =	sdelay $0x1  }
0xa1: {  	s23 =	simm.s32 $0x1B8B  }
0xa2: {  	_ =	swait.ge [sflag:s23], $0x1  }
0xa3: {  	[sflag:s23] =	ssyncset.done $0x0  }
0xa4: {  	[sflag:s23] =	ssyncadd.s32 $0xFFFFFFFF  }
0xa5: {  	s4 =	sld [smem:$0x0]  }
0xa6: {  	s5 =	sand.u32 $0xFFFFFFFE, s1  }
0xa7: {  	p0 =	sne.s32 s1, s5  }
0xa8: {  	s5 =	sshll.u32 @p0 s5, $0xE  }
0xa9: {  	s5 =	sadd.s32 @p0 $0x11B8D, s5;
	s6 =	sshll.u32 @p0 s4, $0x11  }
0xaa: {  	s5 =	sor.u32 @p0 s6, s5  }
0xab: {  	[sflag:s5] =	ssyncadd.remote.s32 @p0 $0x1;
	_ =	sdelay $0x1  }
0xac: {  	s5 =	simm.s32 @p0 $0x1B8D  }
0xad: {  	_ =	swait.eq @p0 [sflag:s5], $0x1  }
0xae: {  	[sflag:s5] =	ssyncadd.s32 @p0 $0xFFFFFFFF  }
0xaf: {  	s6 =	sshll.u32 @!p0 s1, $0xE  }
0xb0: {  	s6 =	sor.u32 @!p0 $0x4000, s6;
	s5 =	simm.s32 @!p0 $0x1B8D  }
0xb1: {  	s4 =	sshll.u32 @!p0 s4, $0x11;
	s6 =	sadd.s32 @!p0 $0x11B8D, s6;
	_ =	swait.eq @!p0 [sflag:s5], $0x1  }
0xb2: {  	s4 =	sor.u32 @!p0 s4, s6;
	[sflag:s5] =	ssyncadd.s32 @!p0 $0xFFFFFFFF  }
0xb3: {  	s25 =	simm.s32 $0x1B8E;
	s24 =	sld [smem:$0x3FFE];
	[sflag:s4] =	ssyncadd.remote.s32 @!p0 $0x1  }
0xb4: {  	s26 =	simm.s32 $execute0_lowered;
	[smem:$0x3FD2] =	sst s25  }
0xb5: {  	s5 =	sshll.u32 s26, $0x1;
	_ =	strace $0x80000049;
	[dreg:$0x1] =	wrdreg $0xFFFFFFFF  }
0xb6: {  	s28 =	simm.s32 $_size_execute0_lowered;
	s3 =	sadd.s32 s3, s5;
	[dreg:$0x0] =	wrdreg $0x0  }
0xb7: {  	s5 =	sshll.u32 s28, $0x1;
	[dreg:$0x2] =	wrdreg s3  }
0xb8: {  	[dreg:$0x3] =	wrdreg s5  }
0xb9: {  	[dreg:$0x4] =	wrdreg $0xC0  }
0xba: {  	_ =	task [dreg:s22], $0x5FFFF  }
0xbb: {  	[dreg:$0x1] =	wrdreg $0xFFFFFFFF  }
0xbc: {  	[dreg:$0x0] =	wrdreg $0x60  }
0xbd: {  	[dreg:$0x2] =	wrdreg s24  }
0xbe: {  	[dreg:$0x3] =	wrdreg $0x79000  }
0xbf: {  	[dreg:$0x4] =	wrdreg $0x9  }
0xc0: {  	_ =	task.clear_ibuf [dreg:s22], $0x5FFFF;
	_ =	strace $0x90000049  }
0xc1: {  	s29 =	simm.s32 $0x9;
	_ =	strace $0x8000004B  }
0xc2: {  	_ =	swait.ge [sflag:s29], $0x1  }
0xc3: {  	[sflag:s29] =	ssyncadd.s32 $0xFFFFFFFF  }
0xc4: {  	_ =	strace $0x9000004B  }
0xc5: {  	_ =	sfence  }
0xc6: {  	s30 =	sld [smem:$0x0];
	_ =	sdelay $0x2  }
0xc7: {  	s31 =	sshll.u32 s1, $0xD;
	s1 =	sshrl.u32 s1, $0x2  }
0xc8: {  	s4 =	sand.u32 $0x4000, s31;
	s1 =	sadd.s32 s1, s30  }
0xc9: {  	s0 =	sor.u32 s4, s0;
	s1 =	sshll.u32 s1, $0x11  }
0xca: {  	s0 =	sor.u32 s1, s0  }
0xcb: {  	s0 =	sadd.s32 $0x8F2B, s0  }
0xcc: {  	[sflag:s0] =	ssyncadd.remote.s32 $0x1  }
0xcd: {  	_ =	sfence.sel $0xFFFF  }
0xce: {  	[dreg:$0x0] =	wrdreg $0xFFFFFFFF;
	(pc) =	sbr.abs _section_cstart, $3  }
0xcf: {  	[dreg:$0x1] =	wrdreg $0xFFFFFFFF  }
0xd0: {  	_ =	task.clear_ibuf [dreg:s22], $0x2FFFF;
	_ =	strace $0x9FFFFFFF  }
0xd1: {  	(tm) =	ssettm $0x7FFFFFFF  }
tec
execute0_lowered:
.L_overlay_start_1:
0x0: {  	(tag) =	ssettag $0x1  }
0x1: {  	s0 =	rddreg [dreg:$0x0]  }
0x2: {  	s2 =	rddreg [dreg:$0x1];
	s1 =	srdreg.scid  }
0x3: {  	s9 =	stileid.u32;
	s3 =	simm.s32 $0x0;
	s30 =	simm.s32 $0x100  }
0x4: {  	s31 =	simm.s32 $0x9;
	s1 =	sand.u32 $0x1, s1;
	s5 =	smul.u32 $0x270, s9  }
0x5: {  	[smem:$0x7FF] =	sst s3;
	s4 =	sadd.s32 $0x2C00, s0;
	s17 =	smul.u32 $0x4E000, s9  }
0x6: {  	s7 =	sadd.s32 $0x64A00, s0;
	s16 =	sadd.s32 $0xB3200, s0;
	s22 =	smul.u32 $0x2710, s9  }
0x7: {  	s6 =	smul.u32 $0x2710, s1;
	_ =	strace $0x8000004A;
	[dreg:$0x3] =	wrdreg s7  }
0x8: {  	[dreg:$0x4] =	wrdreg s16;
	s18 =	ssub.s32 $0x2, s1;
	s19 =	sshll.u32 s1, $0x4  }
0x9: {  	s1 =	smul.u32 $0x27100, s1;
	s8 =	sshrl.u32 s18, $0x1;
	s7 =	sor.u32 s9, s19  }
0xa: {  	s5 =	sadd.s32 s5, s6;
	s6 =	sshrl.u32 s17, $0x2;
	s14 =	smul.u32 $0x2710, s7  }
0xb: {  	s1 =	sadd.s32 s22, s1;
	s5 =	sshll.u32 s5, $0x4;
	s11 =	sadd.s32 s6, s2  }
0xc: {  	s19 =	sadd.s32 $0x50, s1;
	s1 =	sadd.s32 $0xA0, s1;
	s6 =	simm.s32 $0x1  }
0xd: {  	s0 =	sadd.s32 s5, s0;
	s5 =	ssub.s32 s18, s8;
	s28 =	sadd.s32 $0x2800, s11  }
0xe: {  	s29 =	sadd.s32 $0x5000, s11;
	[dreg:$0xf] =	wrdreg s1;
	s7 =	sadd.s32 $0x11800, s11  }
0xf: {  	s20 =	sadd.s32 $0x7800, s11;
	s12 =	sadd.s32 $0xB3800, s0;
	[dreg:$0x10] =	wrdreg s7  }
0x10: {  	s10 =	sadd.s32 $0xA000, s11;
	s13 =	sadd.s32 $0xB3D00, s0;
	[dreg:$0x6] =	wrdreg s12  }
0x11: {  	s24 =	sadd.s32 $0xC800, s11;
	s15 =	sadd.s32 $0xB4200, s0;
	[dreg:$0x7] =	wrdreg s13  }
0x12: {  	s26 =	sadd.s32 $0xF000, s11;
	s16 =	sadd.s32 $0xB4700, s0;
	[dreg:$0x8] =	wrdreg s15  }
0x13: {  	s21 =	sshrl.u32 s14, $0x3;
	s17 =	sadd.s32 $0xB4C00, s0;
	[dreg:$0x9] =	wrdreg s16  }
0x14: {  	s1 =	simm.s32 $0x50;
	s18 =	sadd.s32 $0xB5100, s0;
	[dreg:$0xa] =	wrdreg s17  }
0x15: {  	s9 =	smov.u32 s20;
	s20 =	sadd.s32 $0xB5600, s0;
	[dreg:$0xb] =	wrdreg s18  }
0x16: {  	s23 =	sadd.s32 s4, s21;
	s0 =	sadd.s32 $0xB5B00, s0;
	[dreg:$0xc] =	wrdreg s20  }
0x17: {  	s14 =	smov.u32 s10;
	s5 =	smax.u32 s5, $0x1;
	[dreg:$0xd] =	wrdreg s0  }
0x18: {  	s21 =	sshrl.u32 s19, $0x3;
	s19 =	simm.s32 $0x6;
	[dreg:$0xe] =	wrdreg s5  }
0x19: {  	s25 =	sadd.s32 s21, s4;
	s22 =	sadd.s32 $0x4CE, s23;
	[dreg:$0x5] =	wrdreg s23  }
0x1a: {  	s23 =	sadd.s32 $0x4D8, s23;
	s0 =	simm.s32 $0x3;
	s5 =	simm.s32 $0x80  }
0x1b: {  	s15 =	simm.s32 $0x2;
	s16 =	simm.s32 $0x2900;
	s18 =	simm.s32 $0x4  }
0x1c: {  	s20 =	simm.s32 $0x5;
	s21 =	simm.s32 $0x7;
	[dreg:$0x11] =	wrdreg s22  }
0x1d: {  	[dreg:$0x12] =	wrdreg s23;
	s22 =	simm.s32 $0x8;
	s23 =	simm.s32 $0x0  }
.LBB2_1:
0x1e: {  	s8 =	rddreg [dreg:$0x3]  }
0x1f: {  	[tilespmem:s30], [sflag:$0x9] =	stream.linear.gather [hbm4b:s8+s3], $0x2800, $0x38;
	[tilespmem:$0x1B180] =	vst v63  }
0x20: {  	_ =	swait.ge [sflag:s31], $0x2800  }
0x21: {  	[sflag:s31] =	ssyncset.done $0x0  }
0x22: {  	[sflag:s31] =	ssyncadd.s32 $0xFFFFD800  }
0x23: {  	[spmem:s11] =	stream.linear.scatter [tilespmem:s30], [sflag:$0x3], $0x2800, $0x38;
	[tilespmem:$0x1B180] =	vst v63  }
0x24: {  	_ = 	snop  }
0x25: {  	[spmem:s28] =	stream.linear.scatter [tilespmem:s30], [sflag:$0x3], $0x2800, $0x38;
	[tilespmem:$0x1B180] =	vst v63  }
0x26: {  	_ = 	snop  }
0x27: {  	[spmem:s29] =	stream.linear.scatter [tilespmem:s30], [sflag:$0x3], $0x2800, $0x38;
	[tilespmem:$0x1B180] =	vst v63  }
0x28: {  	_ = 	snop  }
0x29: {  	[spmem:s9] =	stream.linear.scatter [tilespmem:s30], [sflag:$0x3], $0x2800, $0x38;
	[tilespmem:$0x1B180] =	vst v63  }
0x2a: {  	_ = 	snop  }
0x2b: {  	[spmem:s14] =	stream.linear.scatter [tilespmem:s30], [sflag:$0x3], $0x2800, $0x38;
	[tilespmem:$0x1B180] =	vst v63  }
0x2c: {  	_ = 	snop  }
0x2d: {  	[spmem:s24] =	stream.linear.scatter [tilespmem:s30], [sflag:$0x3], $0x2800, $0x38;
	[tilespmem:$0x1B180] =	vst v63  }
0x2e: {  	_ = 	snop  }
0x2f: {  	[spmem:s26] =	stream.linear.scatter [tilespmem:s30], [sflag:$0x3], $0x2800, $0x38;
	[tilespmem:$0x1B180] =	vst v63  }
0x30: {  	_ = 	snop  }
0x31: {  	[spmem:s7] =	stream.linear.scatter [tilespmem:s30], [sflag:$0x3], $0x2800, $0x38;
	[tilespmem:$0x1B180] =	vst v63  }
0x32: {  	_ =	swait.ge [sflag:s0], $0x2800  }
0x33: {  	[sflag:s0] =	ssyncset.done $0x0  }
0x34: {  	[sflag:s0] =	ssyncadd.s32 $0xFFFFD800  }
0x35: {  	_ =	swait.ge [sflag:s0], $0x2800  }
0x36: {  	[sflag:s0] =	ssyncset.done $0x0  }
0x37: {  	[sflag:s0] =	ssyncadd.s32 $0xFFFFD800  }
0x38: {  	_ =	swait.ge [sflag:s0], $0x2800  }
0x39: {  	[sflag:s0] =	ssyncset.done $0x0  }
0x3a: {  	[sflag:s0] =	ssyncadd.s32 $0xFFFFD800  }
0x3b: {  	_ =	swait.ge [sflag:s0], $0x2800  }
0x3c: {  	[sflag:s0] =	ssyncset.done $0x0  }
0x3d: {  	[sflag:s0] =	ssyncadd.s32 $0xFFFFD800  }
0x3e: {  	_ =	swait.ge [sflag:s0], $0x2800  }
0x3f: {  	[sflag:s0] =	ssyncset.done $0x0  }
0x40: {  	[sflag:s0] =	ssyncadd.s32 $0xFFFFD800  }
0x41: {  	_ =	swait.ge [sflag:s0], $0x2800  }
0x42: {  	[sflag:s0] =	ssyncset.done $0x0  }
0x43: {  	[sflag:s0] =	ssyncadd.s32 $0xFFFFD800  }
0x44: {  	_ =	swait.ge [sflag:s0], $0x2800  }
0x45: {  	[sflag:s0] =	ssyncset.done $0x0  }
0x46: {  	[sflag:s0] =	ssyncadd.s32 $0xFFFFD800  }
0x47: {  	_ =	swait.ge [sflag:s0], $0x2800  }
0x48: {  	[sflag:s0] =	ssyncset.done $0x0  }
0x49: {  	s13 =	smov.u32 s14;
	s14 =	rddreg [dreg:$0x4];
	[sflag:s0] =	ssyncadd.s32 $0xFFFFD800  }
0x4a: {  	[tilespmem:s30], [sflag:$0x9] =	stream.linear.gather [hbm4b:s14+s3], $0x2800, $0x38;
	[tilespmem:$0x1B180] =	vst v63  }
0x4b: {  	_ =	swait.ge [sflag:s31], $0x2800  }
0x4c: {  	[sflag:s31] =	ssyncset.done $0x0  }
0x4d: {  	[sflag:s31] =	ssyncadd.s32 $0xFFFFD800  }
0x4e: {  	[bflag:$0x0] =	sbarrier.arrive $0xFFFF  }
0x4f: {  	s7 =	rddreg [dreg:$0x5]  }
0x50: {  	[tilespmem:s3], [sflag:$0x9] =	stream.linear.gather [hbm4b:s7+s3], $0x50, $0x38;
	[tilespmem:$0x1B180] =	vst v63  }
0x51: {  	_ =	swait.ge [sflag:s31], $0x50  }
0x52: {  	[sflag:s31] =	ssyncset.done $0x0  }
0x53: {  	[sflag:s31] =	ssyncadd.s32 $0xFFFFFFB0  }
0x54: {  	[spmem:s2] =	stream.indirect.scatter.add.f32 [tilespmem:s30], [sflag:$0x1], $0x80, s3, s1, $0xb8;
	[tilespmem:$0x1B180] =	vst v63  }
0x55: {  	s12 =	smov.u32 s9;
	s9 =	sadd.s32 $0x0, s25  }
0x56: {  	[tilespmem:s5], [sflag:$0x9] =	stream.linear.gather [hbm4b:s9+s3], $0x50, $0x38;
	[tilespmem:$0x1B180] =	vst v63  }
0x57: {  	_ =	swait.ge [sflag:s31], $0x50  }
0x58: {  	[sflag:s31] =	ssyncset.done $0x0  }
0x59: {  	[sflag:s31] =	ssyncadd.s32 $0xFFFFFFB0  }
0x5a: {  	[spmem:s2] =	stream.indirect.scatter.add.f32 [tilespmem:s30], [sflag:$0x2], $0x80, s5, s1, $0xb8;
	[tilespmem:$0x1B180] =	vst v63  }
0x5b: {  	_ =	swait.ge [sflag:s6], $0x2800  }
0x5c: {  	s7 =	rddreg [dreg:$0xf]  }
0x5d: {  	[sflag:s6] =	ssyncset.done $0x0;
	s9 =	sshrl.u32 s7, $0x3  }
0x5e: {  	[sflag:s6] =	ssyncadd.s32 $0xFFFFD800;
	s14 =	sadd.s32 s4, s9  }
0x5f: {  	[tilespmem:s3], [sflag:$0x9] =	stream.linear.gather [hbm4b:s14+s3], $0x50, $0x38;
	[tilespmem:$0x1B180] =	vst v63  }
0x60: {  	_ =	swait.ge [sflag:s31], $0x50  }
0x61: {  	[sflag:s31] =	ssyncset.done $0x0  }
0x62: {  	s17 =	smov.u32 s11;
	s10 =	smov.u32 s28;
	[sflag:s31] =	ssyncadd.s32 $0xFFFFFFB0  }
0x63: {  	[spmem:s2] =	stream.indirect.scatter.add.f32 [tilespmem:s30], [sflag:$0x1], $0x80, s3, s1, $0xb8;
	[tilespmem:$0x1B180] =	vst v63  }
0x64: {  	s11 =	smov.u32 s29;
	s28 =	simm.s32 $0x14;
	_ =	swait.ge [sflag:s15], $0x2800  }
0x65: {  	s29 =	simm.s32 $0x28;
	s14 =	sadd.s32 $0xA0, s7;
	[sflag:s15] =	ssyncset.done $0x0  }
.LBB2_2:
0x66: {  	s8 =	sadd.s32 s28, s25  }
0x67: {  	[sflag:s15] =	ssyncadd.s32 $0xFFFFD800;
	s28 =	smov.u32 s29;
	s9 =	sadd.s32 $0x14, s29  }
0x68: {  	[tilespmem:s5], [sflag:$0x9] =	stream.linear.gather [hbm4b:s8+s3], $0x50, $0x38;
	[tilespmem:$0x1B180] =	vst v63  }
0x69: {  	p0 =	sne.s32 s29, $0x4B0;
	_ =	swait.ge [sflag:s31], $0x50  }
0x6a: {  	[sflag:s31] =	ssyncset.done $0x0  }
0x6b: {  	[sflag:s31] =	ssyncadd.s32 $0xFFFFFFB0  }
0x6c: {  	[spmem:s2] =	stream.indirect.scatter.add.f32 [tilespmem:s30], [sflag:$0x2], $0x80, s5, s1, $0xb8;
	[tilespmem:$0x1B180] =	vst v63  }
0x6d: {  	_ =	swait.ge [sflag:s6], $0x2800  }
0x6e: {  	s8 =	sshrl.u32 s14, $0x3;
	[sflag:s6] =	ssyncset.done $0x0  }
0x6f: {  	s8 =	sadd.s32 s4, s8;
	[sflag:s6] =	ssyncadd.s32 $0xFFFFD800  }
0x70: {  	[tilespmem:s3], [sflag:$0x9] =	stream.linear.gather [hbm4b:s8+s3], $0x50, $0x38;
	[tilespmem:$0x1B180] =	vst v63  }
0x71: {  	_ =	swait.ge [sflag:s31], $0x50  }
.Ltmp0:
0x72: {  	[sflag:s31] =	ssyncset.done $0x0;
	(pc) =	sbr.rel @p0 .LBB2_2-.Ltmp0, $4  }
0x73: {  	[sflag:s31] =	ssyncadd.s32 $0xFFFFFFB0  }
0x74: {  	[spmem:s2] =	stream.indirect.scatter.add.f32 [tilespmem:s30], [sflag:$0x1], $0x80, s3, s1, $0xb8;
	[tilespmem:$0x1B180] =	vst v63  }
0x75: {  	_ =	swait.ge [sflag:s15], $0x2800  }
0x76: {  	s14 =	sadd.s32 $0xA0, s14;
	s29 =	smov.u32 s9;
	[sflag:s15] =	ssyncset.done $0x0  }
0x77: {  	s8 =	sadd.s32 s28, s25;
	[sflag:s15] =	ssyncadd.s32 $0xFFFFD800  }
0x78: {  	[tilespmem:s5], [sflag:$0x9] =	stream.linear.gather [hbm4b:s8+s3], $0x50, $0x38;
	[tilespmem:$0x1B180] =	vst v63  }
0x79: {  	_ =	swait.ge [sflag:s31], $0x50  }
0x7a: {  	[sflag:s31] =	ssyncset.done $0x0  }
0x7b: {  	[sflag:s31] =	ssyncadd.s32 $0xFFFFFFB0  }
0x7c: {  	[spmem:s2] =	stream.indirect.scatter.add.f32 [tilespmem:s30], [sflag:$0x2], $0x80, s5, s1, $0xb8;
	[tilespmem:$0x1B180] =	vst v63  }
0x7d: {  	_ =	swait.ge [sflag:s6], $0x2800  }
0x7e: {  	s7 =	sshrl.u32 s14, $0x3;
	[sflag:s6] =	ssyncset.done $0x0  }
0x7f: {  	s8 =	sadd.s32 s4, s7;
	[sflag:s6] =	ssyncadd.s32 $0xFFFFD800  }
0x80: {  	[tilespmem:s3], [sflag:$0x9] =	stream.linear.gather [hbm4b:s8+s3], $0x50, $0x38;
	[tilespmem:$0x1B180] =	vst v63  }
0x81: {  	_ =	swait.ge [sflag:s31], $0x50  }
0x82: {  	[sflag:s31] =	ssyncset.done $0x0  }
0x83: {  	[sflag:s31] =	ssyncadd.s32 $0xFFFFFFB0  }
0x84: {  	[spmem:s2] =	stream.indirect.scatter.add.f32 [tilespmem:s30], [sflag:$0x1], $0x80, s3, s1, $0xb8;
	[tilespmem:$0x1B180] =	vst v63  }
0x85: {  	_ =	swait.ge [sflag:s15], $0x2800  }
0x86: {  	[sflag:s15] =	ssyncset.done $0x0  }
0x87: {  	s7 =	rddreg [dreg:$0x11];
	[sflag:s15] =	ssyncadd.s32 $0xFFFFD800  }
0x88: {  	[tilespmem:s5], [sflag:$0x9] =	stream.linear.gather [hbm4b:s7+s3], $0x50, $0x38;
	[tilespmem:$0x1B180] =	vst v63  }
0x89: {  	_ =	swait.ge [sflag:s31], $0x50  }
0x8a: {  	[sflag:s31] =	ssyncset.done $0x0  }
0x8b: {  	[sflag:s31] =	ssyncadd.s32 $0xFFFFFFB0  }
0x8c: {  	[spmem:s2] =	stream.indirect.scatter.add.f32 [tilespmem:s30], [sflag:$0x2], $0x80, s5, s1, $0xb8;
	[tilespmem:$0x1B180] =	vst v63  }
0x8d: {  	_ =	swait.ge [sflag:s6], $0x2800  }
0x8e: {  	[sflag:s6] =	ssyncset.done $0x0  }
0x8f: {  	s8 =	rddreg [dreg:$0x12];
	[sflag:s6] =	ssyncadd.s32 $0xFFFFD800  }
0x90: {  	[tilespmem:s3], [sflag:$0x9] =	stream.linear.gather [hbm4b:s8+s3], $0x50, $0x38;
	[tilespmem:$0x1B180] =	vst v63  }
0x91: {  	_ =	swait.ge [sflag:s31], $0x50  }
0x92: {  	[sflag:s31] =	ssyncset.done $0x0  }
0x93: {  	[sflag:s31] =	ssyncadd.s32 $0xFFFFFFB0  }
0x94: {  	[spmem:s2] =	stream.indirect.scatter.add.f32 [tilespmem:s30], [sflag:$0x1], $0x80, s3, s1, $0xb8;
	[tilespmem:$0x1B180] =	vst v63  }
0x95: {  	_ =	swait.ge [sflag:s15], $0x2800  }
0x96: {  	[sflag:s15] =	ssyncset.done $0x0  }
0x97: {  	[sflag:s15] =	ssyncadd.s32 $0xFFFFD800  }
0x98: {  	_ =	swait.ge [sflag:s6], $0x2800  }
0x99: {  	[sflag:s6] =	ssyncset.done $0x0  }
0x9a: {  	[sflag:s6] =	ssyncadd.s32 $0xFFFFD800  }
0x9b: {  	[bflag:$0x0] =	sbarrier.arrive $0xFFFF  }
0x9c: {  	[tilespmem:s30], [sflag:$0x3] =	stream.linear.gather [spmem:s17], $0x2800, $0x38;
	[tilespmem:$0x1B180] =	vst v63  }
0x9d: {  	_ = 	snop  }
0x9e: {  	[tilespmem:s16], [sflag:$0x4] =	stream.linear.gather [spmem:s10], $0x2800, $0x38;
	[tilespmem:$0x1B180] =	vst v63  }
0x9f: {  	_ =	swait.ge [sflag:s0], $0x2800  }
0xa0: {  	[sflag:s0] =	ssyncset.done $0x0  }
0xa1: {  	s9 =	rddreg [dreg:$0x6];
	[sflag:s0] =	ssyncadd.s32 $0xFFFFD800  }
0xa2: {  	[hbm4b:s9+s3] =	stream.linear.scatter [tilespmem:s30], [sflag:$0x6], $0x2800, $0x38;
	[tilespmem:$0x1B180] =	vst v63  }
0xa3: {  	s29 =	smov.u32 s11;
	s7 =	simm.s32 $0x5100  }
0xa4: {  	[tilespmem:s7], [sflag:$0x5] =	stream.linear.gather [spmem:s29], $0x2800, $0x38;
	[tilespmem:$0x1B180] =	vst v63  }
0xa5: {  	_ =	swait.ge [sflag:s18], $0x2800  }
0xa6: {  	[sflag:s18] =	ssyncset.done $0x0  }
0xa7: {  	s28 =	smov.u32 s10;
	s10 =	rddreg [dreg:$0x7];
	[sflag:s18] =	ssyncadd.s32 $0xFFFFD800  }
0xa8: {  	[hbm4b:s10+s3] =	stream.linear.scatter [tilespmem:s16], [sflag:$0x7], $0x2800, $0x38;
	[tilespmem:$0x1B180] =	vst v63  }
0xa9: {  	_ =	swait.ge [sflag:s19], $0x2800  }
0xaa: {  	[sflag:s19] =	ssyncset.done $0x0  }
0xab: {  	[sflag:s19] =	ssyncadd.s32 $0xFFFFD800  }
0xac: {  	[tilespmem:s30], [sflag:$0x3] =	stream.linear.gather [spmem:s12], $0x2800, $0x38;
	[tilespmem:$0x1B180] =	vst v63  }
0xad: {  	_ =	swait.ge [sflag:s20], $0x2800  }
0xae: {  	[sflag:s20] =	ssyncset.done $0x0  }
0xaf: {  	s9 =	smov.u32 s12;
	s12 =	rddreg [dreg:$0x8];
	[sflag:s20] =	ssyncadd.s32 $0xFFFFD800  }
0xb0: {  	[hbm4b:s12+s3] =	stream.linear.scatter [tilespmem:s7], [sflag:$0x8], $0x2800, $0x38;
	[tilespmem:$0x1B180] =	vst v63  }
0xb1: {  	_ =	swait.ge [sflag:s21], $0x2800  }
0xb2: {  	[sflag:s21] =	ssyncset.done $0x0  }
0xb3: {  	[sflag:s21] =	ssyncadd.s32 $0xFFFFD800  }
0xb4: {  	[tilespmem:s16], [sflag:$0x4] =	stream.linear.gather [spmem:s13], $0x2800, $0x38;
	[tilespmem:$0x1B180] =	vst v63  }
0xb5: {  	_ =	swait.ge [sflag:s0], $0x2800  }
0xb6: {  	[sflag:s0] =	ssyncset.done $0x0  }
0xb7: {  	s14 =	smov.u32 s13;
	s13 =	rddreg [dreg:$0x9];
	[sflag:s0] =	ssyncadd.s32 $0xFFFFD800  }
0xb8: {  	[hbm4b:s13+s3] =	stream.linear.scatter [tilespmem:s30], [sflag:$0x6], $0x2800, $0x38;
	[tilespmem:$0x1B180] =	vst v63  }
0xb9: {  	_ =	swait.ge [sflag:s22], $0x2800  }
0xba: {  	[sflag:s22] =	ssyncset.done $0x0  }
0xbb: {  	[sflag:s22] =	ssyncadd.s32 $0xFFFFD800  }
0xbc: {  	[tilespmem:s7], [sflag:$0x5] =	stream.linear.gather [spmem:s24], $0x2800, $0x38;
	[tilespmem:$0x1B180] =	vst v63  }
0xbd: {  	_ =	swait.ge [sflag:s18], $0x2800  }
0xbe: {  	[sflag:s18] =	ssyncset.done $0x0  }
0xbf: {  	s11 =	smov.u32 s17;
	s17 =	rddreg [dreg:$0xa];
	[sflag:s18] =	ssyncadd.s32 $0xFFFFD800  }
0xc0: {  	[hbm4b:s17+s3] =	stream.linear.scatter [tilespmem:s16], [sflag:$0x7], $0x2800, $0x38;
	[tilespmem:$0x1B180] =	vst v63  }
0xc1: {  	_ =	swait.ge [sflag:s19], $0x2800  }
0xc2: {  	[sflag:s19] =	ssyncset.done $0x0  }
0xc3: {  	[sflag:s19] =	ssyncadd.s32 $0xFFFFD800  }
0xc4: {  	[tilespmem:s30], [sflag:$0x3] =	stream.linear.gather [spmem:s26], $0x2800, $0x38;
	[tilespmem:$0x1B180] =	vst v63  }
0xc5: {  	_ =	swait.ge [sflag:s20], $0x2800  }
0xc6: {  	[sflag:s20] =	ssyncset.done $0x0  }
0xc7: {  	s10 =	rddreg [dreg:$0xb];
	[sflag:s20] =	ssyncadd.s32 $0xFFFFD800  }
0xc8: {  	[hbm4b:s10+s3] =	stream.linear.scatter [tilespmem:s7], [sflag:$0x8], $0x2800, $0x38;
	[tilespmem:$0x1B180] =	vst v63  }
0xc9: {  	_ =	swait.ge [sflag:s21], $0x2800  }
0xca: {  	[sflag:s21] =	ssyncset.done $0x0  }
0xcb: {  	s7 =	rddreg [dreg:$0x10];
	[sflag:s21] =	ssyncadd.s32 $0xFFFFD800  }
0xcc: {  	[tilespmem:s16], [sflag:$0x4] =	stream.linear.gather [spmem:s7], $0x2800, $0x38;
	[tilespmem:$0x1B180] =	vst v63  }
0xcd: {  	_ =	swait.ge [sflag:s0], $0x2800  }
0xce: {  	[sflag:s0] =	ssyncset.done $0x0  }
0xcf: {  	s12 =	rddreg [dreg:$0xc];
	[sflag:s0] =	ssyncadd.s32 $0xFFFFD800  }
0xd0: {  	[hbm4b:s12+s3] =	stream.linear.scatter [tilespmem:s30], [sflag:$0x6], $0x2800, $0x38;
	[tilespmem:$0x1B180] =	vst v63  }
0xd1: {  	_ =	swait.ge [sflag:s18], $0x2800  }
0xd2: {  	[sflag:s18] =	ssyncset.done $0x0  }
0xd3: {  	s13 =	rddreg [dreg:$0xd];
	[sflag:s18] =	ssyncadd.s32 $0xFFFFD800  }
0xd4: {  	[hbm4b:s13+s3] =	stream.linear.scatter [tilespmem:s16], [sflag:$0x7], $0x2800, $0x38;
	[tilespmem:$0x1B180] =	vst v63  }
0xd5: {  	_ =	swait.ge [sflag:s22], $0x2800  }
0xd6: {  	[sflag:s22] =	ssyncset.done $0x0  }
0xd7: {  	[sflag:s22] =	ssyncadd.s32 $0xFFFFD800  }
0xd8: {  	_ =	swait.ge [sflag:s19], $0x2800  }
0xd9: {  	[sflag:s19] =	ssyncset.done $0x0  }
0xda: {  	[sflag:s19] =	ssyncadd.s32 $0xFFFFD800  }
0xdb: {  	_ =	swait.ge [sflag:s21], $0x2800  }
0xdc: {  	s23 =	sadd.s32 $0x1, s23;
	s17 =	rddreg [dreg:$0xe]  }
0xdd: {  	p0 =	sne.s32 s23, s17  }
.Ltmp1:
0xde: {  	_ = 	snop;
	(pc) =	sbr.rel @p0 .LBB2_1-.Ltmp1, $3  }
0xdf: {  	_ =	sdelay $0x1  }
0xe0: {  	[sflag:s21] =	ssyncset.done $0x0  }
0xe1: {  	[sflag:s21] =	ssyncadd.s32 $0xFFFFD800  }
0xe2: {  	_ =	sfence.sel $0x180000  }
0xe3: {  	[bflag:$0x0] =	sbarrier.arrive $0xFFFF  }
0xe4: {  	_ =	strace $0x9000004A  }
0xe5: {  	s0 =	stileid.u32;
	[bflag:$0x2] =	sbarrier.arrive $0xFFFF  }
0xe6: {  	p0 =	sne.s32 s0, $0x0;
	s0 =	rddreg [dreg:$0x2]  }
0xe7: {  	s0 =	sadd.s32 @!p0 $0x100000, s0  }
0xe8: {  	[sflag:s0] =	ssyncadd.tile.s32 @!p0 $0x1;
	_ =	shalt  }
.Lfunc_end2:
_tile_overlayer_lowered:
.L_overlay_start_2:
0xe9: {  	(tag) =	ssettag $0x2  }
0xea: {  	s0 =	rddreg [dreg:$0x0];
	s2 =	stileid.u32  }
0xeb: {  	s1 =	rddreg [dreg:$0x1];
	p0 =	sne.s32 s2, $0x0  }
0xec: {  	s3 =	rddreg [dreg:$0x2];
	[bflag:$0x3] =	sbarrier.arrive $0xFFFF;
	s2 =	simm.s32 @!p0 $0x1C09  }
0xed: {  	[timem:s3], [sflag:s2] =	dma.local @!p0 [hbm:s0], s1  }
0xee: {  	s0 =	simm.s32 @!p0 $0x9  }
0xef: {  	_ =	swait.ge @!p0 [sflag:s0], s1  }
0xf0: {  	s1 =	ssub.s32 @!p0 $0x0, s1;
	[sflag:s0] =	ssyncset.done @!p0 $0x0  }
0xf1: {  	[sflag:s0] =	ssyncadd.s32 @!p0 s1  }
0xf2: {  	[bflag:$0x3] =	sbarrier.arrive $0xFFFF  }
0xf3: {  	_ =	shalt  }

</sc_bundles>
